<compile_context>
chip_gen: v7x
topology: tpu7x:2x2x1
jax: 0.10.2.dev20260603
libtpu: 0.0.44.dev20260713+nightly
codegen_flags: <defaults>
</compile_context>

<pallas_src>
import jax
import jax.numpy as jnp
from jax import lax
from jax.experimental import pallas as pl
from jax.experimental.pallas import tpu as pltpu
from jax.experimental.pallas import tpu_sc as plsc

_L = 16
_NW = 32
_B = 16384
_LEN = 100000
_D = 64
_NB = 4
_W = 512
_NC = 196
_SLOTS = 7
_NOFF = 256
_DUMP = _NB * _B
_RING = 8


def _iota16():
    return lax.iota(jnp.int32, _L)


def _body(inp_hbm, gt_hbm, sidx_hbm, spos_hbm, offs_hbm,
          outx_hbm, outg_hbm,
          sidx_v, spos_v, offs_v, slab, ringr, ringp,
          sem_in, sem_out):
    wid = lax.axis_index("s") * 2 + lax.axis_index("c")

    pltpu.sync_copy(sidx_hbm, sidx_v)
    pltpu.sync_copy(spos_hbm, spos_v)
    pltpu.sync_copy(offs_hbm, offs_v)

    def slot_body(s, carry0):
        c = wid + s * jnp.int32(_NW)

        @pl.when(c < jnp.int32(_NC))
        def _():
            lo = jnp.where(jnp.equal(c, _NC - 1), jnp.int32(99584), c * _W)
            ovec = offs_v[pl.ds(c, _L)]
            start = ovec[0]
            end = ovec[1]
            ngroups = lax.div(end - start + jnp.int32(_L - 1), jnp.int32(_L))

            def bt_body(tab, out):
                def b_body(b, carry1):
                    pltpu.async_copy(tab.at[b, :, pl.ds(lo, _W)], slab,
                                     sem_in).wait()

                    def ext_body(g, carry2):
                        slot = jnp.bitwise_and(g, jnp.int32(_RING - 1))
                        rbuf = ringr.at[slot]
                        pbuf = ringp.at[slot]

                        @pl.when(g >= jnp.int32(_RING))
                        def _():
                            pltpu.make_async_copy(
                                out.at[pl.ds(0, _L)], ringr.at[0],
                                sem_out).wait()

                        at = start + g * _L
                        v = sidx_v[pl.ds(at, _L)]
                        p = spos_v[pl.ds(at, _L)]
                        valid = at + _iota16() < end
                        lvec = jnp.minimum(
                            jnp.maximum(v - lo, jnp.int32(0)),
                            jnp.int32(_W - 1))
                        pbuf[...] = jnp.where(valid, p + b * jnp.int32(_B),
                                              jnp.int32(_DUMP) + wid)
                        for d in range(_D):
                            w = plsc.load_gather(
                                slab, [jnp.full((_L,), d, jnp.int32), lvec])
                            plsc.store_scatter(
                                rbuf, [_iota16(),
                                       jnp.full((_L,), d, jnp.int32)], w)
                        pltpu.async_copy(rbuf, out.at[pbuf], sem_out)
                        return carry2

                    lax.fori_loop(0, ngroups, ext_body, jnp.int32(0))

                    def drain_body(j, carry2):
                        pltpu.make_async_copy(
                            out.at[pl.ds(0, _L)], ringr.at[0],
                            sem_out).wait()
                        return carry2

                    lax.fori_loop(0, jnp.minimum(ngroups, jnp.int32(_RING)),
                                  drain_body, jnp.int32(0))
                    return carry1

                lax.fori_loop(0, _NB, b_body, jnp.int32(0))

            bt_body(inp_hbm, outx_hbm)
            bt_body(gt_hbm, outg_hbm)

        return carry0

    lax.fori_loop(0, _SLOTS, slot_body, jnp.int32(0))


@jax.jit
def kernel(inp, gt, xs):
    inp_t = jnp.swapaxes(inp, 1, 2)
    gt_t = jnp.swapaxes(gt, 1, 2)

    idx = jnp.clip((xs * jnp.float32(_LEN)).astype(jnp.int32), 0, _LEN - 1)
    order = jnp.argsort(idx)
    sidx = idx[order]
    spos = order.astype(jnp.int32)
    bounds = (jnp.arange(_NOFF, dtype=jnp.int32) * _W).clip(0, _LEN)
    offs = jnp.searchsorted(sidx, bounds).astype(jnp.int32)

    mesh = plsc.VectorSubcoreMesh(core_axis_name="c", subcore_axis_name="s")
    nrows = _NB * _B + _NW
    out_type = (jax.ShapeDtypeStruct((nrows, 2 * _D), jnp.float32),
                jax.ShapeDtypeStruct((nrows, 2 * _D), jnp.float32))
    run = pl.kernel(
        _body,
        out_type=out_type,
        mesh=mesh,
        scratch_types=[
            pltpu.VMEM((_B,), jnp.int32),
            pltpu.VMEM((_B,), jnp.int32),
            pltpu.VMEM((_NOFF,), jnp.int32),
            pltpu.VMEM((_D, _W), jnp.float32),
            pltpu.VMEM((_RING, _L, 2 * _D), jnp.float32),
            pltpu.VMEM((_RING, _L), jnp.int32),
            pltpu.SemaphoreType.DMA,
            pltpu.SemaphoreType.DMA,
        ],
        compiler_params=pltpu.CompilerParams(use_tc_tiling_on_sc=True, needs_layout_passes=False),
    )
    ox, og = run(inp_t, gt_t, sidx, spos, offs)
    return ox[:_NB * _B, :_D], og[:_NB * _B, :_D]

# --- scband reference (transcript-rebuilt; emitter-appended) ---
"""Pipeline reference for scband-input-wind-tensor-89498528514816 (READ-ONLY COPY).

The authoritative reference and input builder live on the scoring server;
editing this copy changes nothing except your own understanding.
"""

import jax, jax.numpy as jnp
import numpy as np


def setup_inputs(seed: int = 0) -> dict:
    key = jax.random.key(seed)
    k1, k2, k3 = jax.random.split(key, 3)
    # Constructor tensors (stored buffers of the module), cast to float32 as in __init__
    inp = jax.random.normal(k1, (4, 100000, 64), dtype=jnp.float32)
    gt = jax.random.normal(k2, (4, 100000, 64), dtype=jnp.float32)
    # Forward arg: fractional positions in [0, 1)
    xs = jax.random.uniform(k3, (16384,), dtype=jnp.float32)
    return {"inp": inp, "gt": gt, "xs": xs}


def reference(inp, gt, xs):
    # self.length = input.shape[1]
    length = inp.shape[1]
    # xs = xs * torch.tensor([self.length]).float()
    scaled = xs * jnp.asarray([length], dtype=jnp.float32)
    # indices = xs.long(); clamp to valid range (torch clamp is a no-op bug, but
    # values are already in range for xs in [0,1); clip also matches jnp.take's
    # default out-of-bounds clipping semantics)
    indices = jnp.clip(scaled.astype(jnp.int32), 0, length - 1)
    # flatten=True branch: self.input[:, indices].reshape((-1, D))
    out_x = jnp.take(inp, indices, axis=1).reshape(-1, inp.shape[-1])
    out_g = jnp.take(gt, indices, axis=1).reshape(-1, gt.shape[-1])
    return (out_x, out_g)

if __name__ == "__main__":
    import jax
    _d = setup_inputs()
    print(jax.jit(kernel)(*tuple(_d.values())))

</pallas_src>

<mosaic_0001>
#map = affine_map<(d0, d1) -> (0, 0, 0)>
#map1 = affine_map<(d0, d1) -> (0)>
#map2 = affine_map<(d0, d1) -> (0, 0)>
module attributes {stable_mosaic.version = 14 : i64} {
  func.func @_body(%arg0: i32, %arg1: i32, %arg2: memref<4x64x100000xf32, #tpu.memory_space<hbm>>, %arg3: memref<4x64x100000xf32, #tpu.memory_space<hbm>>, %arg4: memref<16384xi32, #tpu.memory_space<hbm>>, %arg5: memref<16384xi32, #tpu.memory_space<hbm>>, %arg6: memref<256xi32, #tpu.memory_space<hbm>>, %arg7: memref<65568x128xf32, #tpu.memory_space<hbm>>, %arg8: memref<65568x128xf32, #tpu.memory_space<hbm>>, %arg9: memref<16384xi32, #tpu.memory_space<vmem>>, %arg10: memref<16384xi32, #tpu.memory_space<vmem>>, %arg11: memref<256xi32, #tpu.memory_space<vmem>>, %arg12: memref<64x512xf32, #tpu.memory_space<vmem>>, %arg13: memref<8x16x128xf32, #tpu.memory_space<vmem>>, %arg14: memref<8x16xi32, #tpu.memory_space<vmem>>, %arg15: memref<!tpu.dma_semaphore, #tpu.memory_space<semaphore_mem>>, %arg16: memref<!tpu.dma_semaphore, #tpu.memory_space<semaphore_mem>>) attributes {dimension_semantics = [#tpu.dimension_semantics<core_parallel>, #tpu.dimension_semantics<subcore_parallel>], iteration_bounds = array<i64: 2, 16>, scalar_prefetch = 0 : i64, scratch_operands = 8 : i64, tpu.core_type = #tpu.core_type<sc_vector_subcore>, window_params = [{transform_indices = #map}, {transform_indices = #map}, {transform_indices = #map1}, {transform_indices = #map1}, {transform_indices = #map1}, {transform_indices = #map2}, {transform_indices = #map2}]} {
    %mul3A = arith.constant 2 : i32
    %mul3A_0 = arith.muli %arg1, %mul3A : i32
    %add3A = arith.addi %mul3A_0, %arg0 : i32
    "tpu.region"() ({
      %run_scoped3A = tpu.sem_alloc : memref<!tpu.dma_semaphore, #tpu.memory_space<semaphore_mem>>
      tpu.enqueue_dma source(%arg4 : memref<16384xi32, #tpu.memory_space<hbm>>) target(%arg9 : memref<16384xi32, #tpu.memory_space<vmem>>) target_semaphore(%run_scoped3A : memref<!tpu.dma_semaphore, #tpu.memory_space<semaphore_mem>>)
      tpu.wait_dma2 semaphore(%run_scoped3A : memref<!tpu.dma_semaphore, #tpu.memory_space<semaphore_mem>>) src(%arg4 : memref<16384xi32, #tpu.memory_space<hbm>>) dst(%arg9 : memref<16384xi32, #tpu.memory_space<vmem>>)
      tpu.yield
    }) : () -> ()
    "tpu.region"() ({
      %run_scoped3A = tpu.sem_alloc : memref<!tpu.dma_semaphore, #tpu.memory_space<semaphore_mem>>
      tpu.enqueue_dma source(%arg5 : memref<16384xi32, #tpu.memory_space<hbm>>) target(%arg10 : memref<16384xi32, #tpu.memory_space<vmem>>) target_semaphore(%run_scoped3A : memref<!tpu.dma_semaphore, #tpu.memory_space<semaphore_mem>>)
      tpu.wait_dma2 semaphore(%run_scoped3A : memref<!tpu.dma_semaphore, #tpu.memory_space<semaphore_mem>>) src(%arg5 : memref<16384xi32, #tpu.memory_space<hbm>>) dst(%arg10 : memref<16384xi32, #tpu.memory_space<vmem>>)
      tpu.yield
    }) : () -> ()
    "tpu.region"() ({
      %run_scoped3A = tpu.sem_alloc : memref<!tpu.dma_semaphore, #tpu.memory_space<semaphore_mem>>
      tpu.enqueue_dma source(%arg6 : memref<256xi32, #tpu.memory_space<hbm>>) target(%arg11 : memref<256xi32, #tpu.memory_space<vmem>>) target_semaphore(%run_scoped3A : memref<!tpu.dma_semaphore, #tpu.memory_space<semaphore_mem>>)
      tpu.wait_dma2 semaphore(%run_scoped3A : memref<!tpu.dma_semaphore, #tpu.memory_space<semaphore_mem>>) src(%arg6 : memref<256xi32, #tpu.memory_space<hbm>>) dst(%arg11 : memref<256xi32, #tpu.memory_space<vmem>>)
      tpu.yield
    }) : () -> ()
    %scan3A = arith.constant 0 : i32
    %scan3A_1 = arith.constant 0 : i32
    %scan3A_2 = arith.constant 7 : i32
    %scan3A_3 = arith.addi %scan3A_1, %scan3A_2 : i32
    %scan3A_4 = arith.constant 1 : i32
    scf.for %scan3A_6 = %scan3A_1 to %scan3A_3 step %scan3A_4  : i32 {
      %mul3A_7 = arith.constant 32 : i32
      %mul3A_8 = arith.muli %scan3A_6, %mul3A_7 : i32
      %add3A_9 = arith.addi %add3A, %mul3A_8 : i32
      %lt3A = arith.constant 196 : i32
      %lt3A_10 = arith.cmpi slt, %add3A_9, %lt3A : i32
      %convert_element_type3A = arith.extui %lt3A_10 : i1 to i32
      %cond3A = arith.constant 0 : i32
      %cond3A_11 = arith.cmpi ne, %convert_element_type3A, %cond3A : i32
      scf.if %cond3A_11 {
        %eq3A = arith.constant 195 : i32
        %eq3A_12 = arith.cmpi eq, %add3A_9, %eq3A : i32
        %mul3A_13 = arith.constant 512 : i32
        %mul3A_14 = arith.muli %add3A_9, %mul3A_13 : i32
        %jit3A = arith.constant 99584 : i32
        %select_n3A = arith.select %eq3A_12, %jit3A, %mul3A_14 : i32
        %get3A = arith.index_cast %add3A_9 : i32 to index
        %get3A_15 = tpu.vector_load %arg11[%get3A] {strides = array<i32>} : memref<256xi32, #tpu.memory_space<vmem>>, vector<16xi32>,
        %slice3A = vector.extract_strided_slice %get3A_15 {offsets = [0], sizes = [1], strides = [1]} : vector<16xi32> to vector<1xi32>
        %squeeze3A = vector.extract %slice3A[0] : i32 from vector<1xi32>
        %slice3A_16 = vector.extract_strided_slice %get3A_15 {offsets = [1], sizes = [1], strides = [1]} : vector<16xi32> to vector<1xi32>
        %squeeze3A_17 = vector.extract %slice3A_16[0] : i32 from vector<1xi32>
        %sub3A = arith.subi %squeeze3A_17, %squeeze3A : i32
        %add3A_18 = arith.constant 15 : i32
        %add3A_19 = arith.addi %sub3A, %add3A_18 : i32
        %div3A = arith.constant 16 : i32
        %div3A_20 = arith.divsi %add3A_19, %div3A : i32
        %scan3A_21 = arith.constant 0 : i32
        %scan3A_22 = arith.constant 0 : i32
        %scan3A_23 = arith.constant 4 : i32
        %scan3A_24 = arith.addi %scan3A_22, %scan3A_23 : i32
        %scan3A_25 = arith.constant 1 : i32
        scf.for %scan3A_33 = %scan3A_22 to %scan3A_24 step %scan3A_25  : i32 {
          %dma_start3A = arith.constant 0 : i32
          %dma_start3A_34 = tpu.memref_slice %arg2[%scan3A_33, %dma_start3A, %select_n3A] : memref<4x64x100000xf32, #tpu.memory_space<hbm>> -> memref<1x64x512xf32, #tpu.memory_space<hbm>>
          %dma_start3A_35 = tpu.memref_squeeze %dma_start3A_34 : memref<1x64x512xf32, #tpu.memory_space<hbm>> -> memref<64x512xf32, #tpu.memory_space<hbm>>
          %dma_start3A_36 = arith.constant 0 : i32
          %dma_start3A_37 = tpu.memref_slice %arg2[%scan3A_33, %dma_start3A_36, %select_n3A] : memref<4x64x100000xf32, #tpu.memory_space<hbm>> -> memref<1x64x512xf32, #tpu.memory_space<hbm>>
          %dma_start3A_38 = tpu.memref_squeeze %dma_start3A_37 : memref<1x64x512xf32, #tpu.memory_space<hbm>> -> memref<64x512xf32, #tpu.memory_space<hbm>>
          tpu.enqueue_dma source(%dma_start3A_38 : memref<64x512xf32, #tpu.memory_space<hbm>>) target(%arg12 : memref<64x512xf32, #tpu.memory_space<vmem>>) target_semaphore(%arg15 : memref<!tpu.dma_semaphore, #tpu.memory_space<semaphore_mem>>)
          %dma_wait3A = arith.constant 0 : i32
          %dma_wait3A_39 = tpu.memref_slice %arg2[%scan3A_33, %dma_wait3A, %select_n3A] : memref<4x64x100000xf32, #tpu.memory_space<hbm>> -> memref<1x64x512xf32, #tpu.memory_space<hbm>>
          %dma_wait3A_40 = tpu.memref_squeeze %dma_wait3A_39 : memref<1x64x512xf32, #tpu.memory_space<hbm>> -> memref<64x512xf32, #tpu.memory_space<hbm>>
          %dma_wait3A_41 = arith.constant 0 : i32
          %dma_wait3A_42 = tpu.memref_slice %arg2[%scan3A_33, %dma_wait3A_41, %select_n3A] : memref<4x64x100000xf32, #tpu.memory_space<hbm>> -> memref<1x64x512xf32, #tpu.memory_space<hbm>>
          %dma_wait3A_43 = tpu.memref_squeeze %dma_wait3A_42 : memref<1x64x512xf32, #tpu.memory_space<hbm>> -> memref<64x512xf32, #tpu.memory_space<hbm>>
          tpu.wait_dma2 semaphore(%arg15 : memref<!tpu.dma_semaphore, #tpu.memory_space<semaphore_mem>>) src(%dma_wait3A_43 : memref<64x512xf32, #tpu.memory_space<hbm>>) dst(%arg12 : memref<64x512xf32, #tpu.memory_space<vmem>>)
          %while3A = arith.constant 0 : i32
          %while3A_44 = arith.constant 0 : i32
          %while3A_45 = arith.subi %div3A_20, %while3A_44 : i32
          %while3A_46 = arith.addi %while3A_44, %while3A_45 : i32
          %while3A_47 = arith.constant 1 : i32
          %while3A_48 = arith.divsi %while3A_45, %while3A_47 : i32
          %while3A_49 = arith.muli %while3A_48, %while3A_47 : i32
          %while3A_50 = arith.addi %while3A_44, %while3A_49 : i32
          %while3A_51 = arith.constant 1 : i32
          scf.for %while3A_64 = %while3A_44 to %while3A_50 step %while3A_51  : i32 {
            %and3A = arith.constant 7 : i32
            %and3A_65 = arith.andi %while3A_64, %and3A : i32
            %ge3A = arith.constant 8 : i32
            %ge3A_66 = arith.cmpi sge, %while3A_64, %ge3A : i32
            %convert_element_type3A_67 = arith.extui %ge3A_66 : i1 to i32
            %cond3A_68 = arith.constant 0 : i32
            %cond3A_69 = arith.cmpi ne, %convert_element_type3A_67, %cond3A_68 : i32
            scf.if %cond3A_69 {
              %dma_wait3A_745 = arith.constant 0 : i32
              %dma_wait3A_746 = arith.constant 0 : i32
              %dma_wait3A_747 = arith.constant 0 : i32
              %dma_wait3A_748 = tpu.memref_slice %arg13[%dma_wait3A_745, %dma_wait3A_746, %dma_wait3A_747] : memref<8x16x128xf32, #tpu.memory_space<vmem>> -> memref<1x16x128xf32, #tpu.memory_space<vmem>>
              %dma_wait3A_749 = tpu.memref_squeeze %dma_wait3A_748 : memref<1x16x128xf32, #tpu.memory_space<vmem>> -> memref<16x128xf32, #tpu.memory_space<vmem>>
              %dma_wait3A_750 = arith.constant 0 : i32
              %dma_wait3A_751 = arith.constant 0 : i32
              %dma_wait3A_752 = tpu.memref_slice %arg7[%dma_wait3A_750, %dma_wait3A_751] : memref<65568x128xf32, #tpu.memory_space<hbm>> -> memref<16x128xf32, #tpu.memory_space<hbm>>
              %dma_wait3A_753 = arith.constant 0 : i32
              %dma_wait3A_754 = arith.constant 0 : i32
              %dma_wait3A_755 = tpu.memref_slice %arg13[%dma_wait3A_745, %dma_wait3A_753, %dma_wait3A_754] : memref<8x16x128xf32, #tpu.memory_space<vmem>> -> memref<1x16x128xf32, #tpu.memory_space<vmem>>
              %dma_wait3A_756 = tpu.memref_squeeze %dma_wait3A_755 : memref<1x16x128xf32, #tpu.memory_space<vmem>> -> memref<16x128xf32, #tpu.memory_space<vmem>>
              %dma_wait3A_757 = arith.constant 0 : i32
              %dma_wait3A_758 = arith.constant 0 : i32
              %dma_wait3A_759 = tpu.memref_slice %arg7[%dma_wait3A_757, %dma_wait3A_758] : memref<65568x128xf32, #tpu.memory_space<hbm>> -> memref<16x128xf32, #tpu.memory_space<hbm>>
              tpu.wait_dma2 semaphore(%arg16 : memref<!tpu.dma_semaphore, #tpu.memory_space<semaphore_mem>>) src(%dma_wait3A_759 : memref<16x128xf32, #tpu.memory_space<hbm>>) dst(%dma_wait3A_756 : memref<16x128xf32, #tpu.memory_space<vmem>>)
            } else {
            }
            %mul3A_70 = arith.constant 16 : i32
            %mul3A_71 = arith.muli %while3A_64, %mul3A_70 : i32
            %add3A_72 = arith.addi %squeeze3A, %mul3A_71 : i32
            %get3A_73 = arith.index_cast %add3A_72 : i32 to index
            %get3A_74 = tpu.vector_load %arg9[%get3A_73] {strides = array<i32>} : memref<16384xi32, #tpu.memory_space<vmem>>, vector<16xi32>,
            %get3A_75 = arith.index_cast %add3A_72 : i32 to index
            %get3A_76 = tpu.vector_load %arg10[%get3A_75] {strides = array<i32>} : memref<16384xi32, #tpu.memory_space<vmem>>, vector<16xi32>,
            %iota3A = tpu.iota {dimensions = array<i32: 0>} : vector<16xi32>
            %add3A_77 = vector.broadcast %add3A_72 : i32 to vector<16xi32>
            %add3A_78 = arith.addi %add3A_77, %iota3A : vector<16xi32>
            %lt3A_79 = vector.broadcast %squeeze3A_17 : i32 to vector<16xi32>
            %lt3A_80 = arith.cmpi slt, %add3A_78, %lt3A_79 : vector<16xi32>
            %sub3A_81 = vector.broadcast %select_n3A : i32 to vector<16xi32>
            %sub3A_82 = arith.subi %get3A_74, %sub3A_81 : vector<16xi32>
            %max3A = arith.constant 0 : i32
            %max3A_83 = vector.broadcast %max3A : i32 to vector<16xi32>
            %max3A_84 = arith.maxsi %sub3A_82, %max3A_83 : vector<16xi32>
            %min3A_85 = arith.constant 511 : i32
            %min3A_86 = vector.broadcast %min3A_85 : i32 to vector<16xi32>
            %min3A_87 = arith.minsi %max3A_84, %min3A_86 : vector<16xi32>
            %mul3A_88 = arith.constant 16384 : i32
            %mul3A_89 = arith.muli %scan3A_33, %mul3A_88 : i32
            %add3A_90 = vector.broadcast %mul3A_89 : i32 to vector<16xi32>
            %add3A_91 = arith.addi %get3A_76, %add3A_90 : vector<16xi32>
            %add3A_92 = arith.constant 65536 : i32
            %add3A_93 = arith.addi %add3A_92, %add3A : i32
            %broadcast_in_dim3A = vector.broadcast %add3A_93 : i32 to vector<16xi32>
            %select_n3A_94 = arith.select %lt3A_80, %add3A_91, %broadcast_in_dim3A : vector<16xi1>, vector<16xi32>
            %swap3A = arith.index_cast %and3A_65 : i32 to index
            %swap3A_95 = arith.constant 0 : index
            %swap3A_96 = tpu.vector_load %arg14[%swap3A, %swap3A_95] {strides = array<i32>} : memref<8x16xi32, #tpu.memory_space<vmem>>, vector<16xi32>,
            tpu.vector_store %arg14[%swap3A, %swap3A_95], %select_n3A_94 {strides = array<i32>} : memref<8x16xi32, #tpu.memory_space<vmem>>, vector<16xi32>,
            %broadcast_in_dim3A_97 = arith.constant 0 : i32
            %broadcast_in_dim3A_98 = vector.broadcast %broadcast_in_dim3A_97 : i32 to vector<16xi32>
            %gather3A = tpu.vector_load_idx %arg12[%broadcast_in_dim3A_98, %min3A_87] : memref<64x512xf32, #tpu.memory_space<vmem>>[vector<16xi32>, vector<16xi32>], vector<16xf32>,
            %iota3A_99 = tpu.iota {dimensions = array<i32: 0>} : vector<16xi32>
            %broadcast_in_dim3A_100 = arith.constant 0 : i32
            %broadcast_in_dim3A_101 = vector.broadcast %broadcast_in_dim3A_100 : i32 to vector<16xi32>
            %scatter3A = arith.constant 0 : i32
            %scatter3A_102 = arith.constant 0 : i32
            %scatter3A_103 = tpu.memref_slice %arg13[%and3A_65, %scatter3A, %scatter3A_102] : memref<8x16x128xf32, #tpu.memory_space<vmem>> -> memref<1x16x128xf32, #tpu.memory_space<vmem>>
            %scatter3A_104 = tpu.memref_squeeze %scatter3A_103 : memref<1x16x128xf32, #tpu.memory_space<vmem>> -> memref<16x128xf32, #tpu.memory_space<vmem>>
            tpu.vector_store_idx %scatter3A_104[%iota3A_99, %broadcast_in_dim3A_101], %gather3A : memref<16x128xf32, #tpu.memory_space<vmem>>[vector<16xi32>, vector<16xi32>], vector<16xf32>,
            %broadcast_in_dim3A_105 = arith.constant 1 : i32
            %broadcast_in_dim3A_106 = vector.broadcast %broadcast_in_dim3A_105 : i32 to vector<16xi32>
            %gather3A_107 = tpu.vector_load_idx %arg12[%broadcast_in_dim3A_106, %min3A_87] : memref<64x512xf32, #tpu.memory_space<vmem>>[vector<16xi32>, vector<16xi32>], vector<16xf32>,
            %iota3A_108 = tpu.iota {dimensions = array<i32: 0>} : vector<16xi32>
            %broadcast_in_dim3A_109 = arith.constant 1 : i32
            %broadcast_in_dim3A_110 = vector.broadcast %broadcast_in_dim3A_109 : i32 to vector<16xi32>
            %scatter3A_111 = arith.constant 0 : i32
            %scatter3A_112 = arith.constant 0 : i32
            %scatter3A_113 = tpu.memref_slice %arg13[%and3A_65, %scatter3A_111, %scatter3A_112] : memref<8x16x128xf32, #tpu.memory_space<vmem>> -> memref<1x16x128xf32, #tpu.memory_space<vmem>>
            %scatter3A_114 = tpu.memref_squeeze %scatter3A_113 : memref<1x16x128xf32, #tpu.memory_space<vmem>> -> memref<16x128xf32, #tpu.memory_space<vmem>>
            tpu.vector_store_idx %scatter3A_114[%iota3A_108, %broadcast_in_dim3A_110], %gather3A_107 : memref<16x128xf32, #tpu.memory_space<vmem>>[vector<16xi32>, vector<16xi32>], vector<16xf32>,
            %broadcast_in_dim3A_115 = arith.constant 2 : i32
            %broadcast_in_dim3A_116 = vector.broadcast %broadcast_in_dim3A_115 : i32 to vector<16xi32>
            %gather3A_117 = tpu.vector_load_idx %arg12[%broadcast_in_dim3A_116, %min3A_87] : memref<64x512xf32, #tpu.memory_space<vmem>>[vector<16xi32>, vector<16xi32>], vector<16xf32>,
            %iota3A_118 = tpu.iota {dimensions = array<i32: 0>} : vector<16xi32>
            %broadcast_in_dim3A_119 = arith.constant 2 : i32
            %broadcast_in_dim3A_120 = vector.broadcast %broadcast_in_dim3A_119 : i32 to vector<16xi32>
            %scatter3A_121 = arith.constant 0 : i32
            %scatter3A_122 = arith.constant 0 : i32
            %scatter3A_123 = tpu.memref_slice %arg13[%and3A_65, %scatter3A_121, %scatter3A_122] : memref<8x16x128xf32, #tpu.memory_space<vmem>> -> memref<1x16x128xf32, #tpu.memory_space<vmem>>
            %scatter3A_124 = tpu.memref_squeeze %scatter3A_123 : memref<1x16x128xf32, #tpu.memory_space<vmem>> -> memref<16x128xf32, #tpu.memory_space<vmem>>
            tpu.vector_store_idx %scatter3A_124[%iota3A_118, %broadcast_in_dim3A_120], %gather3A_117 : memref<16x128xf32, #tpu.memory_space<vmem>>[vector<16xi32>, vector<16xi32>], vector<16xf32>,
            %broadcast_in_dim3A_125 = arith.constant 3 : i32
            %broadcast_in_dim3A_126 = vector.broadcast %broadcast_in_dim3A_125 : i32 to vector<16xi32>
            %gather3A_127 = tpu.vector_load_idx %arg12[%broadcast_in_dim3A_126, %min3A_87] : memref<64x512xf32, #tpu.memory_space<vmem>>[vector<16xi32>, vector<16xi32>], vector<16xf32>,
            %iota3A_128 = tpu.iota {dimensions = array<i32: 0>} : vector<16xi32>
            %broadcast_in_dim3A_129 = arith.constant 3 : i32
            %broadcast_in_dim3A_130 = vector.broadcast %broadcast_in_dim3A_129 : i32 to vector<16xi32>
            %scatter3A_131 = arith.constant 0 : i32
            %scatter3A_132 = arith.constant 0 : i32
            %scatter3A_133 = tpu.memref_slice %arg13[%and3A_65, %scatter3A_131, %scatter3A_132] : memref<8x16x128xf32, #tpu.memory_space<vmem>> -> memref<1x16x128xf32, #tpu.memory_space<vmem>>
            %scatter3A_134 = tpu.memref_squeeze %scatter3A_133 : memref<1x16x128xf32, #tpu.memory_space<vmem>> -> memref<16x128xf32, #tpu.memory_space<vmem>>
            tpu.vector_store_idx %scatter3A_134[%iota3A_128, %broadcast_in_dim3A_130], %gather3A_127 : memref<16x128xf32, #tpu.memory_space<vmem>>[vector<16xi32>, vector<16xi32>], vector<16xf32>,
            %broadcast_in_dim3A_135 = arith.constant 4 : i32
            %broadcast_in_dim3A_136 = vector.broadcast %broadcast_in_dim3A_135 : i32 to vector<16xi32>
            %gather3A_137 = tpu.vector_load_idx %arg12[%broadcast_in_dim3A_136, %min3A_87] : memref<64x512xf32, #tpu.memory_space<vmem>>[vector<16xi32>, vector<16xi32>], vector<16xf32>,
            %iota3A_138 = tpu.iota {dimensions = array<i32: 0>} : vector<16xi32>
            %broadcast_in_dim3A_139 = arith.constant 4 : i32
            %broadcast_in_dim3A_140 = vector.broadcast %broadcast_in_dim3A_139 : i32 to vector<16xi32>
            %scatter3A_141 = arith.constant 0 : i32
            %scatter3A_142 = arith.constant 0 : i32
            %scatter3A_143 = tpu.memref_slice %arg13[%and3A_65, %scatter3A_141, %scatter3A_142] : memref<8x16x128xf32, #tpu.memory_space<vmem>> -> memref<1x16x128xf32, #tpu.memory_space<vmem>>
            %scatter3A_144 = tpu.memref_squeeze %scatter3A_143 : memref<1x16x128xf32, #tpu.memory_space<vmem>> -> memref<16x128xf32, #tpu.memory_space<vmem>>
            tpu.vector_store_idx %scatter3A_144[%iota3A_138, %broadcast_in_dim3A_140], %gather3A_137 : memref<16x128xf32, #tpu.memory_space<vmem>>[vector<16xi32>, vector<16xi32>], vector<16xf32>,
            %broadcast_in_dim3A_145 = arith.constant 5 : i32
            %broadcast_in_dim3A_146 = vector.broadcast %broadcast_in_dim3A_145 : i32 to vector<16xi32>
            %gather3A_147 = tpu.vector_load_idx %arg12[%broadcast_in_dim3A_146, %min3A_87] : memref<64x512xf32, #tpu.memory_space<vmem>>[vector<16xi32>, vector<16xi32>], vector<16xf32>,
            %iota3A_148 = tpu.iota {dimensions = array<i32: 0>} : vector<16xi32>
            %broadcast_in_dim3A_149 = arith.constant 5 : i32
            %broadcast_in_dim3A_150 = vector.broadcast %broadcast_in_dim3A_149 : i32 to vector<16xi32>
            %scatter3A_151 = arith.constant 0 : i32
            %scatter3A_152 = arith.constant 0 : i32
            %scatter3A_153 = tpu.memref_slice %arg13[%and3A_65, %scatter3A_151, %scatter3A_152] : memref<8x16x128xf32, #tpu.memory_space<vmem>> -> memref<1x16x128xf32, #tpu.memory_space<vmem>>
            %scatter3A_154 = tpu.memref_squeeze %scatter3A_153 : memref<1x16x128xf32, #tpu.memory_space<vmem>> -> memref<16x128xf32, #tpu.memory_space<vmem>>
            tpu.vector_store_idx %scatter3A_154[%iota3A_148, %broadcast_in_dim3A_150], %gather3A_147 : memref<16x128xf32, #tpu.memory_space<vmem>>[vector<16xi32>, vector<16xi32>], vector<16xf32>,
            %broadcast_in_dim3A_155 = arith.constant 6 : i32
            %broadcast_in_dim3A_156 = vector.broadcast %broadcast_in_dim3A_155 : i32 to vector<16xi32>
            %gather3A_157 = tpu.vector_load_idx %arg12[%broadcast_in_dim3A_156, %min3A_87] : memref<64x512xf32, #tpu.memory_space<vmem>>[vector<16xi32>, vector<16xi32>], vector<16xf32>,
            %iota3A_158 = tpu.iota {dimensions = array<i32: 0>} : vector<16xi32>
            %broadcast_in_dim3A_159 = arith.constant 6 : i32
            %broadcast_in_dim3A_160 = vector.broadcast %broadcast_in_dim3A_159 : i32 to vector<16xi32>
            %scatter3A_161 = arith.constant 0 : i32
            %scatter3A_162 = arith.constant 0 : i32
            %scatter3A_163 = tpu.memref_slice %arg13[%and3A_65, %scatter3A_161, %scatter3A_162] : memref<8x16x128xf32, #tpu.memory_space<vmem>> -> memref<1x16x128xf32, #tpu.memory_space<vmem>>
            %scatter3A_164 = tpu.memref_squeeze %scatter3A_163 : memref<1x16x128xf32, #tpu.memory_space<vmem>> -> memref<16x128xf32, #tpu.memory_space<vmem>>
            tpu.vector_store_idx %scatter3A_164[%iota3A_158, %broadcast_in_dim3A_160], %gather3A_157 : memref<16x128xf32, #tpu.memory_space<vmem>>[vector<16xi32>, vector<16xi32>], vector<16xf32>,
            %broadcast_in_dim3A_165 = arith.constant 7 : i32
            %broadcast_in_dim3A_166 = vector.broadcast %broadcast_in_dim3A_165 : i32 to vector<16xi32>
            %gather3A_167 = tpu.vector_load_idx %arg12[%broadcast_in_dim3A_166, %min3A_87] : memref<64x512xf32, #tpu.memory_space<vmem>>[vector<16xi32>, vector<16xi32>], vector<16xf32>,
            %iota3A_168 = tpu.iota {dimensions = array<i32: 0>} : vector<16xi32>
            %broadcast_in_dim3A_169 = arith.constant 7 : i32
            %broadcast_in_dim3A_170 = vector.broadcast %broadcast_in_dim3A_169 : i32 to vector<16xi32>
            %scatter3A_171 = arith.constant 0 : i32
            %scatter3A_172 = arith.constant 0 : i32
            %scatter3A_173 = tpu.memref_slice %arg13[%and3A_65, %scatter3A_171, %scatter3A_172] : memref<8x16x128xf32, #tpu.memory_space<vmem>> -> memref<1x16x128xf32, #tpu.memory_space<vmem>>
            %scatter3A_174 = tpu.memref_squeeze %scatter3A_173 : memref<1x16x128xf32, #tpu.memory_space<vmem>> -> memref<16x128xf32, #tpu.memory_space<vmem>>
            tpu.vector_store_idx %scatter3A_174[%iota3A_168, %broadcast_in_dim3A_170], %gather3A_167 : memref<16x128xf32, #tpu.memory_space<vmem>>[vector<16xi32>, vector<16xi32>], vector<16xf32>,
            %broadcast_in_dim3A_175 = arith.constant 8 : i32
            %broadcast_in_dim3A_176 = vector.broadcast %broadcast_in_dim3A_175 : i32 to vector<16xi32>
            %gather3A_177 = tpu.vector_load_idx %arg12[%broadcast_in_dim3A_176, %min3A_87] : memref<64x512xf32, #tpu.memory_space<vmem>>[vector<16xi32>, vector<16xi32>], vector<16xf32>,
            %iota3A_178 = tpu.iota {dimensions = array<i32: 0>} : vector<16xi32>
            %broadcast_in_dim3A_179 = arith.constant 8 : i32
            %broadcast_in_dim3A_180 = vector.broadcast %broadcast_in_dim3A_179 : i32 to vector<16xi32>
            %scatter3A_181 = arith.constant 0 : i32
            %scatter3A_182 = arith.constant 0 : i32
            %scatter3A_183 = tpu.memref_slice %arg13[%and3A_65, %scatter3A_181, %scatter3A_182] : memref<8x16x128xf32, #tpu.memory_space<vmem>> -> memref<1x16x128xf32, #tpu.memory_space<vmem>>
            %scatter3A_184 = tpu.memref_squeeze %scatter3A_183 : memref<1x16x128xf32, #tpu.memory_space<vmem>> -> memref<16x128xf32, #tpu.memory_space<vmem>>
            tpu.vector_store_idx %scatter3A_184[%iota3A_178, %broadcast_in_dim3A_180], %gather3A_177 : memref<16x128xf32, #tpu.memory_space<vmem>>[vector<16xi32>, vector<16xi32>], vector<16xf32>,
            %broadcast_in_dim3A_185 = arith.constant 9 : i32
            %broadcast_in_dim3A_186 = vector.broadcast %broadcast_in_dim3A_185 : i32 to vector<16xi32>
            %gather3A_187 = tpu.vector_load_idx %arg12[%broadcast_in_dim3A_186, %min3A_87] : memref<64x512xf32, #tpu.memory_space<vmem>>[vector<16xi32>, vector<16xi32>], vector<16xf32>,
            %iota3A_188 = tpu.iota {dimensions = array<i32: 0>} : vector<16xi32>
            %broadcast_in_dim3A_189 = arith.constant 9 : i32
            %broadcast_in_dim3A_190 = vector.broadcast %broadcast_in_dim3A_189 : i32 to vector<16xi32>
            %scatter3A_191 = arith.constant 0 : i32
            %scatter3A_192 = arith.constant 0 : i32
            %scatter3A_193 = tpu.memref_slice %arg13[%and3A_65, %scatter3A_191, %scatter3A_192] : memref<8x16x128xf32, #tpu.memory_space<vmem>> -> memref<1x16x128xf32, #tpu.memory_space<vmem>>
            %scatter3A_194 = tpu.memref_squeeze %scatter3A_193 : memref<1x16x128xf32, #tpu.memory_space<vmem>> -> memref<16x128xf32, #tpu.memory_space<vmem>>
            tpu.vector_store_idx %scatter3A_194[%iota3A_188, %broadcast_in_dim3A_190], %gather3A_187 : memref<16x128xf32, #tpu.memory_space<vmem>>[vector<16xi32>, vector<16xi32>], vector<16xf32>,
            %broadcast_in_dim3A_195 = arith.constant 10 : i32
            %broadcast_in_dim3A_196 = vector.broadcast %broadcast_in_dim3A_195 : i32 to vector<16xi32>
            %gather3A_197 = tpu.vector_load_idx %arg12[%broadcast_in_dim3A_196, %min3A_87] : memref<64x512xf32, #tpu.memory_space<vmem>>[vector<16xi32>, vector<16xi32>], vector<16xf32>,
            %iota3A_198 = tpu.iota {dimensions = array<i32: 0>} : vector<16xi32>
            %broadcast_in_dim3A_199 = arith.constant 10 : i32
            %broadcast_in_dim3A_200 = vector.broadcast %broadcast_in_dim3A_199 : i32 to vector<16xi32>
            %scatter3A_201 = arith.constant 0 : i32
            %scatter3A_202 = arith.constant 0 : i32
            %scatter3A_203 = tpu.memref_slice %arg13[%and3A_65, %scatter3A_201, %scatter3A_202] : memref<8x16x128xf32, #tpu.memory_space<vmem>> -> memref<1x16x128xf32, #tpu.memory_space<vmem>>
            %scatter3A_204 = tpu.memref_squeeze %scatter3A_203 : memref<1x16x128xf32, #tpu.memory_space<vmem>> -> memref<16x128xf32, #tpu.memory_space<vmem>>
            tpu.vector_store_idx %scatter3A_204[%iota3A_198, %broadcast_in_dim3A_200], %gather3A_197 : memref<16x128xf32, #tpu.memory_space<vmem>>[vector<16xi32>, vector<16xi32>], vector<16xf32>,
            %broadcast_in_dim3A_205 = arith.constant 11 : i32
            %broadcast_in_dim3A_206 = vector.broadcast %broadcast_in_dim3A_205 : i32 to vector<16xi32>
            %gather3A_207 = tpu.vector_load_idx %arg12[%broadcast_in_dim3A_206, %min3A_87] : memref<64x512xf32, #tpu.memory_space<vmem>>[vector<16xi32>, vector<16xi32>], vector<16xf32>,
            %iota3A_208 = tpu.iota {dimensions = array<i32: 0>} : vector<16xi32>
            %broadcast_in_dim3A_209 = arith.constant 11 : i32
            %broadcast_in_dim3A_210 = vector.broadcast %broadcast_in_dim3A_209 : i32 to vector<16xi32>
            %scatter3A_211 = arith.constant 0 : i32
            %scatter3A_212 = arith.constant 0 : i32
            %scatter3A_213 = tpu.memref_slice %arg13[%and3A_65, %scatter3A_211, %scatter3A_212] : memref<8x16x128xf32, #tpu.memory_space<vmem>> -> memref<1x16x128xf32, #tpu.memory_space<vmem>>
            %scatter3A_214 = tpu.memref_squeeze %scatter3A_213 : memref<1x16x128xf32, #tpu.memory_space<vmem>> -> memref<16x128xf32, #tpu.memory_space<vmem>>
            tpu.vector_store_idx %scatter3A_214[%iota3A_208, %broadcast_in_dim3A_210], %gather3A_207 : memref<16x128xf32, #tpu.memory_space<vmem>>[vector<16xi32>, vector<16xi32>], vector<16xf32>,
            %broadcast_in_dim3A_215 = arith.constant 12 : i32
            %broadcast_in_dim3A_216 = vector.broadcast %broadcast_in_dim3A_215 : i32 to vector<16xi32>
            %gather3A_217 = tpu.vector_load_idx %arg12[%broadcast_in_dim3A_216, %min3A_87] : memref<64x512xf32, #tpu.memory_space<vmem>>[vector<16xi32>, vector<16xi32>], vector<16xf32>,
            %iota3A_218 = tpu.iota {dimensions = array<i32: 0>} : vector<16xi32>
            %broadcast_in_dim3A_219 = arith.constant 12 : i32
            %broadcast_in_dim3A_220 = vector.broadcast %broadcast_in_dim3A_219 : i32 to vector<16xi32>
            %scatter3A_221 = arith.constant 0 : i32
            %scatter3A_222 = arith.constant 0 : i32
            %scatter3A_223 = tpu.memref_slice %arg13[%and3A_65, %scatter3A_221, %scatter3A_222] : memref<8x16x128xf32, #tpu.memory_space<vmem>> -> memref<1x16x128xf32, #tpu.memory_space<vmem>>
            %scatter3A_224 = tpu.memref_squeeze %scatter3A_223 : memref<1x16x128xf32, #tpu.memory_space<vmem>> -> memref<16x128xf32, #tpu.memory_space<vmem>>
            tpu.vector_store_idx %scatter3A_224[%iota3A_218, %broadcast_in_dim3A_220], %gather3A_217 : memref<16x128xf32, #tpu.memory_space<vmem>>[vector<16xi32>, vector<16xi32>], vector<16xf32>,
            %broadcast_in_dim3A_225 = arith.constant 13 : i32
            %broadcast_in_dim3A_226 = vector.broadcast %broadcast_in_dim3A_225 : i32 to vector<16xi32>
            %gather3A_227 = tpu.vector_load_idx %arg12[%broadcast_in_dim3A_226, %min3A_87] : memref<64x512xf32, #tpu.memory_space<vmem>>[vector<16xi32>, vector<16xi32>], vector<16xf32>,
            %iota3A_228 = tpu.iota {dimensions = array<i32: 0>} : vector<16xi32>
            %broadcast_in_dim3A_229 = arith.constant 13 : i32
            %broadcast_in_dim3A_230 = vector.broadcast %broadcast_in_dim3A_229 : i32 to vector<16xi32>
            %scatter3A_231 = arith.constant 0 : i32
            %scatter3A_232 = arith.constant 0 : i32
            %scatter3A_233 = tpu.memref_slice %arg13[%and3A_65, %scatter3A_231, %scatter3A_232] : memref<8x16x128xf32, #tpu.memory_space<vmem>> -> memref<1x16x128xf32, #tpu.memory_space<vmem>>
            %scatter3A_234 = tpu.memref_squeeze %scatter3A_233 : memref<1x16x128xf32, #tpu.memory_space<vmem>> -> memref<16x128xf32, #tpu.memory_space<vmem>>
            tpu.vector_store_idx %scatter3A_234[%iota3A_228, %broadcast_in_dim3A_230], %gather3A_227 : memref<16x128xf32, #tpu.memory_space<vmem>>[vector<16xi32>, vector<16xi32>], vector<16xf32>,
            %broadcast_in_dim3A_235 = arith.constant 14 : i32
            %broadcast_in_dim3A_236 = vector.broadcast %broadcast_in_dim3A_235 : i32 to vector<16xi32>
            %gather3A_237 = tpu.vector_load_idx %arg12[%broadcast_in_dim3A_236, %min3A_87] : memref<64x512xf32, #tpu.memory_space<vmem>>[vector<16xi32>, vector<16xi32>], vector<16xf32>,
            %iota3A_238 = tpu.iota {dimensions = array<i32: 0>} : vector<16xi32>
            %broadcast_in_dim3A_239 = arith.constant 14 : i32
            %broadcast_in_dim3A_240 = vector.broadcast %broadcast_in_dim3A_239 : i32 to vector<16xi32>
            %scatter3A_241 = arith.constant 0 : i32
            %scatter3A_242 = arith.constant 0 : i32
            %scatter3A_243 = tpu.memref_slice %arg13[%and3A_65, %scatter3A_241, %scatter3A_242] : memref<8x16x128xf32, #tpu.memory_space<vmem>> -> memref<1x16x128xf32, #tpu.memory_space<vmem>>
            %scatter3A_244 = tpu.memref_squeeze %scatter3A_243 : memref<1x16x128xf32, #tpu.memory_space<vmem>> -> memref<16x128xf32, #tpu.memory_space<vmem>>
            tpu.vector_store_idx %scatter3A_244[%iota3A_238, %broadcast_in_dim3A_240], %gather3A_237 : memref<16x128xf32, #tpu.memory_space<vmem>>[vector<16xi32>, vector<16xi32>], vector<16xf32>,
            %broadcast_in_dim3A_245 = arith.constant 15 : i32
            %broadcast_in_dim3A_246 = vector.broadcast %broadcast_in_dim3A_245 : i32 to vector<16xi32>
            %gather3A_247 = tpu.vector_load_idx %arg12[%broadcast_in_dim3A_246, %min3A_87] : memref<64x512xf32, #tpu.memory_space<vmem>>[vector<16xi32>, vector<16xi32>], vector<16xf32>,
            %iota3A_248 = tpu.iota {dimensions = array<i32: 0>} : vector<16xi32>
            %broadcast_in_dim3A_249 = arith.constant 15 : i32
            %broadcast_in_dim3A_250 = vector.broadcast %broadcast_in_dim3A_249 : i32 to vector<16xi32>
            %scatter3A_251 = arith.constant 0 : i32
            %scatter3A_252 = arith.constant 0 : i32
            %scatter3A_253 = tpu.memref_slice %arg13[%and3A_65, %scatter3A_251, %scatter3A_252] : memref<8x16x128xf32, #tpu.memory_space<vmem>> -> memref<1x16x128xf32, #tpu.memory_space<vmem>>
            %scatter3A_254 = tpu.memref_squeeze %scatter3A_253 : memref<1x16x128xf32, #tpu.memory_space<vmem>> -> memref<16x128xf32, #tpu.memory_space<vmem>>
            tpu.vector_store_idx %scatter3A_254[%iota3A_248, %broadcast_in_dim3A_250], %gather3A_247 : memref<16x128xf32, #tpu.memory_space<vmem>>[vector<16xi32>, vector<16xi32>], vector<16xf32>,
            %broadcast_in_dim3A_255 = arith.constant 16 : i32
            %broadcast_in_dim3A_256 = vector.broadcast %broadcast_in_dim3A_255 : i32 to vector<16xi32>
            %gather3A_257 = tpu.vector_load_idx %arg12[%broadcast_in_dim3A_256, %min3A_87] : memref<64x512xf32, #tpu.memory_space<vmem>>[vector<16xi32>, vector<16xi32>], vector<16xf32>,
            %iota3A_258 = tpu.iota {dimensions = array<i32: 0>} : vector<16xi32>
            %broadcast_in_dim3A_259 = arith.constant 16 : i32
            %broadcast_in_dim3A_260 = vector.broadcast %broadcast_in_dim3A_259 : i32 to vector<16xi32>
            %scatter3A_261 = arith.constant 0 : i32
            %scatter3A_262 = arith.constant 0 : i32
            %scatter3A_263 = tpu.memref_slice %arg13[%and3A_65, %scatter3A_261, %scatter3A_262] : memref<8x16x128xf32, #tpu.memory_space<vmem>> -> memref<1x16x128xf32, #tpu.memory_space<vmem>>
            %scatter3A_264 = tpu.memref_squeeze %scatter3A_263 : memref<1x16x128xf32, #tpu.memory_space<vmem>> -> memref<16x128xf32, #tpu.memory_space<vmem>>
            tpu.vector_store_idx %scatter3A_264[%iota3A_258, %broadcast_in_dim3A_260], %gather3A_257 : memref<16x128xf32, #tpu.memory_space<vmem>>[vector<16xi32>, vector<16xi32>], vector<16xf32>,
            %broadcast_in_dim3A_265 = arith.constant 17 : i32
            %broadcast_in_dim3A_266 = vector.broadcast %broadcast_in_dim3A_265 : i32 to vector<16xi32>
            %gather3A_267 = tpu.vector_load_idx %arg12[%broadcast_in_dim3A_266, %min3A_87] : memref<64x512xf32, #tpu.memory_space<vmem>>[vector<16xi32>, vector<16xi32>], vector<16xf32>,
            %iota3A_268 = tpu.iota {dimensions = array<i32: 0>} : vector<16xi32>
            %broadcast_in_dim3A_269 = arith.constant 17 : i32
            %broadcast_in_dim3A_270 = vector.broadcast %broadcast_in_dim3A_269 : i32 to vector<16xi32>
            %scatter3A_271 = arith.constant 0 : i32
            %scatter3A_272 = arith.constant 0 : i32
            %scatter3A_273 = tpu.memref_slice %arg13[%and3A_65, %scatter3A_271, %scatter3A_272] : memref<8x16x128xf32, #tpu.memory_space<vmem>> -> memref<1x16x128xf32, #tpu.memory_space<vmem>>
            %scatter3A_274 = tpu.memref_squeeze %scatter3A_273 : memref<1x16x128xf32, #tpu.memory_space<vmem>> -> memref<16x128xf32, #tpu.memory_space<vmem>>
            tpu.vector_store_idx %scatter3A_274[%iota3A_268, %broadcast_in_dim3A_270], %gather3A_267 : memref<16x128xf32, #tpu.memory_space<vmem>>[vector<16xi32>, vector<16xi32>], vector<16xf32>,
            %broadcast_in_dim3A_275 = arith.constant 18 : i32
            %broadcast_in_dim3A_276 = vector.broadcast %broadcast_in_dim3A_275 : i32 to vector<16xi32>
            %gather3A_277 = tpu.vector_load_idx %arg12[%broadcast_in_dim3A_276, %min3A_87] : memref<64x512xf32, #tpu.memory_space<vmem>>[vector<16xi32>, vector<16xi32>], vector<16xf32>,
            %iota3A_278 = tpu.iota {dimensions = array<i32: 0>} : vector<16xi32>
            %broadcast_in_dim3A_279 = arith.constant 18 : i32
            %broadcast_in_dim3A_280 = vector.broadcast %broadcast_in_dim3A_279 : i32 to vector<16xi32>
            %scatter3A_281 = arith.constant 0 : i32
            %scatter3A_282 = arith.constant 0 : i32
            %scatter3A_283 = tpu.memref_slice %arg13[%and3A_65, %scatter3A_281, %scatter3A_282] : memref<8x16x128xf32, #tpu.memory_space<vmem>> -> memref<1x16x128xf32, #tpu.memory_space<vmem>>
            %scatter3A_284 = tpu.memref_squeeze %scatter3A_283 : memref<1x16x128xf32, #tpu.memory_space<vmem>> -> memref<16x128xf32, #tpu.memory_space<vmem>>
            tpu.vector_store_idx %scatter3A_284[%iota3A_278, %broadcast_in_dim3A_280], %gather3A_277 : memref<16x128xf32, #tpu.memory_space<vmem>>[vector<16xi32>, vector<16xi32>], vector<16xf32>,
            %broadcast_in_dim3A_285 = arith.constant 19 : i32
            %broadcast_in_dim3A_286 = vector.broadcast %broadcast_in_dim3A_285 : i32 to vector<16xi32>
            %gather3A_287 = tpu.vector_load_idx %arg12[%broadcast_in_dim3A_286, %min3A_87] : memref<64x512xf32, #tpu.memory_space<vmem>>[vector<16xi32>, vector<16xi32>], vector<16xf32>,
            %iota3A_288 = tpu.iota {dimensions = array<i32: 0>} : vector<16xi32>
            %broadcast_in_dim3A_289 = arith.constant 19 : i32
            %broadcast_in_dim3A_290 = vector.broadcast %broadcast_in_dim3A_289 : i32 to vector<16xi32>
            %scatter3A_291 = arith.constant 0 : i32
            %scatter3A_292 = arith.constant 0 : i32
            %scatter3A_293 = tpu.memref_slice %arg13[%and3A_65, %scatter3A_291, %scatter3A_292] : memref<8x16x128xf32, #tpu.memory_space<vmem>> -> memref<1x16x128xf32, #tpu.memory_space<vmem>>
            %scatter3A_294 = tpu.memref_squeeze %scatter3A_293 : memref<1x16x128xf32, #tpu.memory_space<vmem>> -> memref<16x128xf32, #tpu.memory_space<vmem>>
            tpu.vector_store_idx %scatter3A_294[%iota3A_288, %broadcast_in_dim3A_290], %gather3A_287 : memref<16x128xf32, #tpu.memory_space<vmem>>[vector<16xi32>, vector<16xi32>], vector<16xf32>,
            %broadcast_in_dim3A_295 = arith.constant 20 : i32
            %broadcast_in_dim3A_296 = vector.broadcast %broadcast_in_dim3A_295 : i32 to vector<16xi32>
            %gather3A_297 = tpu.vector_load_idx %arg12[%broadcast_in_dim3A_296, %min3A_87] : memref<64x512xf32, #tpu.memory_space<vmem>>[vector<16xi32>, vector<16xi32>], vector<16xf32>,
            %iota3A_298 = tpu.iota {dimensions = array<i32: 0>} : vector<16xi32>
            %broadcast_in_dim3A_299 = arith.constant 20 : i32
            %broadcast_in_dim3A_300 = vector.broadcast %broadcast_in_dim3A_299 : i32 to vector<16xi32>
            %scatter3A_301 = arith.constant 0 : i32
            %scatter3A_302 = arith.constant 0 : i32
            %scatter3A_303 = tpu.memref_slice %arg13[%and3A_65, %scatter3A_301, %scatter3A_302] : memref<8x16x128xf32, #tpu.memory_space<vmem>> -> memref<1x16x128xf32, #tpu.memory_space<vmem>>
            %scatter3A_304 = tpu.memref_squeeze %scatter3A_303 : memref<1x16x128xf32, #tpu.memory_space<vmem>> -> memref<16x128xf32, #tpu.memory_space<vmem>>
            tpu.vector_store_idx %scatter3A_304[%iota3A_298, %broadcast_in_dim3A_300], %gather3A_297 : memref<16x128xf32, #tpu.memory_space<vmem>>[vector<16xi32>, vector<16xi32>], vector<16xf32>,
            %broadcast_in_dim3A_305 = arith.constant 21 : i32
            %broadcast_in_dim3A_306 = vector.broadcast %broadcast_in_dim3A_305 : i32 to vector<16xi32>
            %gather3A_307 = tpu.vector_load_idx %arg12[%broadcast_in_dim3A_306, %min3A_87] : memref<64x512xf32, #tpu.memory_space<vmem>>[vector<16xi32>, vector<16xi32>], vector<16xf32>,
            %iota3A_308 = tpu.iota {dimensions = array<i32: 0>} : vector<16xi32>
            %broadcast_in_dim3A_309 = arith.constant 21 : i32
            %broadcast_in_dim3A_310 = vector.broadcast %broadcast_in_dim3A_309 : i32 to vector<16xi32>
            %scatter3A_311 = arith.constant 0 : i32
            %scatter3A_312 = arith.constant 0 : i32
            %scatter3A_313 = tpu.memref_slice %arg13[%and3A_65, %scatter3A_311, %scatter3A_312] : memref<8x16x128xf32, #tpu.memory_space<vmem>> -> memref<1x16x128xf32, #tpu.memory_space<vmem>>
            %scatter3A_314 = tpu.memref_squeeze %scatter3A_313 : memref<1x16x128xf32, #tpu.memory_space<vmem>> -> memref<16x128xf32, #tpu.memory_space<vmem>>
            tpu.vector_store_idx %scatter3A_314[%iota3A_308, %broadcast_in_dim3A_310], %gather3A_307 : memref<16x128xf32, #tpu.memory_space<vmem>>[vector<16xi32>, vector<16xi32>], vector<16xf32>,
            %broadcast_in_dim3A_315 = arith.constant 22 : i32
            %broadcast_in_dim3A_316 = vector.broadcast %broadcast_in_dim3A_315 : i32 to vector<16xi32>
            %gather3A_317 = tpu.vector_load_idx %arg12[%broadcast_in_dim3A_316, %min3A_87] : memref<64x512xf32, #tpu.memory_space<vmem>>[vector<16xi32>, vector<16xi32>], vector<16xf32>,
            %iota3A_318 = tpu.iota {dimensions = array<i32: 0>} : vector<16xi32>
            %broadcast_in_dim3A_319 = arith.constant 22 : i32
            %broadcast_in_dim3A_320 = vector.broadcast %broadcast_in_dim3A_319 : i32 to vector<16xi32>
            %scatter3A_321 = arith.constant 0 : i32
            %scatter3A_322 = arith.constant 0 : i32
            %scatter3A_323 = tpu.memref_slice %arg13[%and3A_65, %scatter3A_321, %scatter3A_322] : memref<8x16x128xf32, #tpu.memory_space<vmem>> -> memref<1x16x128xf32, #tpu.memory_space<vmem>>
            %scatter3A_324 = tpu.memref_squeeze %scatter3A_323 : memref<1x16x128xf32, #tpu.memory_space<vmem>> -> memref<16x128xf32, #tpu.memory_space<vmem>>
            tpu.vector_store_idx %scatter3A_324[%iota3A_318, %broadcast_in_dim3A_320], %gather3A_317 : memref<16x128xf32, #tpu.memory_space<vmem>>[vector<16xi32>, vector<16xi32>], vector<16xf32>,
            %broadcast_in_dim3A_325 = arith.constant 23 : i32
            %broadcast_in_dim3A_326 = vector.broadcast %broadcast_in_dim3A_325 : i32 to vector<16xi32>
            %gather3A_327 = tpu.vector_load_idx %arg12[%broadcast_in_dim3A_326, %min3A_87] : memref<64x512xf32, #tpu.memory_space<vmem>>[vector<16xi32>, vector<16xi32>], vector<16xf32>,
            %iota3A_328 = tpu.iota {dimensions = array<i32: 0>} : vector<16xi32>
            %broadcast_in_dim3A_329 = arith.constant 23 : i32
            %broadcast_in_dim3A_330 = vector.broadcast %broadcast_in_dim3A_329 : i32 to vector<16xi32>
            %scatter3A_331 = arith.constant 0 : i32
            %scatter3A_332 = arith.constant 0 : i32
            %scatter3A_333 = tpu.memref_slice %arg13[%and3A_65, %scatter3A_331, %scatter3A_332] : memref<8x16x128xf32, #tpu.memory_space<vmem>> -> memref<1x16x128xf32, #tpu.memory_space<vmem>>
            %scatter3A_334 = tpu.memref_squeeze %scatter3A_333 : memref<1x16x128xf32, #tpu.memory_space<vmem>> -> memref<16x128xf32, #tpu.memory_space<vmem>>
            tpu.vector_store_idx %scatter3A_334[%iota3A_328, %broadcast_in_dim3A_330], %gather3A_327 : memref<16x128xf32, #tpu.memory_space<vmem>>[vector<16xi32>, vector<16xi32>], vector<16xf32>,
            %broadcast_in_dim3A_335 = arith.constant 24 : i32
            %broadcast_in_dim3A_336 = vector.broadcast %broadcast_in_dim3A_335 : i32 to vector<16xi32>
            %gather3A_337 = tpu.vector_load_idx %arg12[%broadcast_in_dim3A_336, %min3A_87] : memref<64x512xf32, #tpu.memory_space<vmem>>[vector<16xi32>, vector<16xi32>], vector<16xf32>,
            %iota3A_338 = tpu.iota {dimensions = array<i32: 0>} : vector<16xi32>
            %broadcast_in_dim3A_339 = arith.constant 24 : i32
            %broadcast_in_dim3A_340 = vector.broadcast %broadcast_in_dim3A_339 : i32 to vector<16xi32>
            %scatter3A_341 = arith.constant 0 : i32
            %scatter3A_342 = arith.constant 0 : i32
            %scatter3A_343 = tpu.memref_slice %arg13[%and3A_65, %scatter3A_341, %scatter3A_342] : memref<8x16x128xf32, #tpu.memory_space<vmem>> -> memref<1x16x128xf32, #tpu.memory_space<vmem>>
            %scatter3A_344 = tpu.memref_squeeze %scatter3A_343 : memref<1x16x128xf32, #tpu.memory_space<vmem>> -> memref<16x128xf32, #tpu.memory_space<vmem>>
            tpu.vector_store_idx %scatter3A_344[%iota3A_338, %broadcast_in_dim3A_340], %gather3A_337 : memref<16x128xf32, #tpu.memory_space<vmem>>[vector<16xi32>, vector<16xi32>], vector<16xf32>,
            %broadcast_in_dim3A_345 = arith.constant 25 : i32
            %broadcast_in_dim3A_346 = vector.broadcast %broadcast_in_dim3A_345 : i32 to vector<16xi32>
            %gather3A_347 = tpu.vector_load_idx %arg12[%broadcast_in_dim3A_346, %min3A_87] : memref<64x512xf32, #tpu.memory_space<vmem>>[vector<16xi32>, vector<16xi32>], vector<16xf32>,
            %iota3A_348 = tpu.iota {dimensions = array<i32: 0>} : vector<16xi32>
            %broadcast_in_dim3A_349 = arith.constant 25 : i32
            %broadcast_in_dim3A_350 = vector.broadcast %broadcast_in_dim3A_349 : i32 to vector<16xi32>
            %scatter3A_351 = arith.constant 0 : i32
            %scatter3A_352 = arith.constant 0 : i32
            %scatter3A_353 = tpu.memref_slice %arg13[%and3A_65, %scatter3A_351, %scatter3A_352] : memref<8x16x128xf32, #tpu.memory_space<vmem>> -> memref<1x16x128xf32, #tpu.memory_space<vmem>>
            %scatter3A_354 = tpu.memref_squeeze %scatter3A_353 : memref<1x16x128xf32, #tpu.memory_space<vmem>> -> memref<16x128xf32, #tpu.memory_space<vmem>>
            tpu.vector_store_idx %scatter3A_354[%iota3A_348, %broadcast_in_dim3A_350], %gather3A_347 : memref<16x128xf32, #tpu.memory_space<vmem>>[vector<16xi32>, vector<16xi32>], vector<16xf32>,
            %broadcast_in_dim3A_355 = arith.constant 26 : i32
            %broadcast_in_dim3A_356 = vector.broadcast %broadcast_in_dim3A_355 : i32 to vector<16xi32>
            %gather3A_357 = tpu.vector_load_idx %arg12[%broadcast_in_dim3A_356, %min3A_87] : memref<64x512xf32, #tpu.memory_space<vmem>>[vector<16xi32>, vector<16xi32>], vector<16xf32>,
            %iota3A_358 = tpu.iota {dimensions = array<i32: 0>} : vector<16xi32>
            %broadcast_in_dim3A_359 = arith.constant 26 : i32
            %broadcast_in_dim3A_360 = vector.broadcast %broadcast_in_dim3A_359 : i32 to vector<16xi32>
            %scatter3A_361 = arith.constant 0 : i32
            %scatter3A_362 = arith.constant 0 : i32
            %scatter3A_363 = tpu.memref_slice %arg13[%and3A_65, %scatter3A_361, %scatter3A_362] : memref<8x16x128xf32, #tpu.memory_space<vmem>> -> memref<1x16x128xf32, #tpu.memory_space<vmem>>
            %scatter3A_364 = tpu.memref_squeeze %scatter3A_363 : memref<1x16x128xf32, #tpu.memory_space<vmem>> -> memref<16x128xf32, #tpu.memory_space<vmem>>
            tpu.vector_store_idx %scatter3A_364[%iota3A_358, %broadcast_in_dim3A_360], %gather3A_357 : memref<16x128xf32, #tpu.memory_space<vmem>>[vector<16xi32>, vector<16xi32>], vector<16xf32>,
            %broadcast_in_dim3A_365 = arith.constant 27 : i32
            %broadcast_in_dim3A_366 = vector.broadcast %broadcast_in_dim3A_365 : i32 to vector<16xi32>
            %gather3A_367 = tpu.vector_load_idx %arg12[%broadcast_in_dim3A_366, %min3A_87] : memref<64x512xf32, #tpu.memory_space<vmem>>[vector<16xi32>, vector<16xi32>], vector<16xf32>,
            %iota3A_368 = tpu.iota {dimensions = array<i32: 0>} : vector<16xi32>
            %broadcast_in_dim3A_369 = arith.constant 27 : i32
            %broadcast_in_dim3A_370 = vector.broadcast %broadcast_in_dim3A_369 : i32 to vector<16xi32>
            %scatter3A_371 = arith.constant 0 : i32
            %scatter3A_372 = arith.constant 0 : i32
            %scatter3A_373 = tpu.memref_slice %arg13[%and3A_65, %scatter3A_371, %scatter3A_372] : memref<8x16x128xf32, #tpu.memory_space<vmem>> -> memref<1x16x128xf32, #tpu.memory_space<vmem>>
            %scatter3A_374 = tpu.memref_squeeze %scatter3A_373 : memref<1x16x128xf32, #tpu.memory_space<vmem>> -> memref<16x128xf32, #tpu.memory_space<vmem>>
            tpu.vector_store_idx %scatter3A_374[%iota3A_368, %broadcast_in_dim3A_370], %gather3A_367 : memref<16x128xf32, #tpu.memory_space<vmem>>[vector<16xi32>, vector<16xi32>], vector<16xf32>,
            %broadcast_in_dim3A_375 = arith.constant 28 : i32
            %broadcast_in_dim3A_376 = vector.broadcast %broadcast_in_dim3A_375 : i32 to vector<16xi32>
            %gather3A_377 = tpu.vector_load_idx %arg12[%broadcast_in_dim3A_376, %min3A_87] : memref<64x512xf32, #tpu.memory_space<vmem>>[vector<16xi32>, vector<16xi32>], vector<16xf32>,
            %iota3A_378 = tpu.iota {dimensions = array<i32: 0>} : vector<16xi32>
            %broadcast_in_dim3A_379 = arith.constant 28 : i32
            %broadcast_in_dim3A_380 = vector.broadcast %broadcast_in_dim3A_379 : i32 to vector<16xi32>
            %scatter3A_381 = arith.constant 0 : i32
            %scatter3A_382 = arith.constant 0 : i32
            %scatter3A_383 = tpu.memref_slice %arg13[%and3A_65, %scatter3A_381, %scatter3A_382] : memref<8x16x128xf32, #tpu.memory_space<vmem>> -> memref<1x16x128xf32, #tpu.memory_space<vmem>>
            %scatter3A_384 = tpu.memref_squeeze %scatter3A_383 : memref<1x16x128xf32, #tpu.memory_space<vmem>> -> memref<16x128xf32, #tpu.memory_space<vmem>>
            tpu.vector_store_idx %scatter3A_384[%iota3A_378, %broadcast_in_dim3A_380], %gather3A_377 : memref<16x128xf32, #tpu.memory_space<vmem>>[vector<16xi32>, vector<16xi32>], vector<16xf32>,
            %broadcast_in_dim3A_385 = arith.constant 29 : i32
            %broadcast_in_dim3A_386 = vector.broadcast %broadcast_in_dim3A_385 : i32 to vector<16xi32>
            %gather3A_387 = tpu.vector_load_idx %arg12[%broadcast_in_dim3A_386, %min3A_87] : memref<64x512xf32, #tpu.memory_space<vmem>>[vector<16xi32>, vector<16xi32>], vector<16xf32>,
            %iota3A_388 = tpu.iota {dimensions = array<i32: 0>} : vector<16xi32>
            %broadcast_in_dim3A_389 = arith.constant 29 : i32
            %broadcast_in_dim3A_390 = vector.broadcast %broadcast_in_dim3A_389 : i32 to vector<16xi32>
            %scatter3A_391 = arith.constant 0 : i32
            %scatter3A_392 = arith.constant 0 : i32
            %scatter3A_393 = tpu.memref_slice %arg13[%and3A_65, %scatter3A_391, %scatter3A_392] : memref<8x16x128xf32, #tpu.memory_space<vmem>> -> memref<1x16x128xf32, #tpu.memory_space<vmem>>
            %scatter3A_394 = tpu.memref_squeeze %scatter3A_393 : memref<1x16x128xf32, #tpu.memory_space<vmem>> -> memref<16x128xf32, #tpu.memory_space<vmem>>
            tpu.vector_store_idx %scatter3A_394[%iota3A_388, %broadcast_in_dim3A_390], %gather3A_387 : memref<16x128xf32, #tpu.memory_space<vmem>>[vector<16xi32>, vector<16xi32>], vector<16xf32>,
            %broadcast_in_dim3A_395 = arith.constant 30 : i32
            %broadcast_in_dim3A_396 = vector.broadcast %broadcast_in_dim3A_395 : i32 to vector<16xi32>
            %gather3A_397 = tpu.vector_load_idx %arg12[%broadcast_in_dim3A_396, %min3A_87] : memref<64x512xf32, #tpu.memory_space<vmem>>[vector<16xi32>, vector<16xi32>], vector<16xf32>,
            %iota3A_398 = tpu.iota {dimensions = array<i32: 0>} : vector<16xi32>
            %broadcast_in_dim3A_399 = arith.constant 30 : i32
            %broadcast_in_dim3A_400 = vector.broadcast %broadcast_in_dim3A_399 : i32 to vector<16xi32>
            %scatter3A_401 = arith.constant 0 : i32
            %scatter3A_402 = arith.constant 0 : i32
            %scatter3A_403 = tpu.memref_slice %arg13[%and3A_65, %scatter3A_401, %scatter3A_402] : memref<8x16x128xf32, #tpu.memory_space<vmem>> -> memref<1x16x128xf32, #tpu.memory_space<vmem>>
            %scatter3A_404 = tpu.memref_squeeze %scatter3A_403 : memref<1x16x128xf32, #tpu.memory_space<vmem>> -> memref<16x128xf32, #tpu.memory_space<vmem>>
            tpu.vector_store_idx %scatter3A_404[%iota3A_398, %broadcast_in_dim3A_400], %gather3A_397 : memref<16x128xf32, #tpu.memory_space<vmem>>[vector<16xi32>, vector<16xi32>], vector<16xf32>,
            %broadcast_in_dim3A_405 = arith.constant 31 : i32
            %broadcast_in_dim3A_406 = vector.broadcast %broadcast_in_dim3A_405 : i32 to vector<16xi32>
            %gather3A_407 = tpu.vector_load_idx %arg12[%broadcast_in_dim3A_406, %min3A_87] : memref<64x512xf32, #tpu.memory_space<vmem>>[vector<16xi32>, vector<16xi32>], vector<16xf32>,
            %iota3A_408 = tpu.iota {dimensions = array<i32: 0>} : vector<16xi32>
            %broadcast_in_dim3A_409 = arith.constant 31 : i32
            %broadcast_in_dim3A_410 = vector.broadcast %broadcast_in_dim3A_409 : i32 to vector<16xi32>
            %scatter3A_411 = arith.constant 0 : i32
            %scatter3A_412 = arith.constant 0 : i32
            %scatter3A_413 = tpu.memref_slice %arg13[%and3A_65, %scatter3A_411, %scatter3A_412] : memref<8x16x128xf32, #tpu.memory_space<vmem>> -> memref<1x16x128xf32, #tpu.memory_space<vmem>>
            %scatter3A_414 = tpu.memref_squeeze %scatter3A_413 : memref<1x16x128xf32, #tpu.memory_space<vmem>> -> memref<16x128xf32, #tpu.memory_space<vmem>>
            tpu.vector_store_idx %scatter3A_414[%iota3A_408, %broadcast_in_dim3A_410], %gather3A_407 : memref<16x128xf32, #tpu.memory_space<vmem>>[vector<16xi32>, vector<16xi32>], vector<16xf32>,
            %broadcast_in_dim3A_415 = arith.constant 32 : i32
            %broadcast_in_dim3A_416 = vector.broadcast %broadcast_in_dim3A_415 : i32 to vector<16xi32>
            %gather3A_417 = tpu.vector_load_idx %arg12[%broadcast_in_dim3A_416, %min3A_87] : memref<64x512xf32, #tpu.memory_space<vmem>>[vector<16xi32>, vector<16xi32>], vector<16xf32>,
            %iota3A_418 = tpu.iota {dimensions = array<i32: 0>} : vector<16xi32>
            %broadcast_in_dim3A_419 = arith.constant 32 : i32
            %broadcast_in_dim3A_420 = vector.broadcast %broadcast_in_dim3A_419 : i32 to vector<16xi32>
            %scatter3A_421 = arith.constant 0 : i32
            %scatter3A_422 = arith.constant 0 : i32
            %scatter3A_423 = tpu.memref_slice %arg13[%and3A_65, %scatter3A_421, %scatter3A_422] : memref<8x16x128xf32, #tpu.memory_space<vmem>> -> memref<1x16x128xf32, #tpu.memory_space<vmem>>
            %scatter3A_424 = tpu.memref_squeeze %scatter3A_423 : memref<1x16x128xf32, #tpu.memory_space<vmem>> -> memref<16x128xf32, #tpu.memory_space<vmem>>
            tpu.vector_store_idx %scatter3A_424[%iota3A_418, %broadcast_in_dim3A_420], %gather3A_417 : memref<16x128xf32, #tpu.memory_space<vmem>>[vector<16xi32>, vector<16xi32>], vector<16xf32>,
            %broadcast_in_dim3A_425 = arith.constant 33 : i32
            %broadcast_in_dim3A_426 = vector.broadcast %broadcast_in_dim3A_425 : i32 to vector<16xi32>
            %gather3A_427 = tpu.vector_load_idx %arg12[%broadcast_in_dim3A_426, %min3A_87] : memref<64x512xf32, #tpu.memory_space<vmem>>[vector<16xi32>, vector<16xi32>], vector<16xf32>,
            %iota3A_428 = tpu.iota {dimensions = array<i32: 0>} : vector<16xi32>
            %broadcast_in_dim3A_429 = arith.constant 33 : i32
            %broadcast_in_dim3A_430 = vector.broadcast %broadcast_in_dim3A_429 : i32 to vector<16xi32>
            %scatter3A_431 = arith.constant 0 : i32
            %scatter3A_432 = arith.constant 0 : i32
            %scatter3A_433 = tpu.memref_slice %arg13[%and3A_65, %scatter3A_431, %scatter3A_432] : memref<8x16x128xf32, #tpu.memory_space<vmem>> -> memref<1x16x128xf32, #tpu.memory_space<vmem>>
            %scatter3A_434 = tpu.memref_squeeze %scatter3A_433 : memref<1x16x128xf32, #tpu.memory_space<vmem>> -> memref<16x128xf32, #tpu.memory_space<vmem>>
            tpu.vector_store_idx %scatter3A_434[%iota3A_428, %broadcast_in_dim3A_430], %gather3A_427 : memref<16x128xf32, #tpu.memory_space<vmem>>[vector<16xi32>, vector<16xi32>], vector<16xf32>,
            %broadcast_in_dim3A_435 = arith.constant 34 : i32
            %broadcast_in_dim3A_436 = vector.broadcast %broadcast_in_dim3A_435 : i32 to vector<16xi32>
            %gather3A_437 = tpu.vector_load_idx %arg12[%broadcast_in_dim3A_436, %min3A_87] : memref<64x512xf32, #tpu.memory_space<vmem>>[vector<16xi32>, vector<16xi32>], vector<16xf32>,
            %iota3A_438 = tpu.iota {dimensions = array<i32: 0>} : vector<16xi32>
            %broadcast_in_dim3A_439 = arith.constant 34 : i32
            %broadcast_in_dim3A_440 = vector.broadcast %broadcast_in_dim3A_439 : i32 to vector<16xi32>
            %scatter3A_441 = arith.constant 0 : i32
            %scatter3A_442 = arith.constant 0 : i32
            %scatter3A_443 = tpu.memref_slice %arg13[%and3A_65, %scatter3A_441, %scatter3A_442] : memref<8x16x128xf32, #tpu.memory_space<vmem>> -> memref<1x16x128xf32, #tpu.memory_space<vmem>>
            %scatter3A_444 = tpu.memref_squeeze %scatter3A_443 : memref<1x16x128xf32, #tpu.memory_space<vmem>> -> memref<16x128xf32, #tpu.memory_space<vmem>>
            tpu.vector_store_idx %scatter3A_444[%iota3A_438, %broadcast_in_dim3A_440], %gather3A_437 : memref<16x128xf32, #tpu.memory_space<vmem>>[vector<16xi32>, vector<16xi32>], vector<16xf32>,
            %broadcast_in_dim3A_445 = arith.constant 35 : i32
            %broadcast_in_dim3A_446 = vector.broadcast %broadcast_in_dim3A_445 : i32 to vector<16xi32>
            %gather3A_447 = tpu.vector_load_idx %arg12[%broadcast_in_dim3A_446, %min3A_87] : memref<64x512xf32, #tpu.memory_space<vmem>>[vector<16xi32>, vector<16xi32>], vector<16xf32>,
            %iota3A_448 = tpu.iota {dimensions = array<i32: 0>} : vector<16xi32>
            %broadcast_in_dim3A_449 = arith.constant 35 : i32
            %broadcast_in_dim3A_450 = vector.broadcast %broadcast_in_dim3A_449 : i32 to vector<16xi32>
            %scatter3A_451 = arith.constant 0 : i32
            %scatter3A_452 = arith.constant 0 : i32
            %scatter3A_453 = tpu.memref_slice %arg13[%and3A_65, %scatter3A_451, %scatter3A_452] : memref<8x16x128xf32, #tpu.memory_space<vmem>> -> memref<1x16x128xf32, #tpu.memory_space<vmem>>
            %scatter3A_454 = tpu.memref_squeeze %scatter3A_453 : memref<1x16x128xf32, #tpu.memory_space<vmem>> -> memref<16x128xf32, #tpu.memory_space<vmem>>
            tpu.vector_store_idx %scatter3A_454[%iota3A_448, %broadcast_in_dim3A_450], %gather3A_447 : memref<16x128xf32, #tpu.memory_space<vmem>>[vector<16xi32>, vector<16xi32>], vector<16xf32>,
            %broadcast_in_dim3A_455 = arith.constant 36 : i32
            %broadcast_in_dim3A_456 = vector.broadcast %broadcast_in_dim3A_455 : i32 to vector<16xi32>
            %gather3A_457 = tpu.vector_load_idx %arg12[%broadcast_in_dim3A_456, %min3A_87] : memref<64x512xf32, #tpu.memory_space<vmem>>[vector<16xi32>, vector<16xi32>], vector<16xf32>,
            %iota3A_458 = tpu.iota {dimensions = array<i32: 0>} : vector<16xi32>
            %broadcast_in_dim3A_459 = arith.constant 36 : i32
            %broadcast_in_dim3A_460 = vector.broadcast %broadcast_in_dim3A_459 : i32 to vector<16xi32>
            %scatter3A_461 = arith.constant 0 : i32
            %scatter3A_462 = arith.constant 0 : i32
            %scatter3A_463 = tpu.memref_slice %arg13[%and3A_65, %scatter3A_461, %scatter3A_462] : memref<8x16x128xf32, #tpu.memory_space<vmem>> -> memref<1x16x128xf32, #tpu.memory_space<vmem>>
            %scatter3A_464 = tpu.memref_squeeze %scatter3A_463 : memref<1x16x128xf32, #tpu.memory_space<vmem>> -> memref<16x128xf32, #tpu.memory_space<vmem>>
            tpu.vector_store_idx %scatter3A_464[%iota3A_458, %broadcast_in_dim3A_460], %gather3A_457 : memref<16x128xf32, #tpu.memory_space<vmem>>[vector<16xi32>, vector<16xi32>], vector<16xf32>,
            %broadcast_in_dim3A_465 = arith.constant 37 : i32
            %broadcast_in_dim3A_466 = vector.broadcast %broadcast_in_dim3A_465 : i32 to vector<16xi32>
            %gather3A_467 = tpu.vector_load_idx %arg12[%broadcast_in_dim3A_466, %min3A_87] : memref<64x512xf32, #tpu.memory_space<vmem>>[vector<16xi32>, vector<16xi32>], vector<16xf32>,
            %iota3A_468 = tpu.iota {dimensions = array<i32: 0>} : vector<16xi32>
            %broadcast_in_dim3A_469 = arith.constant 37 : i32
            %broadcast_in_dim3A_470 = vector.broadcast %broadcast_in_dim3A_469 : i32 to vector<16xi32>
            %scatter3A_471 = arith.constant 0 : i32
            %scatter3A_472 = arith.constant 0 : i32
            %scatter3A_473 = tpu.memref_slice %arg13[%and3A_65, %scatter3A_471, %scatter3A_472] : memref<8x16x128xf32, #tpu.memory_space<vmem>> -> memref<1x16x128xf32, #tpu.memory_space<vmem>>
            %scatter3A_474 = tpu.memref_squeeze %scatter3A_473 : memref<1x16x128xf32, #tpu.memory_space<vmem>> -> memref<16x128xf32, #tpu.memory_space<vmem>>
            tpu.vector_store_idx %scatter3A_474[%iota3A_468, %broadcast_in_dim3A_470], %gather3A_467 : memref<16x128xf32, #tpu.memory_space<vmem>>[vector<16xi32>, vector<16xi32>], vector<16xf32>,
            %broadcast_in_dim3A_475 = arith.constant 38 : i32
            %broadcast_in_dim3A_476 = vector.broadcast %broadcast_in_dim3A_475 : i32 to vector<16xi32>
            %gather3A_477 = tpu.vector_load_idx %arg12[%broadcast_in_dim3A_476, %min3A_87] : memref<64x512xf32, #tpu.memory_space<vmem>>[vector<16xi32>, vector<16xi32>], vector<16xf32>,
            %iota3A_478 = tpu.iota {dimensions = array<i32: 0>} : vector<16xi32>
            %broadcast_in_dim3A_479 = arith.constant 38 : i32
            %broadcast_in_dim3A_480 = vector.broadcast %broadcast_in_dim3A_479 : i32 to vector<16xi32>
            %scatter3A_481 = arith.constant 0 : i32
            %scatter3A_482 = arith.constant 0 : i32
            %scatter3A_483 = tpu.memref_slice %arg13[%and3A_65, %scatter3A_481, %scatter3A_482] : memref<8x16x128xf32, #tpu.memory_space<vmem>> -> memref<1x16x128xf32, #tpu.memory_space<vmem>>
            %scatter3A_484 = tpu.memref_squeeze %scatter3A_483 : memref<1x16x128xf32, #tpu.memory_space<vmem>> -> memref<16x128xf32, #tpu.memory_space<vmem>>
            tpu.vector_store_idx %scatter3A_484[%iota3A_478, %broadcast_in_dim3A_480], %gather3A_477 : memref<16x128xf32, #tpu.memory_space<vmem>>[vector<16xi32>, vector<16xi32>], vector<16xf32>,
            %broadcast_in_dim3A_485 = arith.constant 39 : i32
            %broadcast_in_dim3A_486 = vector.broadcast %broadcast_in_dim3A_485 : i32 to vector<16xi32>
            %gather3A_487 = tpu.vector_load_idx %arg12[%broadcast_in_dim3A_486, %min3A_87] : memref<64x512xf32, #tpu.memory_space<vmem>>[vector<16xi32>, vector<16xi32>], vector<16xf32>,
            %iota3A_488 = tpu.iota {dimensions = array<i32: 0>} : vector<16xi32>
            %broadcast_in_dim3A_489 = arith.constant 39 : i32
            %broadcast_in_dim3A_490 = vector.broadcast %broadcast_in_dim3A_489 : i32 to vector<16xi32>
            %scatter3A_491 = arith.constant 0 : i32
            %scatter3A_492 = arith.constant 0 : i32
            %scatter3A_493 = tpu.memref_slice %arg13[%and3A_65, %scatter3A_491, %scatter3A_492] : memref<8x16x128xf32, #tpu.memory_space<vmem>> -> memref<1x16x128xf32, #tpu.memory_space<vmem>>
            %scatter3A_494 = tpu.memref_squeeze %scatter3A_493 : memref<1x16x128xf32, #tpu.memory_space<vmem>> -> memref<16x128xf32, #tpu.memory_space<vmem>>
            tpu.vector_store_idx %scatter3A_494[%iota3A_488, %broadcast_in_dim3A_490], %gather3A_487 : memref<16x128xf32, #tpu.memory_space<vmem>>[vector<16xi32>, vector<16xi32>], vector<16xf32>,
            %broadcast_in_dim3A_495 = arith.constant 40 : i32
            %broadcast_in_dim3A_496 = vector.broadcast %broadcast_in_dim3A_495 : i32 to vector<16xi32>
            %gather3A_497 = tpu.vector_load_idx %arg12[%broadcast_in_dim3A_496, %min3A_87] : memref<64x512xf32, #tpu.memory_space<vmem>>[vector<16xi32>, vector<16xi32>], vector<16xf32>,
            %iota3A_498 = tpu.iota {dimensions = array<i32: 0>} : vector<16xi32>
            %broadcast_in_dim3A_499 = arith.constant 40 : i32
            %broadcast_in_dim3A_500 = vector.broadcast %broadcast_in_dim3A_499 : i32 to vector<16xi32>
            %scatter3A_501 = arith.constant 0 : i32
            %scatter3A_502 = arith.constant 0 : i32
            %scatter3A_503 = tpu.memref_slice %arg13[%and3A_65, %scatter3A_501, %scatter3A_502] : memref<8x16x128xf32, #tpu.memory_space<vmem>> -> memref<1x16x128xf32, #tpu.memory_space<vmem>>
            %scatter3A_504 = tpu.memref_squeeze %scatter3A_503 : memref<1x16x128xf32, #tpu.memory_space<vmem>> -> memref<16x128xf32, #tpu.memory_space<vmem>>
            tpu.vector_store_idx %scatter3A_504[%iota3A_498, %broadcast_in_dim3A_500], %gather3A_497 : memref<16x128xf32, #tpu.memory_space<vmem>>[vector<16xi32>, vector<16xi32>], vector<16xf32>,
            %broadcast_in_dim3A_505 = arith.constant 41 : i32
            %broadcast_in_dim3A_506 = vector.broadcast %broadcast_in_dim3A_505 : i32 to vector<16xi32>
            %gather3A_507 = tpu.vector_load_idx %arg12[%broadcast_in_dim3A_506, %min3A_87] : memref<64x512xf32, #tpu.memory_space<vmem>>[vector<16xi32>, vector<16xi32>], vector<16xf32>,
            %iota3A_508 = tpu.iota {dimensions = array<i32: 0>} : vector<16xi32>
            %broadcast_in_dim3A_509 = arith.constant 41 : i32
            %broadcast_in_dim3A_510 = vector.broadcast %broadcast_in_dim3A_509 : i32 to vector<16xi32>
            %scatter3A_511 = arith.constant 0 : i32
            %scatter3A_512 = arith.constant 0 : i32
            %scatter3A_513 = tpu.memref_slice %arg13[%and3A_65, %scatter3A_511, %scatter3A_512] : memref<8x16x128xf32, #tpu.memory_space<vmem>> -> memref<1x16x128xf32, #tpu.memory_space<vmem>>
            %scatter3A_514 = tpu.memref_squeeze %scatter3A_513 : memref<1x16x128xf32, #tpu.memory_space<vmem>> -> memref<16x128xf32, #tpu.memory_space<vmem>>
            tpu.vector_store_idx %scatter3A_514[%iota3A_508, %broadcast_in_dim3A_510], %gather3A_507 : memref<16x128xf32, #tpu.memory_space<vmem>>[vector<16xi32>, vector<16xi32>], vector<16xf32>,
            %broadcast_in_dim3A_515 = arith.constant 42 : i32
            %broadcast_in_dim3A_516 = vector.broadcast %broadcast_in_dim3A_515 : i32 to vector<16xi32>
            %gather3A_517 = tpu.vector_load_idx %arg12[%broadcast_in_dim3A_516, %min3A_87] : memref<64x512xf32, #tpu.memory_space<vmem>>[vector<16xi32>, vector<16xi32>], vector<16xf32>,
            %iota3A_518 = tpu.iota {dimensions = array<i32: 0>} : vector<16xi32>
            %broadcast_in_dim3A_519 = arith.constant 42 : i32
            %broadcast_in_dim3A_520 = vector.broadcast %broadcast_in_dim3A_519 : i32 to vector<16xi32>
            %scatter3A_521 = arith.constant 0 : i32
            %scatter3A_522 = arith.constant 0 : i32
            %scatter3A_523 = tpu.memref_slice %arg13[%and3A_65, %scatter3A_521, %scatter3A_522] : memref<8x16x128xf32, #tpu.memory_space<vmem>> -> memref<1x16x128xf32, #tpu.memory_space<vmem>>
            %scatter3A_524 = tpu.memref_squeeze %scatter3A_523 : memref<1x16x128xf32, #tpu.memory_space<vmem>> -> memref<16x128xf32, #tpu.memory_space<vmem>>
            tpu.vector_store_idx %scatter3A_524[%iota3A_518, %broadcast_in_dim3A_520], %gather3A_517 : memref<16x128xf32, #tpu.memory_space<vmem>>[vector<16xi32>, vector<16xi32>], vector<16xf32>,
            %broadcast_in_dim3A_525 = arith.constant 43 : i32
            %broadcast_in_dim3A_526 = vector.broadcast %broadcast_in_dim3A_525 : i32 to vector<16xi32>
            %gather3A_527 = tpu.vector_load_idx %arg12[%broadcast_in_dim3A_526, %min3A_87] : memref<64x512xf32, #tpu.memory_space<vmem>>[vector<16xi32>, vector<16xi32>], vector<16xf32>,
            %iota3A_528 = tpu.iota {dimensions = array<i32: 0>} : vector<16xi32>
            %broadcast_in_dim3A_529 = arith.constant 43 : i32
            %broadcast_in_dim3A_530 = vector.broadcast %broadcast_in_dim3A_529 : i32 to vector<16xi32>
            %scatter3A_531 = arith.constant 0 : i32
            %scatter3A_532 = arith.constant 0 : i32
            %scatter3A_533 = tpu.memref_slice %arg13[%and3A_65, %scatter3A_531, %scatter3A_532] : memref<8x16x128xf32, #tpu.memory_space<vmem>> -> memref<1x16x128xf32, #tpu.memory_space<vmem>>
            %scatter3A_534 = tpu.memref_squeeze %scatter3A_533 : memref<1x16x128xf32, #tpu.memory_space<vmem>> -> memref<16x128xf32, #tpu.memory_space<vmem>>
            tpu.vector_store_idx %scatter3A_534[%iota3A_528, %broadcast_in_dim3A_530], %gather3A_527 : memref<16x128xf32, #tpu.memory_space<vmem>>[vector<16xi32>, vector<16xi32>], vector<16xf32>,
            %broadcast_in_dim3A_535 = arith.constant 44 : i32
            %broadcast_in_dim3A_536 = vector.broadcast %broadcast_in_dim3A_535 : i32 to vector<16xi32>
            %gather3A_537 = tpu.vector_load_idx %arg12[%broadcast_in_dim3A_536, %min3A_87] : memref<64x512xf32, #tpu.memory_space<vmem>>[vector<16xi32>, vector<16xi32>], vector<16xf32>,
            %iota3A_538 = tpu.iota {dimensions = array<i32: 0>} : vector<16xi32>
            %broadcast_in_dim3A_539 = arith.constant 44 : i32
            %broadcast_in_dim3A_540 = vector.broadcast %broadcast_in_dim3A_539 : i32 to vector<16xi32>
            %scatter3A_541 = arith.constant 0 : i32
            %scatter3A_542 = arith.constant 0 : i32
            %scatter3A_543 = tpu.memref_slice %arg13[%and3A_65, %scatter3A_541, %scatter3A_542] : memref<8x16x128xf32, #tpu.memory_space<vmem>> -> memref<1x16x128xf32, #tpu.memory_space<vmem>>
            %scatter3A_544 = tpu.memref_squeeze %scatter3A_543 : memref<1x16x128xf32, #tpu.memory_space<vmem>> -> memref<16x128xf32, #tpu.memory_space<vmem>>
            tpu.vector_store_idx %scatter3A_544[%iota3A_538, %broadcast_in_dim3A_540], %gather3A_537 : memref<16x128xf32, #tpu.memory_space<vmem>>[vector<16xi32>, vector<16xi32>], vector<16xf32>,
            %broadcast_in_dim3A_545 = arith.constant 45 : i32
            %broadcast_in_dim3A_546 = vector.broadcast %broadcast_in_dim3A_545 : i32 to vector<16xi32>
            %gather3A_547 = tpu.vector_load_idx %arg12[%broadcast_in_dim3A_546, %min3A_87] : memref<64x512xf32, #tpu.memory_space<vmem>>[vector<16xi32>, vector<16xi32>], vector<16xf32>,
            %iota3A_548 = tpu.iota {dimensions = array<i32: 0>} : vector<16xi32>
            %broadcast_in_dim3A_549 = arith.constant 45 : i32
            %broadcast_in_dim3A_550 = vector.broadcast %broadcast_in_dim3A_549 : i32 to vector<16xi32>
            %scatter3A_551 = arith.constant 0 : i32
            %scatter3A_552 = arith.constant 0 : i32
            %scatter3A_553 = tpu.memref_slice %arg13[%and3A_65, %scatter3A_551, %scatter3A_552] : memref<8x16x128xf32, #tpu.memory_space<vmem>> -> memref<1x16x128xf32, #tpu.memory_space<vmem>>
            %scatter3A_554 = tpu.memref_squeeze %scatter3A_553 : memref<1x16x128xf32, #tpu.memory_space<vmem>> -> memref<16x128xf32, #tpu.memory_space<vmem>>
            tpu.vector_store_idx %scatter3A_554[%iota3A_548, %broadcast_in_dim3A_550], %gather3A_547 : memref<16x128xf32, #tpu.memory_space<vmem>>[vector<16xi32>, vector<16xi32>], vector<16xf32>,
            %broadcast_in_dim3A_555 = arith.constant 46 : i32
            %broadcast_in_dim3A_556 = vector.broadcast %broadcast_in_dim3A_555 : i32 to vector<16xi32>
            %gather3A_557 = tpu.vector_load_idx %arg12[%broadcast_in_dim3A_556, %min3A_87] : memref<64x512xf32, #tpu.memory_space<vmem>>[vector<16xi32>, vector<16xi32>], vector<16xf32>,
            %iota3A_558 = tpu.iota {dimensions = array<i32: 0>} : vector<16xi32>
            %broadcast_in_dim3A_559 = arith.constant 46 : i32
            %broadcast_in_dim3A_560 = vector.broadcast %broadcast_in_dim3A_559 : i32 to vector<16xi32>
            %scatter3A_561 = arith.constant 0 : i32
            %scatter3A_562 = arith.constant 0 : i32
            %scatter3A_563 = tpu.memref_slice %arg13[%and3A_65, %scatter3A_561, %scatter3A_562] : memref<8x16x128xf32, #tpu.memory_space<vmem>> -> memref<1x16x128xf32, #tpu.memory_space<vmem>>
            %scatter3A_564 = tpu.memref_squeeze %scatter3A_563 : memref<1x16x128xf32, #tpu.memory_space<vmem>> -> memref<16x128xf32, #tpu.memory_space<vmem>>
            tpu.vector_store_idx %scatter3A_564[%iota3A_558, %broadcast_in_dim3A_560], %gather3A_557 : memref<16x128xf32, #tpu.memory_space<vmem>>[vector<16xi32>, vector<16xi32>], vector<16xf32>,
            %broadcast_in_dim3A_565 = arith.constant 47 : i32
            %broadcast_in_dim3A_566 = vector.broadcast %broadcast_in_dim3A_565 : i32 to vector<16xi32>
            %gather3A_567 = tpu.vector_load_idx %arg12[%broadcast_in_dim3A_566, %min3A_87] : memref<64x512xf32, #tpu.memory_space<vmem>>[vector<16xi32>, vector<16xi32>], vector<16xf32>,
            %iota3A_568 = tpu.iota {dimensions = array<i32: 0>} : vector<16xi32>
            %broadcast_in_dim3A_569 = arith.constant 47 : i32
            %broadcast_in_dim3A_570 = vector.broadcast %broadcast_in_dim3A_569 : i32 to vector<16xi32>
            %scatter3A_571 = arith.constant 0 : i32
            %scatter3A_572 = arith.constant 0 : i32
            %scatter3A_573 = tpu.memref_slice %arg13[%and3A_65, %scatter3A_571, %scatter3A_572] : memref<8x16x128xf32, #tpu.memory_space<vmem>> -> memref<1x16x128xf32, #tpu.memory_space<vmem>>
            %scatter3A_574 = tpu.memref_squeeze %scatter3A_573 : memref<1x16x128xf32, #tpu.memory_space<vmem>> -> memref<16x128xf32, #tpu.memory_space<vmem>>
            tpu.vector_store_idx %scatter3A_574[%iota3A_568, %broadcast_in_dim3A_570], %gather3A_567 : memref<16x128xf32, #tpu.memory_space<vmem>>[vector<16xi32>, vector<16xi32>], vector<16xf32>,
            %broadcast_in_dim3A_575 = arith.constant 48 : i32
            %broadcast_in_dim3A_576 = vector.broadcast %broadcast_in_dim3A_575 : i32 to vector<16xi32>
            %gather3A_577 = tpu.vector_load_idx %arg12[%broadcast_in_dim3A_576, %min3A_87] : memref<64x512xf32, #tpu.memory_space<vmem>>[vector<16xi32>, vector<16xi32>], vector<16xf32>,
            %iota3A_578 = tpu.iota {dimensions = array<i32: 0>} : vector<16xi32>
            %broadcast_in_dim3A_579 = arith.constant 48 : i32
            %broadcast_in_dim3A_580 = vector.broadcast %broadcast_in_dim3A_579 : i32 to vector<16xi32>
            %scatter3A_581 = arith.constant 0 : i32
            %scatter3A_582 = arith.constant 0 : i32
            %scatter3A_583 = tpu.memref_slice %arg13[%and3A_65, %scatter3A_581, %scatter3A_582] : memref<8x16x128xf32, #tpu.memory_space<vmem>> -> memref<1x16x128xf32, #tpu.memory_space<vmem>>
            %scatter3A_584 = tpu.memref_squeeze %scatter3A_583 : memref<1x16x128xf32, #tpu.memory_space<vmem>> -> memref<16x128xf32, #tpu.memory_space<vmem>>
            tpu.vector_store_idx %scatter3A_584[%iota3A_578, %broadcast_in_dim3A_580], %gather3A_577 : memref<16x128xf32, #tpu.memory_space<vmem>>[vector<16xi32>, vector<16xi32>], vector<16xf32>,
            %broadcast_in_dim3A_585 = arith.constant 49 : i32
            %broadcast_in_dim3A_586 = vector.broadcast %broadcast_in_dim3A_585 : i32 to vector<16xi32>
            %gather3A_587 = tpu.vector_load_idx %arg12[%broadcast_in_dim3A_586, %min3A_87] : memref<64x512xf32, #tpu.memory_space<vmem>>[vector<16xi32>, vector<16xi32>], vector<16xf32>,
            %iota3A_588 = tpu.iota {dimensions = array<i32: 0>} : vector<16xi32>
            %broadcast_in_dim3A_589 = arith.constant 49 : i32
            %broadcast_in_dim3A_590 = vector.broadcast %broadcast_in_dim3A_589 : i32 to vector<16xi32>
            %scatter3A_591 = arith.constant 0 : i32
            %scatter3A_592 = arith.constant 0 : i32
            %scatter3A_593 = tpu.memref_slice %arg13[%and3A_65, %scatter3A_591, %scatter3A_592] : memref<8x16x128xf32, #tpu.memory_space<vmem>> -> memref<1x16x128xf32, #tpu.memory_space<vmem>>
            %scatter3A_594 = tpu.memref_squeeze %scatter3A_593 : memref<1x16x128xf32, #tpu.memory_space<vmem>> -> memref<16x128xf32, #tpu.memory_space<vmem>>
            tpu.vector_store_idx %scatter3A_594[%iota3A_588, %broadcast_in_dim3A_590], %gather3A_587 : memref<16x128xf32, #tpu.memory_space<vmem>>[vector<16xi32>, vector<16xi32>], vector<16xf32>,
            %broadcast_in_dim3A_595 = arith.constant 50 : i32
            %broadcast_in_dim3A_596 = vector.broadcast %broadcast_in_dim3A_595 : i32 to vector<16xi32>
            %gather3A_597 = tpu.vector_load_idx %arg12[%broadcast_in_dim3A_596, %min3A_87] : memref<64x512xf32, #tpu.memory_space<vmem>>[vector<16xi32>, vector<16xi32>], vector<16xf32>,
            %iota3A_598 = tpu.iota {dimensions = array<i32: 0>} : vector<16xi32>
            %broadcast_in_dim3A_599 = arith.constant 50 : i32
            %broadcast_in_dim3A_600 = vector.broadcast %broadcast_in_dim3A_599 : i32 to vector<16xi32>
            %scatter3A_601 = arith.constant 0 : i32
            %scatter3A_602 = arith.constant 0 : i32
            %scatter3A_603 = tpu.memref_slice %arg13[%and3A_65, %scatter3A_601, %scatter3A_602] : memref<8x16x128xf32, #tpu.memory_space<vmem>> -> memref<1x16x128xf32, #tpu.memory_space<vmem>>
            %scatter3A_604 = tpu.memref_squeeze %scatter3A_603 : memref<1x16x128xf32, #tpu.memory_space<vmem>> -> memref<16x128xf32, #tpu.memory_space<vmem>>
            tpu.vector_store_idx %scatter3A_604[%iota3A_598, %broadcast_in_dim3A_600], %gather3A_597 : memref<16x128xf32, #tpu.memory_space<vmem>>[vector<16xi32>, vector<16xi32>], vector<16xf32>,
            %broadcast_in_dim3A_605 = arith.constant 51 : i32
            %broadcast_in_dim3A_606 = vector.broadcast %broadcast_in_dim3A_605 : i32 to vector<16xi32>
            %gather3A_607 = tpu.vector_load_idx %arg12[%broadcast_in_dim3A_606, %min3A_87] : memref<64x512xf32, #tpu.memory_space<vmem>>[vector<16xi32>, vector<16xi32>], vector<16xf32>,
            %iota3A_608 = tpu.iota {dimensions = array<i32: 0>} : vector<16xi32>
            %broadcast_in_dim3A_609 = arith.constant 51 : i32
            %broadcast_in_dim3A_610 = vector.broadcast %broadcast_in_dim3A_609 : i32 to vector<16xi32>
            %scatter3A_611 = arith.constant 0 : i32
            %scatter3A_612 = arith.constant 0 : i32
            %scatter3A_613 = tpu.memref_slice %arg13[%and3A_65, %scatter3A_611, %scatter3A_612] : memref<8x16x128xf32, #tpu.memory_space<vmem>> -> memref<1x16x128xf32, #tpu.memory_space<vmem>>
            %scatter3A_614 = tpu.memref_squeeze %scatter3A_613 : memref<1x16x128xf32, #tpu.memory_space<vmem>> -> memref<16x128xf32, #tpu.memory_space<vmem>>
            tpu.vector_store_idx %scatter3A_614[%iota3A_608, %broadcast_in_dim3A_610], %gather3A_607 : memref<16x128xf32, #tpu.memory_space<vmem>>[vector<16xi32>, vector<16xi32>], vector<16xf32>,
            %broadcast_in_dim3A_615 = arith.constant 52 : i32
            %broadcast_in_dim3A_616 = vector.broadcast %broadcast_in_dim3A_615 : i32 to vector<16xi32>
            %gather3A_617 = tpu.vector_load_idx %arg12[%broadcast_in_dim3A_616, %min3A_87] : memref<64x512xf32, #tpu.memory_space<vmem>>[vector<16xi32>, vector<16xi32>], vector<16xf32>,
            %iota3A_618 = tpu.iota {dimensions = array<i32: 0>} : vector<16xi32>
            %broadcast_in_dim3A_619 = arith.constant 52 : i32
            %broadcast_in_dim3A_620 = vector.broadcast %broadcast_in_dim3A_619 : i32 to vector<16xi32>
            %scatter3A_621 = arith.constant 0 : i32
            %scatter3A_622 = arith.constant 0 : i32
            %scatter3A_623 = tpu.memref_slice %arg13[%and3A_65, %scatter3A_621, %scatter3A_622] : memref<8x16x128xf32, #tpu.memory_space<vmem>> -> memref<1x16x128xf32, #tpu.memory_space<vmem>>
            %scatter3A_624 = tpu.memref_squeeze %scatter3A_623 : memref<1x16x128xf32, #tpu.memory_space<vmem>> -> memref<16x128xf32, #tpu.memory_space<vmem>>
            tpu.vector_store_idx %scatter3A_624[%iota3A_618, %broadcast_in_dim3A_620], %gather3A_617 : memref<16x128xf32, #tpu.memory_space<vmem>>[vector<16xi32>, vector<16xi32>], vector<16xf32>,
            %broadcast_in_dim3A_625 = arith.constant 53 : i32
            %broadcast_in_dim3A_626 = vector.broadcast %broadcast_in_dim3A_625 : i32 to vector<16xi32>
            %gather3A_627 = tpu.vector_load_idx %arg12[%broadcast_in_dim3A_626, %min3A_87] : memref<64x512xf32, #tpu.memory_space<vmem>>[vector<16xi32>, vector<16xi32>], vector<16xf32>,
            %iota3A_628 = tpu.iota {dimensions = array<i32: 0>} : vector<16xi32>
            %broadcast_in_dim3A_629 = arith.constant 53 : i32
            %broadcast_in_dim3A_630 = vector.broadcast %broadcast_in_dim3A_629 : i32 to vector<16xi32>
            %scatter3A_631 = arith.constant 0 : i32
            %scatter3A_632 = arith.constant 0 : i32
            %scatter3A_633 = tpu.memref_slice %arg13[%and3A_65, %scatter3A_631, %scatter3A_632] : memref<8x16x128xf32, #tpu.memory_space<vmem>> -> memref<1x16x128xf32, #tpu.memory_space<vmem>>
            %scatter3A_634 = tpu.memref_squeeze %scatter3A_633 : memref<1x16x128xf32, #tpu.memory_space<vmem>> -> memref<16x128xf32, #tpu.memory_space<vmem>>
            tpu.vector_store_idx %scatter3A_634[%iota3A_628, %broadcast_in_dim3A_630], %gather3A_627 : memref<16x128xf32, #tpu.memory_space<vmem>>[vector<16xi32>, vector<16xi32>], vector<16xf32>,
            %broadcast_in_dim3A_635 = arith.constant 54 : i32
            %broadcast_in_dim3A_636 = vector.broadcast %broadcast_in_dim3A_635 : i32 to vector<16xi32>
            %gather3A_637 = tpu.vector_load_idx %arg12[%broadcast_in_dim3A_636, %min3A_87] : memref<64x512xf32, #tpu.memory_space<vmem>>[vector<16xi32>, vector<16xi32>], vector<16xf32>,
            %iota3A_638 = tpu.iota {dimensions = array<i32: 0>} : vector<16xi32>
            %broadcast_in_dim3A_639 = arith.constant 54 : i32
            %broadcast_in_dim3A_640 = vector.broadcast %broadcast_in_dim3A_639 : i32 to vector<16xi32>
            %scatter3A_641 = arith.constant 0 : i32
            %scatter3A_642 = arith.constant 0 : i32
            %scatter3A_643 = tpu.memref_slice %arg13[%and3A_65, %scatter3A_641, %scatter3A_642] : memref<8x16x128xf32, #tpu.memory_space<vmem>> -> memref<1x16x128xf32, #tpu.memory_space<vmem>>
            %scatter3A_644 = tpu.memref_squeeze %scatter3A_643 : memref<1x16x128xf32, #tpu.memory_space<vmem>> -> memref<16x128xf32, #tpu.memory_space<vmem>>
            tpu.vector_store_idx %scatter3A_644[%iota3A_638, %broadcast_in_dim3A_640], %gather3A_637 : memref<16x128xf32, #tpu.memory_space<vmem>>[vector<16xi32>, vector<16xi32>], vector<16xf32>,
            %broadcast_in_dim3A_645 = arith.constant 55 : i32
            %broadcast_in_dim3A_646 = vector.broadcast %broadcast_in_dim3A_645 : i32 to vector<16xi32>
            %gather3A_647 = tpu.vector_load_idx %arg12[%broadcast_in_dim3A_646, %min3A_87] : memref<64x512xf32, #tpu.memory_space<vmem>>[vector<16xi32>, vector<16xi32>], vector<16xf32>,
            %iota3A_648 = tpu.iota {dimensions = array<i32: 0>} : vector<16xi32>
            %broadcast_in_dim3A_649 = arith.constant 55 : i32
            %broadcast_in_dim3A_650 = vector.broadcast %broadcast_in_dim3A_649 : i32 to vector<16xi32>
            %scatter3A_651 = arith.constant 0 : i32
            %scatter3A_652 = arith.constant 0 : i32
            %scatter3A_653 = tpu.memref_slice %arg13[%and3A_65, %scatter3A_651, %scatter3A_652] : memref<8x16x128xf32, #tpu.memory_space<vmem>> -> memref<1x16x128xf32, #tpu.memory_space<vmem>>
            %scatter3A_654 = tpu.memref_squeeze %scatter3A_653 : memref<1x16x128xf32, #tpu.memory_space<vmem>> -> memref<16x128xf32, #tpu.memory_space<vmem>>
            tpu.vector_store_idx %scatter3A_654[%iota3A_648, %broadcast_in_dim3A_650], %gather3A_647 : memref<16x128xf32, #tpu.memory_space<vmem>>[vector<16xi32>, vector<16xi32>], vector<16xf32>,
            %broadcast_in_dim3A_655 = arith.constant 56 : i32
            %broadcast_in_dim3A_656 = vector.broadcast %broadcast_in_dim3A_655 : i32 to vector<16xi32>
            %gather3A_657 = tpu.vector_load_idx %arg12[%broadcast_in_dim3A_656, %min3A_87] : memref<64x512xf32, #tpu.memory_space<vmem>>[vector<16xi32>, vector<16xi32>], vector<16xf32>,
            %iota3A_658 = tpu.iota {dimensions = array<i32: 0>} : vector<16xi32>
            %broadcast_in_dim3A_659 = arith.constant 56 : i32
            %broadcast_in_dim3A_660 = vector.broadcast %broadcast_in_dim3A_659 : i32 to vector<16xi32>
            %scatter3A_661 = arith.constant 0 : i32
            %scatter3A_662 = arith.constant 0 : i32
            %scatter3A_663 = tpu.memref_slice %arg13[%and3A_65, %scatter3A_661, %scatter3A_662] : memref<8x16x128xf32, #tpu.memory_space<vmem>> -> memref<1x16x128xf32, #tpu.memory_space<vmem>>
            %scatter3A_664 = tpu.memref_squeeze %scatter3A_663 : memref<1x16x128xf32, #tpu.memory_space<vmem>> -> memref<16x128xf32, #tpu.memory_space<vmem>>
            tpu.vector_store_idx %scatter3A_664[%iota3A_658, %broadcast_in_dim3A_660], %gather3A_657 : memref<16x128xf32, #tpu.memory_space<vmem>>[vector<16xi32>, vector<16xi32>], vector<16xf32>,
            %broadcast_in_dim3A_665 = arith.constant 57 : i32
            %broadcast_in_dim3A_666 = vector.broadcast %broadcast_in_dim3A_665 : i32 to vector<16xi32>
            %gather3A_667 = tpu.vector_load_idx %arg12[%broadcast_in_dim3A_666, %min3A_87] : memref<64x512xf32, #tpu.memory_space<vmem>>[vector<16xi32>, vector<16xi32>], vector<16xf32>,
            %iota3A_668 = tpu.iota {dimensions = array<i32: 0>} : vector<16xi32>
            %broadcast_in_dim3A_669 = arith.constant 57 : i32
            %broadcast_in_dim3A_670 = vector.broadcast %broadcast_in_dim3A_669 : i32 to vector<16xi32>
            %scatter3A_671 = arith.constant 0 : i32
            %scatter3A_672 = arith.constant 0 : i32
            %scatter3A_673 = tpu.memref_slice %arg13[%and3A_65, %scatter3A_671, %scatter3A_672] : memref<8x16x128xf32, #tpu.memory_space<vmem>> -> memref<1x16x128xf32, #tpu.memory_space<vmem>>
            %scatter3A_674 = tpu.memref_squeeze %scatter3A_673 : memref<1x16x128xf32, #tpu.memory_space<vmem>> -> memref<16x128xf32, #tpu.memory_space<vmem>>
            tpu.vector_store_idx %scatter3A_674[%iota3A_668, %broadcast_in_dim3A_670], %gather3A_667 : memref<16x128xf32, #tpu.memory_space<vmem>>[vector<16xi32>, vector<16xi32>], vector<16xf32>,
            %broadcast_in_dim3A_675 = arith.constant 58 : i32
            %broadcast_in_dim3A_676 = vector.broadcast %broadcast_in_dim3A_675 : i32 to vector<16xi32>
            %gather3A_677 = tpu.vector_load_idx %arg12[%broadcast_in_dim3A_676, %min3A_87] : memref<64x512xf32, #tpu.memory_space<vmem>>[vector<16xi32>, vector<16xi32>], vector<16xf32>,
            %iota3A_678 = tpu.iota {dimensions = array<i32: 0>} : vector<16xi32>
            %broadcast_in_dim3A_679 = arith.constant 58 : i32
            %broadcast_in_dim3A_680 = vector.broadcast %broadcast_in_dim3A_679 : i32 to vector<16xi32>
            %scatter3A_681 = arith.constant 0 : i32
            %scatter3A_682 = arith.constant 0 : i32
            %scatter3A_683 = tpu.memref_slice %arg13[%and3A_65, %scatter3A_681, %scatter3A_682] : memref<8x16x128xf32, #tpu.memory_space<vmem>> -> memref<1x16x128xf32, #tpu.memory_space<vmem>>
            %scatter3A_684 = tpu.memref_squeeze %scatter3A_683 : memref<1x16x128xf32, #tpu.memory_space<vmem>> -> memref<16x128xf32, #tpu.memory_space<vmem>>
            tpu.vector_store_idx %scatter3A_684[%iota3A_678, %broadcast_in_dim3A_680], %gather3A_677 : memref<16x128xf32, #tpu.memory_space<vmem>>[vector<16xi32>, vector<16xi32>], vector<16xf32>,
            %broadcast_in_dim3A_685 = arith.constant 59 : i32
            %broadcast_in_dim3A_686 = vector.broadcast %broadcast_in_dim3A_685 : i32 to vector<16xi32>
            %gather3A_687 = tpu.vector_load_idx %arg12[%broadcast_in_dim3A_686, %min3A_87] : memref<64x512xf32, #tpu.memory_space<vmem>>[vector<16xi32>, vector<16xi32>], vector<16xf32>,
            %iota3A_688 = tpu.iota {dimensions = array<i32: 0>} : vector<16xi32>
            %broadcast_in_dim3A_689 = arith.constant 59 : i32
            %broadcast_in_dim3A_690 = vector.broadcast %broadcast_in_dim3A_689 : i32 to vector<16xi32>
            %scatter3A_691 = arith.constant 0 : i32
            %scatter3A_692 = arith.constant 0 : i32
            %scatter3A_693 = tpu.memref_slice %arg13[%and3A_65, %scatter3A_691, %scatter3A_692] : memref<8x16x128xf32, #tpu.memory_space<vmem>> -> memref<1x16x128xf32, #tpu.memory_space<vmem>>
            %scatter3A_694 = tpu.memref_squeeze %scatter3A_693 : memref<1x16x128xf32, #tpu.memory_space<vmem>> -> memref<16x128xf32, #tpu.memory_space<vmem>>
            tpu.vector_store_idx %scatter3A_694[%iota3A_688, %broadcast_in_dim3A_690], %gather3A_687 : memref<16x128xf32, #tpu.memory_space<vmem>>[vector<16xi32>, vector<16xi32>], vector<16xf32>,
            %broadcast_in_dim3A_695 = arith.constant 60 : i32
            %broadcast_in_dim3A_696 = vector.broadcast %broadcast_in_dim3A_695 : i32 to vector<16xi32>
            %gather3A_697 = tpu.vector_load_idx %arg12[%broadcast_in_dim3A_696, %min3A_87] : memref<64x512xf32, #tpu.memory_space<vmem>>[vector<16xi32>, vector<16xi32>], vector<16xf32>,
            %iota3A_698 = tpu.iota {dimensions = array<i32: 0>} : vector<16xi32>
            %broadcast_in_dim3A_699 = arith.constant 60 : i32
            %broadcast_in_dim3A_700 = vector.broadcast %broadcast_in_dim3A_699 : i32 to vector<16xi32>
            %scatter3A_701 = arith.constant 0 : i32
            %scatter3A_702 = arith.constant 0 : i32
            %scatter3A_703 = tpu.memref_slice %arg13[%and3A_65, %scatter3A_701, %scatter3A_702] : memref<8x16x128xf32, #tpu.memory_space<vmem>> -> memref<1x16x128xf32, #tpu.memory_space<vmem>>
            %scatter3A_704 = tpu.memref_squeeze %scatter3A_703 : memref<1x16x128xf32, #tpu.memory_space<vmem>> -> memref<16x128xf32, #tpu.memory_space<vmem>>
            tpu.vector_store_idx %scatter3A_704[%iota3A_698, %broadcast_in_dim3A_700], %gather3A_697 : memref<16x128xf32, #tpu.memory_space<vmem>>[vector<16xi32>, vector<16xi32>], vector<16xf32>,
            %broadcast_in_dim3A_705 = arith.constant 61 : i32
            %broadcast_in_dim3A_706 = vector.broadcast %broadcast_in_dim3A_705 : i32 to vector<16xi32>
            %gather3A_707 = tpu.vector_load_idx %arg12[%broadcast_in_dim3A_706, %min3A_87] : memref<64x512xf32, #tpu.memory_space<vmem>>[vector<16xi32>, vector<16xi32>], vector<16xf32>,
            %iota3A_708 = tpu.iota {dimensions = array<i32: 0>} : vector<16xi32>
            %broadcast_in_dim3A_709 = arith.constant 61 : i32
            %broadcast_in_dim3A_710 = vector.broadcast %broadcast_in_dim3A_709 : i32 to vector<16xi32>
            %scatter3A_711 = arith.constant 0 : i32
            %scatter3A_712 = arith.constant 0 : i32
            %scatter3A_713 = tpu.memref_slice %arg13[%and3A_65, %scatter3A_711, %scatter3A_712] : memref<8x16x128xf32, #tpu.memory_space<vmem>> -> memref<1x16x128xf32, #tpu.memory_space<vmem>>
            %scatter3A_714 = tpu.memref_squeeze %scatter3A_713 : memref<1x16x128xf32, #tpu.memory_space<vmem>> -> memref<16x128xf32, #tpu.memory_space<vmem>>
            tpu.vector_store_idx %scatter3A_714[%iota3A_708, %broadcast_in_dim3A_710], %gather3A_707 : memref<16x128xf32, #tpu.memory_space<vmem>>[vector<16xi32>, vector<16xi32>], vector<16xf32>,
            %broadcast_in_dim3A_715 = arith.constant 62 : i32
            %broadcast_in_dim3A_716 = vector.broadcast %broadcast_in_dim3A_715 : i32 to vector<16xi32>
            %gather3A_717 = tpu.vector_load_idx %arg12[%broadcast_in_dim3A_716, %min3A_87] : memref<64x512xf32, #tpu.memory_space<vmem>>[vector<16xi32>, vector<16xi32>], vector<16xf32>,
            %iota3A_718 = tpu.iota {dimensions = array<i32: 0>} : vector<16xi32>
            %broadcast_in_dim3A_719 = arith.constant 62 : i32
            %broadcast_in_dim3A_720 = vector.broadcast %broadcast_in_dim3A_719 : i32 to vector<16xi32>
            %scatter3A_721 = arith.constant 0 : i32
            %scatter3A_722 = arith.constant 0 : i32
            %scatter3A_723 = tpu.memref_slice %arg13[%and3A_65, %scatter3A_721, %scatter3A_722] : memref<8x16x128xf32, #tpu.memory_space<vmem>> -> memref<1x16x128xf32, #tpu.memory_space<vmem>>
            %scatter3A_724 = tpu.memref_squeeze %scatter3A_723 : memref<1x16x128xf32, #tpu.memory_space<vmem>> -> memref<16x128xf32, #tpu.memory_space<vmem>>
            tpu.vector_store_idx %scatter3A_724[%iota3A_718, %broadcast_in_dim3A_720], %gather3A_717 : memref<16x128xf32, #tpu.memory_space<vmem>>[vector<16xi32>, vector<16xi32>], vector<16xf32>,
            %broadcast_in_dim3A_725 = arith.constant 63 : i32
            %broadcast_in_dim3A_726 = vector.broadcast %broadcast_in_dim3A_725 : i32 to vector<16xi32>
            %gather3A_727 = tpu.vector_load_idx %arg12[%broadcast_in_dim3A_726, %min3A_87] : memref<64x512xf32, #tpu.memory_space<vmem>>[vector<16xi32>, vector<16xi32>], vector<16xf32>,
            %iota3A_728 = tpu.iota {dimensions = array<i32: 0>} : vector<16xi32>
            %broadcast_in_dim3A_729 = arith.constant 63 : i32
            %broadcast_in_dim3A_730 = vector.broadcast %broadcast_in_dim3A_729 : i32 to vector<16xi32>
            %scatter3A_731 = arith.constant 0 : i32
            %scatter3A_732 = arith.constant 0 : i32
            %scatter3A_733 = tpu.memref_slice %arg13[%and3A_65, %scatter3A_731, %scatter3A_732] : memref<8x16x128xf32, #tpu.memory_space<vmem>> -> memref<1x16x128xf32, #tpu.memory_space<vmem>>
            %scatter3A_734 = tpu.memref_squeeze %scatter3A_733 : memref<1x16x128xf32, #tpu.memory_space<vmem>> -> memref<16x128xf32, #tpu.memory_space<vmem>>
            tpu.vector_store_idx %scatter3A_734[%iota3A_728, %broadcast_in_dim3A_730], %gather3A_727 : memref<16x128xf32, #tpu.memory_space<vmem>>[vector<16xi32>, vector<16xi32>], vector<16xf32>,
            %dma_start3A_735 = arith.constant 0 : i32
            %dma_start3A_736 = arith.constant 0 : i32
            %dma_start3A_737 = tpu.memref_slice %arg13[%and3A_65, %dma_start3A_735, %dma_start3A_736] : memref<8x16x128xf32, #tpu.memory_space<vmem>> -> memref<1x16x128xf32, #tpu.memory_space<vmem>>
            %dma_start3A_738 = tpu.memref_squeeze %dma_start3A_737 : memref<1x16x128xf32, #tpu.memory_space<vmem>> -> memref<16x128xf32, #tpu.memory_space<vmem>>
            %dma_start3A_739 = arith.constant 0 : i32
            %dma_start3A_740 = tpu.memref_slice %arg14[%and3A_65, %dma_start3A_739] : memref<8x16xi32, #tpu.memory_space<vmem>> -> memref<1x16xi32, #tpu.memory_space<vmem>>
            %dma_start3A_741 = tpu.memref_squeeze %dma_start3A_740 : memref<1x16xi32, #tpu.memory_space<vmem>> -> memref<16xi32, #tpu.memory_space<vmem>>
            %dma_start3A_742 = arith.constant 0 : i32
            %dma_start3A_743 = arith.constant 0 : i32
            %dma_start3A_744 = tpu.memref_slice %arg7[%dma_start3A_742, %dma_start3A_743] : memref<65568x128xf32, #tpu.memory_space<hbm>> -> memref<65568x128xf32, #tpu.memory_space<hbm>>
            tpu.enqueue_indirect_dma source(%dma_start3A_738 : memref<16x128xf32, #tpu.memory_space<vmem>>) target(%dma_start3A_744 : memref<65568x128xf32, #tpu.memory_space<hbm>>) offsets(%dma_start3A_741 : memref<16xi32, #tpu.memory_space<vmem>>) semaphore(%arg16 : memref<!tpu.dma_semaphore, #tpu.memory_space<semaphore_mem>>)
          }
          %while3A_52 = arith.constant 1 : i32
          scf.for %while3A_64 = %while3A_50 to %while3A_46 step %while3A_52  : i32 {
            %and3A = arith.constant 7 : i32
            %and3A_65 = arith.andi %while3A_64, %and3A : i32
            %ge3A = arith.constant 8 : i32
            %ge3A_66 = arith.cmpi sge, %while3A_64, %ge3A : i32
            %convert_element_type3A_67 = arith.extui %ge3A_66 : i1 to i32
            %cond3A_68 = arith.constant 0 : i32
            %cond3A_69 = arith.cmpi ne, %convert_element_type3A_67, %cond3A_68 : i32
            scf.if %cond3A_69 {
              %dma_wait3A_745 = arith.constant 0 : i32
              %dma_wait3A_746 = arith.constant 0 : i32
              %dma_wait3A_747 = arith.constant 0 : i32
              %dma_wait3A_748 = tpu.memref_slice %arg13[%dma_wait3A_745, %dma_wait3A_746, %dma_wait3A_747] : memref<8x16x128xf32, #tpu.memory_space<vmem>> -> memref<1x16x128xf32, #tpu.memory_space<vmem>>
              %dma_wait3A_749 = tpu.memref_squeeze %dma_wait3A_748 : memref<1x16x128xf32, #tpu.memory_space<vmem>> -> memref<16x128xf32, #tpu.memory_space<vmem>>
              %dma_wait3A_750 = arith.constant 0 : i32
              %dma_wait3A_751 = arith.constant 0 : i32
              %dma_wait3A_752 = tpu.memref_slice %arg7[%dma_wait3A_750, %dma_wait3A_751] : memref<65568x128xf32, #tpu.memory_space<hbm>> -> memref<16x128xf32, #tpu.memory_space<hbm>>
              %dma_wait3A_753 = arith.constant 0 : i32
              %dma_wait3A_754 = arith.constant 0 : i32
              %dma_wait3A_755 = tpu.memref_slice %arg13[%dma_wait3A_745, %dma_wait3A_753, %dma_wait3A_754] : memref<8x16x128xf32, #tpu.memory_space<vmem>> -> memref<1x16x128xf32, #tpu.memory_space<vmem>>
              %dma_wait3A_756 = tpu.memref_squeeze %dma_wait3A_755 : memref<1x16x128xf32, #tpu.memory_space<vmem>> -> memref<16x128xf32, #tpu.memory_space<vmem>>
              %dma_wait3A_757 = arith.constant 0 : i32
              %dma_wait3A_758 = arith.constant 0 : i32
              %dma_wait3A_759 = tpu.memref_slice %arg7[%dma_wait3A_757, %dma_wait3A_758] : memref<65568x128xf32, #tpu.memory_space<hbm>> -> memref<16x128xf32, #tpu.memory_space<hbm>>
              tpu.wait_dma2 semaphore(%arg16 : memref<!tpu.dma_semaphore, #tpu.memory_space<semaphore_mem>>) src(%dma_wait3A_759 : memref<16x128xf32, #tpu.memory_space<hbm>>) dst(%dma_wait3A_756 : memref<16x128xf32, #tpu.memory_space<vmem>>)
            } else {
            }
            %mul3A_70 = arith.constant 16 : i32
            %mul3A_71 = arith.muli %while3A_64, %mul3A_70 : i32
            %add3A_72 = arith.addi %squeeze3A, %mul3A_71 : i32
            %get3A_73 = arith.index_cast %add3A_72 : i32 to index
            %get3A_74 = tpu.vector_load %arg9[%get3A_73] {strides = array<i32>} : memref<16384xi32, #tpu.memory_space<vmem>>, vector<16xi32>,
            %get3A_75 = arith.index_cast %add3A_72 : i32 to index
            %get3A_76 = tpu.vector_load %arg10[%get3A_75] {strides = array<i32>} : memref<16384xi32, #tpu.memory_space<vmem>>, vector<16xi32>,
            %iota3A = tpu.iota {dimensions = array<i32: 0>} : vector<16xi32>
            %add3A_77 = vector.broadcast %add3A_72 : i32 to vector<16xi32>
            %add3A_78 = arith.addi %add3A_77, %iota3A : vector<16xi32>
            %lt3A_79 = vector.broadcast %squeeze3A_17 : i32 to vector<16xi32>
            %lt3A_80 = arith.cmpi slt, %add3A_78, %lt3A_79 : vector<16xi32>
            %sub3A_81 = vector.broadcast %select_n3A : i32 to vector<16xi32>
            %sub3A_82 = arith.subi %get3A_74, %sub3A_81 : vector<16xi32>
            %max3A = arith.constant 0 : i32
            %max3A_83 = vector.broadcast %max3A : i32 to vector<16xi32>
            %max3A_84 = arith.maxsi %sub3A_82, %max3A_83 : vector<16xi32>
            %min3A_85 = arith.constant 511 : i32
            %min3A_86 = vector.broadcast %min3A_85 : i32 to vector<16xi32>
            %min3A_87 = arith.minsi %max3A_84, %min3A_86 : vector<16xi32>
            %mul3A_88 = arith.constant 16384 : i32
            %mul3A_89 = arith.muli %scan3A_33, %mul3A_88 : i32
            %add3A_90 = vector.broadcast %mul3A_89 : i32 to vector<16xi32>
            %add3A_91 = arith.addi %get3A_76, %add3A_90 : vector<16xi32>
            %add3A_92 = arith.constant 65536 : i32
            %add3A_93 = arith.addi %add3A_92, %add3A : i32
            %broadcast_in_dim3A = vector.broadcast %add3A_93 : i32 to vector<16xi32>
            %select_n3A_94 = arith.select %lt3A_80, %add3A_91, %broadcast_in_dim3A : vector<16xi1>, vector<16xi32>
            %swap3A = arith.index_cast %and3A_65 : i32 to index
            %swap3A_95 = arith.constant 0 : index
            %swap3A_96 = tpu.vector_load %arg14[%swap3A, %swap3A_95] {strides = array<i32>} : memref<8x16xi32, #tpu.memory_space<vmem>>, vector<16xi32>,
            tpu.vector_store %arg14[%swap3A, %swap3A_95], %select_n3A_94 {strides = array<i32>} : memref<8x16xi32, #tpu.memory_space<vmem>>, vector<16xi32>,
            %broadcast_in_dim3A_97 = arith.constant 0 : i32
            %broadcast_in_dim3A_98 = vector.broadcast %broadcast_in_dim3A_97 : i32 to vector<16xi32>
            %gather3A = tpu.vector_load_idx %arg12[%broadcast_in_dim3A_98, %min3A_87] : memref<64x512xf32, #tpu.memory_space<vmem>>[vector<16xi32>, vector<16xi32>], vector<16xf32>,
            %iota3A_99 = tpu.iota {dimensions = array<i32: 0>} : vector<16xi32>
            %broadcast_in_dim3A_100 = arith.constant 0 : i32
            %broadcast_in_dim3A_101 = vector.broadcast %broadcast_in_dim3A_100 : i32 to vector<16xi32>
            %scatter3A = arith.constant 0 : i32
            %scatter3A_102 = arith.constant 0 : i32
            %scatter3A_103 = tpu.memref_slice %arg13[%and3A_65, %scatter3A, %scatter3A_102] : memref<8x16x128xf32, #tpu.memory_space<vmem>> -> memref<1x16x128xf32, #tpu.memory_space<vmem>>
            %scatter3A_104 = tpu.memref_squeeze %scatter3A_103 : memref<1x16x128xf32, #tpu.memory_space<vmem>> -> memref<16x128xf32, #tpu.memory_space<vmem>>
            tpu.vector_store_idx %scatter3A_104[%iota3A_99, %broadcast_in_dim3A_101], %gather3A : memref<16x128xf32, #tpu.memory_space<vmem>>[vector<16xi32>, vector<16xi32>], vector<16xf32>,
            %broadcast_in_dim3A_105 = arith.constant 1 : i32
            %broadcast_in_dim3A_106 = vector.broadcast %broadcast_in_dim3A_105 : i32 to vector<16xi32>
            %gather3A_107 = tpu.vector_load_idx %arg12[%broadcast_in_dim3A_106, %min3A_87] : memref<64x512xf32, #tpu.memory_space<vmem>>[vector<16xi32>, vector<16xi32>], vector<16xf32>,
            %iota3A_108 = tpu.iota {dimensions = array<i32: 0>} : vector<16xi32>
            %broadcast_in_dim3A_109 = arith.constant 1 : i32
            %broadcast_in_dim3A_110 = vector.broadcast %broadcast_in_dim3A_109 : i32 to vector<16xi32>
            %scatter3A_111 = arith.constant 0 : i32
            %scatter3A_112 = arith.constant 0 : i32
            %scatter3A_113 = tpu.memref_slice %arg13[%and3A_65, %scatter3A_111, %scatter3A_112] : memref<8x16x128xf32, #tpu.memory_space<vmem>> -> memref<1x16x128xf32, #tpu.memory_space<vmem>>
            %scatter3A_114 = tpu.memref_squeeze %scatter3A_113 : memref<1x16x128xf32, #tpu.memory_space<vmem>> -> memref<16x128xf32, #tpu.memory_space<vmem>>
            tpu.vector_store_idx %scatter3A_114[%iota3A_108, %broadcast_in_dim3A_110], %gather3A_107 : memref<16x128xf32, #tpu.memory_space<vmem>>[vector<16xi32>, vector<16xi32>], vector<16xf32>,
            %broadcast_in_dim3A_115 = arith.constant 2 : i32
            %broadcast_in_dim3A_116 = vector.broadcast %broadcast_in_dim3A_115 : i32 to vector<16xi32>
            %gather3A_117 = tpu.vector_load_idx %arg12[%broadcast_in_dim3A_116, %min3A_87] : memref<64x512xf32, #tpu.memory_space<vmem>>[vector<16xi32>, vector<16xi32>], vector<16xf32>,
            %iota3A_118 = tpu.iota {dimensions = array<i32: 0>} : vector<16xi32>
            %broadcast_in_dim3A_119 = arith.constant 2 : i32
            %broadcast_in_dim3A_120 = vector.broadcast %broadcast_in_dim3A_119 : i32 to vector<16xi32>
            %scatter3A_121 = arith.constant 0 : i32
            %scatter3A_122 = arith.constant 0 : i32
            %scatter3A_123 = tpu.memref_slice %arg13[%and3A_65, %scatter3A_121, %scatter3A_122] : memref<8x16x128xf32, #tpu.memory_space<vmem>> -> memref<1x16x128xf32, #tpu.memory_space<vmem>>
            %scatter3A_124 = tpu.memref_squeeze %scatter3A_123 : memref<1x16x128xf32, #tpu.memory_space<vmem>> -> memref<16x128xf32, #tpu.memory_space<vmem>>
            tpu.vector_store_idx %scatter3A_124[%iota3A_118, %broadcast_in_dim3A_120], %gather3A_117 : memref<16x128xf32, #tpu.memory_space<vmem>>[vector<16xi32>, vector<16xi32>], vector<16xf32>,
            %broadcast_in_dim3A_125 = arith.constant 3 : i32
            %broadcast_in_dim3A_126 = vector.broadcast %broadcast_in_dim3A_125 : i32 to vector<16xi32>
            %gather3A_127 = tpu.vector_load_idx %arg12[%broadcast_in_dim3A_126, %min3A_87] : memref<64x512xf32, #tpu.memory_space<vmem>>[vector<16xi32>, vector<16xi32>], vector<16xf32>,
            %iota3A_128 = tpu.iota {dimensions = array<i32: 0>} : vector<16xi32>
            %broadcast_in_dim3A_129 = arith.constant 3 : i32
            %broadcast_in_dim3A_130 = vector.broadcast %broadcast_in_dim3A_129 : i32 to vector<16xi32>
            %scatter3A_131 = arith.constant 0 : i32
            %scatter3A_132 = arith.constant 0 : i32
            %scatter3A_133 = tpu.memref_slice %arg13[%and3A_65, %scatter3A_131, %scatter3A_132] : memref<8x16x128xf32, #tpu.memory_space<vmem>> -> memref<1x16x128xf32, #tpu.memory_space<vmem>>
            %scatter3A_134 = tpu.memref_squeeze %scatter3A_133 : memref<1x16x128xf32, #tpu.memory_space<vmem>> -> memref<16x128xf32, #tpu.memory_space<vmem>>
            tpu.vector_store_idx %scatter3A_134[%iota3A_128, %broadcast_in_dim3A_130], %gather3A_127 : memref<16x128xf32, #tpu.memory_space<vmem>>[vector<16xi32>, vector<16xi32>], vector<16xf32>,
            %broadcast_in_dim3A_135 = arith.constant 4 : i32
            %broadcast_in_dim3A_136 = vector.broadcast %broadcast_in_dim3A_135 : i32 to vector<16xi32>
            %gather3A_137 = tpu.vector_load_idx %arg12[%broadcast_in_dim3A_136, %min3A_87] : memref<64x512xf32, #tpu.memory_space<vmem>>[vector<16xi32>, vector<16xi32>], vector<16xf32>,
            %iota3A_138 = tpu.iota {dimensions = array<i32: 0>} : vector<16xi32>
            %broadcast_in_dim3A_139 = arith.constant 4 : i32
            %broadcast_in_dim3A_140 = vector.broadcast %broadcast_in_dim3A_139 : i32 to vector<16xi32>
            %scatter3A_141 = arith.constant 0 : i32
            %scatter3A_142 = arith.constant 0 : i32
            %scatter3A_143 = tpu.memref_slice %arg13[%and3A_65, %scatter3A_141, %scatter3A_142] : memref<8x16x128xf32, #tpu.memory_space<vmem>> -> memref<1x16x128xf32, #tpu.memory_space<vmem>>
            %scatter3A_144 = tpu.memref_squeeze %scatter3A_143 : memref<1x16x128xf32, #tpu.memory_space<vmem>> -> memref<16x128xf32, #tpu.memory_space<vmem>>
            tpu.vector_store_idx %scatter3A_144[%iota3A_138, %broadcast_in_dim3A_140], %gather3A_137 : memref<16x128xf32, #tpu.memory_space<vmem>>[vector<16xi32>, vector<16xi32>], vector<16xf32>,
            %broadcast_in_dim3A_145 = arith.constant 5 : i32
            %broadcast_in_dim3A_146 = vector.broadcast %broadcast_in_dim3A_145 : i32 to vector<16xi32>
            %gather3A_147 = tpu.vector_load_idx %arg12[%broadcast_in_dim3A_146, %min3A_87] : memref<64x512xf32, #tpu.memory_space<vmem>>[vector<16xi32>, vector<16xi32>], vector<16xf32>,
            %iota3A_148 = tpu.iota {dimensions = array<i32: 0>} : vector<16xi32>
            %broadcast_in_dim3A_149 = arith.constant 5 : i32
            %broadcast_in_dim3A_150 = vector.broadcast %broadcast_in_dim3A_149 : i32 to vector<16xi32>
            %scatter3A_151 = arith.constant 0 : i32
            %scatter3A_152 = arith.constant 0 : i32
            %scatter3A_153 = tpu.memref_slice %arg13[%and3A_65, %scatter3A_151, %scatter3A_152] : memref<8x16x128xf32, #tpu.memory_space<vmem>> -> memref<1x16x128xf32, #tpu.memory_space<vmem>>
            %scatter3A_154 = tpu.memref_squeeze %scatter3A_153 : memref<1x16x128xf32, #tpu.memory_space<vmem>> -> memref<16x128xf32, #tpu.memory_space<vmem>>
            tpu.vector_store_idx %scatter3A_154[%iota3A_148, %broadcast_in_dim3A_150], %gather3A_147 : memref<16x128xf32, #tpu.memory_space<vmem>>[vector<16xi32>, vector<16xi32>], vector<16xf32>,
            %broadcast_in_dim3A_155 = arith.constant 6 : i32
            %broadcast_in_dim3A_156 = vector.broadcast %broadcast_in_dim3A_155 : i32 to vector<16xi32>
            %gather3A_157 = tpu.vector_load_idx %arg12[%broadcast_in_dim3A_156, %min3A_87] : memref<64x512xf32, #tpu.memory_space<vmem>>[vector<16xi32>, vector<16xi32>], vector<16xf32>,
            %iota3A_158 = tpu.iota {dimensions = array<i32: 0>} : vector<16xi32>
            %broadcast_in_dim3A_159 = arith.constant 6 : i32
            %broadcast_in_dim3A_160 = vector.broadcast %broadcast_in_dim3A_159 : i32 to vector<16xi32>
            %scatter3A_161 = arith.constant 0 : i32
            %scatter3A_162 = arith.constant 0 : i32
            %scatter3A_163 = tpu.memref_slice %arg13[%and3A_65, %scatter3A_161, %scatter3A_162] : memref<8x16x128xf32, #tpu.memory_space<vmem>> -> memref<1x16x128xf32, #tpu.memory_space<vmem>>
            %scatter3A_164 = tpu.memref_squeeze %scatter3A_163 : memref<1x16x128xf32, #tpu.memory_space<vmem>> -> memref<16x128xf32, #tpu.memory_space<vmem>>
            tpu.vector_store_idx %scatter3A_164[%iota3A_158, %broadcast_in_dim3A_160], %gather3A_157 : memref<16x128xf32, #tpu.memory_space<vmem>>[vector<16xi32>, vector<16xi32>], vector<16xf32>,
            %broadcast_in_dim3A_165 = arith.constant 7 : i32
            %broadcast_in_dim3A_166 = vector.broadcast %broadcast_in_dim3A_165 : i32 to vector<16xi32>
            %gather3A_167 = tpu.vector_load_idx %arg12[%broadcast_in_dim3A_166, %min3A_87] : memref<64x512xf32, #tpu.memory_space<vmem>>[vector<16xi32>, vector<16xi32>], vector<16xf32>,
            %iota3A_168 = tpu.iota {dimensions = array<i32: 0>} : vector<16xi32>
            %broadcast_in_dim3A_169 = arith.constant 7 : i32
            %broadcast_in_dim3A_170 = vector.broadcast %broadcast_in_dim3A_169 : i32 to vector<16xi32>
            %scatter3A_171 = arith.constant 0 : i32
            %scatter3A_172 = arith.constant 0 : i32
            %scatter3A_173 = tpu.memref_slice %arg13[%and3A_65, %scatter3A_171, %scatter3A_172] : memref<8x16x128xf32, #tpu.memory_space<vmem>> -> memref<1x16x128xf32, #tpu.memory_space<vmem>>
            %scatter3A_174 = tpu.memref_squeeze %scatter3A_173 : memref<1x16x128xf32, #tpu.memory_space<vmem>> -> memref<16x128xf32, #tpu.memory_space<vmem>>
            tpu.vector_store_idx %scatter3A_174[%iota3A_168, %broadcast_in_dim3A_170], %gather3A_167 : memref<16x128xf32, #tpu.memory_space<vmem>>[vector<16xi32>, vector<16xi32>], vector<16xf32>,
            %broadcast_in_dim3A_175 = arith.constant 8 : i32
            %broadcast_in_dim3A_176 = vector.broadcast %broadcast_in_dim3A_175 : i32 to vector<16xi32>
            %gather3A_177 = tpu.vector_load_idx %arg12[%broadcast_in_dim3A_176, %min3A_87] : memref<64x512xf32, #tpu.memory_space<vmem>>[vector<16xi32>, vector<16xi32>], vector<16xf32>,
            %iota3A_178 = tpu.iota {dimensions = array<i32: 0>} : vector<16xi32>
            %broadcast_in_dim3A_179 = arith.constant 8 : i32
            %broadcast_in_dim3A_180 = vector.broadcast %broadcast_in_dim3A_179 : i32 to vector<16xi32>
            %scatter3A_181 = arith.constant 0 : i32
            %scatter3A_182 = arith.constant 0 : i32
            %scatter3A_183 = tpu.memref_slice %arg13[%and3A_65, %scatter3A_181, %scatter3A_182] : memref<8x16x128xf32, #tpu.memory_space<vmem>> -> memref<1x16x128xf32, #tpu.memory_space<vmem>>
            %scatter3A_184 = tpu.memref_squeeze %scatter3A_183 : memref<1x16x128xf32, #tpu.memory_space<vmem>> -> memref<16x128xf32, #tpu.memory_space<vmem>>
            tpu.vector_store_idx %scatter3A_184[%iota3A_178, %broadcast_in_dim3A_180], %gather3A_177 : memref<16x128xf32, #tpu.memory_space<vmem>>[vector<16xi32>, vector<16xi32>], vector<16xf32>,
            %broadcast_in_dim3A_185 = arith.constant 9 : i32
            %broadcast_in_dim3A_186 = vector.broadcast %broadcast_in_dim3A_185 : i32 to vector<16xi32>
            %gather3A_187 = tpu.vector_load_idx %arg12[%broadcast_in_dim3A_186, %min3A_87] : memref<64x512xf32, #tpu.memory_space<vmem>>[vector<16xi32>, vector<16xi32>], vector<16xf32>,
            %iota3A_188 = tpu.iota {dimensions = array<i32: 0>} : vector<16xi32>
            %broadcast_in_dim3A_189 = arith.constant 9 : i32
            %broadcast_in_dim3A_190 = vector.broadcast %broadcast_in_dim3A_189 : i32 to vector<16xi32>
            %scatter3A_191 = arith.constant 0 : i32
            %scatter3A_192 = arith.constant 0 : i32
            %scatter3A_193 = tpu.memref_slice %arg13[%and3A_65, %scatter3A_191, %scatter3A_192] : memref<8x16x128xf32, #tpu.memory_space<vmem>> -> memref<1x16x128xf32, #tpu.memory_space<vmem>>
            %scatter3A_194 = tpu.memref_squeeze %scatter3A_193 : memref<1x16x128xf32, #tpu.memory_space<vmem>> -> memref<16x128xf32, #tpu.memory_space<vmem>>
            tpu.vector_store_idx %scatter3A_194[%iota3A_188, %broadcast_in_dim3A_190], %gather3A_187 : memref<16x128xf32, #tpu.memory_space<vmem>>[vector<16xi32>, vector<16xi32>], vector<16xf32>,
            %broadcast_in_dim3A_195 = arith.constant 10 : i32
            %broadcast_in_dim3A_196 = vector.broadcast %broadcast_in_dim3A_195 : i32 to vector<16xi32>
            %gather3A_197 = tpu.vector_load_idx %arg12[%broadcast_in_dim3A_196, %min3A_87] : memref<64x512xf32, #tpu.memory_space<vmem>>[vector<16xi32>, vector<16xi32>], vector<16xf32>,
            %iota3A_198 = tpu.iota {dimensions = array<i32: 0>} : vector<16xi32>
            %broadcast_in_dim3A_199 = arith.constant 10 : i32
            %broadcast_in_dim3A_200 = vector.broadcast %broadcast_in_dim3A_199 : i32 to vector<16xi32>
            %scatter3A_201 = arith.constant 0 : i32
            %scatter3A_202 = arith.constant 0 : i32
            %scatter3A_203 = tpu.memref_slice %arg13[%and3A_65, %scatter3A_201, %scatter3A_202] : memref<8x16x128xf32, #tpu.memory_space<vmem>> -> memref<1x16x128xf32, #tpu.memory_space<vmem>>
            %scatter3A_204 = tpu.memref_squeeze %scatter3A_203 : memref<1x16x128xf32, #tpu.memory_space<vmem>> -> memref<16x128xf32, #tpu.memory_space<vmem>>
            tpu.vector_store_idx %scatter3A_204[%iota3A_198, %broadcast_in_dim3A_200], %gather3A_197 : memref<16x128xf32, #tpu.memory_space<vmem>>[vector<16xi32>, vector<16xi32>], vector<16xf32>,
            %broadcast_in_dim3A_205 = arith.constant 11 : i32
            %broadcast_in_dim3A_206 = vector.broadcast %broadcast_in_dim3A_205 : i32 to vector<16xi32>
            %gather3A_207 = tpu.vector_load_idx %arg12[%broadcast_in_dim3A_206, %min3A_87] : memref<64x512xf32, #tpu.memory_space<vmem>>[vector<16xi32>, vector<16xi32>], vector<16xf32>,
            %iota3A_208 = tpu.iota {dimensions = array<i32: 0>} : vector<16xi32>
            %broadcast_in_dim3A_209 = arith.constant 11 : i32
            %broadcast_in_dim3A_210 = vector.broadcast %broadcast_in_dim3A_209 : i32 to vector<16xi32>
            %scatter3A_211 = arith.constant 0 : i32
            %scatter3A_212 = arith.constant 0 : i32
            %scatter3A_213 = tpu.memref_slice %arg13[%and3A_65, %scatter3A_211, %scatter3A_212] : memref<8x16x128xf32, #tpu.memory_space<vmem>> -> memref<1x16x128xf32, #tpu.memory_space<vmem>>
            %scatter3A_214 = tpu.memref_squeeze %scatter3A_213 : memref<1x16x128xf32, #tpu.memory_space<vmem>> -> memref<16x128xf32, #tpu.memory_space<vmem>>
            tpu.vector_store_idx %scatter3A_214[%iota3A_208, %broadcast_in_dim3A_210], %gather3A_207 : memref<16x128xf32, #tpu.memory_space<vmem>>[vector<16xi32>, vector<16xi32>], vector<16xf32>,
            %broadcast_in_dim3A_215 = arith.constant 12 : i32
            %broadcast_in_dim3A_216 = vector.broadcast %broadcast_in_dim3A_215 : i32 to vector<16xi32>
            %gather3A_217 = tpu.vector_load_idx %arg12[%broadcast_in_dim3A_216, %min3A_87] : memref<64x512xf32, #tpu.memory_space<vmem>>[vector<16xi32>, vector<16xi32>], vector<16xf32>,
            %iota3A_218 = tpu.iota {dimensions = array<i32: 0>} : vector<16xi32>
            %broadcast_in_dim3A_219 = arith.constant 12 : i32
            %broadcast_in_dim3A_220 = vector.broadcast %broadcast_in_dim3A_219 : i32 to vector<16xi32>
            %scatter3A_221 = arith.constant 0 : i32
            %scatter3A_222 = arith.constant 0 : i32
            %scatter3A_223 = tpu.memref_slice %arg13[%and3A_65, %scatter3A_221, %scatter3A_222] : memref<8x16x128xf32, #tpu.memory_space<vmem>> -> memref<1x16x128xf32, #tpu.memory_space<vmem>>
            %scatter3A_224 = tpu.memref_squeeze %scatter3A_223 : memref<1x16x128xf32, #tpu.memory_space<vmem>> -> memref<16x128xf32, #tpu.memory_space<vmem>>
            tpu.vector_store_idx %scatter3A_224[%iota3A_218, %broadcast_in_dim3A_220], %gather3A_217 : memref<16x128xf32, #tpu.memory_space<vmem>>[vector<16xi32>, vector<16xi32>], vector<16xf32>,
            %broadcast_in_dim3A_225 = arith.constant 13 : i32
            %broadcast_in_dim3A_226 = vector.broadcast %broadcast_in_dim3A_225 : i32 to vector<16xi32>
            %gather3A_227 = tpu.vector_load_idx %arg12[%broadcast_in_dim3A_226, %min3A_87] : memref<64x512xf32, #tpu.memory_space<vmem>>[vector<16xi32>, vector<16xi32>], vector<16xf32>,
            %iota3A_228 = tpu.iota {dimensions = array<i32: 0>} : vector<16xi32>
            %broadcast_in_dim3A_229 = arith.constant 13 : i32
            %broadcast_in_dim3A_230 = vector.broadcast %broadcast_in_dim3A_229 : i32 to vector<16xi32>
            %scatter3A_231 = arith.constant 0 : i32
            %scatter3A_232 = arith.constant 0 : i32
            %scatter3A_233 = tpu.memref_slice %arg13[%and3A_65, %scatter3A_231, %scatter3A_232] : memref<8x16x128xf32, #tpu.memory_space<vmem>> -> memref<1x16x128xf32, #tpu.memory_space<vmem>>
            %scatter3A_234 = tpu.memref_squeeze %scatter3A_233 : memref<1x16x128xf32, #tpu.memory_space<vmem>> -> memref<16x128xf32, #tpu.memory_space<vmem>>
            tpu.vector_store_idx %scatter3A_234[%iota3A_228, %broadcast_in_dim3A_230], %gather3A_227 : memref<16x128xf32, #tpu.memory_space<vmem>>[vector<16xi32>, vector<16xi32>], vector<16xf32>,
            %broadcast_in_dim3A_235 = arith.constant 14 : i32
            %broadcast_in_dim3A_236 = vector.broadcast %broadcast_in_dim3A_235 : i32 to vector<16xi32>
            %gather3A_237 = tpu.vector_load_idx %arg12[%broadcast_in_dim3A_236, %min3A_87] : memref<64x512xf32, #tpu.memory_space<vmem>>[vector<16xi32>, vector<16xi32>], vector<16xf32>,
            %iota3A_238 = tpu.iota {dimensions = array<i32: 0>} : vector<16xi32>
            %broadcast_in_dim3A_239 = arith.constant 14 : i32
            %broadcast_in_dim3A_240 = vector.broadcast %broadcast_in_dim3A_239 : i32 to vector<16xi32>
            %scatter3A_241 = arith.constant 0 : i32
            %scatter3A_242 = arith.constant 0 : i32
            %scatter3A_243 = tpu.memref_slice %arg13[%and3A_65, %scatter3A_241, %scatter3A_242] : memref<8x16x128xf32, #tpu.memory_space<vmem>> -> memref<1x16x128xf32, #tpu.memory_space<vmem>>
            %scatter3A_244 = tpu.memref_squeeze %scatter3A_243 : memref<1x16x128xf32, #tpu.memory_space<vmem>> -> memref<16x128xf32, #tpu.memory_space<vmem>>
            tpu.vector_store_idx %scatter3A_244[%iota3A_238, %broadcast_in_dim3A_240], %gather3A_237 : memref<16x128xf32, #tpu.memory_space<vmem>>[vector<16xi32>, vector<16xi32>], vector<16xf32>,
            %broadcast_in_dim3A_245 = arith.constant 15 : i32
            %broadcast_in_dim3A_246 = vector.broadcast %broadcast_in_dim3A_245 : i32 to vector<16xi32>
            %gather3A_247 = tpu.vector_load_idx %arg12[%broadcast_in_dim3A_246, %min3A_87] : memref<64x512xf32, #tpu.memory_space<vmem>>[vector<16xi32>, vector<16xi32>], vector<16xf32>,
            %iota3A_248 = tpu.iota {dimensions = array<i32: 0>} : vector<16xi32>
            %broadcast_in_dim3A_249 = arith.constant 15 : i32
            %broadcast_in_dim3A_250 = vector.broadcast %broadcast_in_dim3A_249 : i32 to vector<16xi32>
            %scatter3A_251 = arith.constant 0 : i32
            %scatter3A_252 = arith.constant 0 : i32
            %scatter3A_253 = tpu.memref_slice %arg13[%and3A_65, %scatter3A_251, %scatter3A_252] : memref<8x16x128xf32, #tpu.memory_space<vmem>> -> memref<1x16x128xf32, #tpu.memory_space<vmem>>
            %scatter3A_254 = tpu.memref_squeeze %scatter3A_253 : memref<1x16x128xf32, #tpu.memory_space<vmem>> -> memref<16x128xf32, #tpu.memory_space<vmem>>
            tpu.vector_store_idx %scatter3A_254[%iota3A_248, %broadcast_in_dim3A_250], %gather3A_247 : memref<16x128xf32, #tpu.memory_space<vmem>>[vector<16xi32>, vector<16xi32>], vector<16xf32>,
            %broadcast_in_dim3A_255 = arith.constant 16 : i32
            %broadcast_in_dim3A_256 = vector.broadcast %broadcast_in_dim3A_255 : i32 to vector<16xi32>
            %gather3A_257 = tpu.vector_load_idx %arg12[%broadcast_in_dim3A_256, %min3A_87] : memref<64x512xf32, #tpu.memory_space<vmem>>[vector<16xi32>, vector<16xi32>], vector<16xf32>,
            %iota3A_258 = tpu.iota {dimensions = array<i32: 0>} : vector<16xi32>
            %broadcast_in_dim3A_259 = arith.constant 16 : i32
            %broadcast_in_dim3A_260 = vector.broadcast %broadcast_in_dim3A_259 : i32 to vector<16xi32>
            %scatter3A_261 = arith.constant 0 : i32
            %scatter3A_262 = arith.constant 0 : i32
            %scatter3A_263 = tpu.memref_slice %arg13[%and3A_65, %scatter3A_261, %scatter3A_262] : memref<8x16x128xf32, #tpu.memory_space<vmem>> -> memref<1x16x128xf32, #tpu.memory_space<vmem>>
            %scatter3A_264 = tpu.memref_squeeze %scatter3A_263 : memref<1x16x128xf32, #tpu.memory_space<vmem>> -> memref<16x128xf32, #tpu.memory_space<vmem>>
            tpu.vector_store_idx %scatter3A_264[%iota3A_258, %broadcast_in_dim3A_260], %gather3A_257 : memref<16x128xf32, #tpu.memory_space<vmem>>[vector<16xi32>, vector<16xi32>], vector<16xf32>,
            %broadcast_in_dim3A_265 = arith.constant 17 : i32
            %broadcast_in_dim3A_266 = vector.broadcast %broadcast_in_dim3A_265 : i32 to vector<16xi32>
            %gather3A_267 = tpu.vector_load_idx %arg12[%broadcast_in_dim3A_266, %min3A_87] : memref<64x512xf32, #tpu.memory_space<vmem>>[vector<16xi32>, vector<16xi32>], vector<16xf32>,
            %iota3A_268 = tpu.iota {dimensions = array<i32: 0>} : vector<16xi32>
            %broadcast_in_dim3A_269 = arith.constant 17 : i32
            %broadcast_in_dim3A_270 = vector.broadcast %broadcast_in_dim3A_269 : i32 to vector<16xi32>
            %scatter3A_271 = arith.constant 0 : i32
            %scatter3A_272 = arith.constant 0 : i32
            %scatter3A_273 = tpu.memref_slice %arg13[%and3A_65, %scatter3A_271, %scatter3A_272] : memref<8x16x128xf32, #tpu.memory_space<vmem>> -> memref<1x16x128xf32, #tpu.memory_space<vmem>>
            %scatter3A_274 = tpu.memref_squeeze %scatter3A_273 : memref<1x16x128xf32, #tpu.memory_space<vmem>> -> memref<16x128xf32, #tpu.memory_space<vmem>>
            tpu.vector_store_idx %scatter3A_274[%iota3A_268, %broadcast_in_dim3A_270], %gather3A_267 : memref<16x128xf32, #tpu.memory_space<vmem>>[vector<16xi32>, vector<16xi32>], vector<16xf32>,
            %broadcast_in_dim3A_275 = arith.constant 18 : i32
            %broadcast_in_dim3A_276 = vector.broadcast %broadcast_in_dim3A_275 : i32 to vector<16xi32>
            %gather3A_277 = tpu.vector_load_idx %arg12[%broadcast_in_dim3A_276, %min3A_87] : memref<64x512xf32, #tpu.memory_space<vmem>>[vector<16xi32>, vector<16xi32>], vector<16xf32>,
            %iota3A_278 = tpu.iota {dimensions = array<i32: 0>} : vector<16xi32>
            %broadcast_in_dim3A_279 = arith.constant 18 : i32
            %broadcast_in_dim3A_280 = vector.broadcast %broadcast_in_dim3A_279 : i32 to vector<16xi32>
            %scatter3A_281 = arith.constant 0 : i32
            %scatter3A_282 = arith.constant 0 : i32
            %scatter3A_283 = tpu.memref_slice %arg13[%and3A_65, %scatter3A_281, %scatter3A_282] : memref<8x16x128xf32, #tpu.memory_space<vmem>> -> memref<1x16x128xf32, #tpu.memory_space<vmem>>
            %scatter3A_284 = tpu.memref_squeeze %scatter3A_283 : memref<1x16x128xf32, #tpu.memory_space<vmem>> -> memref<16x128xf32, #tpu.memory_space<vmem>>
            tpu.vector_store_idx %scatter3A_284[%iota3A_278, %broadcast_in_dim3A_280], %gather3A_277 : memref<16x128xf32, #tpu.memory_space<vmem>>[vector<16xi32>, vector<16xi32>], vector<16xf32>,
            %broadcast_in_dim3A_285 = arith.constant 19 : i32
            %broadcast_in_dim3A_286 = vector.broadcast %broadcast_in_dim3A_285 : i32 to vector<16xi32>
            %gather3A_287 = tpu.vector_load_idx %arg12[%broadcast_in_dim3A_286, %min3A_87] : memref<64x512xf32, #tpu.memory_space<vmem>>[vector<16xi32>, vector<16xi32>], vector<16xf32>,
            %iota3A_288 = tpu.iota {dimensions = array<i32: 0>} : vector<16xi32>
            %broadcast_in_dim3A_289 = arith.constant 19 : i32
            %broadcast_in_dim3A_290 = vector.broadcast %broadcast_in_dim3A_289 : i32 to vector<16xi32>
            %scatter3A_291 = arith.constant 0 : i32
            %scatter3A_292 = arith.constant 0 : i32
            %scatter3A_293 = tpu.memref_slice %arg13[%and3A_65, %scatter3A_291, %scatter3A_292] : memref<8x16x128xf32, #tpu.memory_space<vmem>> -> memref<1x16x128xf32, #tpu.memory_space<vmem>>
            %scatter3A_294 = tpu.memref_squeeze %scatter3A_293 : memref<1x16x128xf32, #tpu.memory_space<vmem>> -> memref<16x128xf32, #tpu.memory_space<vmem>>
            tpu.vector_store_idx %scatter3A_294[%iota3A_288, %broadcast_in_dim3A_290], %gather3A_287 : memref<16x128xf32, #tpu.memory_space<vmem>>[vector<16xi32>, vector<16xi32>], vector<16xf32>,
            %broadcast_in_dim3A_295 = arith.constant 20 : i32
            %broadcast_in_dim3A_296 = vector.broadcast %broadcast_in_dim3A_295 : i32 to vector<16xi32>
            %gather3A_297 = tpu.vector_load_idx %arg12[%broadcast_in_dim3A_296, %min3A_87] : memref<64x512xf32, #tpu.memory_space<vmem>>[vector<16xi32>, vector<16xi32>], vector<16xf32>,
            %iota3A_298 = tpu.iota {dimensions = array<i32: 0>} : vector<16xi32>
            %broadcast_in_dim3A_299 = arith.constant 20 : i32
            %broadcast_in_dim3A_300 = vector.broadcast %broadcast_in_dim3A_299 : i32 to vector<16xi32>
            %scatter3A_301 = arith.constant 0 : i32
            %scatter3A_302 = arith.constant 0 : i32
            %scatter3A_303 = tpu.memref_slice %arg13[%and3A_65, %scatter3A_301, %scatter3A_302] : memref<8x16x128xf32, #tpu.memory_space<vmem>> -> memref<1x16x128xf32, #tpu.memory_space<vmem>>
            %scatter3A_304 = tpu.memref_squeeze %scatter3A_303 : memref<1x16x128xf32, #tpu.memory_space<vmem>> -> memref<16x128xf32, #tpu.memory_space<vmem>>
            tpu.vector_store_idx %scatter3A_304[%iota3A_298, %broadcast_in_dim3A_300], %gather3A_297 : memref<16x128xf32, #tpu.memory_space<vmem>>[vector<16xi32>, vector<16xi32>], vector<16xf32>,
            %broadcast_in_dim3A_305 = arith.constant 21 : i32
            %broadcast_in_dim3A_306 = vector.broadcast %broadcast_in_dim3A_305 : i32 to vector<16xi32>
            %gather3A_307 = tpu.vector_load_idx %arg12[%broadcast_in_dim3A_306, %min3A_87] : memref<64x512xf32, #tpu.memory_space<vmem>>[vector<16xi32>, vector<16xi32>], vector<16xf32>,
            %iota3A_308 = tpu.iota {dimensions = array<i32: 0>} : vector<16xi32>
            %broadcast_in_dim3A_309 = arith.constant 21 : i32
            %broadcast_in_dim3A_310 = vector.broadcast %broadcast_in_dim3A_309 : i32 to vector<16xi32>
            %scatter3A_311 = arith.constant 0 : i32
            %scatter3A_312 = arith.constant 0 : i32
            %scatter3A_313 = tpu.memref_slice %arg13[%and3A_65, %scatter3A_311, %scatter3A_312] : memref<8x16x128xf32, #tpu.memory_space<vmem>> -> memref<1x16x128xf32, #tpu.memory_space<vmem>>
            %scatter3A_314 = tpu.memref_squeeze %scatter3A_313 : memref<1x16x128xf32, #tpu.memory_space<vmem>> -> memref<16x128xf32, #tpu.memory_space<vmem>>
            tpu.vector_store_idx %scatter3A_314[%iota3A_308, %broadcast_in_dim3A_310], %gather3A_307 : memref<16x128xf32, #tpu.memory_space<vmem>>[vector<16xi32>, vector<16xi32>], vector<16xf32>,
            %broadcast_in_dim3A_315 = arith.constant 22 : i32
            %broadcast_in_dim3A_316 = vector.broadcast %broadcast_in_dim3A_315 : i32 to vector<16xi32>
            %gather3A_317 = tpu.vector_load_idx %arg12[%broadcast_in_dim3A_316, %min3A_87] : memref<64x512xf32, #tpu.memory_space<vmem>>[vector<16xi32>, vector<16xi32>], vector<16xf32>,
            %iota3A_318 = tpu.iota {dimensions = array<i32: 0>} : vector<16xi32>
            %broadcast_in_dim3A_319 = arith.constant 22 : i32
            %broadcast_in_dim3A_320 = vector.broadcast %broadcast_in_dim3A_319 : i32 to vector<16xi32>
            %scatter3A_321 = arith.constant 0 : i32
            %scatter3A_322 = arith.constant 0 : i32
            %scatter3A_323 = tpu.memref_slice %arg13[%and3A_65, %scatter3A_321, %scatter3A_322] : memref<8x16x128xf32, #tpu.memory_space<vmem>> -> memref<1x16x128xf32, #tpu.memory_space<vmem>>
            %scatter3A_324 = tpu.memref_squeeze %scatter3A_323 : memref<1x16x128xf32, #tpu.memory_space<vmem>> -> memref<16x128xf32, #tpu.memory_space<vmem>>
            tpu.vector_store_idx %scatter3A_324[%iota3A_318, %broadcast_in_dim3A_320], %gather3A_317 : memref<16x128xf32, #tpu.memory_space<vmem>>[vector<16xi32>, vector<16xi32>], vector<16xf32>,
            %broadcast_in_dim3A_325 = arith.constant 23 : i32
            %broadcast_in_dim3A_326 = vector.broadcast %broadcast_in_dim3A_325 : i32 to vector<16xi32>
            %gather3A_327 = tpu.vector_load_idx %arg12[%broadcast_in_dim3A_326, %min3A_87] : memref<64x512xf32, #tpu.memory_space<vmem>>[vector<16xi32>, vector<16xi32>], vector<16xf32>,
            %iota3A_328 = tpu.iota {dimensions = array<i32: 0>} : vector<16xi32>
            %broadcast_in_dim3A_329 = arith.constant 23 : i32
            %broadcast_in_dim3A_330 = vector.broadcast %broadcast_in_dim3A_329 : i32 to vector<16xi32>
            %scatter3A_331 = arith.constant 0 : i32
            %scatter3A_332 = arith.constant 0 : i32
            %scatter3A_333 = tpu.memref_slice %arg13[%and3A_65, %scatter3A_331, %scatter3A_332] : memref<8x16x128xf32, #tpu.memory_space<vmem>> -> memref<1x16x128xf32, #tpu.memory_space<vmem>>
            %scatter3A_334 = tpu.memref_squeeze %scatter3A_333 : memref<1x16x128xf32, #tpu.memory_space<vmem>> -> memref<16x128xf32, #tpu.memory_space<vmem>>
            tpu.vector_store_idx %scatter3A_334[%iota3A_328, %broadcast_in_dim3A_330], %gather3A_327 : memref<16x128xf32, #tpu.memory_space<vmem>>[vector<16xi32>, vector<16xi32>], vector<16xf32>,
            %broadcast_in_dim3A_335 = arith.constant 24 : i32
            %broadcast_in_dim3A_336 = vector.broadcast %broadcast_in_dim3A_335 : i32 to vector<16xi32>
            %gather3A_337 = tpu.vector_load_idx %arg12[%broadcast_in_dim3A_336, %min3A_87] : memref<64x512xf32, #tpu.memory_space<vmem>>[vector<16xi32>, vector<16xi32>], vector<16xf32>,
            %iota3A_338 = tpu.iota {dimensions = array<i32: 0>} : vector<16xi32>
            %broadcast_in_dim3A_339 = arith.constant 24 : i32
            %broadcast_in_dim3A_340 = vector.broadcast %broadcast_in_dim3A_339 : i32 to vector<16xi32>
            %scatter3A_341 = arith.constant 0 : i32
            %scatter3A_342 = arith.constant 0 : i32
            %scatter3A_343 = tpu.memref_slice %arg13[%and3A_65, %scatter3A_341, %scatter3A_342] : memref<8x16x128xf32, #tpu.memory_space<vmem>> -> memref<1x16x128xf32, #tpu.memory_space<vmem>>
            %scatter3A_344 = tpu.memref_squeeze %scatter3A_343 : memref<1x16x128xf32, #tpu.memory_space<vmem>> -> memref<16x128xf32, #tpu.memory_space<vmem>>
            tpu.vector_store_idx %scatter3A_344[%iota3A_338, %broadcast_in_dim3A_340], %gather3A_337 : memref<16x128xf32, #tpu.memory_space<vmem>>[vector<16xi32>, vector<16xi32>], vector<16xf32>,
            %broadcast_in_dim3A_345 = arith.constant 25 : i32
            %broadcast_in_dim3A_346 = vector.broadcast %broadcast_in_dim3A_345 : i32 to vector<16xi32>
            %gather3A_347 = tpu.vector_load_idx %arg12[%broadcast_in_dim3A_346, %min3A_87] : memref<64x512xf32, #tpu.memory_space<vmem>>[vector<16xi32>, vector<16xi32>], vector<16xf32>,
            %iota3A_348 = tpu.iota {dimensions = array<i32: 0>} : vector<16xi32>
            %broadcast_in_dim3A_349 = arith.constant 25 : i32
            %broadcast_in_dim3A_350 = vector.broadcast %broadcast_in_dim3A_349 : i32 to vector<16xi32>
            %scatter3A_351 = arith.constant 0 : i32
            %scatter3A_352 = arith.constant 0 : i32
            %scatter3A_353 = tpu.memref_slice %arg13[%and3A_65, %scatter3A_351, %scatter3A_352] : memref<8x16x128xf32, #tpu.memory_space<vmem>> -> memref<1x16x128xf32, #tpu.memory_space<vmem>>
            %scatter3A_354 = tpu.memref_squeeze %scatter3A_353 : memref<1x16x128xf32, #tpu.memory_space<vmem>> -> memref<16x128xf32, #tpu.memory_space<vmem>>
            tpu.vector_store_idx %scatter3A_354[%iota3A_348, %broadcast_in_dim3A_350], %gather3A_347 : memref<16x128xf32, #tpu.memory_space<vmem>>[vector<16xi32>, vector<16xi32>], vector<16xf32>,
            %broadcast_in_dim3A_355 = arith.constant 26 : i32
            %broadcast_in_dim3A_356 = vector.broadcast %broadcast_in_dim3A_355 : i32 to vector<16xi32>
            %gather3A_357 = tpu.vector_load_idx %arg12[%broadcast_in_dim3A_356, %min3A_87] : memref<64x512xf32, #tpu.memory_space<vmem>>[vector<16xi32>, vector<16xi32>], vector<16xf32>,
            %iota3A_358 = tpu.iota {dimensions = array<i32: 0>} : vector<16xi32>
            %broadcast_in_dim3A_359 = arith.constant 26 : i32
            %broadcast_in_dim3A_360 = vector.broadcast %broadcast_in_dim3A_359 : i32 to vector<16xi32>
            %scatter3A_361 = arith.constant 0 : i32
            %scatter3A_362 = arith.constant 0 : i32
            %scatter3A_363 = tpu.memref_slice %arg13[%and3A_65, %scatter3A_361, %scatter3A_362] : memref<8x16x128xf32, #tpu.memory_space<vmem>> -> memref<1x16x128xf32, #tpu.memory_space<vmem>>
            %scatter3A_364 = tpu.memref_squeeze %scatter3A_363 : memref<1x16x128xf32, #tpu.memory_space<vmem>> -> memref<16x128xf32, #tpu.memory_space<vmem>>
            tpu.vector_store_idx %scatter3A_364[%iota3A_358, %broadcast_in_dim3A_360], %gather3A_357 : memref<16x128xf32, #tpu.memory_space<vmem>>[vector<16xi32>, vector<16xi32>], vector<16xf32>,
            %broadcast_in_dim3A_365 = arith.constant 27 : i32
            %broadcast_in_dim3A_366 = vector.broadcast %broadcast_in_dim3A_365 : i32 to vector<16xi32>
            %gather3A_367 = tpu.vector_load_idx %arg12[%broadcast_in_dim3A_366, %min3A_87] : memref<64x512xf32, #tpu.memory_space<vmem>>[vector<16xi32>, vector<16xi32>], vector<16xf32>,
            %iota3A_368 = tpu.iota {dimensions = array<i32: 0>} : vector<16xi32>
            %broadcast_in_dim3A_369 = arith.constant 27 : i32
            %broadcast_in_dim3A_370 = vector.broadcast %broadcast_in_dim3A_369 : i32 to vector<16xi32>
            %scatter3A_371 = arith.constant 0 : i32
            %scatter3A_372 = arith.constant 0 : i32
            %scatter3A_373 = tpu.memref_slice %arg13[%and3A_65, %scatter3A_371, %scatter3A_372] : memref<8x16x128xf32, #tpu.memory_space<vmem>> -> memref<1x16x128xf32, #tpu.memory_space<vmem>>
            %scatter3A_374 = tpu.memref_squeeze %scatter3A_373 : memref<1x16x128xf32, #tpu.memory_space<vmem>> -> memref<16x128xf32, #tpu.memory_space<vmem>>
            tpu.vector_store_idx %scatter3A_374[%iota3A_368, %broadcast_in_dim3A_370], %gather3A_367 : memref<16x128xf32, #tpu.memory_space<vmem>>[vector<16xi32>, vector<16xi32>], vector<16xf32>,
            %broadcast_in_dim3A_375 = arith.constant 28 : i32
            %broadcast_in_dim3A_376 = vector.broadcast %broadcast_in_dim3A_375 : i32 to vector<16xi32>
            %gather3A_377 = tpu.vector_load_idx %arg12[%broadcast_in_dim3A_376, %min3A_87] : memref<64x512xf32, #tpu.memory_space<vmem>>[vector<16xi32>, vector<16xi32>], vector<16xf32>,
            %iota3A_378 = tpu.iota {dimensions = array<i32: 0>} : vector<16xi32>
            %broadcast_in_dim3A_379 = arith.constant 28 : i32
            %broadcast_in_dim3A_380 = vector.broadcast %broadcast_in_dim3A_379 : i32 to vector<16xi32>
            %scatter3A_381 = arith.constant 0 : i32
            %scatter3A_382 = arith.constant 0 : i32
            %scatter3A_383 = tpu.memref_slice %arg13[%and3A_65, %scatter3A_381, %scatter3A_382] : memref<8x16x128xf32, #tpu.memory_space<vmem>> -> memref<1x16x128xf32, #tpu.memory_space<vmem>>
            %scatter3A_384 = tpu.memref_squeeze %scatter3A_383 : memref<1x16x128xf32, #tpu.memory_space<vmem>> -> memref<16x128xf32, #tpu.memory_space<vmem>>
            tpu.vector_store_idx %scatter3A_384[%iota3A_378, %broadcast_in_dim3A_380], %gather3A_377 : memref<16x128xf32, #tpu.memory_space<vmem>>[vector<16xi32>, vector<16xi32>], vector<16xf32>,
            %broadcast_in_dim3A_385 = arith.constant 29 : i32
            %broadcast_in_dim3A_386 = vector.broadcast %broadcast_in_dim3A_385 : i32 to vector<16xi32>
            %gather3A_387 = tpu.vector_load_idx %arg12[%broadcast_in_dim3A_386, %min3A_87] : memref<64x512xf32, #tpu.memory_space<vmem>>[vector<16xi32>, vector<16xi32>], vector<16xf32>,
            %iota3A_388 = tpu.iota {dimensions = array<i32: 0>} : vector<16xi32>
            %broadcast_in_dim3A_389 = arith.constant 29 : i32
            %broadcast_in_dim3A_390 = vector.broadcast %broadcast_in_dim3A_389 : i32 to vector<16xi32>
            %scatter3A_391 = arith.constant 0 : i32
            %scatter3A_392 = arith.constant 0 : i32
            %scatter3A_393 = tpu.memref_slice %arg13[%and3A_65, %scatter3A_391, %scatter3A_392] : memref<8x16x128xf32, #tpu.memory_space<vmem>> -> memref<1x16x128xf32, #tpu.memory_space<vmem>>
            %scatter3A_394 = tpu.memref_squeeze %scatter3A_393 : memref<1x16x128xf32, #tpu.memory_space<vmem>> -> memref<16x128xf32, #tpu.memory_space<vmem>>
            tpu.vector_store_idx %scatter3A_394[%iota3A_388, %broadcast_in_dim3A_390], %gather3A_387 : memref<16x128xf32, #tpu.memory_space<vmem>>[vector<16xi32>, vector<16xi32>], vector<16xf32>,
            %broadcast_in_dim3A_395 = arith.constant 30 : i32
            %broadcast_in_dim3A_396 = vector.broadcast %broadcast_in_dim3A_395 : i32 to vector<16xi32>
            %gather3A_397 = tpu.vector_load_idx %arg12[%broadcast_in_dim3A_396, %min3A_87] : memref<64x512xf32, #tpu.memory_space<vmem>>[vector<16xi32>, vector<16xi32>], vector<16xf32>,
            %iota3A_398 = tpu.iota {dimensions = array<i32: 0>} : vector<16xi32>
            %broadcast_in_dim3A_399 = arith.constant 30 : i32
            %broadcast_in_dim3A_400 = vector.broadcast %broadcast_in_dim3A_399 : i32 to vector<16xi32>
            %scatter3A_401 = arith.constant 0 : i32
            %scatter3A_402 = arith.constant 0 : i32
            %scatter3A_403 = tpu.memref_slice %arg13[%and3A_65, %scatter3A_401, %scatter3A_402] : memref<8x16x128xf32, #tpu.memory_space<vmem>> -> memref<1x16x128xf32, #tpu.memory_space<vmem>>
            %scatter3A_404 = tpu.memref_squeeze %scatter3A_403 : memref<1x16x128xf32, #tpu.memory_space<vmem>> -> memref<16x128xf32, #tpu.memory_space<vmem>>
            tpu.vector_store_idx %scatter3A_404[%iota3A_398, %broadcast_in_dim3A_400], %gather3A_397 : memref<16x128xf32, #tpu.memory_space<vmem>>[vector<16xi32>, vector<16xi32>], vector<16xf32>,
            %broadcast_in_dim3A_405 = arith.constant 31 : i32
            %broadcast_in_dim3A_406 = vector.broadcast %broadcast_in_dim3A_405 : i32 to vector<16xi32>
            %gather3A_407 = tpu.vector_load_idx %arg12[%broadcast_in_dim3A_406, %min3A_87] : memref<64x512xf32, #tpu.memory_space<vmem>>[vector<16xi32>, vector<16xi32>], vector<16xf32>,
            %iota3A_408 = tpu.iota {dimensions = array<i32: 0>} : vector<16xi32>
            %broadcast_in_dim3A_409 = arith.constant 31 : i32
            %broadcast_in_dim3A_410 = vector.broadcast %broadcast_in_dim3A_409 : i32 to vector<16xi32>
            %scatter3A_411 = arith.constant 0 : i32
            %scatter3A_412 = arith.constant 0 : i32
            %scatter3A_413 = tpu.memref_slice %arg13[%and3A_65, %scatter3A_411, %scatter3A_412] : memref<8x16x128xf32, #tpu.memory_space<vmem>> -> memref<1x16x128xf32, #tpu.memory_space<vmem>>
            %scatter3A_414 = tpu.memref_squeeze %scatter3A_413 : memref<1x16x128xf32, #tpu.memory_space<vmem>> -> memref<16x128xf32, #tpu.memory_space<vmem>>
            tpu.vector_store_idx %scatter3A_414[%iota3A_408, %broadcast_in_dim3A_410], %gather3A_407 : memref<16x128xf32, #tpu.memory_space<vmem>>[vector<16xi32>, vector<16xi32>], vector<16xf32>,
            %broadcast_in_dim3A_415 = arith.constant 32 : i32
            %broadcast_in_dim3A_416 = vector.broadcast %broadcast_in_dim3A_415 : i32 to vector<16xi32>
            %gather3A_417 = tpu.vector_load_idx %arg12[%broadcast_in_dim3A_416, %min3A_87] : memref<64x512xf32, #tpu.memory_space<vmem>>[vector<16xi32>, vector<16xi32>], vector<16xf32>,
            %iota3A_418 = tpu.iota {dimensions = array<i32: 0>} : vector<16xi32>
            %broadcast_in_dim3A_419 = arith.constant 32 : i32
            %broadcast_in_dim3A_420 = vector.broadcast %broadcast_in_dim3A_419 : i32 to vector<16xi32>
            %scatter3A_421 = arith.constant 0 : i32
            %scatter3A_422 = arith.constant 0 : i32
            %scatter3A_423 = tpu.memref_slice %arg13[%and3A_65, %scatter3A_421, %scatter3A_422] : memref<8x16x128xf32, #tpu.memory_space<vmem>> -> memref<1x16x128xf32, #tpu.memory_space<vmem>>
            %scatter3A_424 = tpu.memref_squeeze %scatter3A_423 : memref<1x16x128xf32, #tpu.memory_space<vmem>> -> memref<16x128xf32, #tpu.memory_space<vmem>>
            tpu.vector_store_idx %scatter3A_424[%iota3A_418, %broadcast_in_dim3A_420], %gather3A_417 : memref<16x128xf32, #tpu.memory_space<vmem>>[vector<16xi32>, vector<16xi32>], vector<16xf32>,
            %broadcast_in_dim3A_425 = arith.constant 33 : i32
            %broadcast_in_dim3A_426 = vector.broadcast %broadcast_in_dim3A_425 : i32 to vector<16xi32>
            %gather3A_427 = tpu.vector_load_idx %arg12[%broadcast_in_dim3A_426, %min3A_87] : memref<64x512xf32, #tpu.memory_space<vmem>>[vector<16xi32>, vector<16xi32>], vector<16xf32>,
            %iota3A_428 = tpu.iota {dimensions = array<i32: 0>} : vector<16xi32>
            %broadcast_in_dim3A_429 = arith.constant 33 : i32
            %broadcast_in_dim3A_430 = vector.broadcast %broadcast_in_dim3A_429 : i32 to vector<16xi32>
            %scatter3A_431 = arith.constant 0 : i32
            %scatter3A_432 = arith.constant 0 : i32
            %scatter3A_433 = tpu.memref_slice %arg13[%and3A_65, %scatter3A_431, %scatter3A_432] : memref<8x16x128xf32, #tpu.memory_space<vmem>> -> memref<1x16x128xf32, #tpu.memory_space<vmem>>
            %scatter3A_434 = tpu.memref_squeeze %scatter3A_433 : memref<1x16x128xf32, #tpu.memory_space<vmem>> -> memref<16x128xf32, #tpu.memory_space<vmem>>
            tpu.vector_store_idx %scatter3A_434[%iota3A_428, %broadcast_in_dim3A_430], %gather3A_427 : memref<16x128xf32, #tpu.memory_space<vmem>>[vector<16xi32>, vector<16xi32>], vector<16xf32>,
            %broadcast_in_dim3A_435 = arith.constant 34 : i32
            %broadcast_in_dim3A_436 = vector.broadcast %broadcast_in_dim3A_435 : i32 to vector<16xi32>
            %gather3A_437 = tpu.vector_load_idx %arg12[%broadcast_in_dim3A_436, %min3A_87] : memref<64x512xf32, #tpu.memory_space<vmem>>[vector<16xi32>, vector<16xi32>], vector<16xf32>,
            %iota3A_438 = tpu.iota {dimensions = array<i32: 0>} : vector<16xi32>
            %broadcast_in_dim3A_439 = arith.constant 34 : i32
            %broadcast_in_dim3A_440 = vector.broadcast %broadcast_in_dim3A_439 : i32 to vector<16xi32>
            %scatter3A_441 = arith.constant 0 : i32
            %scatter3A_442 = arith.constant 0 : i32
            %scatter3A_443 = tpu.memref_slice %arg13[%and3A_65, %scatter3A_441, %scatter3A_442] : memref<8x16x128xf32, #tpu.memory_space<vmem>> -> memref<1x16x128xf32, #tpu.memory_space<vmem>>
            %scatter3A_444 = tpu.memref_squeeze %scatter3A_443 : memref<1x16x128xf32, #tpu.memory_space<vmem>> -> memref<16x128xf32, #tpu.memory_space<vmem>>
            tpu.vector_store_idx %scatter3A_444[%iota3A_438, %broadcast_in_dim3A_440], %gather3A_437 : memref<16x128xf32, #tpu.memory_space<vmem>>[vector<16xi32>, vector<16xi32>], vector<16xf32>,
            %broadcast_in_dim3A_445 = arith.constant 35 : i32
            %broadcast_in_dim3A_446 = vector.broadcast %broadcast_in_dim3A_445 : i32 to vector<16xi32>
            %gather3A_447 = tpu.vector_load_idx %arg12[%broadcast_in_dim3A_446, %min3A_87] : memref<64x512xf32, #tpu.memory_space<vmem>>[vector<16xi32>, vector<16xi32>], vector<16xf32>,
            %iota3A_448 = tpu.iota {dimensions = array<i32: 0>} : vector<16xi32>
            %broadcast_in_dim3A_449 = arith.constant 35 : i32
            %broadcast_in_dim3A_450 = vector.broadcast %broadcast_in_dim3A_449 : i32 to vector<16xi32>
            %scatter3A_451 = arith.constant 0 : i32
            %scatter3A_452 = arith.constant 0 : i32
            %scatter3A_453 = tpu.memref_slice %arg13[%and3A_65, %scatter3A_451, %scatter3A_452] : memref<8x16x128xf32, #tpu.memory_space<vmem>> -> memref<1x16x128xf32, #tpu.memory_space<vmem>>
            %scatter3A_454 = tpu.memref_squeeze %scatter3A_453 : memref<1x16x128xf32, #tpu.memory_space<vmem>> -> memref<16x128xf32, #tpu.memory_space<vmem>>
            tpu.vector_store_idx %scatter3A_454[%iota3A_448, %broadcast_in_dim3A_450], %gather3A_447 : memref<16x128xf32, #tpu.memory_space<vmem>>[vector<16xi32>, vector<16xi32>], vector<16xf32>,
            %broadcast_in_dim3A_455 = arith.constant 36 : i32
            %broadcast_in_dim3A_456 = vector.broadcast %broadcast_in_dim3A_455 : i32 to vector<16xi32>
            %gather3A_457 = tpu.vector_load_idx %arg12[%broadcast_in_dim3A_456, %min3A_87] : memref<64x512xf32, #tpu.memory_space<vmem>>[vector<16xi32>, vector<16xi32>], vector<16xf32>,
            %iota3A_458 = tpu.iota {dimensions = array<i32: 0>} : vector<16xi32>
            %broadcast_in_dim3A_459 = arith.constant 36 : i32
            %broadcast_in_dim3A_460 = vector.broadcast %broadcast_in_dim3A_459 : i32 to vector<16xi32>
            %scatter3A_461 = arith.constant 0 : i32
            %scatter3A_462 = arith.constant 0 : i32
            %scatter3A_463 = tpu.memref_slice %arg13[%and3A_65, %scatter3A_461, %scatter3A_462] : memref<8x16x128xf32, #tpu.memory_space<vmem>> -> memref<1x16x128xf32, #tpu.memory_space<vmem>>
            %scatter3A_464 = tpu.memref_squeeze %scatter3A_463 : memref<1x16x128xf32, #tpu.memory_space<vmem>> -> memref<16x128xf32, #tpu.memory_space<vmem>>
            tpu.vector_store_idx %scatter3A_464[%iota3A_458, %broadcast_in_dim3A_460], %gather3A_457 : memref<16x128xf32, #tpu.memory_space<vmem>>[vector<16xi32>, vector<16xi32>], vector<16xf32>,
            %broadcast_in_dim3A_465 = arith.constant 37 : i32
            %broadcast_in_dim3A_466 = vector.broadcast %broadcast_in_dim3A_465 : i32 to vector<16xi32>
            %gather3A_467 = tpu.vector_load_idx %arg12[%broadcast_in_dim3A_466, %min3A_87] : memref<64x512xf32, #tpu.memory_space<vmem>>[vector<16xi32>, vector<16xi32>], vector<16xf32>,
            %iota3A_468 = tpu.iota {dimensions = array<i32: 0>} : vector<16xi32>
            %broadcast_in_dim3A_469 = arith.constant 37 : i32
            %broadcast_in_dim3A_470 = vector.broadcast %broadcast_in_dim3A_469 : i32 to vector<16xi32>
            %scatter3A_471 = arith.constant 0 : i32
            %scatter3A_472 = arith.constant 0 : i32
            %scatter3A_473 = tpu.memref_slice %arg13[%and3A_65, %scatter3A_471, %scatter3A_472] : memref<8x16x128xf32, #tpu.memory_space<vmem>> -> memref<1x16x128xf32, #tpu.memory_space<vmem>>
            %scatter3A_474 = tpu.memref_squeeze %scatter3A_473 : memref<1x16x128xf32, #tpu.memory_space<vmem>> -> memref<16x128xf32, #tpu.memory_space<vmem>>
            tpu.vector_store_idx %scatter3A_474[%iota3A_468, %broadcast_in_dim3A_470], %gather3A_467 : memref<16x128xf32, #tpu.memory_space<vmem>>[vector<16xi32>, vector<16xi32>], vector<16xf32>,
            %broadcast_in_dim3A_475 = arith.constant 38 : i32
            %broadcast_in_dim3A_476 = vector.broadcast %broadcast_in_dim3A_475 : i32 to vector<16xi32>
            %gather3A_477 = tpu.vector_load_idx %arg12[%broadcast_in_dim3A_476, %min3A_87] : memref<64x512xf32, #tpu.memory_space<vmem>>[vector<16xi32>, vector<16xi32>], vector<16xf32>,
            %iota3A_478 = tpu.iota {dimensions = array<i32: 0>} : vector<16xi32>
            %broadcast_in_dim3A_479 = arith.constant 38 : i32
            %broadcast_in_dim3A_480 = vector.broadcast %broadcast_in_dim3A_479 : i32 to vector<16xi32>
            %scatter3A_481 = arith.constant 0 : i32
            %scatter3A_482 = arith.constant 0 : i32
            %scatter3A_483 = tpu.memref_slice %arg13[%and3A_65, %scatter3A_481, %scatter3A_482] : memref<8x16x128xf32, #tpu.memory_space<vmem>> -> memref<1x16x128xf32, #tpu.memory_space<vmem>>
            %scatter3A_484 = tpu.memref_squeeze %scatter3A_483 : memref<1x16x128xf32, #tpu.memory_space<vmem>> -> memref<16x128xf32, #tpu.memory_space<vmem>>
            tpu.vector_store_idx %scatter3A_484[%iota3A_478, %broadcast_in_dim3A_480], %gather3A_477 : memref<16x128xf32, #tpu.memory_space<vmem>>[vector<16xi32>, vector<16xi32>], vector<16xf32>,
            %broadcast_in_dim3A_485 = arith.constant 39 : i32
            %broadcast_in_dim3A_486 = vector.broadcast %broadcast_in_dim3A_485 : i32 to vector<16xi32>
            %gather3A_487 = tpu.vector_load_idx %arg12[%broadcast_in_dim3A_486, %min3A_87] : memref<64x512xf32, #tpu.memory_space<vmem>>[vector<16xi32>, vector<16xi32>], vector<16xf32>,
            %iota3A_488 = tpu.iota {dimensions = array<i32: 0>} : vector<16xi32>
            %broadcast_in_dim3A_489 = arith.constant 39 : i32
            %broadcast_in_dim3A_490 = vector.broadcast %broadcast_in_dim3A_489 : i32 to vector<16xi32>
            %scatter3A_491 = arith.constant 0 : i32
            %scatter3A_492 = arith.constant 0 : i32
            %scatter3A_493 = tpu.memref_slice %arg13[%and3A_65, %scatter3A_491, %scatter3A_492] : memref<8x16x128xf32, #tpu.memory_space<vmem>> -> memref<1x16x128xf32, #tpu.memory_space<vmem>>
            %scatter3A_494 = tpu.memref_squeeze %scatter3A_493 : memref<1x16x128xf32, #tpu.memory_space<vmem>> -> memref<16x128xf32, #tpu.memory_space<vmem>>
            tpu.vector_store_idx %scatter3A_494[%iota3A_488, %broadcast_in_dim3A_490], %gather3A_487 : memref<16x128xf32, #tpu.memory_space<vmem>>[vector<16xi32>, vector<16xi32>], vector<16xf32>,
            %broadcast_in_dim3A_495 = arith.constant 40 : i32
            %broadcast_in_dim3A_496 = vector.broadcast %broadcast_in_dim3A_495 : i32 to vector<16xi32>
            %gather3A_497 = tpu.vector_load_idx %arg12[%broadcast_in_dim3A_496, %min3A_87] : memref<64x512xf32, #tpu.memory_space<vmem>>[vector<16xi32>, vector<16xi32>], vector<16xf32>,
            %iota3A_498 = tpu.iota {dimensions = array<i32: 0>} : vector<16xi32>
            %broadcast_in_dim3A_499 = arith.constant 40 : i32
            %broadcast_in_dim3A_500 = vector.broadcast %broadcast_in_dim3A_499 : i32 to vector<16xi32>
            %scatter3A_501 = arith.constant 0 : i32
            %scatter3A_502 = arith.constant 0 : i32
            %scatter3A_503 = tpu.memref_slice %arg13[%and3A_65, %scatter3A_501, %scatter3A_502] : memref<8x16x128xf32, #tpu.memory_space<vmem>> -> memref<1x16x128xf32, #tpu.memory_space<vmem>>
            %scatter3A_504 = tpu.memref_squeeze %scatter3A_503 : memref<1x16x128xf32, #tpu.memory_space<vmem>> -> memref<16x128xf32, #tpu.memory_space<vmem>>
            tpu.vector_store_idx %scatter3A_504[%iota3A_498, %broadcast_in_dim3A_500], %gather3A_497 : memref<16x128xf32, #tpu.memory_space<vmem>>[vector<16xi32>, vector<16xi32>], vector<16xf32>,
            %broadcast_in_dim3A_505 = arith.constant 41 : i32
            %broadcast_in_dim3A_506 = vector.broadcast %broadcast_in_dim3A_505 : i32 to vector<16xi32>
            %gather3A_507 = tpu.vector_load_idx %arg12[%broadcast_in_dim3A_506, %min3A_87] : memref<64x512xf32, #tpu.memory_space<vmem>>[vector<16xi32>, vector<16xi32>], vector<16xf32>,
            %iota3A_508 = tpu.iota {dimensions = array<i32: 0>} : vector<16xi32>
            %broadcast_in_dim3A_509 = arith.constant 41 : i32
            %broadcast_in_dim3A_510 = vector.broadcast %broadcast_in_dim3A_509 : i32 to vector<16xi32>
            %scatter3A_511 = arith.constant 0 : i32
            %scatter3A_512 = arith.constant 0 : i32
            %scatter3A_513 = tpu.memref_slice %arg13[%and3A_65, %scatter3A_511, %scatter3A_512] : memref<8x16x128xf32, #tpu.memory_space<vmem>> -> memref<1x16x128xf32, #tpu.memory_space<vmem>>
            %scatter3A_514 = tpu.memref_squeeze %scatter3A_513 : memref<1x16x128xf32, #tpu.memory_space<vmem>> -> memref<16x128xf32, #tpu.memory_space<vmem>>
            tpu.vector_store_idx %scatter3A_514[%iota3A_508, %broadcast_in_dim3A_510], %gather3A_507 : memref<16x128xf32, #tpu.memory_space<vmem>>[vector<16xi32>, vector<16xi32>], vector<16xf32>,
            %broadcast_in_dim3A_515 = arith.constant 42 : i32
            %broadcast_in_dim3A_516 = vector.broadcast %broadcast_in_dim3A_515 : i32 to vector<16xi32>
            %gather3A_517 = tpu.vector_load_idx %arg12[%broadcast_in_dim3A_516, %min3A_87] : memref<64x512xf32, #tpu.memory_space<vmem>>[vector<16xi32>, vector<16xi32>], vector<16xf32>,
            %iota3A_518 = tpu.iota {dimensions = array<i32: 0>} : vector<16xi32>
            %broadcast_in_dim3A_519 = arith.constant 42 : i32
            %broadcast_in_dim3A_520 = vector.broadcast %broadcast_in_dim3A_519 : i32 to vector<16xi32>
            %scatter3A_521 = arith.constant 0 : i32
            %scatter3A_522 = arith.constant 0 : i32
            %scatter3A_523 = tpu.memref_slice %arg13[%and3A_65, %scatter3A_521, %scatter3A_522] : memref<8x16x128xf32, #tpu.memory_space<vmem>> -> memref<1x16x128xf32, #tpu.memory_space<vmem>>
            %scatter3A_524 = tpu.memref_squeeze %scatter3A_523 : memref<1x16x128xf32, #tpu.memory_space<vmem>> -> memref<16x128xf32, #tpu.memory_space<vmem>>
            tpu.vector_store_idx %scatter3A_524[%iota3A_518, %broadcast_in_dim3A_520], %gather3A_517 : memref<16x128xf32, #tpu.memory_space<vmem>>[vector<16xi32>, vector<16xi32>], vector<16xf32>,
            %broadcast_in_dim3A_525 = arith.constant 43 : i32
            %broadcast_in_dim3A_526 = vector.broadcast %broadcast_in_dim3A_525 : i32 to vector<16xi32>
            %gather3A_527 = tpu.vector_load_idx %arg12[%broadcast_in_dim3A_526, %min3A_87] : memref<64x512xf32, #tpu.memory_space<vmem>>[vector<16xi32>, vector<16xi32>], vector<16xf32>,
            %iota3A_528 = tpu.iota {dimensions = array<i32: 0>} : vector<16xi32>
            %broadcast_in_dim3A_529 = arith.constant 43 : i32
            %broadcast_in_dim3A_530 = vector.broadcast %broadcast_in_dim3A_529 : i32 to vector<16xi32>
            %scatter3A_531 = arith.constant 0 : i32
            %scatter3A_532 = arith.constant 0 : i32
            %scatter3A_533 = tpu.memref_slice %arg13[%and3A_65, %scatter3A_531, %scatter3A_532] : memref<8x16x128xf32, #tpu.memory_space<vmem>> -> memref<1x16x128xf32, #tpu.memory_space<vmem>>
            %scatter3A_534 = tpu.memref_squeeze %scatter3A_533 : memref<1x16x128xf32, #tpu.memory_space<vmem>> -> memref<16x128xf32, #tpu.memory_space<vmem>>
            tpu.vector_store_idx %scatter3A_534[%iota3A_528, %broadcast_in_dim3A_530], %gather3A_527 : memref<16x128xf32, #tpu.memory_space<vmem>>[vector<16xi32>, vector<16xi32>], vector<16xf32>,
            %broadcast_in_dim3A_535 = arith.constant 44 : i32
            %broadcast_in_dim3A_536 = vector.broadcast %broadcast_in_dim3A_535 : i32 to vector<16xi32>
            %gather3A_537 = tpu.vector_load_idx %arg12[%broadcast_in_dim3A_536, %min3A_87] : memref<64x512xf32, #tpu.memory_space<vmem>>[vector<16xi32>, vector<16xi32>], vector<16xf32>,
            %iota3A_538 = tpu.iota {dimensions = array<i32: 0>} : vector<16xi32>
            %broadcast_in_dim3A_539 = arith.constant 44 : i32
            %broadcast_in_dim3A_540 = vector.broadcast %broadcast_in_dim3A_539 : i32 to vector<16xi32>
            %scatter3A_541 = arith.constant 0 : i32
            %scatter3A_542 = arith.constant 0 : i32
            %scatter3A_543 = tpu.memref_slice %arg13[%and3A_65, %scatter3A_541, %scatter3A_542] : memref<8x16x128xf32, #tpu.memory_space<vmem>> -> memref<1x16x128xf32, #tpu.memory_space<vmem>>
            %scatter3A_544 = tpu.memref_squeeze %scatter3A_543 : memref<1x16x128xf32, #tpu.memory_space<vmem>> -> memref<16x128xf32, #tpu.memory_space<vmem>>
            tpu.vector_store_idx %scatter3A_544[%iota3A_538, %broadcast_in_dim3A_540], %gather3A_537 : memref<16x128xf32, #tpu.memory_space<vmem>>[vector<16xi32>, vector<16xi32>], vector<16xf32>,
            %broadcast_in_dim3A_545 = arith.constant 45 : i32
            %broadcast_in_dim3A_546 = vector.broadcast %broadcast_in_dim3A_545 : i32 to vector<16xi32>
            %gather3A_547 = tpu.vector_load_idx %arg12[%broadcast_in_dim3A_546, %min3A_87] : memref<64x512xf32, #tpu.memory_space<vmem>>[vector<16xi32>, vector<16xi32>], vector<16xf32>,
            %iota3A_548 = tpu.iota {dimensions = array<i32: 0>} : vector<16xi32>
            %broadcast_in_dim3A_549 = arith.constant 45 : i32
            %broadcast_in_dim3A_550 = vector.broadcast %broadcast_in_dim3A_549 : i32 to vector<16xi32>
            %scatter3A_551 = arith.constant 0 : i32
            %scatter3A_552 = arith.constant 0 : i32
            %scatter3A_553 = tpu.memref_slice %arg13[%and3A_65, %scatter3A_551, %scatter3A_552] : memref<8x16x128xf32, #tpu.memory_space<vmem>> -> memref<1x16x128xf32, #tpu.memory_space<vmem>>
            %scatter3A_554 = tpu.memref_squeeze %scatter3A_553 : memref<1x16x128xf32, #tpu.memory_space<vmem>> -> memref<16x128xf32, #tpu.memory_space<vmem>>
            tpu.vector_store_idx %scatter3A_554[%iota3A_548, %broadcast_in_dim3A_550], %gather3A_547 : memref<16x128xf32, #tpu.memory_space<vmem>>[vector<16xi32>, vector<16xi32>], vector<16xf32>,
            %broadcast_in_dim3A_555 = arith.constant 46 : i32
            %broadcast_in_dim3A_556 = vector.broadcast %broadcast_in_dim3A_555 : i32 to vector<16xi32>
            %gather3A_557 = tpu.vector_load_idx %arg12[%broadcast_in_dim3A_556, %min3A_87] : memref<64x512xf32, #tpu.memory_space<vmem>>[vector<16xi32>, vector<16xi32>], vector<16xf32>,
            %iota3A_558 = tpu.iota {dimensions = array<i32: 0>} : vector<16xi32>
            %broadcast_in_dim3A_559 = arith.constant 46 : i32
            %broadcast_in_dim3A_560 = vector.broadcast %broadcast_in_dim3A_559 : i32 to vector<16xi32>
            %scatter3A_561 = arith.constant 0 : i32
            %scatter3A_562 = arith.constant 0 : i32
            %scatter3A_563 = tpu.memref_slice %arg13[%and3A_65, %scatter3A_561, %scatter3A_562] : memref<8x16x128xf32, #tpu.memory_space<vmem>> -> memref<1x16x128xf32, #tpu.memory_space<vmem>>
            %scatter3A_564 = tpu.memref_squeeze %scatter3A_563 : memref<1x16x128xf32, #tpu.memory_space<vmem>> -> memref<16x128xf32, #tpu.memory_space<vmem>>
            tpu.vector_store_idx %scatter3A_564[%iota3A_558, %broadcast_in_dim3A_560], %gather3A_557 : memref<16x128xf32, #tpu.memory_space<vmem>>[vector<16xi32>, vector<16xi32>], vector<16xf32>,
            %broadcast_in_dim3A_565 = arith.constant 47 : i32
            %broadcast_in_dim3A_566 = vector.broadcast %broadcast_in_dim3A_565 : i32 to vector<16xi32>
            %gather3A_567 = tpu.vector_load_idx %arg12[%broadcast_in_dim3A_566, %min3A_87] : memref<64x512xf32, #tpu.memory_space<vmem>>[vector<16xi32>, vector<16xi32>], vector<16xf32>,
            %iota3A_568 = tpu.iota {dimensions = array<i32: 0>} : vector<16xi32>
            %broadcast_in_dim3A_569 = arith.constant 47 : i32
            %broadcast_in_dim3A_570 = vector.broadcast %broadcast_in_dim3A_569 : i32 to vector<16xi32>
            %scatter3A_571 = arith.constant 0 : i32
            %scatter3A_572 = arith.constant 0 : i32
            %scatter3A_573 = tpu.memref_slice %arg13[%and3A_65, %scatter3A_571, %scatter3A_572] : memref<8x16x128xf32, #tpu.memory_space<vmem>> -> memref<1x16x128xf32, #tpu.memory_space<vmem>>
            %scatter3A_574 = tpu.memref_squeeze %scatter3A_573 : memref<1x16x128xf32, #tpu.memory_space<vmem>> -> memref<16x128xf32, #tpu.memory_space<vmem>>
            tpu.vector_store_idx %scatter3A_574[%iota3A_568, %broadcast_in_dim3A_570], %gather3A_567 : memref<16x128xf32, #tpu.memory_space<vmem>>[vector<16xi32>, vector<16xi32>], vector<16xf32>,
            %broadcast_in_dim3A_575 = arith.constant 48 : i32
            %broadcast_in_dim3A_576 = vector.broadcast %broadcast_in_dim3A_575 : i32 to vector<16xi32>
            %gather3A_577 = tpu.vector_load_idx %arg12[%broadcast_in_dim3A_576, %min3A_87] : memref<64x512xf32, #tpu.memory_space<vmem>>[vector<16xi32>, vector<16xi32>], vector<16xf32>,
            %iota3A_578 = tpu.iota {dimensions = array<i32: 0>} : vector<16xi32>
            %broadcast_in_dim3A_579 = arith.constant 48 : i32
            %broadcast_in_dim3A_580 = vector.broadcast %broadcast_in_dim3A_579 : i32 to vector<16xi32>
            %scatter3A_581 = arith.constant 0 : i32
            %scatter3A_582 = arith.constant 0 : i32
            %scatter3A_583 = tpu.memref_slice %arg13[%and3A_65, %scatter3A_581, %scatter3A_582] : memref<8x16x128xf32, #tpu.memory_space<vmem>> -> memref<1x16x128xf32, #tpu.memory_space<vmem>>
            %scatter3A_584 = tpu.memref_squeeze %scatter3A_583 : memref<1x16x128xf32, #tpu.memory_space<vmem>> -> memref<16x128xf32, #tpu.memory_space<vmem>>
            tpu.vector_store_idx %scatter3A_584[%iota3A_578, %broadcast_in_dim3A_580], %gather3A_577 : memref<16x128xf32, #tpu.memory_space<vmem>>[vector<16xi32>, vector<16xi32>], vector<16xf32>,
            %broadcast_in_dim3A_585 = arith.constant 49 : i32
            %broadcast_in_dim3A_586 = vector.broadcast %broadcast_in_dim3A_585 : i32 to vector<16xi32>
            %gather3A_587 = tpu.vector_load_idx %arg12[%broadcast_in_dim3A_586, %min3A_87] : memref<64x512xf32, #tpu.memory_space<vmem>>[vector<16xi32>, vector<16xi32>], vector<16xf32>,
            %iota3A_588 = tpu.iota {dimensions = array<i32: 0>} : vector<16xi32>
            %broadcast_in_dim3A_589 = arith.constant 49 : i32
            %broadcast_in_dim3A_590 = vector.broadcast %broadcast_in_dim3A_589 : i32 to vector<16xi32>
            %scatter3A_591 = arith.constant 0 : i32
            %scatter3A_592 = arith.constant 0 : i32
            %scatter3A_593 = tpu.memref_slice %arg13[%and3A_65, %scatter3A_591, %scatter3A_592] : memref<8x16x128xf32, #tpu.memory_space<vmem>> -> memref<1x16x128xf32, #tpu.memory_space<vmem>>
            %scatter3A_594 = tpu.memref_squeeze %scatter3A_593 : memref<1x16x128xf32, #tpu.memory_space<vmem>> -> memref<16x128xf32, #tpu.memory_space<vmem>>
            tpu.vector_store_idx %scatter3A_594[%iota3A_588, %broadcast_in_dim3A_590], %gather3A_587 : memref<16x128xf32, #tpu.memory_space<vmem>>[vector<16xi32>, vector<16xi32>], vector<16xf32>,
            %broadcast_in_dim3A_595 = arith.constant 50 : i32
            %broadcast_in_dim3A_596 = vector.broadcast %broadcast_in_dim3A_595 : i32 to vector<16xi32>
            %gather3A_597 = tpu.vector_load_idx %arg12[%broadcast_in_dim3A_596, %min3A_87] : memref<64x512xf32, #tpu.memory_space<vmem>>[vector<16xi32>, vector<16xi32>], vector<16xf32>,
            %iota3A_598 = tpu.iota {dimensions = array<i32: 0>} : vector<16xi32>
            %broadcast_in_dim3A_599 = arith.constant 50 : i32
            %broadcast_in_dim3A_600 = vector.broadcast %broadcast_in_dim3A_599 : i32 to vector<16xi32>
            %scatter3A_601 = arith.constant 0 : i32
            %scatter3A_602 = arith.constant 0 : i32
            %scatter3A_603 = tpu.memref_slice %arg13[%and3A_65, %scatter3A_601, %scatter3A_602] : memref<8x16x128xf32, #tpu.memory_space<vmem>> -> memref<1x16x128xf32, #tpu.memory_space<vmem>>
            %scatter3A_604 = tpu.memref_squeeze %scatter3A_603 : memref<1x16x128xf32, #tpu.memory_space<vmem>> -> memref<16x128xf32, #tpu.memory_space<vmem>>
            tpu.vector_store_idx %scatter3A_604[%iota3A_598, %broadcast_in_dim3A_600], %gather3A_597 : memref<16x128xf32, #tpu.memory_space<vmem>>[vector<16xi32>, vector<16xi32>], vector<16xf32>,
            %broadcast_in_dim3A_605 = arith.constant 51 : i32
            %broadcast_in_dim3A_606 = vector.broadcast %broadcast_in_dim3A_605 : i32 to vector<16xi32>
            %gather3A_607 = tpu.vector_load_idx %arg12[%broadcast_in_dim3A_606, %min3A_87] : memref<64x512xf32, #tpu.memory_space<vmem>>[vector<16xi32>, vector<16xi32>], vector<16xf32>,
            %iota3A_608 = tpu.iota {dimensions = array<i32: 0>} : vector<16xi32>
            %broadcast_in_dim3A_609 = arith.constant 51 : i32
            %broadcast_in_dim3A_610 = vector.broadcast %broadcast_in_dim3A_609 : i32 to vector<16xi32>
            %scatter3A_611 = arith.constant 0 : i32
            %scatter3A_612 = arith.constant 0 : i32
            %scatter3A_613 = tpu.memref_slice %arg13[%and3A_65, %scatter3A_611, %scatter3A_612] : memref<8x16x128xf32, #tpu.memory_space<vmem>> -> memref<1x16x128xf32, #tpu.memory_space<vmem>>
            %scatter3A_614 = tpu.memref_squeeze %scatter3A_613 : memref<1x16x128xf32, #tpu.memory_space<vmem>> -> memref<16x128xf32, #tpu.memory_space<vmem>>
            tpu.vector_store_idx %scatter3A_614[%iota3A_608, %broadcast_in_dim3A_610], %gather3A_607 : memref<16x128xf32, #tpu.memory_space<vmem>>[vector<16xi32>, vector<16xi32>], vector<16xf32>,
            %broadcast_in_dim3A_615 = arith.constant 52 : i32
            %broadcast_in_dim3A_616 = vector.broadcast %broadcast_in_dim3A_615 : i32 to vector<16xi32>
            %gather3A_617 = tpu.vector_load_idx %arg12[%broadcast_in_dim3A_616, %min3A_87] : memref<64x512xf32, #tpu.memory_space<vmem>>[vector<16xi32>, vector<16xi32>], vector<16xf32>,
            %iota3A_618 = tpu.iota {dimensions = array<i32: 0>} : vector<16xi32>
            %broadcast_in_dim3A_619 = arith.constant 52 : i32
            %broadcast_in_dim3A_620 = vector.broadcast %broadcast_in_dim3A_619 : i32 to vector<16xi32>
            %scatter3A_621 = arith.constant 0 : i32
            %scatter3A_622 = arith.constant 0 : i32
            %scatter3A_623 = tpu.memref_slice %arg13[%and3A_65, %scatter3A_621, %scatter3A_622] : memref<8x16x128xf32, #tpu.memory_space<vmem>> -> memref<1x16x128xf32, #tpu.memory_space<vmem>>
            %scatter3A_624 = tpu.memref_squeeze %scatter3A_623 : memref<1x16x128xf32, #tpu.memory_space<vmem>> -> memref<16x128xf32, #tpu.memory_space<vmem>>
            tpu.vector_store_idx %scatter3A_624[%iota3A_618, %broadcast_in_dim3A_620], %gather3A_617 : memref<16x128xf32, #tpu.memory_space<vmem>>[vector<16xi32>, vector<16xi32>], vector<16xf32>,
            %broadcast_in_dim3A_625 = arith.constant 53 : i32
            %broadcast_in_dim3A_626 = vector.broadcast %broadcast_in_dim3A_625 : i32 to vector<16xi32>
            %gather3A_627 = tpu.vector_load_idx %arg12[%broadcast_in_dim3A_626, %min3A_87] : memref<64x512xf32, #tpu.memory_space<vmem>>[vector<16xi32>, vector<16xi32>], vector<16xf32>,
            %iota3A_628 = tpu.iota {dimensions = array<i32: 0>} : vector<16xi32>
            %broadcast_in_dim3A_629 = arith.constant 53 : i32
            %broadcast_in_dim3A_630 = vector.broadcast %broadcast_in_dim3A_629 : i32 to vector<16xi32>
            %scatter3A_631 = arith.constant 0 : i32
            %scatter3A_632 = arith.constant 0 : i32
            %scatter3A_633 = tpu.memref_slice %arg13[%and3A_65, %scatter3A_631, %scatter3A_632] : memref<8x16x128xf32, #tpu.memory_space<vmem>> -> memref<1x16x128xf32, #tpu.memory_space<vmem>>
            %scatter3A_634 = tpu.memref_squeeze %scatter3A_633 : memref<1x16x128xf32, #tpu.memory_space<vmem>> -> memref<16x128xf32, #tpu.memory_space<vmem>>
            tpu.vector_store_idx %scatter3A_634[%iota3A_628, %broadcast_in_dim3A_630], %gather3A_627 : memref<16x128xf32, #tpu.memory_space<vmem>>[vector<16xi32>, vector<16xi32>], vector<16xf32>,
            %broadcast_in_dim3A_635 = arith.constant 54 : i32
            %broadcast_in_dim3A_636 = vector.broadcast %broadcast_in_dim3A_635 : i32 to vector<16xi32>
            %gather3A_637 = tpu.vector_load_idx %arg12[%broadcast_in_dim3A_636, %min3A_87] : memref<64x512xf32, #tpu.memory_space<vmem>>[vector<16xi32>, vector<16xi32>], vector<16xf32>,
            %iota3A_638 = tpu.iota {dimensions = array<i32: 0>} : vector<16xi32>
            %broadcast_in_dim3A_639 = arith.constant 54 : i32
            %broadcast_in_dim3A_640 = vector.broadcast %broadcast_in_dim3A_639 : i32 to vector<16xi32>
            %scatter3A_641 = arith.constant 0 : i32
            %scatter3A_642 = arith.constant 0 : i32
            %scatter3A_643 = tpu.memref_slice %arg13[%and3A_65, %scatter3A_641, %scatter3A_642] : memref<8x16x128xf32, #tpu.memory_space<vmem>> -> memref<1x16x128xf32, #tpu.memory_space<vmem>>
            %scatter3A_644 = tpu.memref_squeeze %scatter3A_643 : memref<1x16x128xf32, #tpu.memory_space<vmem>> -> memref<16x128xf32, #tpu.memory_space<vmem>>
            tpu.vector_store_idx %scatter3A_644[%iota3A_638, %broadcast_in_dim3A_640], %gather3A_637 : memref<16x128xf32, #tpu.memory_space<vmem>>[vector<16xi32>, vector<16xi32>], vector<16xf32>,
            %broadcast_in_dim3A_645 = arith.constant 55 : i32
            %broadcast_in_dim3A_646 = vector.broadcast %broadcast_in_dim3A_645 : i32 to vector<16xi32>
            %gather3A_647 = tpu.vector_load_idx %arg12[%broadcast_in_dim3A_646, %min3A_87] : memref<64x512xf32, #tpu.memory_space<vmem>>[vector<16xi32>, vector<16xi32>], vector<16xf32>,
            %iota3A_648 = tpu.iota {dimensions = array<i32: 0>} : vector<16xi32>
            %broadcast_in_dim3A_649 = arith.constant 55 : i32
            %broadcast_in_dim3A_650 = vector.broadcast %broadcast_in_dim3A_649 : i32 to vector<16xi32>
            %scatter3A_651 = arith.constant 0 : i32
            %scatter3A_652 = arith.constant 0 : i32
            %scatter3A_653 = tpu.memref_slice %arg13[%and3A_65, %scatter3A_651, %scatter3A_652] : memref<8x16x128xf32, #tpu.memory_space<vmem>> -> memref<1x16x128xf32, #tpu.memory_space<vmem>>
            %scatter3A_654 = tpu.memref_squeeze %scatter3A_653 : memref<1x16x128xf32, #tpu.memory_space<vmem>> -> memref<16x128xf32, #tpu.memory_space<vmem>>
            tpu.vector_store_idx %scatter3A_654[%iota3A_648, %broadcast_in_dim3A_650], %gather3A_647 : memref<16x128xf32, #tpu.memory_space<vmem>>[vector<16xi32>, vector<16xi32>], vector<16xf32>,
            %broadcast_in_dim3A_655 = arith.constant 56 : i32
            %broadcast_in_dim3A_656 = vector.broadcast %broadcast_in_dim3A_655 : i32 to vector<16xi32>
            %gather3A_657 = tpu.vector_load_idx %arg12[%broadcast_in_dim3A_656, %min3A_87] : memref<64x512xf32, #tpu.memory_space<vmem>>[vector<16xi32>, vector<16xi32>], vector<16xf32>,
            %iota3A_658 = tpu.iota {dimensions = array<i32: 0>} : vector<16xi32>
            %broadcast_in_dim3A_659 = arith.constant 56 : i32
            %broadcast_in_dim3A_660 = vector.broadcast %broadcast_in_dim3A_659 : i32 to vector<16xi32>
            %scatter3A_661 = arith.constant 0 : i32
            %scatter3A_662 = arith.constant 0 : i32
            %scatter3A_663 = tpu.memref_slice %arg13[%and3A_65, %scatter3A_661, %scatter3A_662] : memref<8x16x128xf32, #tpu.memory_space<vmem>> -> memref<1x16x128xf32, #tpu.memory_space<vmem>>
            %scatter3A_664 = tpu.memref_squeeze %scatter3A_663 : memref<1x16x128xf32, #tpu.memory_space<vmem>> -> memref<16x128xf32, #tpu.memory_space<vmem>>
            tpu.vector_store_idx %scatter3A_664[%iota3A_658, %broadcast_in_dim3A_660], %gather3A_657 : memref<16x128xf32, #tpu.memory_space<vmem>>[vector<16xi32>, vector<16xi32>], vector<16xf32>,
            %broadcast_in_dim3A_665 = arith.constant 57 : i32
            %broadcast_in_dim3A_666 = vector.broadcast %broadcast_in_dim3A_665 : i32 to vector<16xi32>
            %gather3A_667 = tpu.vector_load_idx %arg12[%broadcast_in_dim3A_666, %min3A_87] : memref<64x512xf32, #tpu.memory_space<vmem>>[vector<16xi32>, vector<16xi32>], vector<16xf32>,
            %iota3A_668 = tpu.iota {dimensions = array<i32: 0>} : vector<16xi32>
            %broadcast_in_dim3A_669 = arith.constant 57 : i32
            %broadcast_in_dim3A_670 = vector.broadcast %broadcast_in_dim3A_669 : i32 to vector<16xi32>
            %scatter3A_671 = arith.constant 0 : i32
            %scatter3A_672 = arith.constant 0 : i32
            %scatter3A_673 = tpu.memref_slice %arg13[%and3A_65, %scatter3A_671, %scatter3A_672] : memref<8x16x128xf32, #tpu.memory_space<vmem>> -> memref<1x16x128xf32, #tpu.memory_space<vmem>>
            %scatter3A_674 = tpu.memref_squeeze %scatter3A_673 : memref<1x16x128xf32, #tpu.memory_space<vmem>> -> memref<16x128xf32, #tpu.memory_space<vmem>>
            tpu.vector_store_idx %scatter3A_674[%iota3A_668, %broadcast_in_dim3A_670], %gather3A_667 : memref<16x128xf32, #tpu.memory_space<vmem>>[vector<16xi32>, vector<16xi32>], vector<16xf32>,
            %broadcast_in_dim3A_675 = arith.constant 58 : i32
            %broadcast_in_dim3A_676 = vector.broadcast %broadcast_in_dim3A_675 : i32 to vector<16xi32>
            %gather3A_677 = tpu.vector_load_idx %arg12[%broadcast_in_dim3A_676, %min3A_87] : memref<64x512xf32, #tpu.memory_space<vmem>>[vector<16xi32>, vector<16xi32>], vector<16xf32>,
            %iota3A_678 = tpu.iota {dimensions = array<i32: 0>} : vector<16xi32>
            %broadcast_in_dim3A_679 = arith.constant 58 : i32
            %broadcast_in_dim3A_680 = vector.broadcast %broadcast_in_dim3A_679 : i32 to vector<16xi32>
            %scatter3A_681 = arith.constant 0 : i32
            %scatter3A_682 = arith.constant 0 : i32
            %scatter3A_683 = tpu.memref_slice %arg13[%and3A_65, %scatter3A_681, %scatter3A_682] : memref<8x16x128xf32, #tpu.memory_space<vmem>> -> memref<1x16x128xf32, #tpu.memory_space<vmem>>
            %scatter3A_684 = tpu.memref_squeeze %scatter3A_683 : memref<1x16x128xf32, #tpu.memory_space<vmem>> -> memref<16x128xf32, #tpu.memory_space<vmem>>
            tpu.vector_store_idx %scatter3A_684[%iota3A_678, %broadcast_in_dim3A_680], %gather3A_677 : memref<16x128xf32, #tpu.memory_space<vmem>>[vector<16xi32>, vector<16xi32>], vector<16xf32>,
            %broadcast_in_dim3A_685 = arith.constant 59 : i32
            %broadcast_in_dim3A_686 = vector.broadcast %broadcast_in_dim3A_685 : i32 to vector<16xi32>
            %gather3A_687 = tpu.vector_load_idx %arg12[%broadcast_in_dim3A_686, %min3A_87] : memref<64x512xf32, #tpu.memory_space<vmem>>[vector<16xi32>, vector<16xi32>], vector<16xf32>,
            %iota3A_688 = tpu.iota {dimensions = array<i32: 0>} : vector<16xi32>
            %broadcast_in_dim3A_689 = arith.constant 59 : i32
            %broadcast_in_dim3A_690 = vector.broadcast %broadcast_in_dim3A_689 : i32 to vector<16xi32>
            %scatter3A_691 = arith.constant 0 : i32
            %scatter3A_692 = arith.constant 0 : i32
            %scatter3A_693 = tpu.memref_slice %arg13[%and3A_65, %scatter3A_691, %scatter3A_692] : memref<8x16x128xf32, #tpu.memory_space<vmem>> -> memref<1x16x128xf32, #tpu.memory_space<vmem>>
            %scatter3A_694 = tpu.memref_squeeze %scatter3A_693 : memref<1x16x128xf32, #tpu.memory_space<vmem>> -> memref<16x128xf32, #tpu.memory_space<vmem>>
            tpu.vector_store_idx %scatter3A_694[%iota3A_688, %broadcast_in_dim3A_690], %gather3A_687 : memref<16x128xf32, #tpu.memory_space<vmem>>[vector<16xi32>, vector<16xi32>], vector<16xf32>,
            %broadcast_in_dim3A_695 = arith.constant 60 : i32
            %broadcast_in_dim3A_696 = vector.broadcast %broadcast_in_dim3A_695 : i32 to vector<16xi32>
            %gather3A_697 = tpu.vector_load_idx %arg12[%broadcast_in_dim3A_696, %min3A_87] : memref<64x512xf32, #tpu.memory_space<vmem>>[vector<16xi32>, vector<16xi32>], vector<16xf32>,
            %iota3A_698 = tpu.iota {dimensions = array<i32: 0>} : vector<16xi32>
            %broadcast_in_dim3A_699 = arith.constant 60 : i32
            %broadcast_in_dim3A_700 = vector.broadcast %broadcast_in_dim3A_699 : i32 to vector<16xi32>
            %scatter3A_701 = arith.constant 0 : i32
            %scatter3A_702 = arith.constant 0 : i32
            %scatter3A_703 = tpu.memref_slice %arg13[%and3A_65, %scatter3A_701, %scatter3A_702] : memref<8x16x128xf32, #tpu.memory_space<vmem>> -> memref<1x16x128xf32, #tpu.memory_space<vmem>>
            %scatter3A_704 = tpu.memref_squeeze %scatter3A_703 : memref<1x16x128xf32, #tpu.memory_space<vmem>> -> memref<16x128xf32, #tpu.memory_space<vmem>>
            tpu.vector_store_idx %scatter3A_704[%iota3A_698, %broadcast_in_dim3A_700], %gather3A_697 : memref<16x128xf32, #tpu.memory_space<vmem>>[vector<16xi32>, vector<16xi32>], vector<16xf32>,
            %broadcast_in_dim3A_705 = arith.constant 61 : i32
            %broadcast_in_dim3A_706 = vector.broadcast %broadcast_in_dim3A_705 : i32 to vector<16xi32>
            %gather3A_707 = tpu.vector_load_idx %arg12[%broadcast_in_dim3A_706, %min3A_87] : memref<64x512xf32, #tpu.memory_space<vmem>>[vector<16xi32>, vector<16xi32>], vector<16xf32>,
            %iota3A_708 = tpu.iota {dimensions = array<i32: 0>} : vector<16xi32>
            %broadcast_in_dim3A_709 = arith.constant 61 : i32
            %broadcast_in_dim3A_710 = vector.broadcast %broadcast_in_dim3A_709 : i32 to vector<16xi32>
            %scatter3A_711 = arith.constant 0 : i32
            %scatter3A_712 = arith.constant 0 : i32
            %scatter3A_713 = tpu.memref_slice %arg13[%and3A_65, %scatter3A_711, %scatter3A_712] : memref<8x16x128xf32, #tpu.memory_space<vmem>> -> memref<1x16x128xf32, #tpu.memory_space<vmem>>
            %scatter3A_714 = tpu.memref_squeeze %scatter3A_713 : memref<1x16x128xf32, #tpu.memory_space<vmem>> -> memref<16x128xf32, #tpu.memory_space<vmem>>
            tpu.vector_store_idx %scatter3A_714[%iota3A_708, %broadcast_in_dim3A_710], %gather3A_707 : memref<16x128xf32, #tpu.memory_space<vmem>>[vector<16xi32>, vector<16xi32>], vector<16xf32>,
            %broadcast_in_dim3A_715 = arith.constant 62 : i32
            %broadcast_in_dim3A_716 = vector.broadcast %broadcast_in_dim3A_715 : i32 to vector<16xi32>
            %gather3A_717 = tpu.vector_load_idx %arg12[%broadcast_in_dim3A_716, %min3A_87] : memref<64x512xf32, #tpu.memory_space<vmem>>[vector<16xi32>, vector<16xi32>], vector<16xf32>,
            %iota3A_718 = tpu.iota {dimensions = array<i32: 0>} : vector<16xi32>
            %broadcast_in_dim3A_719 = arith.constant 62 : i32
            %broadcast_in_dim3A_720 = vector.broadcast %broadcast_in_dim3A_719 : i32 to vector<16xi32>
            %scatter3A_721 = arith.constant 0 : i32
            %scatter3A_722 = arith.constant 0 : i32
            %scatter3A_723 = tpu.memref_slice %arg13[%and3A_65, %scatter3A_721, %scatter3A_722] : memref<8x16x128xf32, #tpu.memory_space<vmem>> -> memref<1x16x128xf32, #tpu.memory_space<vmem>>
            %scatter3A_724 = tpu.memref_squeeze %scatter3A_723 : memref<1x16x128xf32, #tpu.memory_space<vmem>> -> memref<16x128xf32, #tpu.memory_space<vmem>>
            tpu.vector_store_idx %scatter3A_724[%iota3A_718, %broadcast_in_dim3A_720], %gather3A_717 : memref<16x128xf32, #tpu.memory_space<vmem>>[vector<16xi32>, vector<16xi32>], vector<16xf32>,
            %broadcast_in_dim3A_725 = arith.constant 63 : i32
            %broadcast_in_dim3A_726 = vector.broadcast %broadcast_in_dim3A_725 : i32 to vector<16xi32>
            %gather3A_727 = tpu.vector_load_idx %arg12[%broadcast_in_dim3A_726, %min3A_87] : memref<64x512xf32, #tpu.memory_space<vmem>>[vector<16xi32>, vector<16xi32>], vector<16xf32>,
            %iota3A_728 = tpu.iota {dimensions = array<i32: 0>} : vector<16xi32>
            %broadcast_in_dim3A_729 = arith.constant 63 : i32
            %broadcast_in_dim3A_730 = vector.broadcast %broadcast_in_dim3A_729 : i32 to vector<16xi32>
            %scatter3A_731 = arith.constant 0 : i32
            %scatter3A_732 = arith.constant 0 : i32
            %scatter3A_733 = tpu.memref_slice %arg13[%and3A_65, %scatter3A_731, %scatter3A_732] : memref<8x16x128xf32, #tpu.memory_space<vmem>> -> memref<1x16x128xf32, #tpu.memory_space<vmem>>
            %scatter3A_734 = tpu.memref_squeeze %scatter3A_733 : memref<1x16x128xf32, #tpu.memory_space<vmem>> -> memref<16x128xf32, #tpu.memory_space<vmem>>
            tpu.vector_store_idx %scatter3A_734[%iota3A_728, %broadcast_in_dim3A_730], %gather3A_727 : memref<16x128xf32, #tpu.memory_space<vmem>>[vector<16xi32>, vector<16xi32>], vector<16xf32>,
            %dma_start3A_735 = arith.constant 0 : i32
            %dma_start3A_736 = arith.constant 0 : i32
            %dma_start3A_737 = tpu.memref_slice %arg13[%and3A_65, %dma_start3A_735, %dma_start3A_736] : memref<8x16x128xf32, #tpu.memory_space<vmem>> -> memref<1x16x128xf32, #tpu.memory_space<vmem>>
            %dma_start3A_738 = tpu.memref_squeeze %dma_start3A_737 : memref<1x16x128xf32, #tpu.memory_space<vmem>> -> memref<16x128xf32, #tpu.memory_space<vmem>>
            %dma_start3A_739 = arith.constant 0 : i32
            %dma_start3A_740 = tpu.memref_slice %arg14[%and3A_65, %dma_start3A_739] : memref<8x16xi32, #tpu.memory_space<vmem>> -> memref<1x16xi32, #tpu.memory_space<vmem>>
            %dma_start3A_741 = tpu.memref_squeeze %dma_start3A_740 : memref<1x16xi32, #tpu.memory_space<vmem>> -> memref<16xi32, #tpu.memory_space<vmem>>
            %dma_start3A_742 = arith.constant 0 : i32
            %dma_start3A_743 = arith.constant 0 : i32
            %dma_start3A_744 = tpu.memref_slice %arg7[%dma_start3A_742, %dma_start3A_743] : memref<65568x128xf32, #tpu.memory_space<hbm>> -> memref<65568x128xf32, #tpu.memory_space<hbm>>
            tpu.enqueue_indirect_dma source(%dma_start3A_738 : memref<16x128xf32, #tpu.memory_space<vmem>>) target(%dma_start3A_744 : memref<65568x128xf32, #tpu.memory_space<hbm>>) offsets(%dma_start3A_741 : memref<16xi32, #tpu.memory_space<vmem>>) semaphore(%arg16 : memref<!tpu.dma_semaphore, #tpu.memory_space<semaphore_mem>>)
          }
          %min3A = arith.constant 8 : i32
          %min3A_53 = arith.minsi %div3A_20, %min3A : i32
          %while3A_54 = arith.constant 0 : i32
          %while3A_55 = arith.constant 0 : i32
          %while3A_56 = arith.subi %min3A_53, %while3A_55 : i32
          %while3A_57 = arith.addi %while3A_55, %while3A_56 : i32
          %while3A_58 = arith.constant 1 : i32
          %while3A_59 = arith.divsi %while3A_56, %while3A_58 : i32
          %while3A_60 = arith.muli %while3A_59, %while3A_58 : i32
          %while3A_61 = arith.addi %while3A_55, %while3A_60 : i32
          %while3A_62 = arith.constant 1 : i32
          scf.for %while3A_64 = %while3A_55 to %while3A_61 step %while3A_62  : i32 {
            %dma_wait3A_65 = arith.constant 0 : i32
            %dma_wait3A_66 = arith.constant 0 : i32
            %dma_wait3A_67 = arith.constant 0 : i32
            %dma_wait3A_68 = tpu.memref_slice %arg13[%dma_wait3A_65, %dma_wait3A_66, %dma_wait3A_67] : memref<8x16x128xf32, #tpu.memory_space<vmem>> -> memref<1x16x128xf32, #tpu.memory_space<vmem>>
            %dma_wait3A_69 = tpu.memref_squeeze %dma_wait3A_68 : memref<1x16x128xf32, #tpu.memory_space<vmem>> -> memref<16x128xf32, #tpu.memory_space<vmem>>
            %dma_wait3A_70 = arith.constant 0 : i32
            %dma_wait3A_71 = arith.constant 0 : i32
            %dma_wait3A_72 = tpu.memref_slice %arg7[%dma_wait3A_70, %dma_wait3A_71] : memref<65568x128xf32, #tpu.memory_space<hbm>> -> memref<16x128xf32, #tpu.memory_space<hbm>>
            %dma_wait3A_73 = arith.constant 0 : i32
            %dma_wait3A_74 = arith.constant 0 : i32
            %dma_wait3A_75 = tpu.memref_slice %arg13[%dma_wait3A_65, %dma_wait3A_73, %dma_wait3A_74] : memref<8x16x128xf32, #tpu.memory_space<vmem>> -> memref<1x16x128xf32, #tpu.memory_space<vmem>>
            %dma_wait3A_76 = tpu.memref_squeeze %dma_wait3A_75 : memref<1x16x128xf32, #tpu.memory_space<vmem>> -> memref<16x128xf32, #tpu.memory_space<vmem>>
            %dma_wait3A_77 = arith.constant 0 : i32
            %dma_wait3A_78 = arith.constant 0 : i32
            %dma_wait3A_79 = tpu.memref_slice %arg7[%dma_wait3A_77, %dma_wait3A_78] : memref<65568x128xf32, #tpu.memory_space<hbm>> -> memref<16x128xf32, #tpu.memory_space<hbm>>
            tpu.wait_dma2 semaphore(%arg16 : memref<!tpu.dma_semaphore, #tpu.memory_space<semaphore_mem>>) src(%dma_wait3A_79 : memref<16x128xf32, #tpu.memory_space<hbm>>) dst(%dma_wait3A_76 : memref<16x128xf32, #tpu.memory_space<vmem>>)
          }
          %while3A_63 = arith.constant 1 : i32
          scf.for %while3A_64 = %while3A_61 to %while3A_57 step %while3A_63  : i32 {
            %dma_wait3A_65 = arith.constant 0 : i32
            %dma_wait3A_66 = arith.constant 0 : i32
            %dma_wait3A_67 = arith.constant 0 : i32
            %dma_wait3A_68 = tpu.memref_slice %arg13[%dma_wait3A_65, %dma_wait3A_66, %dma_wait3A_67] : memref<8x16x128xf32, #tpu.memory_space<vmem>> -> memref<1x16x128xf32, #tpu.memory_space<vmem>>
            %dma_wait3A_69 = tpu.memref_squeeze %dma_wait3A_68 : memref<1x16x128xf32, #tpu.memory_space<vmem>> -> memref<16x128xf32, #tpu.memory_space<vmem>>
            %dma_wait3A_70 = arith.constant 0 : i32
            %dma_wait3A_71 = arith.constant 0 : i32
            %dma_wait3A_72 = tpu.memref_slice %arg7[%dma_wait3A_70, %dma_wait3A_71] : memref<65568x128xf32, #tpu.memory_space<hbm>> -> memref<16x128xf32, #tpu.memory_space<hbm>>
            %dma_wait3A_73 = arith.constant 0 : i32
            %dma_wait3A_74 = arith.constant 0 : i32
            %dma_wait3A_75 = tpu.memref_slice %arg13[%dma_wait3A_65, %dma_wait3A_73, %dma_wait3A_74] : memref<8x16x128xf32, #tpu.memory_space<vmem>> -> memref<1x16x128xf32, #tpu.memory_space<vmem>>
            %dma_wait3A_76 = tpu.memref_squeeze %dma_wait3A_75 : memref<1x16x128xf32, #tpu.memory_space<vmem>> -> memref<16x128xf32, #tpu.memory_space<vmem>>
            %dma_wait3A_77 = arith.constant 0 : i32
            %dma_wait3A_78 = arith.constant 0 : i32
            %dma_wait3A_79 = tpu.memref_slice %arg7[%dma_wait3A_77, %dma_wait3A_78] : memref<65568x128xf32, #tpu.memory_space<hbm>> -> memref<16x128xf32, #tpu.memory_space<hbm>>
            tpu.wait_dma2 semaphore(%arg16 : memref<!tpu.dma_semaphore, #tpu.memory_space<semaphore_mem>>) src(%dma_wait3A_79 : memref<16x128xf32, #tpu.memory_space<hbm>>) dst(%dma_wait3A_76 : memref<16x128xf32, #tpu.memory_space<vmem>>)
          }
        }
        %scan3A_26 = arith.constant 4 : i32
        %scan3A_27 = arith.constant 0 : i32
        %scan3A_28 = arith.constant 0 : i32
        %scan3A_29 = arith.constant 4 : i32
        %scan3A_30 = arith.addi %scan3A_28, %scan3A_29 : i32
        %scan3A_31 = arith.constant 1 : i32
        scf.for %scan3A_33 = %scan3A_28 to %scan3A_30 step %scan3A_31  : i32 {
          %dma_start3A = arith.constant 0 : i32
          %dma_start3A_34 = tpu.memref_slice %arg3[%scan3A_33, %dma_start3A, %select_n3A] : memref<4x64x100000xf32, #tpu.memory_space<hbm>> -> memref<1x64x512xf32, #tpu.memory_space<hbm>>
          %dma_start3A_35 = tpu.memref_squeeze %dma_start3A_34 : memref<1x64x512xf32, #tpu.memory_space<hbm>> -> memref<64x512xf32, #tpu.memory_space<hbm>>
          %dma_start3A_36 = arith.constant 0 : i32
          %dma_start3A_37 = tpu.memref_slice %arg3[%scan3A_33, %dma_start3A_36, %select_n3A] : memref<4x64x100000xf32, #tpu.memory_space<hbm>> -> memref<1x64x512xf32, #tpu.memory_space<hbm>>
          %dma_start3A_38 = tpu.memref_squeeze %dma_start3A_37 : memref<1x64x512xf32, #tpu.memory_space<hbm>> -> memref<64x512xf32, #tpu.memory_space<hbm>>
          tpu.enqueue_dma source(%dma_start3A_38 : memref<64x512xf32, #tpu.memory_space<hbm>>) target(%arg12 : memref<64x512xf32, #tpu.memory_space<vmem>>) target_semaphore(%arg15 : memref<!tpu.dma_semaphore, #tpu.memory_space<semaphore_mem>>)
          %dma_wait3A = arith.constant 0 : i32
          %dma_wait3A_39 = tpu.memref_slice %arg3[%scan3A_33, %dma_wait3A, %select_n3A] : memref<4x64x100000xf32, #tpu.memory_space<hbm>> -> memref<1x64x512xf32, #tpu.memory_space<hbm>>
          %dma_wait3A_40 = tpu.memref_squeeze %dma_wait3A_39 : memref<1x64x512xf32, #tpu.memory_space<hbm>> -> memref<64x512xf32, #tpu.memory_space<hbm>>
          %dma_wait3A_41 = arith.constant 0 : i32
          %dma_wait3A_42 = tpu.memref_slice %arg3[%scan3A_33, %dma_wait3A_41, %select_n3A] : memref<4x64x100000xf32, #tpu.memory_space<hbm>> -> memref<1x64x512xf32, #tpu.memory_space<hbm>>
          %dma_wait3A_43 = tpu.memref_squeeze %dma_wait3A_42 : memref<1x64x512xf32, #tpu.memory_space<hbm>> -> memref<64x512xf32, #tpu.memory_space<hbm>>
          tpu.wait_dma2 semaphore(%arg15 : memref<!tpu.dma_semaphore, #tpu.memory_space<semaphore_mem>>) src(%dma_wait3A_43 : memref<64x512xf32, #tpu.memory_space<hbm>>) dst(%arg12 : memref<64x512xf32, #tpu.memory_space<vmem>>)
          %while3A = arith.constant 0 : i32
          %while3A_44 = arith.constant 0 : i32
          %while3A_45 = arith.subi %div3A_20, %while3A_44 : i32
          %while3A_46 = arith.addi %while3A_44, %while3A_45 : i32
          %while3A_47 = arith.constant 1 : i32
          %while3A_48 = arith.divsi %while3A_45, %while3A_47 : i32
          %while3A_49 = arith.muli %while3A_48, %while3A_47 : i32
          %while3A_50 = arith.addi %while3A_44, %while3A_49 : i32
          %while3A_51 = arith.constant 1 : i32
          scf.for %while3A_64 = %while3A_44 to %while3A_50 step %while3A_51  : i32 {
            %and3A = arith.constant 7 : i32
            %and3A_65 = arith.andi %while3A_64, %and3A : i32
            %ge3A = arith.constant 8 : i32
            %ge3A_66 = arith.cmpi sge, %while3A_64, %ge3A : i32
            %convert_element_type3A_67 = arith.extui %ge3A_66 : i1 to i32
            %cond3A_68 = arith.constant 0 : i32
            %cond3A_69 = arith.cmpi ne, %convert_element_type3A_67, %cond3A_68 : i32
            scf.if %cond3A_69 {
              %dma_wait3A_745 = arith.constant 0 : i32
              %dma_wait3A_746 = arith.constant 0 : i32
              %dma_wait3A_747 = arith.constant 0 : i32
              %dma_wait3A_748 = tpu.memref_slice %arg13[%dma_wait3A_745, %dma_wait3A_746, %dma_wait3A_747] : memref<8x16x128xf32, #tpu.memory_space<vmem>> -> memref<1x16x128xf32, #tpu.memory_space<vmem>>
              %dma_wait3A_749 = tpu.memref_squeeze %dma_wait3A_748 : memref<1x16x128xf32, #tpu.memory_space<vmem>> -> memref<16x128xf32, #tpu.memory_space<vmem>>
              %dma_wait3A_750 = arith.constant 0 : i32
              %dma_wait3A_751 = arith.constant 0 : i32
              %dma_wait3A_752 = tpu.memref_slice %arg8[%dma_wait3A_750, %dma_wait3A_751] : memref<65568x128xf32, #tpu.memory_space<hbm>> -> memref<16x128xf32, #tpu.memory_space<hbm>>
              %dma_wait3A_753 = arith.constant 0 : i32
              %dma_wait3A_754 = arith.constant 0 : i32
              %dma_wait3A_755 = tpu.memref_slice %arg13[%dma_wait3A_745, %dma_wait3A_753, %dma_wait3A_754] : memref<8x16x128xf32, #tpu.memory_space<vmem>> -> memref<1x16x128xf32, #tpu.memory_space<vmem>>
              %dma_wait3A_756 = tpu.memref_squeeze %dma_wait3A_755 : memref<1x16x128xf32, #tpu.memory_space<vmem>> -> memref<16x128xf32, #tpu.memory_space<vmem>>
              %dma_wait3A_757 = arith.constant 0 : i32
              %dma_wait3A_758 = arith.constant 0 : i32
              %dma_wait3A_759 = tpu.memref_slice %arg8[%dma_wait3A_757, %dma_wait3A_758] : memref<65568x128xf32, #tpu.memory_space<hbm>> -> memref<16x128xf32, #tpu.memory_space<hbm>>
              tpu.wait_dma2 semaphore(%arg16 : memref<!tpu.dma_semaphore, #tpu.memory_space<semaphore_mem>>) src(%dma_wait3A_759 : memref<16x128xf32, #tpu.memory_space<hbm>>) dst(%dma_wait3A_756 : memref<16x128xf32, #tpu.memory_space<vmem>>)
            } else {
            }
            %mul3A_70 = arith.constant 16 : i32
            %mul3A_71 = arith.muli %while3A_64, %mul3A_70 : i32
            %add3A_72 = arith.addi %squeeze3A, %mul3A_71 : i32
            %get3A_73 = arith.index_cast %add3A_72 : i32 to index
            %get3A_74 = tpu.vector_load %arg9[%get3A_73] {strides = array<i32>} : memref<16384xi32, #tpu.memory_space<vmem>>, vector<16xi32>,
            %get3A_75 = arith.index_cast %add3A_72 : i32 to index
            %get3A_76 = tpu.vector_load %arg10[%get3A_75] {strides = array<i32>} : memref<16384xi32, #tpu.memory_space<vmem>>, vector<16xi32>,
            %iota3A = tpu.iota {dimensions = array<i32: 0>} : vector<16xi32>
            %add3A_77 = vector.broadcast %add3A_72 : i32 to vector<16xi32>
            %add3A_78 = arith.addi %add3A_77, %iota3A : vector<16xi32>
            %lt3A_79 = vector.broadcast %squeeze3A_17 : i32 to vector<16xi32>
            %lt3A_80 = arith.cmpi slt, %add3A_78, %lt3A_79 : vector<16xi32>
            %sub3A_81 = vector.broadcast %select_n3A : i32 to vector<16xi32>
            %sub3A_82 = arith.subi %get3A_74, %sub3A_81 : vector<16xi32>
            %max3A = arith.constant 0 : i32
            %max3A_83 = vector.broadcast %max3A : i32 to vector<16xi32>
            %max3A_84 = arith.maxsi %sub3A_82, %max3A_83 : vector<16xi32>
            %min3A_85 = arith.constant 511 : i32
            %min3A_86 = vector.broadcast %min3A_85 : i32 to vector<16xi32>
            %min3A_87 = arith.minsi %max3A_84, %min3A_86 : vector<16xi32>
            %mul3A_88 = arith.constant 16384 : i32
            %mul3A_89 = arith.muli %scan3A_33, %mul3A_88 : i32
            %add3A_90 = vector.broadcast %mul3A_89 : i32 to vector<16xi32>
            %add3A_91 = arith.addi %get3A_76, %add3A_90 : vector<16xi32>
            %add3A_92 = arith.constant 65536 : i32
            %add3A_93 = arith.addi %add3A_92, %add3A : i32
            %broadcast_in_dim3A = vector.broadcast %add3A_93 : i32 to vector<16xi32>
            %select_n3A_94 = arith.select %lt3A_80, %add3A_91, %broadcast_in_dim3A : vector<16xi1>, vector<16xi32>
            %swap3A = arith.index_cast %and3A_65 : i32 to index
            %swap3A_95 = arith.constant 0 : index
            %swap3A_96 = tpu.vector_load %arg14[%swap3A, %swap3A_95] {strides = array<i32>} : memref<8x16xi32, #tpu.memory_space<vmem>>, vector<16xi32>,
            tpu.vector_store %arg14[%swap3A, %swap3A_95], %select_n3A_94 {strides = array<i32>} : memref<8x16xi32, #tpu.memory_space<vmem>>, vector<16xi32>,
            %broadcast_in_dim3A_97 = arith.constant 0 : i32
            %broadcast_in_dim3A_98 = vector.broadcast %broadcast_in_dim3A_97 : i32 to vector<16xi32>
            %gather3A = tpu.vector_load_idx %arg12[%broadcast_in_dim3A_98, %min3A_87] : memref<64x512xf32, #tpu.memory_space<vmem>>[vector<16xi32>, vector<16xi32>], vector<16xf32>,
            %iota3A_99 = tpu.iota {dimensions = array<i32: 0>} : vector<16xi32>
            %broadcast_in_dim3A_100 = arith.constant 0 : i32
            %broadcast_in_dim3A_101 = vector.broadcast %broadcast_in_dim3A_100 : i32 to vector<16xi32>
            %scatter3A = arith.constant 0 : i32
            %scatter3A_102 = arith.constant 0 : i32
            %scatter3A_103 = tpu.memref_slice %arg13[%and3A_65, %scatter3A, %scatter3A_102] : memref<8x16x128xf32, #tpu.memory_space<vmem>> -> memref<1x16x128xf32, #tpu.memory_space<vmem>>
            %scatter3A_104 = tpu.memref_squeeze %scatter3A_103 : memref<1x16x128xf32, #tpu.memory_space<vmem>> -> memref<16x128xf32, #tpu.memory_space<vmem>>
            tpu.vector_store_idx %scatter3A_104[%iota3A_99, %broadcast_in_dim3A_101], %gather3A : memref<16x128xf32, #tpu.memory_space<vmem>>[vector<16xi32>, vector<16xi32>], vector<16xf32>,
            %broadcast_in_dim3A_105 = arith.constant 1 : i32
            %broadcast_in_dim3A_106 = vector.broadcast %broadcast_in_dim3A_105 : i32 to vector<16xi32>
            %gather3A_107 = tpu.vector_load_idx %arg12[%broadcast_in_dim3A_106, %min3A_87] : memref<64x512xf32, #tpu.memory_space<vmem>>[vector<16xi32>, vector<16xi32>], vector<16xf32>,
            %iota3A_108 = tpu.iota {dimensions = array<i32: 0>} : vector<16xi32>
            %broadcast_in_dim3A_109 = arith.constant 1 : i32
            %broadcast_in_dim3A_110 = vector.broadcast %broadcast_in_dim3A_109 : i32 to vector<16xi32>
            %scatter3A_111 = arith.constant 0 : i32
            %scatter3A_112 = arith.constant 0 : i32
            %scatter3A_113 = tpu.memref_slice %arg13[%and3A_65, %scatter3A_111, %scatter3A_112] : memref<8x16x128xf32, #tpu.memory_space<vmem>> -> memref<1x16x128xf32, #tpu.memory_space<vmem>>
            %scatter3A_114 = tpu.memref_squeeze %scatter3A_113 : memref<1x16x128xf32, #tpu.memory_space<vmem>> -> memref<16x128xf32, #tpu.memory_space<vmem>>
            tpu.vector_store_idx %scatter3A_114[%iota3A_108, %broadcast_in_dim3A_110], %gather3A_107 : memref<16x128xf32, #tpu.memory_space<vmem>>[vector<16xi32>, vector<16xi32>], vector<16xf32>,
            %broadcast_in_dim3A_115 = arith.constant 2 : i32
            %broadcast_in_dim3A_116 = vector.broadcast %broadcast_in_dim3A_115 : i32 to vector<16xi32>
            %gather3A_117 = tpu.vector_load_idx %arg12[%broadcast_in_dim3A_116, %min3A_87] : memref<64x512xf32, #tpu.memory_space<vmem>>[vector<16xi32>, vector<16xi32>], vector<16xf32>,
            %iota3A_118 = tpu.iota {dimensions = array<i32: 0>} : vector<16xi32>
            %broadcast_in_dim3A_119 = arith.constant 2 : i32
            %broadcast_in_dim3A_120 = vector.broadcast %broadcast_in_dim3A_119 : i32 to vector<16xi32>
            %scatter3A_121 = arith.constant 0 : i32
            %scatter3A_122 = arith.constant 0 : i32
            %scatter3A_123 = tpu.memref_slice %arg13[%and3A_65, %scatter3A_121, %scatter3A_122] : memref<8x16x128xf32, #tpu.memory_space<vmem>> -> memref<1x16x128xf32, #tpu.memory_space<vmem>>
            %scatter3A_124 = tpu.memref_squeeze %scatter3A_123 : memref<1x16x128xf32, #tpu.memory_space<vmem>> -> memref<16x128xf32, #tpu.memory_space<vmem>>
            tpu.vector_store_idx %scatter3A_124[%iota3A_118, %broadcast_in_dim3A_120], %gather3A_117 : memref<16x128xf32, #tpu.memory_space<vmem>>[vector<16xi32>, vector<16xi32>], vector<16xf32>,
            %broadcast_in_dim3A_125 = arith.constant 3 : i32
            %broadcast_in_dim3A_126 = vector.broadcast %broadcast_in_dim3A_125 : i32 to vector<16xi32>
            %gather3A_127 = tpu.vector_load_idx %arg12[%broadcast_in_dim3A_126, %min3A_87] : memref<64x512xf32, #tpu.memory_space<vmem>>[vector<16xi32>, vector<16xi32>], vector<16xf32>,
            %iota3A_128 = tpu.iota {dimensions = array<i32: 0>} : vector<16xi32>
            %broadcast_in_dim3A_129 = arith.constant 3 : i32
            %broadcast_in_dim3A_130 = vector.broadcast %broadcast_in_dim3A_129 : i32 to vector<16xi32>
            %scatter3A_131 = arith.constant 0 : i32
            %scatter3A_132 = arith.constant 0 : i32
            %scatter3A_133 = tpu.memref_slice %arg13[%and3A_65, %scatter3A_131, %scatter3A_132] : memref<8x16x128xf32, #tpu.memory_space<vmem>> -> memref<1x16x128xf32, #tpu.memory_space<vmem>>
            %scatter3A_134 = tpu.memref_squeeze %scatter3A_133 : memref<1x16x128xf32, #tpu.memory_space<vmem>> -> memref<16x128xf32, #tpu.memory_space<vmem>>
            tpu.vector_store_idx %scatter3A_134[%iota3A_128, %broadcast_in_dim3A_130], %gather3A_127 : memref<16x128xf32, #tpu.memory_space<vmem>>[vector<16xi32>, vector<16xi32>], vector<16xf32>,
            %broadcast_in_dim3A_135 = arith.constant 4 : i32
            %broadcast_in_dim3A_136 = vector.broadcast %broadcast_in_dim3A_135 : i32 to vector<16xi32>
            %gather3A_137 = tpu.vector_load_idx %arg12[%broadcast_in_dim3A_136, %min3A_87] : memref<64x512xf32, #tpu.memory_space<vmem>>[vector<16xi32>, vector<16xi32>], vector<16xf32>,
            %iota3A_138 = tpu.iota {dimensions = array<i32: 0>} : vector<16xi32>
            %broadcast_in_dim3A_139 = arith.constant 4 : i32
            %broadcast_in_dim3A_140 = vector.broadcast %broadcast_in_dim3A_139 : i32 to vector<16xi32>
            %scatter3A_141 = arith.constant 0 : i32
            %scatter3A_142 = arith.constant 0 : i32
            %scatter3A_143 = tpu.memref_slice %arg13[%and3A_65, %scatter3A_141, %scatter3A_142] : memref<8x16x128xf32, #tpu.memory_space<vmem>> -> memref<1x16x128xf32, #tpu.memory_space<vmem>>
            %scatter3A_144 = tpu.memref_squeeze %scatter3A_143 : memref<1x16x128xf32, #tpu.memory_space<vmem>> -> memref<16x128xf32, #tpu.memory_space<vmem>>
            tpu.vector_store_idx %scatter3A_144[%iota3A_138, %broadcast_in_dim3A_140], %gather3A_137 : memref<16x128xf32, #tpu.memory_space<vmem>>[vector<16xi32>, vector<16xi32>], vector<16xf32>,
            %broadcast_in_dim3A_145 = arith.constant 5 : i32
            %broadcast_in_dim3A_146 = vector.broadcast %broadcast_in_dim3A_145 : i32 to vector<16xi32>
            %gather3A_147 = tpu.vector_load_idx %arg12[%broadcast_in_dim3A_146, %min3A_87] : memref<64x512xf32, #tpu.memory_space<vmem>>[vector<16xi32>, vector<16xi32>], vector<16xf32>,
            %iota3A_148 = tpu.iota {dimensions = array<i32: 0>} : vector<16xi32>
            %broadcast_in_dim3A_149 = arith.constant 5 : i32
            %broadcast_in_dim3A_150 = vector.broadcast %broadcast_in_dim3A_149 : i32 to vector<16xi32>
            %scatter3A_151 = arith.constant 0 : i32
            %scatter3A_152 = arith.constant 0 : i32
            %scatter3A_153 = tpu.memref_slice %arg13[%and3A_65, %scatter3A_151, %scatter3A_152] : memref<8x16x128xf32, #tpu.memory_space<vmem>> -> memref<1x16x128xf32, #tpu.memory_space<vmem>>
            %scatter3A_154 = tpu.memref_squeeze %scatter3A_153 : memref<1x16x128xf32, #tpu.memory_space<vmem>> -> memref<16x128xf32, #tpu.memory_space<vmem>>
            tpu.vector_store_idx %scatter3A_154[%iota3A_148, %broadcast_in_dim3A_150], %gather3A_147 : memref<16x128xf32, #tpu.memory_space<vmem>>[vector<16xi32>, vector<16xi32>], vector<16xf32>,
            %broadcast_in_dim3A_155 = arith.constant 6 : i32
            %broadcast_in_dim3A_156 = vector.broadcast %broadcast_in_dim3A_155 : i32 to vector<16xi32>
            %gather3A_157 = tpu.vector_load_idx %arg12[%broadcast_in_dim3A_156, %min3A_87] : memref<64x512xf32, #tpu.memory_space<vmem>>[vector<16xi32>, vector<16xi32>], vector<16xf32>,
            %iota3A_158 = tpu.iota {dimensions = array<i32: 0>} : vector<16xi32>
            %broadcast_in_dim3A_159 = arith.constant 6 : i32
            %broadcast_in_dim3A_160 = vector.broadcast %broadcast_in_dim3A_159 : i32 to vector<16xi32>
            %scatter3A_161 = arith.constant 0 : i32
            %scatter3A_162 = arith.constant 0 : i32
            %scatter3A_163 = tpu.memref_slice %arg13[%and3A_65, %scatter3A_161, %scatter3A_162] : memref<8x16x128xf32, #tpu.memory_space<vmem>> -> memref<1x16x128xf32, #tpu.memory_space<vmem>>
            %scatter3A_164 = tpu.memref_squeeze %scatter3A_163 : memref<1x16x128xf32, #tpu.memory_space<vmem>> -> memref<16x128xf32, #tpu.memory_space<vmem>>
            tpu.vector_store_idx %scatter3A_164[%iota3A_158, %broadcast_in_dim3A_160], %gather3A_157 : memref<16x128xf32, #tpu.memory_space<vmem>>[vector<16xi32>, vector<16xi32>], vector<16xf32>,
            %broadcast_in_dim3A_165 = arith.constant 7 : i32
            %broadcast_in_dim3A_166 = vector.broadcast %broadcast_in_dim3A_165 : i32 to vector<16xi32>
            %gather3A_167 = tpu.vector_load_idx %arg12[%broadcast_in_dim3A_166, %min3A_87] : memref<64x512xf32, #tpu.memory_space<vmem>>[vector<16xi32>, vector<16xi32>], vector<16xf32>,
            %iota3A_168 = tpu.iota {dimensions = array<i32: 0>} : vector<16xi32>
            %broadcast_in_dim3A_169 = arith.constant 7 : i32
            %broadcast_in_dim3A_170 = vector.broadcast %broadcast_in_dim3A_169 : i32 to vector<16xi32>
            %scatter3A_171 = arith.constant 0 : i32
            %scatter3A_172 = arith.constant 0 : i32
            %scatter3A_173 = tpu.memref_slice %arg13[%and3A_65, %scatter3A_171, %scatter3A_172] : memref<8x16x128xf32, #tpu.memory_space<vmem>> -> memref<1x16x128xf32, #tpu.memory_space<vmem>>
            %scatter3A_174 = tpu.memref_squeeze %scatter3A_173 : memref<1x16x128xf32, #tpu.memory_space<vmem>> -> memref<16x128xf32, #tpu.memory_space<vmem>>
            tpu.vector_store_idx %scatter3A_174[%iota3A_168, %broadcast_in_dim3A_170], %gather3A_167 : memref<16x128xf32, #tpu.memory_space<vmem>>[vector<16xi32>, vector<16xi32>], vector<16xf32>,
            %broadcast_in_dim3A_175 = arith.constant 8 : i32
            %broadcast_in_dim3A_176 = vector.broadcast %broadcast_in_dim3A_175 : i32 to vector<16xi32>
            %gather3A_177 = tpu.vector_load_idx %arg12[%broadcast_in_dim3A_176, %min3A_87] : memref<64x512xf32, #tpu.memory_space<vmem>>[vector<16xi32>, vector<16xi32>], vector<16xf32>,
            %iota3A_178 = tpu.iota {dimensions = array<i32: 0>} : vector<16xi32>
            %broadcast_in_dim3A_179 = arith.constant 8 : i32
            %broadcast_in_dim3A_180 = vector.broadcast %broadcast_in_dim3A_179 : i32 to vector<16xi32>
            %scatter3A_181 = arith.constant 0 : i32
            %scatter3A_182 = arith.constant 0 : i32
            %scatter3A_183 = tpu.memref_slice %arg13[%and3A_65, %scatter3A_181, %scatter3A_182] : memref<8x16x128xf32, #tpu.memory_space<vmem>> -> memref<1x16x128xf32, #tpu.memory_space<vmem>>
            %scatter3A_184 = tpu.memref_squeeze %scatter3A_183 : memref<1x16x128xf32, #tpu.memory_space<vmem>> -> memref<16x128xf32, #tpu.memory_space<vmem>>
            tpu.vector_store_idx %scatter3A_184[%iota3A_178, %broadcast_in_dim3A_180], %gather3A_177 : memref<16x128xf32, #tpu.memory_space<vmem>>[vector<16xi32>, vector<16xi32>], vector<16xf32>,
            %broadcast_in_dim3A_185 = arith.constant 9 : i32
            %broadcast_in_dim3A_186 = vector.broadcast %broadcast_in_dim3A_185 : i32 to vector<16xi32>
            %gather3A_187 = tpu.vector_load_idx %arg12[%broadcast_in_dim3A_186, %min3A_87] : memref<64x512xf32, #tpu.memory_space<vmem>>[vector<16xi32>, vector<16xi32>], vector<16xf32>,
            %iota3A_188 = tpu.iota {dimensions = array<i32: 0>} : vector<16xi32>
            %broadcast_in_dim3A_189 = arith.constant 9 : i32
            %broadcast_in_dim3A_190 = vector.broadcast %broadcast_in_dim3A_189 : i32 to vector<16xi32>
            %scatter3A_191 = arith.constant 0 : i32
            %scatter3A_192 = arith.constant 0 : i32
            %scatter3A_193 = tpu.memref_slice %arg13[%and3A_65, %scatter3A_191, %scatter3A_192] : memref<8x16x128xf32, #tpu.memory_space<vmem>> -> memref<1x16x128xf32, #tpu.memory_space<vmem>>
            %scatter3A_194 = tpu.memref_squeeze %scatter3A_193 : memref<1x16x128xf32, #tpu.memory_space<vmem>> -> memref<16x128xf32, #tpu.memory_space<vmem>>
            tpu.vector_store_idx %scatter3A_194[%iota3A_188, %broadcast_in_dim3A_190], %gather3A_187 : memref<16x128xf32, #tpu.memory_space<vmem>>[vector<16xi32>, vector<16xi32>], vector<16xf32>,
            %broadcast_in_dim3A_195 = arith.constant 10 : i32
            %broadcast_in_dim3A_196 = vector.broadcast %broadcast_in_dim3A_195 : i32 to vector<16xi32>
            %gather3A_197 = tpu.vector_load_idx %arg12[%broadcast_in_dim3A_196, %min3A_87] : memref<64x512xf32, #tpu.memory_space<vmem>>[vector<16xi32>, vector<16xi32>], vector<16xf32>,
            %iota3A_198 = tpu.iota {dimensions = array<i32: 0>} : vector<16xi32>
            %broadcast_in_dim3A_199 = arith.constant 10 : i32
            %broadcast_in_dim3A_200 = vector.broadcast %broadcast_in_dim3A_199 : i32 to vector<16xi32>
            %scatter3A_201 = arith.constant 0 : i32
            %scatter3A_202 = arith.constant 0 : i32
            %scatter3A_203 = tpu.memref_slice %arg13[%and3A_65, %scatter3A_201, %scatter3A_202] : memref<8x16x128xf32, #tpu.memory_space<vmem>> -> memref<1x16x128xf32, #tpu.memory_space<vmem>>
            %scatter3A_204 = tpu.memref_squeeze %scatter3A_203 : memref<1x16x128xf32, #tpu.memory_space<vmem>> -> memref<16x128xf32, #tpu.memory_space<vmem>>
            tpu.vector_store_idx %scatter3A_204[%iota3A_198, %broadcast_in_dim3A_200], %gather3A_197 : memref<16x128xf32, #tpu.memory_space<vmem>>[vector<16xi32>, vector<16xi32>], vector<16xf32>,
            %broadcast_in_dim3A_205 = arith.constant 11 : i32
            %broadcast_in_dim3A_206 = vector.broadcast %broadcast_in_dim3A_205 : i32 to vector<16xi32>
            %gather3A_207 = tpu.vector_load_idx %arg12[%broadcast_in_dim3A_206, %min3A_87] : memref<64x512xf32, #tpu.memory_space<vmem>>[vector<16xi32>, vector<16xi32>], vector<16xf32>,
            %iota3A_208 = tpu.iota {dimensions = array<i32: 0>} : vector<16xi32>
            %broadcast_in_dim3A_209 = arith.constant 11 : i32
            %broadcast_in_dim3A_210 = vector.broadcast %broadcast_in_dim3A_209 : i32 to vector<16xi32>
            %scatter3A_211 = arith.constant 0 : i32
            %scatter3A_212 = arith.constant 0 : i32
            %scatter3A_213 = tpu.memref_slice %arg13[%and3A_65, %scatter3A_211, %scatter3A_212] : memref<8x16x128xf32, #tpu.memory_space<vmem>> -> memref<1x16x128xf32, #tpu.memory_space<vmem>>
            %scatter3A_214 = tpu.memref_squeeze %scatter3A_213 : memref<1x16x128xf32, #tpu.memory_space<vmem>> -> memref<16x128xf32, #tpu.memory_space<vmem>>
            tpu.vector_store_idx %scatter3A_214[%iota3A_208, %broadcast_in_dim3A_210], %gather3A_207 : memref<16x128xf32, #tpu.memory_space<vmem>>[vector<16xi32>, vector<16xi32>], vector<16xf32>,
            %broadcast_in_dim3A_215 = arith.constant 12 : i32
            %broadcast_in_dim3A_216 = vector.broadcast %broadcast_in_dim3A_215 : i32 to vector<16xi32>
            %gather3A_217 = tpu.vector_load_idx %arg12[%broadcast_in_dim3A_216, %min3A_87] : memref<64x512xf32, #tpu.memory_space<vmem>>[vector<16xi32>, vector<16xi32>], vector<16xf32>,
            %iota3A_218 = tpu.iota {dimensions = array<i32: 0>} : vector<16xi32>
            %broadcast_in_dim3A_219 = arith.constant 12 : i32
            %broadcast_in_dim3A_220 = vector.broadcast %broadcast_in_dim3A_219 : i32 to vector<16xi32>
            %scatter3A_221 = arith.constant 0 : i32
            %scatter3A_222 = arith.constant 0 : i32
            %scatter3A_223 = tpu.memref_slice %arg13[%and3A_65, %scatter3A_221, %scatter3A_222] : memref<8x16x128xf32, #tpu.memory_space<vmem>> -> memref<1x16x128xf32, #tpu.memory_space<vmem>>
            %scatter3A_224 = tpu.memref_squeeze %scatter3A_223 : memref<1x16x128xf32, #tpu.memory_space<vmem>> -> memref<16x128xf32, #tpu.memory_space<vmem>>
            tpu.vector_store_idx %scatter3A_224[%iota3A_218, %broadcast_in_dim3A_220], %gather3A_217 : memref<16x128xf32, #tpu.memory_space<vmem>>[vector<16xi32>, vector<16xi32>], vector<16xf32>,
            %broadcast_in_dim3A_225 = arith.constant 13 : i32
            %broadcast_in_dim3A_226 = vector.broadcast %broadcast_in_dim3A_225 : i32 to vector<16xi32>
            %gather3A_227 = tpu.vector_load_idx %arg12[%broadcast_in_dim3A_226, %min3A_87] : memref<64x512xf32, #tpu.memory_space<vmem>>[vector<16xi32>, vector<16xi32>], vector<16xf32>,
            %iota3A_228 = tpu.iota {dimensions = array<i32: 0>} : vector<16xi32>
            %broadcast_in_dim3A_229 = arith.constant 13 : i32
            %broadcast_in_dim3A_230 = vector.broadcast %broadcast_in_dim3A_229 : i32 to vector<16xi32>
            %scatter3A_231 = arith.constant 0 : i32
            %scatter3A_232 = arith.constant 0 : i32
            %scatter3A_233 = tpu.memref_slice %arg13[%and3A_65, %scatter3A_231, %scatter3A_232] : memref<8x16x128xf32, #tpu.memory_space<vmem>> -> memref<1x16x128xf32, #tpu.memory_space<vmem>>
            %scatter3A_234 = tpu.memref_squeeze %scatter3A_233 : memref<1x16x128xf32, #tpu.memory_space<vmem>> -> memref<16x128xf32, #tpu.memory_space<vmem>>
            tpu.vector_store_idx %scatter3A_234[%iota3A_228, %broadcast_in_dim3A_230], %gather3A_227 : memref<16x128xf32, #tpu.memory_space<vmem>>[vector<16xi32>, vector<16xi32>], vector<16xf32>,
            %broadcast_in_dim3A_235 = arith.constant 14 : i32
            %broadcast_in_dim3A_236 = vector.broadcast %broadcast_in_dim3A_235 : i32 to vector<16xi32>
            %gather3A_237 = tpu.vector_load_idx %arg12[%broadcast_in_dim3A_236, %min3A_87] : memref<64x512xf32, #tpu.memory_space<vmem>>[vector<16xi32>, vector<16xi32>], vector<16xf32>,
            %iota3A_238 = tpu.iota {dimensions = array<i32: 0>} : vector<16xi32>
            %broadcast_in_dim3A_239 = arith.constant 14 : i32
            %broadcast_in_dim3A_240 = vector.broadcast %broadcast_in_dim3A_239 : i32 to vector<16xi32>
            %scatter3A_241 = arith.constant 0 : i32
            %scatter3A_242 = arith.constant 0 : i32
            %scatter3A_243 = tpu.memref_slice %arg13[%and3A_65, %scatter3A_241, %scatter3A_242] : memref<8x16x128xf32, #tpu.memory_space<vmem>> -> memref<1x16x128xf32, #tpu.memory_space<vmem>>
            %scatter3A_244 = tpu.memref_squeeze %scatter3A_243 : memref<1x16x128xf32, #tpu.memory_space<vmem>> -> memref<16x128xf32, #tpu.memory_space<vmem>>
            tpu.vector_store_idx %scatter3A_244[%iota3A_238, %broadcast_in_dim3A_240], %gather3A_237 : memref<16x128xf32, #tpu.memory_space<vmem>>[vector<16xi32>, vector<16xi32>], vector<16xf32>,
            %broadcast_in_dim3A_245 = arith.constant 15 : i32
            %broadcast_in_dim3A_246 = vector.broadcast %broadcast_in_dim3A_245 : i32 to vector<16xi32>
            %gather3A_247 = tpu.vector_load_idx %arg12[%broadcast_in_dim3A_246, %min3A_87] : memref<64x512xf32, #tpu.memory_space<vmem>>[vector<16xi32>, vector<16xi32>], vector<16xf32>,
            %iota3A_248 = tpu.iota {dimensions = array<i32: 0>} : vector<16xi32>
            %broadcast_in_dim3A_249 = arith.constant 15 : i32
            %broadcast_in_dim3A_250 = vector.broadcast %broadcast_in_dim3A_249 : i32 to vector<16xi32>
            %scatter3A_251 = arith.constant 0 : i32
            %scatter3A_252 = arith.constant 0 : i32
            %scatter3A_253 = tpu.memref_slice %arg13[%and3A_65, %scatter3A_251, %scatter3A_252] : memref<8x16x128xf32, #tpu.memory_space<vmem>> -> memref<1x16x128xf32, #tpu.memory_space<vmem>>
            %scatter3A_254 = tpu.memref_squeeze %scatter3A_253 : memref<1x16x128xf32, #tpu.memory_space<vmem>> -> memref<16x128xf32, #tpu.memory_space<vmem>>
            tpu.vector_store_idx %scatter3A_254[%iota3A_248, %broadcast_in_dim3A_250], %gather3A_247 : memref<16x128xf32, #tpu.memory_space<vmem>>[vector<16xi32>, vector<16xi32>], vector<16xf32>,
            %broadcast_in_dim3A_255 = arith.constant 16 : i32
            %broadcast_in_dim3A_256 = vector.broadcast %broadcast_in_dim3A_255 : i32 to vector<16xi32>
            %gather3A_257 = tpu.vector_load_idx %arg12[%broadcast_in_dim3A_256, %min3A_87] : memref<64x512xf32, #tpu.memory_space<vmem>>[vector<16xi32>, vector<16xi32>], vector<16xf32>,
            %iota3A_258 = tpu.iota {dimensions = array<i32: 0>} : vector<16xi32>
            %broadcast_in_dim3A_259 = arith.constant 16 : i32
            %broadcast_in_dim3A_260 = vector.broadcast %broadcast_in_dim3A_259 : i32 to vector<16xi32>
            %scatter3A_261 = arith.constant 0 : i32
            %scatter3A_262 = arith.constant 0 : i32
            %scatter3A_263 = tpu.memref_slice %arg13[%and3A_65, %scatter3A_261, %scatter3A_262] : memref<8x16x128xf32, #tpu.memory_space<vmem>> -> memref<1x16x128xf32, #tpu.memory_space<vmem>>
            %scatter3A_264 = tpu.memref_squeeze %scatter3A_263 : memref<1x16x128xf32, #tpu.memory_space<vmem>> -> memref<16x128xf32, #tpu.memory_space<vmem>>
            tpu.vector_store_idx %scatter3A_264[%iota3A_258, %broadcast_in_dim3A_260], %gather3A_257 : memref<16x128xf32, #tpu.memory_space<vmem>>[vector<16xi32>, vector<16xi32>], vector<16xf32>,
            %broadcast_in_dim3A_265 = arith.constant 17 : i32
            %broadcast_in_dim3A_266 = vector.broadcast %broadcast_in_dim3A_265 : i32 to vector<16xi32>
            %gather3A_267 = tpu.vector_load_idx %arg12[%broadcast_in_dim3A_266, %min3A_87] : memref<64x512xf32, #tpu.memory_space<vmem>>[vector<16xi32>, vector<16xi32>], vector<16xf32>,
            %iota3A_268 = tpu.iota {dimensions = array<i32: 0>} : vector<16xi32>
            %broadcast_in_dim3A_269 = arith.constant 17 : i32
            %broadcast_in_dim3A_270 = vector.broadcast %broadcast_in_dim3A_269 : i32 to vector<16xi32>
            %scatter3A_271 = arith.constant 0 : i32
            %scatter3A_272 = arith.constant 0 : i32
            %scatter3A_273 = tpu.memref_slice %arg13[%and3A_65, %scatter3A_271, %scatter3A_272] : memref<8x16x128xf32, #tpu.memory_space<vmem>> -> memref<1x16x128xf32, #tpu.memory_space<vmem>>
            %scatter3A_274 = tpu.memref_squeeze %scatter3A_273 : memref<1x16x128xf32, #tpu.memory_space<vmem>> -> memref<16x128xf32, #tpu.memory_space<vmem>>
            tpu.vector_store_idx %scatter3A_274[%iota3A_268, %broadcast_in_dim3A_270], %gather3A_267 : memref<16x128xf32, #tpu.memory_space<vmem>>[vector<16xi32>, vector<16xi32>], vector<16xf32>,
            %broadcast_in_dim3A_275 = arith.constant 18 : i32
            %broadcast_in_dim3A_276 = vector.broadcast %broadcast_in_dim3A_275 : i32 to vector<16xi32>
            %gather3A_277 = tpu.vector_load_idx %arg12[%broadcast_in_dim3A_276, %min3A_87] : memref<64x512xf32, #tpu.memory_space<vmem>>[vector<16xi32>, vector<16xi32>], vector<16xf32>,
            %iota3A_278 = tpu.iota {dimensions = array<i32: 0>} : vector<16xi32>
            %broadcast_in_dim3A_279 = arith.constant 18 : i32
            %broadcast_in_dim3A_280 = vector.broadcast %broadcast_in_dim3A_279 : i32 to vector<16xi32>
            %scatter3A_281 = arith.constant 0 : i32
            %scatter3A_282 = arith.constant 0 : i32
            %scatter3A_283 = tpu.memref_slice %arg13[%and3A_65, %scatter3A_281, %scatter3A_282] : memref<8x16x128xf32, #tpu.memory_space<vmem>> -> memref<1x16x128xf32, #tpu.memory_space<vmem>>
            %scatter3A_284 = tpu.memref_squeeze %scatter3A_283 : memref<1x16x128xf32, #tpu.memory_space<vmem>> -> memref<16x128xf32, #tpu.memory_space<vmem>>
            tpu.vector_store_idx %scatter3A_284[%iota3A_278, %broadcast_in_dim3A_280], %gather3A_277 : memref<16x128xf32, #tpu.memory_space<vmem>>[vector<16xi32>, vector<16xi32>], vector<16xf32>,
            %broadcast_in_dim3A_285 = arith.constant 19 : i32
            %broadcast_in_dim3A_286 = vector.broadcast %broadcast_in_dim3A_285 : i32 to vector<16xi32>
            %gather3A_287 = tpu.vector_load_idx %arg12[%broadcast_in_dim3A_286, %min3A_87] : memref<64x512xf32, #tpu.memory_space<vmem>>[vector<16xi32>, vector<16xi32>], vector<16xf32>,
            %iota3A_288 = tpu.iota {dimensions = array<i32: 0>} : vector<16xi32>
            %broadcast_in_dim3A_289 = arith.constant 19 : i32
            %broadcast_in_dim3A_290 = vector.broadcast %broadcast_in_dim3A_289 : i32 to vector<16xi32>
            %scatter3A_291 = arith.constant 0 : i32
            %scatter3A_292 = arith.constant 0 : i32
            %scatter3A_293 = tpu.memref_slice %arg13[%and3A_65, %scatter3A_291, %scatter3A_292] : memref<8x16x128xf32, #tpu.memory_space<vmem>> -> memref<1x16x128xf32, #tpu.memory_space<vmem>>
            %scatter3A_294 = tpu.memref_squeeze %scatter3A_293 : memref<1x16x128xf32, #tpu.memory_space<vmem>> -> memref<16x128xf32, #tpu.memory_space<vmem>>
            tpu.vector_store_idx %scatter3A_294[%iota3A_288, %broadcast_in_dim3A_290], %gather3A_287 : memref<16x128xf32, #tpu.memory_space<vmem>>[vector<16xi32>, vector<16xi32>], vector<16xf32>,
            %broadcast_in_dim3A_295 = arith.constant 20 : i32
            %broadcast_in_dim3A_296 = vector.broadcast %broadcast_in_dim3A_295 : i32 to vector<16xi32>
            %gather3A_297 = tpu.vector_load_idx %arg12[%broadcast_in_dim3A_296, %min3A_87] : memref<64x512xf32, #tpu.memory_space<vmem>>[vector<16xi32>, vector<16xi32>], vector<16xf32>,
            %iota3A_298 = tpu.iota {dimensions = array<i32: 0>} : vector<16xi32>
            %broadcast_in_dim3A_299 = arith.constant 20 : i32
            %broadcast_in_dim3A_300 = vector.broadcast %broadcast_in_dim3A_299 : i32 to vector<16xi32>
            %scatter3A_301 = arith.constant 0 : i32
            %scatter3A_302 = arith.constant 0 : i32
            %scatter3A_303 = tpu.memref_slice %arg13[%and3A_65, %scatter3A_301, %scatter3A_302] : memref<8x16x128xf32, #tpu.memory_space<vmem>> -> memref<1x16x128xf32, #tpu.memory_space<vmem>>
            %scatter3A_304 = tpu.memref_squeeze %scatter3A_303 : memref<1x16x128xf32, #tpu.memory_space<vmem>> -> memref<16x128xf32, #tpu.memory_space<vmem>>
            tpu.vector_store_idx %scatter3A_304[%iota3A_298, %broadcast_in_dim3A_300], %gather3A_297 : memref<16x128xf32, #tpu.memory_space<vmem>>[vector<16xi32>, vector<16xi32>], vector<16xf32>,
            %broadcast_in_dim3A_305 = arith.constant 21 : i32
            %broadcast_in_dim3A_306 = vector.broadcast %broadcast_in_dim3A_305 : i32 to vector<16xi32>
            %gather3A_307 = tpu.vector_load_idx %arg12[%broadcast_in_dim3A_306, %min3A_87] : memref<64x512xf32, #tpu.memory_space<vmem>>[vector<16xi32>, vector<16xi32>], vector<16xf32>,
            %iota3A_308 = tpu.iota {dimensions = array<i32: 0>} : vector<16xi32>
            %broadcast_in_dim3A_309 = arith.constant 21 : i32
            %broadcast_in_dim3A_310 = vector.broadcast %broadcast_in_dim3A_309 : i32 to vector<16xi32>
            %scatter3A_311 = arith.constant 0 : i32
            %scatter3A_312 = arith.constant 0 : i32
            %scatter3A_313 = tpu.memref_slice %arg13[%and3A_65, %scatter3A_311, %scatter3A_312] : memref<8x16x128xf32, #tpu.memory_space<vmem>> -> memref<1x16x128xf32, #tpu.memory_space<vmem>>
            %scatter3A_314 = tpu.memref_squeeze %scatter3A_313 : memref<1x16x128xf32, #tpu.memory_space<vmem>> -> memref<16x128xf32, #tpu.memory_space<vmem>>
            tpu.vector_store_idx %scatter3A_314[%iota3A_308, %broadcast_in_dim3A_310], %gather3A_307 : memref<16x128xf32, #tpu.memory_space<vmem>>[vector<16xi32>, vector<16xi32>], vector<16xf32>,
            %broadcast_in_dim3A_315 = arith.constant 22 : i32
            %broadcast_in_dim3A_316 = vector.broadcast %broadcast_in_dim3A_315 : i32 to vector<16xi32>
            %gather3A_317 = tpu.vector_load_idx %arg12[%broadcast_in_dim3A_316, %min3A_87] : memref<64x512xf32, #tpu.memory_space<vmem>>[vector<16xi32>, vector<16xi32>], vector<16xf32>,
            %iota3A_318 = tpu.iota {dimensions = array<i32: 0>} : vector<16xi32>
            %broadcast_in_dim3A_319 = arith.constant 22 : i32
            %broadcast_in_dim3A_320 = vector.broadcast %broadcast_in_dim3A_319 : i32 to vector<16xi32>
            %scatter3A_321 = arith.constant 0 : i32
            %scatter3A_322 = arith.constant 0 : i32
            %scatter3A_323 = tpu.memref_slice %arg13[%and3A_65, %scatter3A_321, %scatter3A_322] : memref<8x16x128xf32, #tpu.memory_space<vmem>> -> memref<1x16x128xf32, #tpu.memory_space<vmem>>
            %scatter3A_324 = tpu.memref_squeeze %scatter3A_323 : memref<1x16x128xf32, #tpu.memory_space<vmem>> -> memref<16x128xf32, #tpu.memory_space<vmem>>
            tpu.vector_store_idx %scatter3A_324[%iota3A_318, %broadcast_in_dim3A_320], %gather3A_317 : memref<16x128xf32, #tpu.memory_space<vmem>>[vector<16xi32>, vector<16xi32>], vector<16xf32>,
            %broadcast_in_dim3A_325 = arith.constant 23 : i32
            %broadcast_in_dim3A_326 = vector.broadcast %broadcast_in_dim3A_325 : i32 to vector<16xi32>
            %gather3A_327 = tpu.vector_load_idx %arg12[%broadcast_in_dim3A_326, %min3A_87] : memref<64x512xf32, #tpu.memory_space<vmem>>[vector<16xi32>, vector<16xi32>], vector<16xf32>,
            %iota3A_328 = tpu.iota {dimensions = array<i32: 0>} : vector<16xi32>
            %broadcast_in_dim3A_329 = arith.constant 23 : i32
            %broadcast_in_dim3A_330 = vector.broadcast %broadcast_in_dim3A_329 : i32 to vector<16xi32>
            %scatter3A_331 = arith.constant 0 : i32
            %scatter3A_332 = arith.constant 0 : i32
            %scatter3A_333 = tpu.memref_slice %arg13[%and3A_65, %scatter3A_331, %scatter3A_332] : memref<8x16x128xf32, #tpu.memory_space<vmem>> -> memref<1x16x128xf32, #tpu.memory_space<vmem>>
            %scatter3A_334 = tpu.memref_squeeze %scatter3A_333 : memref<1x16x128xf32, #tpu.memory_space<vmem>> -> memref<16x128xf32, #tpu.memory_space<vmem>>
            tpu.vector_store_idx %scatter3A_334[%iota3A_328, %broadcast_in_dim3A_330], %gather3A_327 : memref<16x128xf32, #tpu.memory_space<vmem>>[vector<16xi32>, vector<16xi32>], vector<16xf32>,
            %broadcast_in_dim3A_335 = arith.constant 24 : i32
            %broadcast_in_dim3A_336 = vector.broadcast %broadcast_in_dim3A_335 : i32 to vector<16xi32>
            %gather3A_337 = tpu.vector_load_idx %arg12[%broadcast_in_dim3A_336, %min3A_87] : memref<64x512xf32, #tpu.memory_space<vmem>>[vector<16xi32>, vector<16xi32>], vector<16xf32>,
            %iota3A_338 = tpu.iota {dimensions = array<i32: 0>} : vector<16xi32>
            %broadcast_in_dim3A_339 = arith.constant 24 : i32
            %broadcast_in_dim3A_340 = vector.broadcast %broadcast_in_dim3A_339 : i32 to vector<16xi32>
            %scatter3A_341 = arith.constant 0 : i32
            %scatter3A_342 = arith.constant 0 : i32
            %scatter3A_343 = tpu.memref_slice %arg13[%and3A_65, %scatter3A_341, %scatter3A_342] : memref<8x16x128xf32, #tpu.memory_space<vmem>> -> memref<1x16x128xf32, #tpu.memory_space<vmem>>
            %scatter3A_344 = tpu.memref_squeeze %scatter3A_343 : memref<1x16x128xf32, #tpu.memory_space<vmem>> -> memref<16x128xf32, #tpu.memory_space<vmem>>
            tpu.vector_store_idx %scatter3A_344[%iota3A_338, %broadcast_in_dim3A_340], %gather3A_337 : memref<16x128xf32, #tpu.memory_space<vmem>>[vector<16xi32>, vector<16xi32>], vector<16xf32>,
            %broadcast_in_dim3A_345 = arith.constant 25 : i32
            %broadcast_in_dim3A_346 = vector.broadcast %broadcast_in_dim3A_345 : i32 to vector<16xi32>
            %gather3A_347 = tpu.vector_load_idx %arg12[%broadcast_in_dim3A_346, %min3A_87] : memref<64x512xf32, #tpu.memory_space<vmem>>[vector<16xi32>, vector<16xi32>], vector<16xf32>,
            %iota3A_348 = tpu.iota {dimensions = array<i32: 0>} : vector<16xi32>
            %broadcast_in_dim3A_349 = arith.constant 25 : i32
            %broadcast_in_dim3A_350 = vector.broadcast %broadcast_in_dim3A_349 : i32 to vector<16xi32>
            %scatter3A_351 = arith.constant 0 : i32
            %scatter3A_352 = arith.constant 0 : i32
            %scatter3A_353 = tpu.memref_slice %arg13[%and3A_65, %scatter3A_351, %scatter3A_352] : memref<8x16x128xf32, #tpu.memory_space<vmem>> -> memref<1x16x128xf32, #tpu.memory_space<vmem>>
            %scatter3A_354 = tpu.memref_squeeze %scatter3A_353 : memref<1x16x128xf32, #tpu.memory_space<vmem>> -> memref<16x128xf32, #tpu.memory_space<vmem>>
            tpu.vector_store_idx %scatter3A_354[%iota3A_348, %broadcast_in_dim3A_350], %gather3A_347 : memref<16x128xf32, #tpu.memory_space<vmem>>[vector<16xi32>, vector<16xi32>], vector<16xf32>,
            %broadcast_in_dim3A_355 = arith.constant 26 : i32
            %broadcast_in_dim3A_356 = vector.broadcast %broadcast_in_dim3A_355 : i32 to vector<16xi32>
            %gather3A_357 = tpu.vector_load_idx %arg12[%broadcast_in_dim3A_356, %min3A_87] : memref<64x512xf32, #tpu.memory_space<vmem>>[vector<16xi32>, vector<16xi32>], vector<16xf32>,
            %iota3A_358 = tpu.iota {dimensions = array<i32: 0>} : vector<16xi32>
            %broadcast_in_dim3A_359 = arith.constant 26 : i32
            %broadcast_in_dim3A_360 = vector.broadcast %broadcast_in_dim3A_359 : i32 to vector<16xi32>
            %scatter3A_361 = arith.constant 0 : i32
            %scatter3A_362 = arith.constant 0 : i32
            %scatter3A_363 = tpu.memref_slice %arg13[%and3A_65, %scatter3A_361, %scatter3A_362] : memref<8x16x128xf32, #tpu.memory_space<vmem>> -> memref<1x16x128xf32, #tpu.memory_space<vmem>>
            %scatter3A_364 = tpu.memref_squeeze %scatter3A_363 : memref<1x16x128xf32, #tpu.memory_space<vmem>> -> memref<16x128xf32, #tpu.memory_space<vmem>>
            tpu.vector_store_idx %scatter3A_364[%iota3A_358, %broadcast_in_dim3A_360], %gather3A_357 : memref<16x128xf32, #tpu.memory_space<vmem>>[vector<16xi32>, vector<16xi32>], vector<16xf32>,
            %broadcast_in_dim3A_365 = arith.constant 27 : i32
            %broadcast_in_dim3A_366 = vector.broadcast %broadcast_in_dim3A_365 : i32 to vector<16xi32>
            %gather3A_367 = tpu.vector_load_idx %arg12[%broadcast_in_dim3A_366, %min3A_87] : memref<64x512xf32, #tpu.memory_space<vmem>>[vector<16xi32>, vector<16xi32>], vector<16xf32>,
            %iota3A_368 = tpu.iota {dimensions = array<i32: 0>} : vector<16xi32>
            %broadcast_in_dim3A_369 = arith.constant 27 : i32
            %broadcast_in_dim3A_370 = vector.broadcast %broadcast_in_dim3A_369 : i32 to vector<16xi32>
            %scatter3A_371 = arith.constant 0 : i32
            %scatter3A_372 = arith.constant 0 : i32
            %scatter3A_373 = tpu.memref_slice %arg13[%and3A_65, %scatter3A_371, %scatter3A_372] : memref<8x16x128xf32, #tpu.memory_space<vmem>> -> memref<1x16x128xf32, #tpu.memory_space<vmem>>
            %scatter3A_374 = tpu.memref_squeeze %scatter3A_373 : memref<1x16x128xf32, #tpu.memory_space<vmem>> -> memref<16x128xf32, #tpu.memory_space<vmem>>
            tpu.vector_store_idx %scatter3A_374[%iota3A_368, %broadcast_in_dim3A_370], %gather3A_367 : memref<16x128xf32, #tpu.memory_space<vmem>>[vector<16xi32>, vector<16xi32>], vector<16xf32>,
            %broadcast_in_dim3A_375 = arith.constant 28 : i32
            %broadcast_in_dim3A_376 = vector.broadcast %broadcast_in_dim3A_375 : i32 to vector<16xi32>
            %gather3A_377 = tpu.vector_load_idx %arg12[%broadcast_in_dim3A_376, %min3A_87] : memref<64x512xf32, #tpu.memory_space<vmem>>[vector<16xi32>, vector<16xi32>], vector<16xf32>,
            %iota3A_378 = tpu.iota {dimensions = array<i32: 0>} : vector<16xi32>
            %broadcast_in_dim3A_379 = arith.constant 28 : i32
            %broadcast_in_dim3A_380 = vector.broadcast %broadcast_in_dim3A_379 : i32 to vector<16xi32>
            %scatter3A_381 = arith.constant 0 : i32
            %scatter3A_382 = arith.constant 0 : i32
            %scatter3A_383 = tpu.memref_slice %arg13[%and3A_65, %scatter3A_381, %scatter3A_382] : memref<8x16x128xf32, #tpu.memory_space<vmem>> -> memref<1x16x128xf32, #tpu.memory_space<vmem>>
            %scatter3A_384 = tpu.memref_squeeze %scatter3A_383 : memref<1x16x128xf32, #tpu.memory_space<vmem>> -> memref<16x128xf32, #tpu.memory_space<vmem>>
            tpu.vector_store_idx %scatter3A_384[%iota3A_378, %broadcast_in_dim3A_380], %gather3A_377 : memref<16x128xf32, #tpu.memory_space<vmem>>[vector<16xi32>, vector<16xi32>], vector<16xf32>,
            %broadcast_in_dim3A_385 = arith.constant 29 : i32
            %broadcast_in_dim3A_386 = vector.broadcast %broadcast_in_dim3A_385 : i32 to vector<16xi32>
            %gather3A_387 = tpu.vector_load_idx %arg12[%broadcast_in_dim3A_386, %min3A_87] : memref<64x512xf32, #tpu.memory_space<vmem>>[vector<16xi32>, vector<16xi32>], vector<16xf32>,
            %iota3A_388 = tpu.iota {dimensions = array<i32: 0>} : vector<16xi32>
            %broadcast_in_dim3A_389 = arith.constant 29 : i32
            %broadcast_in_dim3A_390 = vector.broadcast %broadcast_in_dim3A_389 : i32 to vector<16xi32>
            %scatter3A_391 = arith.constant 0 : i32
            %scatter3A_392 = arith.constant 0 : i32
            %scatter3A_393 = tpu.memref_slice %arg13[%and3A_65, %scatter3A_391, %scatter3A_392] : memref<8x16x128xf32, #tpu.memory_space<vmem>> -> memref<1x16x128xf32, #tpu.memory_space<vmem>>
            %scatter3A_394 = tpu.memref_squeeze %scatter3A_393 : memref<1x16x128xf32, #tpu.memory_space<vmem>> -> memref<16x128xf32, #tpu.memory_space<vmem>>
            tpu.vector_store_idx %scatter3A_394[%iota3A_388, %broadcast_in_dim3A_390], %gather3A_387 : memref<16x128xf32, #tpu.memory_space<vmem>>[vector<16xi32>, vector<16xi32>], vector<16xf32>,
            %broadcast_in_dim3A_395 = arith.constant 30 : i32
            %broadcast_in_dim3A_396 = vector.broadcast %broadcast_in_dim3A_395 : i32 to vector<16xi32>
            %gather3A_397 = tpu.vector_load_idx %arg12[%broadcast_in_dim3A_396, %min3A_87] : memref<64x512xf32, #tpu.memory_space<vmem>>[vector<16xi32>, vector<16xi32>], vector<16xf32>,
            %iota3A_398 = tpu.iota {dimensions = array<i32: 0>} : vector<16xi32>
            %broadcast_in_dim3A_399 = arith.constant 30 : i32
            %broadcast_in_dim3A_400 = vector.broadcast %broadcast_in_dim3A_399 : i32 to vector<16xi32>
            %scatter3A_401 = arith.constant 0 : i32
            %scatter3A_402 = arith.constant 0 : i32
            %scatter3A_403 = tpu.memref_slice %arg13[%and3A_65, %scatter3A_401, %scatter3A_402] : memref<8x16x128xf32, #tpu.memory_space<vmem>> -> memref<1x16x128xf32, #tpu.memory_space<vmem>>
            %scatter3A_404 = tpu.memref_squeeze %scatter3A_403 : memref<1x16x128xf32, #tpu.memory_space<vmem>> -> memref<16x128xf32, #tpu.memory_space<vmem>>
            tpu.vector_store_idx %scatter3A_404[%iota3A_398, %broadcast_in_dim3A_400], %gather3A_397 : memref<16x128xf32, #tpu.memory_space<vmem>>[vector<16xi32>, vector<16xi32>], vector<16xf32>,
            %broadcast_in_dim3A_405 = arith.constant 31 : i32
            %broadcast_in_dim3A_406 = vector.broadcast %broadcast_in_dim3A_405 : i32 to vector<16xi32>
            %gather3A_407 = tpu.vector_load_idx %arg12[%broadcast_in_dim3A_406, %min3A_87] : memref<64x512xf32, #tpu.memory_space<vmem>>[vector<16xi32>, vector<16xi32>], vector<16xf32>,
            %iota3A_408 = tpu.iota {dimensions = array<i32: 0>} : vector<16xi32>
            %broadcast_in_dim3A_409 = arith.constant 31 : i32
            %broadcast_in_dim3A_410 = vector.broadcast %broadcast_in_dim3A_409 : i32 to vector<16xi32>
            %scatter3A_411 = arith.constant 0 : i32
            %scatter3A_412 = arith.constant 0 : i32
            %scatter3A_413 = tpu.memref_slice %arg13[%and3A_65, %scatter3A_411, %scatter3A_412] : memref<8x16x128xf32, #tpu.memory_space<vmem>> -> memref<1x16x128xf32, #tpu.memory_space<vmem>>
            %scatter3A_414 = tpu.memref_squeeze %scatter3A_413 : memref<1x16x128xf32, #tpu.memory_space<vmem>> -> memref<16x128xf32, #tpu.memory_space<vmem>>
            tpu.vector_store_idx %scatter3A_414[%iota3A_408, %broadcast_in_dim3A_410], %gather3A_407 : memref<16x128xf32, #tpu.memory_space<vmem>>[vector<16xi32>, vector<16xi32>], vector<16xf32>,
            %broadcast_in_dim3A_415 = arith.constant 32 : i32
            %broadcast_in_dim3A_416 = vector.broadcast %broadcast_in_dim3A_415 : i32 to vector<16xi32>
            %gather3A_417 = tpu.vector_load_idx %arg12[%broadcast_in_dim3A_416, %min3A_87] : memref<64x512xf32, #tpu.memory_space<vmem>>[vector<16xi32>, vector<16xi32>], vector<16xf32>,
            %iota3A_418 = tpu.iota {dimensions = array<i32: 0>} : vector<16xi32>
            %broadcast_in_dim3A_419 = arith.constant 32 : i32
            %broadcast_in_dim3A_420 = vector.broadcast %broadcast_in_dim3A_419 : i32 to vector<16xi32>
            %scatter3A_421 = arith.constant 0 : i32
            %scatter3A_422 = arith.constant 0 : i32
            %scatter3A_423 = tpu.memref_slice %arg13[%and3A_65, %scatter3A_421, %scatter3A_422] : memref<8x16x128xf32, #tpu.memory_space<vmem>> -> memref<1x16x128xf32, #tpu.memory_space<vmem>>
            %scatter3A_424 = tpu.memref_squeeze %scatter3A_423 : memref<1x16x128xf32, #tpu.memory_space<vmem>> -> memref<16x128xf32, #tpu.memory_space<vmem>>
            tpu.vector_store_idx %scatter3A_424[%iota3A_418, %broadcast_in_dim3A_420], %gather3A_417 : memref<16x128xf32, #tpu.memory_space<vmem>>[vector<16xi32>, vector<16xi32>], vector<16xf32>,
            %broadcast_in_dim3A_425 = arith.constant 33 : i32
            %broadcast_in_dim3A_426 = vector.broadcast %broadcast_in_dim3A_425 : i32 to vector<16xi32>
            %gather3A_427 = tpu.vector_load_idx %arg12[%broadcast_in_dim3A_426, %min3A_87] : memref<64x512xf32, #tpu.memory_space<vmem>>[vector<16xi32>, vector<16xi32>], vector<16xf32>,
            %iota3A_428 = tpu.iota {dimensions = array<i32: 0>} : vector<16xi32>
            %broadcast_in_dim3A_429 = arith.constant 33 : i32
            %broadcast_in_dim3A_430 = vector.broadcast %broadcast_in_dim3A_429 : i32 to vector<16xi32>
            %scatter3A_431 = arith.constant 0 : i32
            %scatter3A_432 = arith.constant 0 : i32
            %scatter3A_433 = tpu.memref_slice %arg13[%and3A_65, %scatter3A_431, %scatter3A_432] : memref<8x16x128xf32, #tpu.memory_space<vmem>> -> memref<1x16x128xf32, #tpu.memory_space<vmem>>
            %scatter3A_434 = tpu.memref_squeeze %scatter3A_433 : memref<1x16x128xf32, #tpu.memory_space<vmem>> -> memref<16x128xf32, #tpu.memory_space<vmem>>
            tpu.vector_store_idx %scatter3A_434[%iota3A_428, %broadcast_in_dim3A_430], %gather3A_427 : memref<16x128xf32, #tpu.memory_space<vmem>>[vector<16xi32>, vector<16xi32>], vector<16xf32>,
            %broadcast_in_dim3A_435 = arith.constant 34 : i32
            %broadcast_in_dim3A_436 = vector.broadcast %broadcast_in_dim3A_435 : i32 to vector<16xi32>
            %gather3A_437 = tpu.vector_load_idx %arg12[%broadcast_in_dim3A_436, %min3A_87] : memref<64x512xf32, #tpu.memory_space<vmem>>[vector<16xi32>, vector<16xi32>], vector<16xf32>,
            %iota3A_438 = tpu.iota {dimensions = array<i32: 0>} : vector<16xi32>
            %broadcast_in_dim3A_439 = arith.constant 34 : i32
            %broadcast_in_dim3A_440 = vector.broadcast %broadcast_in_dim3A_439 : i32 to vector<16xi32>
            %scatter3A_441 = arith.constant 0 : i32
            %scatter3A_442 = arith.constant 0 : i32
            %scatter3A_443 = tpu.memref_slice %arg13[%and3A_65, %scatter3A_441, %scatter3A_442] : memref<8x16x128xf32, #tpu.memory_space<vmem>> -> memref<1x16x128xf32, #tpu.memory_space<vmem>>
            %scatter3A_444 = tpu.memref_squeeze %scatter3A_443 : memref<1x16x128xf32, #tpu.memory_space<vmem>> -> memref<16x128xf32, #tpu.memory_space<vmem>>
            tpu.vector_store_idx %scatter3A_444[%iota3A_438, %broadcast_in_dim3A_440], %gather3A_437 : memref<16x128xf32, #tpu.memory_space<vmem>>[vector<16xi32>, vector<16xi32>], vector<16xf32>,
            %broadcast_in_dim3A_445 = arith.constant 35 : i32
            %broadcast_in_dim3A_446 = vector.broadcast %broadcast_in_dim3A_445 : i32 to vector<16xi32>
            %gather3A_447 = tpu.vector_load_idx %arg12[%broadcast_in_dim3A_446, %min3A_87] : memref<64x512xf32, #tpu.memory_space<vmem>>[vector<16xi32>, vector<16xi32>], vector<16xf32>,
            %iota3A_448 = tpu.iota {dimensions = array<i32: 0>} : vector<16xi32>
            %broadcast_in_dim3A_449 = arith.constant 35 : i32
            %broadcast_in_dim3A_450 = vector.broadcast %broadcast_in_dim3A_449 : i32 to vector<16xi32>
            %scatter3A_451 = arith.constant 0 : i32
            %scatter3A_452 = arith.constant 0 : i32
            %scatter3A_453 = tpu.memref_slice %arg13[%and3A_65, %scatter3A_451, %scatter3A_452] : memref<8x16x128xf32, #tpu.memory_space<vmem>> -> memref<1x16x128xf32, #tpu.memory_space<vmem>>
            %scatter3A_454 = tpu.memref_squeeze %scatter3A_453 : memref<1x16x128xf32, #tpu.memory_space<vmem>> -> memref<16x128xf32, #tpu.memory_space<vmem>>
            tpu.vector_store_idx %scatter3A_454[%iota3A_448, %broadcast_in_dim3A_450], %gather3A_447 : memref<16x128xf32, #tpu.memory_space<vmem>>[vector<16xi32>, vector<16xi32>], vector<16xf32>,
            %broadcast_in_dim3A_455 = arith.constant 36 : i32
            %broadcast_in_dim3A_456 = vector.broadcast %broadcast_in_dim3A_455 : i32 to vector<16xi32>
            %gather3A_457 = tpu.vector_load_idx %arg12[%broadcast_in_dim3A_456, %min3A_87] : memref<64x512xf32, #tpu.memory_space<vmem>>[vector<16xi32>, vector<16xi32>], vector<16xf32>,
            %iota3A_458 = tpu.iota {dimensions = array<i32: 0>} : vector<16xi32>
            %broadcast_in_dim3A_459 = arith.constant 36 : i32
            %broadcast_in_dim3A_460 = vector.broadcast %broadcast_in_dim3A_459 : i32 to vector<16xi32>
            %scatter3A_461 = arith.constant 0 : i32
            %scatter3A_462 = arith.constant 0 : i32
            %scatter3A_463 = tpu.memref_slice %arg13[%and3A_65, %scatter3A_461, %scatter3A_462] : memref<8x16x128xf32, #tpu.memory_space<vmem>> -> memref<1x16x128xf32, #tpu.memory_space<vmem>>
            %scatter3A_464 = tpu.memref_squeeze %scatter3A_463 : memref<1x16x128xf32, #tpu.memory_space<vmem>> -> memref<16x128xf32, #tpu.memory_space<vmem>>
            tpu.vector_store_idx %scatter3A_464[%iota3A_458, %broadcast_in_dim3A_460], %gather3A_457 : memref<16x128xf32, #tpu.memory_space<vmem>>[vector<16xi32>, vector<16xi32>], vector<16xf32>,
            %broadcast_in_dim3A_465 = arith.constant 37 : i32
            %broadcast_in_dim3A_466 = vector.broadcast %broadcast_in_dim3A_465 : i32 to vector<16xi32>
            %gather3A_467 = tpu.vector_load_idx %arg12[%broadcast_in_dim3A_466, %min3A_87] : memref<64x512xf32, #tpu.memory_space<vmem>>[vector<16xi32>, vector<16xi32>], vector<16xf32>,
            %iota3A_468 = tpu.iota {dimensions = array<i32: 0>} : vector<16xi32>
            %broadcast_in_dim3A_469 = arith.constant 37 : i32
            %broadcast_in_dim3A_470 = vector.broadcast %broadcast_in_dim3A_469 : i32 to vector<16xi32>
            %scatter3A_471 = arith.constant 0 : i32
            %scatter3A_472 = arith.constant 0 : i32
            %scatter3A_473 = tpu.memref_slice %arg13[%and3A_65, %scatter3A_471, %scatter3A_472] : memref<8x16x128xf32, #tpu.memory_space<vmem>> -> memref<1x16x128xf32, #tpu.memory_space<vmem>>
            %scatter3A_474 = tpu.memref_squeeze %scatter3A_473 : memref<1x16x128xf32, #tpu.memory_space<vmem>> -> memref<16x128xf32, #tpu.memory_space<vmem>>
            tpu.vector_store_idx %scatter3A_474[%iota3A_468, %broadcast_in_dim3A_470], %gather3A_467 : memref<16x128xf32, #tpu.memory_space<vmem>>[vector<16xi32>, vector<16xi32>], vector<16xf32>,
            %broadcast_in_dim3A_475 = arith.constant 38 : i32
            %broadcast_in_dim3A_476 = vector.broadcast %broadcast_in_dim3A_475 : i32 to vector<16xi32>
            %gather3A_477 = tpu.vector_load_idx %arg12[%broadcast_in_dim3A_476, %min3A_87] : memref<64x512xf32, #tpu.memory_space<vmem>>[vector<16xi32>, vector<16xi32>], vector<16xf32>,
            %iota3A_478 = tpu.iota {dimensions = array<i32: 0>} : vector<16xi32>
            %broadcast_in_dim3A_479 = arith.constant 38 : i32
            %broadcast_in_dim3A_480 = vector.broadcast %broadcast_in_dim3A_479 : i32 to vector<16xi32>
            %scatter3A_481 = arith.constant 0 : i32
            %scatter3A_482 = arith.constant 0 : i32
            %scatter3A_483 = tpu.memref_slice %arg13[%and3A_65, %scatter3A_481, %scatter3A_482] : memref<8x16x128xf32, #tpu.memory_space<vmem>> -> memref<1x16x128xf32, #tpu.memory_space<vmem>>
            %scatter3A_484 = tpu.memref_squeeze %scatter3A_483 : memref<1x16x128xf32, #tpu.memory_space<vmem>> -> memref<16x128xf32, #tpu.memory_space<vmem>>
            tpu.vector_store_idx %scatter3A_484[%iota3A_478, %broadcast_in_dim3A_480], %gather3A_477 : memref<16x128xf32, #tpu.memory_space<vmem>>[vector<16xi32>, vector<16xi32>], vector<16xf32>,
            %broadcast_in_dim3A_485 = arith.constant 39 : i32
            %broadcast_in_dim3A_486 = vector.broadcast %broadcast_in_dim3A_485 : i32 to vector<16xi32>
            %gather3A_487 = tpu.vector_load_idx %arg12[%broadcast_in_dim3A_486, %min3A_87] : memref<64x512xf32, #tpu.memory_space<vmem>>[vector<16xi32>, vector<16xi32>], vector<16xf32>,
            %iota3A_488 = tpu.iota {dimensions = array<i32: 0>} : vector<16xi32>
            %broadcast_in_dim3A_489 = arith.constant 39 : i32
            %broadcast_in_dim3A_490 = vector.broadcast %broadcast_in_dim3A_489 : i32 to vector<16xi32>
            %scatter3A_491 = arith.constant 0 : i32
            %scatter3A_492 = arith.constant 0 : i32
            %scatter3A_493 = tpu.memref_slice %arg13[%and3A_65, %scatter3A_491, %scatter3A_492] : memref<8x16x128xf32, #tpu.memory_space<vmem>> -> memref<1x16x128xf32, #tpu.memory_space<vmem>>
            %scatter3A_494 = tpu.memref_squeeze %scatter3A_493 : memref<1x16x128xf32, #tpu.memory_space<vmem>> -> memref<16x128xf32, #tpu.memory_space<vmem>>
            tpu.vector_store_idx %scatter3A_494[%iota3A_488, %broadcast_in_dim3A_490], %gather3A_487 : memref<16x128xf32, #tpu.memory_space<vmem>>[vector<16xi32>, vector<16xi32>], vector<16xf32>,
            %broadcast_in_dim3A_495 = arith.constant 40 : i32
            %broadcast_in_dim3A_496 = vector.broadcast %broadcast_in_dim3A_495 : i32 to vector<16xi32>
            %gather3A_497 = tpu.vector_load_idx %arg12[%broadcast_in_dim3A_496, %min3A_87] : memref<64x512xf32, #tpu.memory_space<vmem>>[vector<16xi32>, vector<16xi32>], vector<16xf32>,
            %iota3A_498 = tpu.iota {dimensions = array<i32: 0>} : vector<16xi32>
            %broadcast_in_dim3A_499 = arith.constant 40 : i32
            %broadcast_in_dim3A_500 = vector.broadcast %broadcast_in_dim3A_499 : i32 to vector<16xi32>
            %scatter3A_501 = arith.constant 0 : i32
            %scatter3A_502 = arith.constant 0 : i32
            %scatter3A_503 = tpu.memref_slice %arg13[%and3A_65, %scatter3A_501, %scatter3A_502] : memref<8x16x128xf32, #tpu.memory_space<vmem>> -> memref<1x16x128xf32, #tpu.memory_space<vmem>>
            %scatter3A_504 = tpu.memref_squeeze %scatter3A_503 : memref<1x16x128xf32, #tpu.memory_space<vmem>> -> memref<16x128xf32, #tpu.memory_space<vmem>>
            tpu.vector_store_idx %scatter3A_504[%iota3A_498, %broadcast_in_dim3A_500], %gather3A_497 : memref<16x128xf32, #tpu.memory_space<vmem>>[vector<16xi32>, vector<16xi32>], vector<16xf32>,
            %broadcast_in_dim3A_505 = arith.constant 41 : i32
            %broadcast_in_dim3A_506 = vector.broadcast %broadcast_in_dim3A_505 : i32 to vector<16xi32>
            %gather3A_507 = tpu.vector_load_idx %arg12[%broadcast_in_dim3A_506, %min3A_87] : memref<64x512xf32, #tpu.memory_space<vmem>>[vector<16xi32>, vector<16xi32>], vector<16xf32>,
            %iota3A_508 = tpu.iota {dimensions = array<i32: 0>} : vector<16xi32>
            %broadcast_in_dim3A_509 = arith.constant 41 : i32
            %broadcast_in_dim3A_510 = vector.broadcast %broadcast_in_dim3A_509 : i32 to vector<16xi32>
            %scatter3A_511 = arith.constant 0 : i32
            %scatter3A_512 = arith.constant 0 : i32
            %scatter3A_513 = tpu.memref_slice %arg13[%and3A_65, %scatter3A_511, %scatter3A_512] : memref<8x16x128xf32, #tpu.memory_space<vmem>> -> memref<1x16x128xf32, #tpu.memory_space<vmem>>
            %scatter3A_514 = tpu.memref_squeeze %scatter3A_513 : memref<1x16x128xf32, #tpu.memory_space<vmem>> -> memref<16x128xf32, #tpu.memory_space<vmem>>
            tpu.vector_store_idx %scatter3A_514[%iota3A_508, %broadcast_in_dim3A_510], %gather3A_507 : memref<16x128xf32, #tpu.memory_space<vmem>>[vector<16xi32>, vector<16xi32>], vector<16xf32>,
            %broadcast_in_dim3A_515 = arith.constant 42 : i32
            %broadcast_in_dim3A_516 = vector.broadcast %broadcast_in_dim3A_515 : i32 to vector<16xi32>
            %gather3A_517 = tpu.vector_load_idx %arg12[%broadcast_in_dim3A_516, %min3A_87] : memref<64x512xf32, #tpu.memory_space<vmem>>[vector<16xi32>, vector<16xi32>], vector<16xf32>,
            %iota3A_518 = tpu.iota {dimensions = array<i32: 0>} : vector<16xi32>
            %broadcast_in_dim3A_519 = arith.constant 42 : i32
            %broadcast_in_dim3A_520 = vector.broadcast %broadcast_in_dim3A_519 : i32 to vector<16xi32>
            %scatter3A_521 = arith.constant 0 : i32
            %scatter3A_522 = arith.constant 0 : i32
            %scatter3A_523 = tpu.memref_slice %arg13[%and3A_65, %scatter3A_521, %scatter3A_522] : memref<8x16x128xf32, #tpu.memory_space<vmem>> -> memref<1x16x128xf32, #tpu.memory_space<vmem>>
            %scatter3A_524 = tpu.memref_squeeze %scatter3A_523 : memref<1x16x128xf32, #tpu.memory_space<vmem>> -> memref<16x128xf32, #tpu.memory_space<vmem>>
            tpu.vector_store_idx %scatter3A_524[%iota3A_518, %broadcast_in_dim3A_520], %gather3A_517 : memref<16x128xf32, #tpu.memory_space<vmem>>[vector<16xi32>, vector<16xi32>], vector<16xf32>,
            %broadcast_in_dim3A_525 = arith.constant 43 : i32
            %broadcast_in_dim3A_526 = vector.broadcast %broadcast_in_dim3A_525 : i32 to vector<16xi32>
            %gather3A_527 = tpu.vector_load_idx %arg12[%broadcast_in_dim3A_526, %min3A_87] : memref<64x512xf32, #tpu.memory_space<vmem>>[vector<16xi32>, vector<16xi32>], vector<16xf32>,
            %iota3A_528 = tpu.iota {dimensions = array<i32: 0>} : vector<16xi32>
            %broadcast_in_dim3A_529 = arith.constant 43 : i32
            %broadcast_in_dim3A_530 = vector.broadcast %broadcast_in_dim3A_529 : i32 to vector<16xi32>
            %scatter3A_531 = arith.constant 0 : i32
            %scatter3A_532 = arith.constant 0 : i32
            %scatter3A_533 = tpu.memref_slice %arg13[%and3A_65, %scatter3A_531, %scatter3A_532] : memref<8x16x128xf32, #tpu.memory_space<vmem>> -> memref<1x16x128xf32, #tpu.memory_space<vmem>>
            %scatter3A_534 = tpu.memref_squeeze %scatter3A_533 : memref<1x16x128xf32, #tpu.memory_space<vmem>> -> memref<16x128xf32, #tpu.memory_space<vmem>>
            tpu.vector_store_idx %scatter3A_534[%iota3A_528, %broadcast_in_dim3A_530], %gather3A_527 : memref<16x128xf32, #tpu.memory_space<vmem>>[vector<16xi32>, vector<16xi32>], vector<16xf32>,
            %broadcast_in_dim3A_535 = arith.constant 44 : i32
            %broadcast_in_dim3A_536 = vector.broadcast %broadcast_in_dim3A_535 : i32 to vector<16xi32>
            %gather3A_537 = tpu.vector_load_idx %arg12[%broadcast_in_dim3A_536, %min3A_87] : memref<64x512xf32, #tpu.memory_space<vmem>>[vector<16xi32>, vector<16xi32>], vector<16xf32>,
            %iota3A_538 = tpu.iota {dimensions = array<i32: 0>} : vector<16xi32>
            %broadcast_in_dim3A_539 = arith.constant 44 : i32
            %broadcast_in_dim3A_540 = vector.broadcast %broadcast_in_dim3A_539 : i32 to vector<16xi32>
            %scatter3A_541 = arith.constant 0 : i32
            %scatter3A_542 = arith.constant 0 : i32
            %scatter3A_543 = tpu.memref_slice %arg13[%and3A_65, %scatter3A_541, %scatter3A_542] : memref<8x16x128xf32, #tpu.memory_space<vmem>> -> memref<1x16x128xf32, #tpu.memory_space<vmem>>
            %scatter3A_544 = tpu.memref_squeeze %scatter3A_543 : memref<1x16x128xf32, #tpu.memory_space<vmem>> -> memref<16x128xf32, #tpu.memory_space<vmem>>
            tpu.vector_store_idx %scatter3A_544[%iota3A_538, %broadcast_in_dim3A_540], %gather3A_537 : memref<16x128xf32, #tpu.memory_space<vmem>>[vector<16xi32>, vector<16xi32>], vector<16xf32>,
            %broadcast_in_dim3A_545 = arith.constant 45 : i32
            %broadcast_in_dim3A_546 = vector.broadcast %broadcast_in_dim3A_545 : i32 to vector<16xi32>
            %gather3A_547 = tpu.vector_load_idx %arg12[%broadcast_in_dim3A_546, %min3A_87] : memref<64x512xf32, #tpu.memory_space<vmem>>[vector<16xi32>, vector<16xi32>], vector<16xf32>,
            %iota3A_548 = tpu.iota {dimensions = array<i32: 0>} : vector<16xi32>
            %broadcast_in_dim3A_549 = arith.constant 45 : i32
            %broadcast_in_dim3A_550 = vector.broadcast %broadcast_in_dim3A_549 : i32 to vector<16xi32>
            %scatter3A_551 = arith.constant 0 : i32
            %scatter3A_552 = arith.constant 0 : i32
            %scatter3A_553 = tpu.memref_slice %arg13[%and3A_65, %scatter3A_551, %scatter3A_552] : memref<8x16x128xf32, #tpu.memory_space<vmem>> -> memref<1x16x128xf32, #tpu.memory_space<vmem>>
            %scatter3A_554 = tpu.memref_squeeze %scatter3A_553 : memref<1x16x128xf32, #tpu.memory_space<vmem>> -> memref<16x128xf32, #tpu.memory_space<vmem>>
            tpu.vector_store_idx %scatter3A_554[%iota3A_548, %broadcast_in_dim3A_550], %gather3A_547 : memref<16x128xf32, #tpu.memory_space<vmem>>[vector<16xi32>, vector<16xi32>], vector<16xf32>,
            %broadcast_in_dim3A_555 = arith.constant 46 : i32
            %broadcast_in_dim3A_556 = vector.broadcast %broadcast_in_dim3A_555 : i32 to vector<16xi32>
            %gather3A_557 = tpu.vector_load_idx %arg12[%broadcast_in_dim3A_556, %min3A_87] : memref<64x512xf32, #tpu.memory_space<vmem>>[vector<16xi32>, vector<16xi32>], vector<16xf32>,
            %iota3A_558 = tpu.iota {dimensions = array<i32: 0>} : vector<16xi32>
            %broadcast_in_dim3A_559 = arith.constant 46 : i32
            %broadcast_in_dim3A_560 = vector.broadcast %broadcast_in_dim3A_559 : i32 to vector<16xi32>
            %scatter3A_561 = arith.constant 0 : i32
            %scatter3A_562 = arith.constant 0 : i32
            %scatter3A_563 = tpu.memref_slice %arg13[%and3A_65, %scatter3A_561, %scatter3A_562] : memref<8x16x128xf32, #tpu.memory_space<vmem>> -> memref<1x16x128xf32, #tpu.memory_space<vmem>>
            %scatter3A_564 = tpu.memref_squeeze %scatter3A_563 : memref<1x16x128xf32, #tpu.memory_space<vmem>> -> memref<16x128xf32, #tpu.memory_space<vmem>>
            tpu.vector_store_idx %scatter3A_564[%iota3A_558, %broadcast_in_dim3A_560], %gather3A_557 : memref<16x128xf32, #tpu.memory_space<vmem>>[vector<16xi32>, vector<16xi32>], vector<16xf32>,
            %broadcast_in_dim3A_565 = arith.constant 47 : i32
            %broadcast_in_dim3A_566 = vector.broadcast %broadcast_in_dim3A_565 : i32 to vector<16xi32>
            %gather3A_567 = tpu.vector_load_idx %arg12[%broadcast_in_dim3A_566, %min3A_87] : memref<64x512xf32, #tpu.memory_space<vmem>>[vector<16xi32>, vector<16xi32>], vector<16xf32>,
            %iota3A_568 = tpu.iota {dimensions = array<i32: 0>} : vector<16xi32>
            %broadcast_in_dim3A_569 = arith.constant 47 : i32
            %broadcast_in_dim3A_570 = vector.broadcast %broadcast_in_dim3A_569 : i32 to vector<16xi32>
            %scatter3A_571 = arith.constant 0 : i32
            %scatter3A_572 = arith.constant 0 : i32
            %scatter3A_573 = tpu.memref_slice %arg13[%and3A_65, %scatter3A_571, %scatter3A_572] : memref<8x16x128xf32, #tpu.memory_space<vmem>> -> memref<1x16x128xf32, #tpu.memory_space<vmem>>
            %scatter3A_574 = tpu.memref_squeeze %scatter3A_573 : memref<1x16x128xf32, #tpu.memory_space<vmem>> -> memref<16x128xf32, #tpu.memory_space<vmem>>
            tpu.vector_store_idx %scatter3A_574[%iota3A_568, %broadcast_in_dim3A_570], %gather3A_567 : memref<16x128xf32, #tpu.memory_space<vmem>>[vector<16xi32>, vector<16xi32>], vector<16xf32>,
            %broadcast_in_dim3A_575 = arith.constant 48 : i32
            %broadcast_in_dim3A_576 = vector.broadcast %broadcast_in_dim3A_575 : i32 to vector<16xi32>
            %gather3A_577 = tpu.vector_load_idx %arg12[%broadcast_in_dim3A_576, %min3A_87] : memref<64x512xf32, #tpu.memory_space<vmem>>[vector<16xi32>, vector<16xi32>], vector<16xf32>,
            %iota3A_578 = tpu.iota {dimensions = array<i32: 0>} : vector<16xi32>
            %broadcast_in_dim3A_579 = arith.constant 48 : i32
            %broadcast_in_dim3A_580 = vector.broadcast %broadcast_in_dim3A_579 : i32 to vector<16xi32>
            %scatter3A_581 = arith.constant 0 : i32
            %scatter3A_582 = arith.constant 0 : i32
            %scatter3A_583 = tpu.memref_slice %arg13[%and3A_65, %scatter3A_581, %scatter3A_582] : memref<8x16x128xf32, #tpu.memory_space<vmem>> -> memref<1x16x128xf32, #tpu.memory_space<vmem>>
            %scatter3A_584 = tpu.memref_squeeze %scatter3A_583 : memref<1x16x128xf32, #tpu.memory_space<vmem>> -> memref<16x128xf32, #tpu.memory_space<vmem>>
            tpu.vector_store_idx %scatter3A_584[%iota3A_578, %broadcast_in_dim3A_580], %gather3A_577 : memref<16x128xf32, #tpu.memory_space<vmem>>[vector<16xi32>, vector<16xi32>], vector<16xf32>,
            %broadcast_in_dim3A_585 = arith.constant 49 : i32
            %broadcast_in_dim3A_586 = vector.broadcast %broadcast_in_dim3A_585 : i32 to vector<16xi32>
            %gather3A_587 = tpu.vector_load_idx %arg12[%broadcast_in_dim3A_586, %min3A_87] : memref<64x512xf32, #tpu.memory_space<vmem>>[vector<16xi32>, vector<16xi32>], vector<16xf32>,
            %iota3A_588 = tpu.iota {dimensions = array<i32: 0>} : vector<16xi32>
            %broadcast_in_dim3A_589 = arith.constant 49 : i32
            %broadcast_in_dim3A_590 = vector.broadcast %broadcast_in_dim3A_589 : i32 to vector<16xi32>
            %scatter3A_591 = arith.constant 0 : i32
            %scatter3A_592 = arith.constant 0 : i32
            %scatter3A_593 = tpu.memref_slice %arg13[%and3A_65, %scatter3A_591, %scatter3A_592] : memref<8x16x128xf32, #tpu.memory_space<vmem>> -> memref<1x16x128xf32, #tpu.memory_space<vmem>>
            %scatter3A_594 = tpu.memref_squeeze %scatter3A_593 : memref<1x16x128xf32, #tpu.memory_space<vmem>> -> memref<16x128xf32, #tpu.memory_space<vmem>>
            tpu.vector_store_idx %scatter3A_594[%iota3A_588, %broadcast_in_dim3A_590], %gather3A_587 : memref<16x128xf32, #tpu.memory_space<vmem>>[vector<16xi32>, vector<16xi32>], vector<16xf32>,
            %broadcast_in_dim3A_595 = arith.constant 50 : i32
            %broadcast_in_dim3A_596 = vector.broadcast %broadcast_in_dim3A_595 : i32 to vector<16xi32>
            %gather3A_597 = tpu.vector_load_idx %arg12[%broadcast_in_dim3A_596, %min3A_87] : memref<64x512xf32, #tpu.memory_space<vmem>>[vector<16xi32>, vector<16xi32>], vector<16xf32>,
            %iota3A_598 = tpu.iota {dimensions = array<i32: 0>} : vector<16xi32>
            %broadcast_in_dim3A_599 = arith.constant 50 : i32
            %broadcast_in_dim3A_600 = vector.broadcast %broadcast_in_dim3A_599 : i32 to vector<16xi32>
            %scatter3A_601 = arith.constant 0 : i32
            %scatter3A_602 = arith.constant 0 : i32
            %scatter3A_603 = tpu.memref_slice %arg13[%and3A_65, %scatter3A_601, %scatter3A_602] : memref<8x16x128xf32, #tpu.memory_space<vmem>> -> memref<1x16x128xf32, #tpu.memory_space<vmem>>
            %scatter3A_604 = tpu.memref_squeeze %scatter3A_603 : memref<1x16x128xf32, #tpu.memory_space<vmem>> -> memref<16x128xf32, #tpu.memory_space<vmem>>
            tpu.vector_store_idx %scatter3A_604[%iota3A_598, %broadcast_in_dim3A_600], %gather3A_597 : memref<16x128xf32, #tpu.memory_space<vmem>>[vector<16xi32>, vector<16xi32>], vector<16xf32>,
            %broadcast_in_dim3A_605 = arith.constant 51 : i32
            %broadcast_in_dim3A_606 = vector.broadcast %broadcast_in_dim3A_605 : i32 to vector<16xi32>
            %gather3A_607 = tpu.vector_load_idx %arg12[%broadcast_in_dim3A_606, %min3A_87] : memref<64x512xf32, #tpu.memory_space<vmem>>[vector<16xi32>, vector<16xi32>], vector<16xf32>,
            %iota3A_608 = tpu.iota {dimensions = array<i32: 0>} : vector<16xi32>
            %broadcast_in_dim3A_609 = arith.constant 51 : i32
            %broadcast_in_dim3A_610 = vector.broadcast %broadcast_in_dim3A_609 : i32 to vector<16xi32>
            %scatter3A_611 = arith.constant 0 : i32
            %scatter3A_612 = arith.constant 0 : i32
            %scatter3A_613 = tpu.memref_slice %arg13[%and3A_65, %scatter3A_611, %scatter3A_612] : memref<8x16x128xf32, #tpu.memory_space<vmem>> -> memref<1x16x128xf32, #tpu.memory_space<vmem>>
            %scatter3A_614 = tpu.memref_squeeze %scatter3A_613 : memref<1x16x128xf32, #tpu.memory_space<vmem>> -> memref<16x128xf32, #tpu.memory_space<vmem>>
            tpu.vector_store_idx %scatter3A_614[%iota3A_608, %broadcast_in_dim3A_610], %gather3A_607 : memref<16x128xf32, #tpu.memory_space<vmem>>[vector<16xi32>, vector<16xi32>], vector<16xf32>,
            %broadcast_in_dim3A_615 = arith.constant 52 : i32
            %broadcast_in_dim3A_616 = vector.broadcast %broadcast_in_dim3A_615 : i32 to vector<16xi32>
            %gather3A_617 = tpu.vector_load_idx %arg12[%broadcast_in_dim3A_616, %min3A_87] : memref<64x512xf32, #tpu.memory_space<vmem>>[vector<16xi32>, vector<16xi32>], vector<16xf32>,
            %iota3A_618 = tpu.iota {dimensions = array<i32: 0>} : vector<16xi32>
            %broadcast_in_dim3A_619 = arith.constant 52 : i32
            %broadcast_in_dim3A_620 = vector.broadcast %broadcast_in_dim3A_619 : i32 to vector<16xi32>
            %scatter3A_621 = arith.constant 0 : i32
            %scatter3A_622 = arith.constant 0 : i32
            %scatter3A_623 = tpu.memref_slice %arg13[%and3A_65, %scatter3A_621, %scatter3A_622] : memref<8x16x128xf32, #tpu.memory_space<vmem>> -> memref<1x16x128xf32, #tpu.memory_space<vmem>>
            %scatter3A_624 = tpu.memref_squeeze %scatter3A_623 : memref<1x16x128xf32, #tpu.memory_space<vmem>> -> memref<16x128xf32, #tpu.memory_space<vmem>>
            tpu.vector_store_idx %scatter3A_624[%iota3A_618, %broadcast_in_dim3A_620], %gather3A_617 : memref<16x128xf32, #tpu.memory_space<vmem>>[vector<16xi32>, vector<16xi32>], vector<16xf32>,
            %broadcast_in_dim3A_625 = arith.constant 53 : i32
            %broadcast_in_dim3A_626 = vector.broadcast %broadcast_in_dim3A_625 : i32 to vector<16xi32>
            %gather3A_627 = tpu.vector_load_idx %arg12[%broadcast_in_dim3A_626, %min3A_87] : memref<64x512xf32, #tpu.memory_space<vmem>>[vector<16xi32>, vector<16xi32>], vector<16xf32>,
            %iota3A_628 = tpu.iota {dimensions = array<i32: 0>} : vector<16xi32>
            %broadcast_in_dim3A_629 = arith.constant 53 : i32
            %broadcast_in_dim3A_630 = vector.broadcast %broadcast_in_dim3A_629 : i32 to vector<16xi32>
            %scatter3A_631 = arith.constant 0 : i32
            %scatter3A_632 = arith.constant 0 : i32
            %scatter3A_633 = tpu.memref_slice %arg13[%and3A_65, %scatter3A_631, %scatter3A_632] : memref<8x16x128xf32, #tpu.memory_space<vmem>> -> memref<1x16x128xf32, #tpu.memory_space<vmem>>
            %scatter3A_634 = tpu.memref_squeeze %scatter3A_633 : memref<1x16x128xf32, #tpu.memory_space<vmem>> -> memref<16x128xf32, #tpu.memory_space<vmem>>
            tpu.vector_store_idx %scatter3A_634[%iota3A_628, %broadcast_in_dim3A_630], %gather3A_627 : memref<16x128xf32, #tpu.memory_space<vmem>>[vector<16xi32>, vector<16xi32>], vector<16xf32>,
            %broadcast_in_dim3A_635 = arith.constant 54 : i32
            %broadcast_in_dim3A_636 = vector.broadcast %broadcast_in_dim3A_635 : i32 to vector<16xi32>
            %gather3A_637 = tpu.vector_load_idx %arg12[%broadcast_in_dim3A_636, %min3A_87] : memref<64x512xf32, #tpu.memory_space<vmem>>[vector<16xi32>, vector<16xi32>], vector<16xf32>,
            %iota3A_638 = tpu.iota {dimensions = array<i32: 0>} : vector<16xi32>
            %broadcast_in_dim3A_639 = arith.constant 54 : i32
            %broadcast_in_dim3A_640 = vector.broadcast %broadcast_in_dim3A_639 : i32 to vector<16xi32>
            %scatter3A_641 = arith.constant 0 : i32
            %scatter3A_642 = arith.constant 0 : i32
            %scatter3A_643 = tpu.memref_slice %arg13[%and3A_65, %scatter3A_641, %scatter3A_642] : memref<8x16x128xf32, #tpu.memory_space<vmem>> -> memref<1x16x128xf32, #tpu.memory_space<vmem>>
            %scatter3A_644 = tpu.memref_squeeze %scatter3A_643 : memref<1x16x128xf32, #tpu.memory_space<vmem>> -> memref<16x128xf32, #tpu.memory_space<vmem>>
            tpu.vector_store_idx %scatter3A_644[%iota3A_638, %broadcast_in_dim3A_640], %gather3A_637 : memref<16x128xf32, #tpu.memory_space<vmem>>[vector<16xi32>, vector<16xi32>], vector<16xf32>,
            %broadcast_in_dim3A_645 = arith.constant 55 : i32
            %broadcast_in_dim3A_646 = vector.broadcast %broadcast_in_dim3A_645 : i32 to vector<16xi32>
            %gather3A_647 = tpu.vector_load_idx %arg12[%broadcast_in_dim3A_646, %min3A_87] : memref<64x512xf32, #tpu.memory_space<vmem>>[vector<16xi32>, vector<16xi32>], vector<16xf32>,
            %iota3A_648 = tpu.iota {dimensions = array<i32: 0>} : vector<16xi32>
            %broadcast_in_dim3A_649 = arith.constant 55 : i32
            %broadcast_in_dim3A_650 = vector.broadcast %broadcast_in_dim3A_649 : i32 to vector<16xi32>
            %scatter3A_651 = arith.constant 0 : i32
            %scatter3A_652 = arith.constant 0 : i32
            %scatter3A_653 = tpu.memref_slice %arg13[%and3A_65, %scatter3A_651, %scatter3A_652] : memref<8x16x128xf32, #tpu.memory_space<vmem>> -> memref<1x16x128xf32, #tpu.memory_space<vmem>>
            %scatter3A_654 = tpu.memref_squeeze %scatter3A_653 : memref<1x16x128xf32, #tpu.memory_space<vmem>> -> memref<16x128xf32, #tpu.memory_space<vmem>>
            tpu.vector_store_idx %scatter3A_654[%iota3A_648, %broadcast_in_dim3A_650], %gather3A_647 : memref<16x128xf32, #tpu.memory_space<vmem>>[vector<16xi32>, vector<16xi32>], vector<16xf32>,
            %broadcast_in_dim3A_655 = arith.constant 56 : i32
            %broadcast_in_dim3A_656 = vector.broadcast %broadcast_in_dim3A_655 : i32 to vector<16xi32>
            %gather3A_657 = tpu.vector_load_idx %arg12[%broadcast_in_dim3A_656, %min3A_87] : memref<64x512xf32, #tpu.memory_space<vmem>>[vector<16xi32>, vector<16xi32>], vector<16xf32>,
            %iota3A_658 = tpu.iota {dimensions = array<i32: 0>} : vector<16xi32>
            %broadcast_in_dim3A_659 = arith.constant 56 : i32
            %broadcast_in_dim3A_660 = vector.broadcast %broadcast_in_dim3A_659 : i32 to vector<16xi32>
            %scatter3A_661 = arith.constant 0 : i32
            %scatter3A_662 = arith.constant 0 : i32
            %scatter3A_663 = tpu.memref_slice %arg13[%and3A_65, %scatter3A_661, %scatter3A_662] : memref<8x16x128xf32, #tpu.memory_space<vmem>> -> memref<1x16x128xf32, #tpu.memory_space<vmem>>
            %scatter3A_664 = tpu.memref_squeeze %scatter3A_663 : memref<1x16x128xf32, #tpu.memory_space<vmem>> -> memref<16x128xf32, #tpu.memory_space<vmem>>
            tpu.vector_store_idx %scatter3A_664[%iota3A_658, %broadcast_in_dim3A_660], %gather3A_657 : memref<16x128xf32, #tpu.memory_space<vmem>>[vector<16xi32>, vector<16xi32>], vector<16xf32>,
            %broadcast_in_dim3A_665 = arith.constant 57 : i32
            %broadcast_in_dim3A_666 = vector.broadcast %broadcast_in_dim3A_665 : i32 to vector<16xi32>
            %gather3A_667 = tpu.vector_load_idx %arg12[%broadcast_in_dim3A_666, %min3A_87] : memref<64x512xf32, #tpu.memory_space<vmem>>[vector<16xi32>, vector<16xi32>], vector<16xf32>,
            %iota3A_668 = tpu.iota {dimensions = array<i32: 0>} : vector<16xi32>
            %broadcast_in_dim3A_669 = arith.constant 57 : i32
            %broadcast_in_dim3A_670 = vector.broadcast %broadcast_in_dim3A_669 : i32 to vector<16xi32>
            %scatter3A_671 = arith.constant 0 : i32
            %scatter3A_672 = arith.constant 0 : i32
            %scatter3A_673 = tpu.memref_slice %arg13[%and3A_65, %scatter3A_671, %scatter3A_672] : memref<8x16x128xf32, #tpu.memory_space<vmem>> -> memref<1x16x128xf32, #tpu.memory_space<vmem>>
            %scatter3A_674 = tpu.memref_squeeze %scatter3A_673 : memref<1x16x128xf32, #tpu.memory_space<vmem>> -> memref<16x128xf32, #tpu.memory_space<vmem>>
            tpu.vector_store_idx %scatter3A_674[%iota3A_668, %broadcast_in_dim3A_670], %gather3A_667 : memref<16x128xf32, #tpu.memory_space<vmem>>[vector<16xi32>, vector<16xi32>], vector<16xf32>,
            %broadcast_in_dim3A_675 = arith.constant 58 : i32
            %broadcast_in_dim3A_676 = vector.broadcast %broadcast_in_dim3A_675 : i32 to vector<16xi32>
            %gather3A_677 = tpu.vector_load_idx %arg12[%broadcast_in_dim3A_676, %min3A_87] : memref<64x512xf32, #tpu.memory_space<vmem>>[vector<16xi32>, vector<16xi32>], vector<16xf32>,
            %iota3A_678 = tpu.iota {dimensions = array<i32: 0>} : vector<16xi32>
            %broadcast_in_dim3A_679 = arith.constant 58 : i32
            %broadcast_in_dim3A_680 = vector.broadcast %broadcast_in_dim3A_679 : i32 to vector<16xi32>
            %scatter3A_681 = arith.constant 0 : i32
            %scatter3A_682 = arith.constant 0 : i32
            %scatter3A_683 = tpu.memref_slice %arg13[%and3A_65, %scatter3A_681, %scatter3A_682] : memref<8x16x128xf32, #tpu.memory_space<vmem>> -> memref<1x16x128xf32, #tpu.memory_space<vmem>>
            %scatter3A_684 = tpu.memref_squeeze %scatter3A_683 : memref<1x16x128xf32, #tpu.memory_space<vmem>> -> memref<16x128xf32, #tpu.memory_space<vmem>>
            tpu.vector_store_idx %scatter3A_684[%iota3A_678, %broadcast_in_dim3A_680], %gather3A_677 : memref<16x128xf32, #tpu.memory_space<vmem>>[vector<16xi32>, vector<16xi32>], vector<16xf32>,
            %broadcast_in_dim3A_685 = arith.constant 59 : i32
            %broadcast_in_dim3A_686 = vector.broadcast %broadcast_in_dim3A_685 : i32 to vector<16xi32>
            %gather3A_687 = tpu.vector_load_idx %arg12[%broadcast_in_dim3A_686, %min3A_87] : memref<64x512xf32, #tpu.memory_space<vmem>>[vector<16xi32>, vector<16xi32>], vector<16xf32>,
            %iota3A_688 = tpu.iota {dimensions = array<i32: 0>} : vector<16xi32>
            %broadcast_in_dim3A_689 = arith.constant 59 : i32
            %broadcast_in_dim3A_690 = vector.broadcast %broadcast_in_dim3A_689 : i32 to vector<16xi32>
            %scatter3A_691 = arith.constant 0 : i32
            %scatter3A_692 = arith.constant 0 : i32
            %scatter3A_693 = tpu.memref_slice %arg13[%and3A_65, %scatter3A_691, %scatter3A_692] : memref<8x16x128xf32, #tpu.memory_space<vmem>> -> memref<1x16x128xf32, #tpu.memory_space<vmem>>
            %scatter3A_694 = tpu.memref_squeeze %scatter3A_693 : memref<1x16x128xf32, #tpu.memory_space<vmem>> -> memref<16x128xf32, #tpu.memory_space<vmem>>
            tpu.vector_store_idx %scatter3A_694[%iota3A_688, %broadcast_in_dim3A_690], %gather3A_687 : memref<16x128xf32, #tpu.memory_space<vmem>>[vector<16xi32>, vector<16xi32>], vector<16xf32>,
            %broadcast_in_dim3A_695 = arith.constant 60 : i32
            %broadcast_in_dim3A_696 = vector.broadcast %broadcast_in_dim3A_695 : i32 to vector<16xi32>
            %gather3A_697 = tpu.vector_load_idx %arg12[%broadcast_in_dim3A_696, %min3A_87] : memref<64x512xf32, #tpu.memory_space<vmem>>[vector<16xi32>, vector<16xi32>], vector<16xf32>,
            %iota3A_698 = tpu.iota {dimensions = array<i32: 0>} : vector<16xi32>
            %broadcast_in_dim3A_699 = arith.constant 60 : i32
            %broadcast_in_dim3A_700 = vector.broadcast %broadcast_in_dim3A_699 : i32 to vector<16xi32>
            %scatter3A_701 = arith.constant 0 : i32
            %scatter3A_702 = arith.constant 0 : i32
            %scatter3A_703 = tpu.memref_slice %arg13[%and3A_65, %scatter3A_701, %scatter3A_702] : memref<8x16x128xf32, #tpu.memory_space<vmem>> -> memref<1x16x128xf32, #tpu.memory_space<vmem>>
            %scatter3A_704 = tpu.memref_squeeze %scatter3A_703 : memref<1x16x128xf32, #tpu.memory_space<vmem>> -> memref<16x128xf32, #tpu.memory_space<vmem>>
            tpu.vector_store_idx %scatter3A_704[%iota3A_698, %broadcast_in_dim3A_700], %gather3A_697 : memref<16x128xf32, #tpu.memory_space<vmem>>[vector<16xi32>, vector<16xi32>], vector<16xf32>,
            %broadcast_in_dim3A_705 = arith.constant 61 : i32
            %broadcast_in_dim3A_706 = vector.broadcast %broadcast_in_dim3A_705 : i32 to vector<16xi32>
            %gather3A_707 = tpu.vector_load_idx %arg12[%broadcast_in_dim3A_706, %min3A_87] : memref<64x512xf32, #tpu.memory_space<vmem>>[vector<16xi32>, vector<16xi32>], vector<16xf32>,
            %iota3A_708 = tpu.iota {dimensions = array<i32: 0>} : vector<16xi32>
            %broadcast_in_dim3A_709 = arith.constant 61 : i32
            %broadcast_in_dim3A_710 = vector.broadcast %broadcast_in_dim3A_709 : i32 to vector<16xi32>
            %scatter3A_711 = arith.constant 0 : i32
            %scatter3A_712 = arith.constant 0 : i32
            %scatter3A_713 = tpu.memref_slice %arg13[%and3A_65, %scatter3A_711, %scatter3A_712] : memref<8x16x128xf32, #tpu.memory_space<vmem>> -> memref<1x16x128xf32, #tpu.memory_space<vmem>>
            %scatter3A_714 = tpu.memref_squeeze %scatter3A_713 : memref<1x16x128xf32, #tpu.memory_space<vmem>> -> memref<16x128xf32, #tpu.memory_space<vmem>>
            tpu.vector_store_idx %scatter3A_714[%iota3A_708, %broadcast_in_dim3A_710], %gather3A_707 : memref<16x128xf32, #tpu.memory_space<vmem>>[vector<16xi32>, vector<16xi32>], vector<16xf32>,
            %broadcast_in_dim3A_715 = arith.constant 62 : i32
            %broadcast_in_dim3A_716 = vector.broadcast %broadcast_in_dim3A_715 : i32 to vector<16xi32>
            %gather3A_717 = tpu.vector_load_idx %arg12[%broadcast_in_dim3A_716, %min3A_87] : memref<64x512xf32, #tpu.memory_space<vmem>>[vector<16xi32>, vector<16xi32>], vector<16xf32>,
            %iota3A_718 = tpu.iota {dimensions = array<i32: 0>} : vector<16xi32>
            %broadcast_in_dim3A_719 = arith.constant 62 : i32
            %broadcast_in_dim3A_720 = vector.broadcast %broadcast_in_dim3A_719 : i32 to vector<16xi32>
            %scatter3A_721 = arith.constant 0 : i32
            %scatter3A_722 = arith.constant 0 : i32
            %scatter3A_723 = tpu.memref_slice %arg13[%and3A_65, %scatter3A_721, %scatter3A_722] : memref<8x16x128xf32, #tpu.memory_space<vmem>> -> memref<1x16x128xf32, #tpu.memory_space<vmem>>
            %scatter3A_724 = tpu.memref_squeeze %scatter3A_723 : memref<1x16x128xf32, #tpu.memory_space<vmem>> -> memref<16x128xf32, #tpu.memory_space<vmem>>
            tpu.vector_store_idx %scatter3A_724[%iota3A_718, %broadcast_in_dim3A_720], %gather3A_717 : memref<16x128xf32, #tpu.memory_space<vmem>>[vector<16xi32>, vector<16xi32>], vector<16xf32>,
            %broadcast_in_dim3A_725 = arith.constant 63 : i32
            %broadcast_in_dim3A_726 = vector.broadcast %broadcast_in_dim3A_725 : i32 to vector<16xi32>
            %gather3A_727 = tpu.vector_load_idx %arg12[%broadcast_in_dim3A_726, %min3A_87] : memref<64x512xf32, #tpu.memory_space<vmem>>[vector<16xi32>, vector<16xi32>], vector<16xf32>,
            %iota3A_728 = tpu.iota {dimensions = array<i32: 0>} : vector<16xi32>
            %broadcast_in_dim3A_729 = arith.constant 63 : i32
            %broadcast_in_dim3A_730 = vector.broadcast %broadcast_in_dim3A_729 : i32 to vector<16xi32>
            %scatter3A_731 = arith.constant 0 : i32
            %scatter3A_732 = arith.constant 0 : i32
            %scatter3A_733 = tpu.memref_slice %arg13[%and3A_65, %scatter3A_731, %scatter3A_732] : memref<8x16x128xf32, #tpu.memory_space<vmem>> -> memref<1x16x128xf32, #tpu.memory_space<vmem>>
            %scatter3A_734 = tpu.memref_squeeze %scatter3A_733 : memref<1x16x128xf32, #tpu.memory_space<vmem>> -> memref<16x128xf32, #tpu.memory_space<vmem>>
            tpu.vector_store_idx %scatter3A_734[%iota3A_728, %broadcast_in_dim3A_730], %gather3A_727 : memref<16x128xf32, #tpu.memory_space<vmem>>[vector<16xi32>, vector<16xi32>], vector<16xf32>,
            %dma_start3A_735 = arith.constant 0 : i32
            %dma_start3A_736 = arith.constant 0 : i32
            %dma_start3A_737 = tpu.memref_slice %arg13[%and3A_65, %dma_start3A_735, %dma_start3A_736] : memref<8x16x128xf32, #tpu.memory_space<vmem>> -> memref<1x16x128xf32, #tpu.memory_space<vmem>>
            %dma_start3A_738 = tpu.memref_squeeze %dma_start3A_737 : memref<1x16x128xf32, #tpu.memory_space<vmem>> -> memref<16x128xf32, #tpu.memory_space<vmem>>
            %dma_start3A_739 = arith.constant 0 : i32
            %dma_start3A_740 = tpu.memref_slice %arg14[%and3A_65, %dma_start3A_739] : memref<8x16xi32, #tpu.memory_space<vmem>> -> memref<1x16xi32, #tpu.memory_space<vmem>>
            %dma_start3A_741 = tpu.memref_squeeze %dma_start3A_740 : memref<1x16xi32, #tpu.memory_space<vmem>> -> memref<16xi32, #tpu.memory_space<vmem>>
            %dma_start3A_742 = arith.constant 0 : i32
            %dma_start3A_743 = arith.constant 0 : i32
            %dma_start3A_744 = tpu.memref_slice %arg8[%dma_start3A_742, %dma_start3A_743] : memref<65568x128xf32, #tpu.memory_space<hbm>> -> memref<65568x128xf32, #tpu.memory_space<hbm>>
            tpu.enqueue_indirect_dma source(%dma_start3A_738 : memref<16x128xf32, #tpu.memory_space<vmem>>) target(%dma_start3A_744 : memref<65568x128xf32, #tpu.memory_space<hbm>>) offsets(%dma_start3A_741 : memref<16xi32, #tpu.memory_space<vmem>>) semaphore(%arg16 : memref<!tpu.dma_semaphore, #tpu.memory_space<semaphore_mem>>)
          }
          %while3A_52 = arith.constant 1 : i32
          scf.for %while3A_64 = %while3A_50 to %while3A_46 step %while3A_52  : i32 {
            %and3A = arith.constant 7 : i32
            %and3A_65 = arith.andi %while3A_64, %and3A : i32
            %ge3A = arith.constant 8 : i32
            %ge3A_66 = arith.cmpi sge, %while3A_64, %ge3A : i32
            %convert_element_type3A_67 = arith.extui %ge3A_66 : i1 to i32
            %cond3A_68 = arith.constant 0 : i32
            %cond3A_69 = arith.cmpi ne, %convert_element_type3A_67, %cond3A_68 : i32
            scf.if %cond3A_69 {
              %dma_wait3A_745 = arith.constant 0 : i32
              %dma_wait3A_746 = arith.constant 0 : i32
              %dma_wait3A_747 = arith.constant 0 : i32
              %dma_wait3A_748 = tpu.memref_slice %arg13[%dma_wait3A_745, %dma_wait3A_746, %dma_wait3A_747] : memref<8x16x128xf32, #tpu.memory_space<vmem>> -> memref<1x16x128xf32, #tpu.memory_space<vmem>>
              %dma_wait3A_749 = tpu.memref_squeeze %dma_wait3A_748 : memref<1x16x128xf32, #tpu.memory_space<vmem>> -> memref<16x128xf32, #tpu.memory_space<vmem>>
              %dma_wait3A_750 = arith.constant 0 : i32
              %dma_wait3A_751 = arith.constant 0 : i32
              %dma_wait3A_752 = tpu.memref_slice %arg8[%dma_wait3A_750, %dma_wait3A_751] : memref<65568x128xf32, #tpu.memory_space<hbm>> -> memref<16x128xf32, #tpu.memory_space<hbm>>
              %dma_wait3A_753 = arith.constant 0 : i32
              %dma_wait3A_754 = arith.constant 0 : i32
              %dma_wait3A_755 = tpu.memref_slice %arg13[%dma_wait3A_745, %dma_wait3A_753, %dma_wait3A_754] : memref<8x16x128xf32, #tpu.memory_space<vmem>> -> memref<1x16x128xf32, #tpu.memory_space<vmem>>
              %dma_wait3A_756 = tpu.memref_squeeze %dma_wait3A_755 : memref<1x16x128xf32, #tpu.memory_space<vmem>> -> memref<16x128xf32, #tpu.memory_space<vmem>>
              %dma_wait3A_757 = arith.constant 0 : i32
              %dma_wait3A_758 = arith.constant 0 : i32
              %dma_wait3A_759 = tpu.memref_slice %arg8[%dma_wait3A_757, %dma_wait3A_758] : memref<65568x128xf32, #tpu.memory_space<hbm>> -> memref<16x128xf32, #tpu.memory_space<hbm>>
              tpu.wait_dma2 semaphore(%arg16 : memref<!tpu.dma_semaphore, #tpu.memory_space<semaphore_mem>>) src(%dma_wait3A_759 : memref<16x128xf32, #tpu.memory_space<hbm>>) dst(%dma_wait3A_756 : memref<16x128xf32, #tpu.memory_space<vmem>>)
            } else {
            }
            %mul3A_70 = arith.constant 16 : i32
            %mul3A_71 = arith.muli %while3A_64, %mul3A_70 : i32
            %add3A_72 = arith.addi %squeeze3A, %mul3A_71 : i32
            %get3A_73 = arith.index_cast %add3A_72 : i32 to index
            %get3A_74 = tpu.vector_load %arg9[%get3A_73] {strides = array<i32>} : memref<16384xi32, #tpu.memory_space<vmem>>, vector<16xi32>,
            %get3A_75 = arith.index_cast %add3A_72 : i32 to index
            %get3A_76 = tpu.vector_load %arg10[%get3A_75] {strides = array<i32>} : memref<16384xi32, #tpu.memory_space<vmem>>, vector<16xi32>,
            %iota3A = tpu.iota {dimensions = array<i32: 0>} : vector<16xi32>
            %add3A_77 = vector.broadcast %add3A_72 : i32 to vector<16xi32>
            %add3A_78 = arith.addi %add3A_77, %iota3A : vector<16xi32>
            %lt3A_79 = vector.broadcast %squeeze3A_17 : i32 to vector<16xi32>
            %lt3A_80 = arith.cmpi slt, %add3A_78, %lt3A_79 : vector<16xi32>
            %sub3A_81 = vector.broadcast %select_n3A : i32 to vector<16xi32>
            %sub3A_82 = arith.subi %get3A_74, %sub3A_81 : vector<16xi32>
            %max3A = arith.constant 0 : i32
            %max3A_83 = vector.broadcast %max3A : i32 to vector<16xi32>
            %max3A_84 = arith.maxsi %sub3A_82, %max3A_83 : vector<16xi32>
            %min3A_85 = arith.constant 511 : i32
            %min3A_86 = vector.broadcast %min3A_85 : i32 to vector<16xi32>
            %min3A_87 = arith.minsi %max3A_84, %min3A_86 : vector<16xi32>
            %mul3A_88 = arith.constant 16384 : i32
            %mul3A_89 = arith.muli %scan3A_33, %mul3A_88 : i32
            %add3A_90 = vector.broadcast %mul3A_89 : i32 to vector<16xi32>
            %add3A_91 = arith.addi %get3A_76, %add3A_90 : vector<16xi32>
            %add3A_92 = arith.constant 65536 : i32
            %add3A_93 = arith.addi %add3A_92, %add3A : i32
            %broadcast_in_dim3A = vector.broadcast %add3A_93 : i32 to vector<16xi32>
            %select_n3A_94 = arith.select %lt3A_80, %add3A_91, %broadcast_in_dim3A : vector<16xi1>, vector<16xi32>
            %swap3A = arith.index_cast %and3A_65 : i32 to index
            %swap3A_95 = arith.constant 0 : index
            %swap3A_96 = tpu.vector_load %arg14[%swap3A, %swap3A_95] {strides = array<i32>} : memref<8x16xi32, #tpu.memory_space<vmem>>, vector<16xi32>,
            tpu.vector_store %arg14[%swap3A, %swap3A_95], %select_n3A_94 {strides = array<i32>} : memref<8x16xi32, #tpu.memory_space<vmem>>, vector<16xi32>,
            %broadcast_in_dim3A_97 = arith.constant 0 : i32
            %broadcast_in_dim3A_98 = vector.broadcast %broadcast_in_dim3A_97 : i32 to vector<16xi32>
            %gather3A = tpu.vector_load_idx %arg12[%broadcast_in_dim3A_98, %min3A_87] : memref<64x512xf32, #tpu.memory_space<vmem>>[vector<16xi32>, vector<16xi32>], vector<16xf32>,
            %iota3A_99 = tpu.iota {dimensions = array<i32: 0>} : vector<16xi32>
            %broadcast_in_dim3A_100 = arith.constant 0 : i32
            %broadcast_in_dim3A_101 = vector.broadcast %broadcast_in_dim3A_100 : i32 to vector<16xi32>
            %scatter3A = arith.constant 0 : i32
            %scatter3A_102 = arith.constant 0 : i32
            %scatter3A_103 = tpu.memref_slice %arg13[%and3A_65, %scatter3A, %scatter3A_102] : memref<8x16x128xf32, #tpu.memory_space<vmem>> -> memref<1x16x128xf32, #tpu.memory_space<vmem>>
            %scatter3A_104 = tpu.memref_squeeze %scatter3A_103 : memref<1x16x128xf32, #tpu.memory_space<vmem>> -> memref<16x128xf32, #tpu.memory_space<vmem>>
            tpu.vector_store_idx %scatter3A_104[%iota3A_99, %broadcast_in_dim3A_101], %gather3A : memref<16x128xf32, #tpu.memory_space<vmem>>[vector<16xi32>, vector<16xi32>], vector<16xf32>,
            %broadcast_in_dim3A_105 = arith.constant 1 : i32
            %broadcast_in_dim3A_106 = vector.broadcast %broadcast_in_dim3A_105 : i32 to vector<16xi32>
            %gather3A_107 = tpu.vector_load_idx %arg12[%broadcast_in_dim3A_106, %min3A_87] : memref<64x512xf32, #tpu.memory_space<vmem>>[vector<16xi32>, vector<16xi32>], vector<16xf32>,
            %iota3A_108 = tpu.iota {dimensions = array<i32: 0>} : vector<16xi32>
            %broadcast_in_dim3A_109 = arith.constant 1 : i32
            %broadcast_in_dim3A_110 = vector.broadcast %broadcast_in_dim3A_109 : i32 to vector<16xi32>
            %scatter3A_111 = arith.constant 0 : i32
            %scatter3A_112 = arith.constant 0 : i32
            %scatter3A_113 = tpu.memref_slice %arg13[%and3A_65, %scatter3A_111, %scatter3A_112] : memref<8x16x128xf32, #tpu.memory_space<vmem>> -> memref<1x16x128xf32, #tpu.memory_space<vmem>>
            %scatter3A_114 = tpu.memref_squeeze %scatter3A_113 : memref<1x16x128xf32, #tpu.memory_space<vmem>> -> memref<16x128xf32, #tpu.memory_space<vmem>>
            tpu.vector_store_idx %scatter3A_114[%iota3A_108, %broadcast_in_dim3A_110], %gather3A_107 : memref<16x128xf32, #tpu.memory_space<vmem>>[vector<16xi32>, vector<16xi32>], vector<16xf32>,
            %broadcast_in_dim3A_115 = arith.constant 2 : i32
            %broadcast_in_dim3A_116 = vector.broadcast %broadcast_in_dim3A_115 : i32 to vector<16xi32>
            %gather3A_117 = tpu.vector_load_idx %arg12[%broadcast_in_dim3A_116, %min3A_87] : memref<64x512xf32, #tpu.memory_space<vmem>>[vector<16xi32>, vector<16xi32>], vector<16xf32>,
            %iota3A_118 = tpu.iota {dimensions = array<i32: 0>} : vector<16xi32>
            %broadcast_in_dim3A_119 = arith.constant 2 : i32
            %broadcast_in_dim3A_120 = vector.broadcast %broadcast_in_dim3A_119 : i32 to vector<16xi32>
            %scatter3A_121 = arith.constant 0 : i32
            %scatter3A_122 = arith.constant 0 : i32
            %scatter3A_123 = tpu.memref_slice %arg13[%and3A_65, %scatter3A_121, %scatter3A_122] : memref<8x16x128xf32, #tpu.memory_space<vmem>> -> memref<1x16x128xf32, #tpu.memory_space<vmem>>
            %scatter3A_124 = tpu.memref_squeeze %scatter3A_123 : memref<1x16x128xf32, #tpu.memory_space<vmem>> -> memref<16x128xf32, #tpu.memory_space<vmem>>
            tpu.vector_store_idx %scatter3A_124[%iota3A_118, %broadcast_in_dim3A_120], %gather3A_117 : memref<16x128xf32, #tpu.memory_space<vmem>>[vector<16xi32>, vector<16xi32>], vector<16xf32>,
            %broadcast_in_dim3A_125 = arith.constant 3 : i32
            %broadcast_in_dim3A_126 = vector.broadcast %broadcast_in_dim3A_125 : i32 to vector<16xi32>
            %gather3A_127 = tpu.vector_load_idx %arg12[%broadcast_in_dim3A_126, %min3A_87] : memref<64x512xf32, #tpu.memory_space<vmem>>[vector<16xi32>, vector<16xi32>], vector<16xf32>,
            %iota3A_128 = tpu.iota {dimensions = array<i32: 0>} : vector<16xi32>
            %broadcast_in_dim3A_129 = arith.constant 3 : i32
            %broadcast_in_dim3A_130 = vector.broadcast %broadcast_in_dim3A_129 : i32 to vector<16xi32>
            %scatter3A_131 = arith.constant 0 : i32
            %scatter3A_132 = arith.constant 0 : i32
            %scatter3A_133 = tpu.memref_slice %arg13[%and3A_65, %scatter3A_131, %scatter3A_132] : memref<8x16x128xf32, #tpu.memory_space<vmem>> -> memref<1x16x128xf32, #tpu.memory_space<vmem>>
            %scatter3A_134 = tpu.memref_squeeze %scatter3A_133 : memref<1x16x128xf32, #tpu.memory_space<vmem>> -> memref<16x128xf32, #tpu.memory_space<vmem>>
            tpu.vector_store_idx %scatter3A_134[%iota3A_128, %broadcast_in_dim3A_130], %gather3A_127 : memref<16x128xf32, #tpu.memory_space<vmem>>[vector<16xi32>, vector<16xi32>], vector<16xf32>,
            %broadcast_in_dim3A_135 = arith.constant 4 : i32
            %broadcast_in_dim3A_136 = vector.broadcast %broadcast_in_dim3A_135 : i32 to vector<16xi32>
            %gather3A_137 = tpu.vector_load_idx %arg12[%broadcast_in_dim3A_136, %min3A_87] : memref<64x512xf32, #tpu.memory_space<vmem>>[vector<16xi32>, vector<16xi32>], vector<16xf32>,
            %iota3A_138 = tpu.iota {dimensions = array<i32: 0>} : vector<16xi32>
            %broadcast_in_dim3A_139 = arith.constant 4 : i32
            %broadcast_in_dim3A_140 = vector.broadcast %broadcast_in_dim3A_139 : i32 to vector<16xi32>
            %scatter3A_141 = arith.constant 0 : i32
            %scatter3A_142 = arith.constant 0 : i32
            %scatter3A_143 = tpu.memref_slice %arg13[%and3A_65, %scatter3A_141, %scatter3A_142] : memref<8x16x128xf32, #tpu.memory_space<vmem>> -> memref<1x16x128xf32, #tpu.memory_space<vmem>>
            %scatter3A_144 = tpu.memref_squeeze %scatter3A_143 : memref<1x16x128xf32, #tpu.memory_space<vmem>> -> memref<16x128xf32, #tpu.memory_space<vmem>>
            tpu.vector_store_idx %scatter3A_144[%iota3A_138, %broadcast_in_dim3A_140], %gather3A_137 : memref<16x128xf32, #tpu.memory_space<vmem>>[vector<16xi32>, vector<16xi32>], vector<16xf32>,
            %broadcast_in_dim3A_145 = arith.constant 5 : i32
            %broadcast_in_dim3A_146 = vector.broadcast %broadcast_in_dim3A_145 : i32 to vector<16xi32>
            %gather3A_147 = tpu.vector_load_idx %arg12[%broadcast_in_dim3A_146, %min3A_87] : memref<64x512xf32, #tpu.memory_space<vmem>>[vector<16xi32>, vector<16xi32>], vector<16xf32>,
            %iota3A_148 = tpu.iota {dimensions = array<i32: 0>} : vector<16xi32>
            %broadcast_in_dim3A_149 = arith.constant 5 : i32
            %broadcast_in_dim3A_150 = vector.broadcast %broadcast_in_dim3A_149 : i32 to vector<16xi32>
            %scatter3A_151 = arith.constant 0 : i32
            %scatter3A_152 = arith.constant 0 : i32
            %scatter3A_153 = tpu.memref_slice %arg13[%and3A_65, %scatter3A_151, %scatter3A_152] : memref<8x16x128xf32, #tpu.memory_space<vmem>> -> memref<1x16x128xf32, #tpu.memory_space<vmem>>
            %scatter3A_154 = tpu.memref_squeeze %scatter3A_153 : memref<1x16x128xf32, #tpu.memory_space<vmem>> -> memref<16x128xf32, #tpu.memory_space<vmem>>
            tpu.vector_store_idx %scatter3A_154[%iota3A_148, %broadcast_in_dim3A_150], %gather3A_147 : memref<16x128xf32, #tpu.memory_space<vmem>>[vector<16xi32>, vector<16xi32>], vector<16xf32>,
            %broadcast_in_dim3A_155 = arith.constant 6 : i32
            %broadcast_in_dim3A_156 = vector.broadcast %broadcast_in_dim3A_155 : i32 to vector<16xi32>
            %gather3A_157 = tpu.vector_load_idx %arg12[%broadcast_in_dim3A_156, %min3A_87] : memref<64x512xf32, #tpu.memory_space<vmem>>[vector<16xi32>, vector<16xi32>], vector<16xf32>,
            %iota3A_158 = tpu.iota {dimensions = array<i32: 0>} : vector<16xi32>
            %broadcast_in_dim3A_159 = arith.constant 6 : i32
            %broadcast_in_dim3A_160 = vector.broadcast %broadcast_in_dim3A_159 : i32 to vector<16xi32>
            %scatter3A_161 = arith.constant 0 : i32
            %scatter3A_162 = arith.constant 0 : i32
            %scatter3A_163 = tpu.memref_slice %arg13[%and3A_65, %scatter3A_161, %scatter3A_162] : memref<8x16x128xf32, #tpu.memory_space<vmem>> -> memref<1x16x128xf32, #tpu.memory_space<vmem>>
            %scatter3A_164 = tpu.memref_squeeze %scatter3A_163 : memref<1x16x128xf32, #tpu.memory_space<vmem>> -> memref<16x128xf32, #tpu.memory_space<vmem>>
            tpu.vector_store_idx %scatter3A_164[%iota3A_158, %broadcast_in_dim3A_160], %gather3A_157 : memref<16x128xf32, #tpu.memory_space<vmem>>[vector<16xi32>, vector<16xi32>], vector<16xf32>,
            %broadcast_in_dim3A_165 = arith.constant 7 : i32
            %broadcast_in_dim3A_166 = vector.broadcast %broadcast_in_dim3A_165 : i32 to vector<16xi32>
            %gather3A_167 = tpu.vector_load_idx %arg12[%broadcast_in_dim3A_166, %min3A_87] : memref<64x512xf32, #tpu.memory_space<vmem>>[vector<16xi32>, vector<16xi32>], vector<16xf32>,
            %iota3A_168 = tpu.iota {dimensions = array<i32: 0>} : vector<16xi32>
            %broadcast_in_dim3A_169 = arith.constant 7 : i32
            %broadcast_in_dim3A_170 = vector.broadcast %broadcast_in_dim3A_169 : i32 to vector<16xi32>
            %scatter3A_171 = arith.constant 0 : i32
            %scatter3A_172 = arith.constant 0 : i32
            %scatter3A_173 = tpu.memref_slice %arg13[%and3A_65, %scatter3A_171, %scatter3A_172] : memref<8x16x128xf32, #tpu.memory_space<vmem>> -> memref<1x16x128xf32, #tpu.memory_space<vmem>>
            %scatter3A_174 = tpu.memref_squeeze %scatter3A_173 : memref<1x16x128xf32, #tpu.memory_space<vmem>> -> memref<16x128xf32, #tpu.memory_space<vmem>>
            tpu.vector_store_idx %scatter3A_174[%iota3A_168, %broadcast_in_dim3A_170], %gather3A_167 : memref<16x128xf32, #tpu.memory_space<vmem>>[vector<16xi32>, vector<16xi32>], vector<16xf32>,
            %broadcast_in_dim3A_175 = arith.constant 8 : i32
            %broadcast_in_dim3A_176 = vector.broadcast %broadcast_in_dim3A_175 : i32 to vector<16xi32>
            %gather3A_177 = tpu.vector_load_idx %arg12[%broadcast_in_dim3A_176, %min3A_87] : memref<64x512xf32, #tpu.memory_space<vmem>>[vector<16xi32>, vector<16xi32>], vector<16xf32>,
            %iota3A_178 = tpu.iota {dimensions = array<i32: 0>} : vector<16xi32>
            %broadcast_in_dim3A_179 = arith.constant 8 : i32
            %broadcast_in_dim3A_180 = vector.broadcast %broadcast_in_dim3A_179 : i32 to vector<16xi32>
            %scatter3A_181 = arith.constant 0 : i32
            %scatter3A_182 = arith.constant 0 : i32
            %scatter3A_183 = tpu.memref_slice %arg13[%and3A_65, %scatter3A_181, %scatter3A_182] : memref<8x16x128xf32, #tpu.memory_space<vmem>> -> memref<1x16x128xf32, #tpu.memory_space<vmem>>
            %scatter3A_184 = tpu.memref_squeeze %scatter3A_183 : memref<1x16x128xf32, #tpu.memory_space<vmem>> -> memref<16x128xf32, #tpu.memory_space<vmem>>
            tpu.vector_store_idx %scatter3A_184[%iota3A_178, %broadcast_in_dim3A_180], %gather3A_177 : memref<16x128xf32, #tpu.memory_space<vmem>>[vector<16xi32>, vector<16xi32>], vector<16xf32>,
            %broadcast_in_dim3A_185 = arith.constant 9 : i32
            %broadcast_in_dim3A_186 = vector.broadcast %broadcast_in_dim3A_185 : i32 to vector<16xi32>
            %gather3A_187 = tpu.vector_load_idx %arg12[%broadcast_in_dim3A_186, %min3A_87] : memref<64x512xf32, #tpu.memory_space<vmem>>[vector<16xi32>, vector<16xi32>], vector<16xf32>,
            %iota3A_188 = tpu.iota {dimensions = array<i32: 0>} : vector<16xi32>
            %broadcast_in_dim3A_189 = arith.constant 9 : i32
            %broadcast_in_dim3A_190 = vector.broadcast %broadcast_in_dim3A_189 : i32 to vector<16xi32>
            %scatter3A_191 = arith.constant 0 : i32
            %scatter3A_192 = arith.constant 0 : i32
            %scatter3A_193 = tpu.memref_slice %arg13[%and3A_65, %scatter3A_191, %scatter3A_192] : memref<8x16x128xf32, #tpu.memory_space<vmem>> -> memref<1x16x128xf32, #tpu.memory_space<vmem>>
            %scatter3A_194 = tpu.memref_squeeze %scatter3A_193 : memref<1x16x128xf32, #tpu.memory_space<vmem>> -> memref<16x128xf32, #tpu.memory_space<vmem>>
            tpu.vector_store_idx %scatter3A_194[%iota3A_188, %broadcast_in_dim3A_190], %gather3A_187 : memref<16x128xf32, #tpu.memory_space<vmem>>[vector<16xi32>, vector<16xi32>], vector<16xf32>,
            %broadcast_in_dim3A_195 = arith.constant 10 : i32
            %broadcast_in_dim3A_196 = vector.broadcast %broadcast_in_dim3A_195 : i32 to vector<16xi32>
            %gather3A_197 = tpu.vector_load_idx %arg12[%broadcast_in_dim3A_196, %min3A_87] : memref<64x512xf32, #tpu.memory_space<vmem>>[vector<16xi32>, vector<16xi32>], vector<16xf32>,
            %iota3A_198 = tpu.iota {dimensions = array<i32: 0>} : vector<16xi32>
            %broadcast_in_dim3A_199 = arith.constant 10 : i32
            %broadcast_in_dim3A_200 = vector.broadcast %broadcast_in_dim3A_199 : i32 to vector<16xi32>
            %scatter3A_201 = arith.constant 0 : i32
            %scatter3A_202 = arith.constant 0 : i32
            %scatter3A_203 = tpu.memref_slice %arg13[%and3A_65, %scatter3A_201, %scatter3A_202] : memref<8x16x128xf32, #tpu.memory_space<vmem>> -> memref<1x16x128xf32, #tpu.memory_space<vmem>>
            %scatter3A_204 = tpu.memref_squeeze %scatter3A_203 : memref<1x16x128xf32, #tpu.memory_space<vmem>> -> memref<16x128xf32, #tpu.memory_space<vmem>>
            tpu.vector_store_idx %scatter3A_204[%iota3A_198, %broadcast_in_dim3A_200], %gather3A_197 : memref<16x128xf32, #tpu.memory_space<vmem>>[vector<16xi32>, vector<16xi32>], vector<16xf32>,
            %broadcast_in_dim3A_205 = arith.constant 11 : i32
            %broadcast_in_dim3A_206 = vector.broadcast %broadcast_in_dim3A_205 : i32 to vector<16xi32>
            %gather3A_207 = tpu.vector_load_idx %arg12[%broadcast_in_dim3A_206, %min3A_87] : memref<64x512xf32, #tpu.memory_space<vmem>>[vector<16xi32>, vector<16xi32>], vector<16xf32>,
            %iota3A_208 = tpu.iota {dimensions = array<i32: 0>} : vector<16xi32>
            %broadcast_in_dim3A_209 = arith.constant 11 : i32
            %broadcast_in_dim3A_210 = vector.broadcast %broadcast_in_dim3A_209 : i32 to vector<16xi32>
            %scatter3A_211 = arith.constant 0 : i32
            %scatter3A_212 = arith.constant 0 : i32
            %scatter3A_213 = tpu.memref_slice %arg13[%and3A_65, %scatter3A_211, %scatter3A_212] : memref<8x16x128xf32, #tpu.memory_space<vmem>> -> memref<1x16x128xf32, #tpu.memory_space<vmem>>
            %scatter3A_214 = tpu.memref_squeeze %scatter3A_213 : memref<1x16x128xf32, #tpu.memory_space<vmem>> -> memref<16x128xf32, #tpu.memory_space<vmem>>
            tpu.vector_store_idx %scatter3A_214[%iota3A_208, %broadcast_in_dim3A_210], %gather3A_207 : memref<16x128xf32, #tpu.memory_space<vmem>>[vector<16xi32>, vector<16xi32>], vector<16xf32>,
            %broadcast_in_dim3A_215 = arith.constant 12 : i32
            %broadcast_in_dim3A_216 = vector.broadcast %broadcast_in_dim3A_215 : i32 to vector<16xi32>
            %gather3A_217 = tpu.vector_load_idx %arg12[%broadcast_in_dim3A_216, %min3A_87] : memref<64x512xf32, #tpu.memory_space<vmem>>[vector<16xi32>, vector<16xi32>], vector<16xf32>,
            %iota3A_218 = tpu.iota {dimensions = array<i32: 0>} : vector<16xi32>
            %broadcast_in_dim3A_219 = arith.constant 12 : i32
            %broadcast_in_dim3A_220 = vector.broadcast %broadcast_in_dim3A_219 : i32 to vector<16xi32>
            %scatter3A_221 = arith.constant 0 : i32
            %scatter3A_222 = arith.constant 0 : i32
            %scatter3A_223 = tpu.memref_slice %arg13[%and3A_65, %scatter3A_221, %scatter3A_222] : memref<8x16x128xf32, #tpu.memory_space<vmem>> -> memref<1x16x128xf32, #tpu.memory_space<vmem>>
            %scatter3A_224 = tpu.memref_squeeze %scatter3A_223 : memref<1x16x128xf32, #tpu.memory_space<vmem>> -> memref<16x128xf32, #tpu.memory_space<vmem>>
            tpu.vector_store_idx %scatter3A_224[%iota3A_218, %broadcast_in_dim3A_220], %gather3A_217 : memref<16x128xf32, #tpu.memory_space<vmem>>[vector<16xi32>, vector<16xi32>], vector<16xf32>,
            %broadcast_in_dim3A_225 = arith.constant 13 : i32
            %broadcast_in_dim3A_226 = vector.broadcast %broadcast_in_dim3A_225 : i32 to vector<16xi32>
            %gather3A_227 = tpu.vector_load_idx %arg12[%broadcast_in_dim3A_226, %min3A_87] : memref<64x512xf32, #tpu.memory_space<vmem>>[vector<16xi32>, vector<16xi32>], vector<16xf32>,
            %iota3A_228 = tpu.iota {dimensions = array<i32: 0>} : vector<16xi32>
            %broadcast_in_dim3A_229 = arith.constant 13 : i32
            %broadcast_in_dim3A_230 = vector.broadcast %broadcast_in_dim3A_229 : i32 to vector<16xi32>
            %scatter3A_231 = arith.constant 0 : i32
            %scatter3A_232 = arith.constant 0 : i32
            %scatter3A_233 = tpu.memref_slice %arg13[%and3A_65, %scatter3A_231, %scatter3A_232] : memref<8x16x128xf32, #tpu.memory_space<vmem>> -> memref<1x16x128xf32, #tpu.memory_space<vmem>>
            %scatter3A_234 = tpu.memref_squeeze %scatter3A_233 : memref<1x16x128xf32, #tpu.memory_space<vmem>> -> memref<16x128xf32, #tpu.memory_space<vmem>>
            tpu.vector_store_idx %scatter3A_234[%iota3A_228, %broadcast_in_dim3A_230], %gather3A_227 : memref<16x128xf32, #tpu.memory_space<vmem>>[vector<16xi32>, vector<16xi32>], vector<16xf32>,
            %broadcast_in_dim3A_235 = arith.constant 14 : i32
            %broadcast_in_dim3A_236 = vector.broadcast %broadcast_in_dim3A_235 : i32 to vector<16xi32>
            %gather3A_237 = tpu.vector_load_idx %arg12[%broadcast_in_dim3A_236, %min3A_87] : memref<64x512xf32, #tpu.memory_space<vmem>>[vector<16xi32>, vector<16xi32>], vector<16xf32>,
            %iota3A_238 = tpu.iota {dimensions = array<i32: 0>} : vector<16xi32>
            %broadcast_in_dim3A_239 = arith.constant 14 : i32
            %broadcast_in_dim3A_240 = vector.broadcast %broadcast_in_dim3A_239 : i32 to vector<16xi32>
            %scatter3A_241 = arith.constant 0 : i32
            %scatter3A_242 = arith.constant 0 : i32
            %scatter3A_243 = tpu.memref_slice %arg13[%and3A_65, %scatter3A_241, %scatter3A_242] : memref<8x16x128xf32, #tpu.memory_space<vmem>> -> memref<1x16x128xf32, #tpu.memory_space<vmem>>
            %scatter3A_244 = tpu.memref_squeeze %scatter3A_243 : memref<1x16x128xf32, #tpu.memory_space<vmem>> -> memref<16x128xf32, #tpu.memory_space<vmem>>
            tpu.vector_store_idx %scatter3A_244[%iota3A_238, %broadcast_in_dim3A_240], %gather3A_237 : memref<16x128xf32, #tpu.memory_space<vmem>>[vector<16xi32>, vector<16xi32>], vector<16xf32>,
            %broadcast_in_dim3A_245 = arith.constant 15 : i32
            %broadcast_in_dim3A_246 = vector.broadcast %broadcast_in_dim3A_245 : i32 to vector<16xi32>
            %gather3A_247 = tpu.vector_load_idx %arg12[%broadcast_in_dim3A_246, %min3A_87] : memref<64x512xf32, #tpu.memory_space<vmem>>[vector<16xi32>, vector<16xi32>], vector<16xf32>,
            %iota3A_248 = tpu.iota {dimensions = array<i32: 0>} : vector<16xi32>
            %broadcast_in_dim3A_249 = arith.constant 15 : i32
            %broadcast_in_dim3A_250 = vector.broadcast %broadcast_in_dim3A_249 : i32 to vector<16xi32>
            %scatter3A_251 = arith.constant 0 : i32
            %scatter3A_252 = arith.constant 0 : i32
            %scatter3A_253 = tpu.memref_slice %arg13[%and3A_65, %scatter3A_251, %scatter3A_252] : memref<8x16x128xf32, #tpu.memory_space<vmem>> -> memref<1x16x128xf32, #tpu.memory_space<vmem>>
            %scatter3A_254 = tpu.memref_squeeze %scatter3A_253 : memref<1x16x128xf32, #tpu.memory_space<vmem>> -> memref<16x128xf32, #tpu.memory_space<vmem>>
            tpu.vector_store_idx %scatter3A_254[%iota3A_248, %broadcast_in_dim3A_250], %gather3A_247 : memref<16x128xf32, #tpu.memory_space<vmem>>[vector<16xi32>, vector<16xi32>], vector<16xf32>,
            %broadcast_in_dim3A_255 = arith.constant 16 : i32
            %broadcast_in_dim3A_256 = vector.broadcast %broadcast_in_dim3A_255 : i32 to vector<16xi32>
            %gather3A_257 = tpu.vector_load_idx %arg12[%broadcast_in_dim3A_256, %min3A_87] : memref<64x512xf32, #tpu.memory_space<vmem>>[vector<16xi32>, vector<16xi32>], vector<16xf32>,
            %iota3A_258 = tpu.iota {dimensions = array<i32: 0>} : vector<16xi32>
            %broadcast_in_dim3A_259 = arith.constant 16 : i32
            %broadcast_in_dim3A_260 = vector.broadcast %broadcast_in_dim3A_259 : i32 to vector<16xi32>
            %scatter3A_261 = arith.constant 0 : i32
            %scatter3A_262 = arith.constant 0 : i32
            %scatter3A_263 = tpu.memref_slice %arg13[%and3A_65, %scatter3A_261, %scatter3A_262] : memref<8x16x128xf32, #tpu.memory_space<vmem>> -> memref<1x16x128xf32, #tpu.memory_space<vmem>>
            %scatter3A_264 = tpu.memref_squeeze %scatter3A_263 : memref<1x16x128xf32, #tpu.memory_space<vmem>> -> memref<16x128xf32, #tpu.memory_space<vmem>>
            tpu.vector_store_idx %scatter3A_264[%iota3A_258, %broadcast_in_dim3A_260], %gather3A_257 : memref<16x128xf32, #tpu.memory_space<vmem>>[vector<16xi32>, vector<16xi32>], vector<16xf32>,
            %broadcast_in_dim3A_265 = arith.constant 17 : i32
            %broadcast_in_dim3A_266 = vector.broadcast %broadcast_in_dim3A_265 : i32 to vector<16xi32>
            %gather3A_267 = tpu.vector_load_idx %arg12[%broadcast_in_dim3A_266, %min3A_87] : memref<64x512xf32, #tpu.memory_space<vmem>>[vector<16xi32>, vector<16xi32>], vector<16xf32>,
            %iota3A_268 = tpu.iota {dimensions = array<i32: 0>} : vector<16xi32>
            %broadcast_in_dim3A_269 = arith.constant 17 : i32
            %broadcast_in_dim3A_270 = vector.broadcast %broadcast_in_dim3A_269 : i32 to vector<16xi32>
            %scatter3A_271 = arith.constant 0 : i32
            %scatter3A_272 = arith.constant 0 : i32
            %scatter3A_273 = tpu.memref_slice %arg13[%and3A_65, %scatter3A_271, %scatter3A_272] : memref<8x16x128xf32, #tpu.memory_space<vmem>> -> memref<1x16x128xf32, #tpu.memory_space<vmem>>
            %scatter3A_274 = tpu.memref_squeeze %scatter3A_273 : memref<1x16x128xf32, #tpu.memory_space<vmem>> -> memref<16x128xf32, #tpu.memory_space<vmem>>
            tpu.vector_store_idx %scatter3A_274[%iota3A_268, %broadcast_in_dim3A_270], %gather3A_267 : memref<16x128xf32, #tpu.memory_space<vmem>>[vector<16xi32>, vector<16xi32>], vector<16xf32>,
            %broadcast_in_dim3A_275 = arith.constant 18 : i32
            %broadcast_in_dim3A_276 = vector.broadcast %broadcast_in_dim3A_275 : i32 to vector<16xi32>
            %gather3A_277 = tpu.vector_load_idx %arg12[%broadcast_in_dim3A_276, %min3A_87] : memref<64x512xf32, #tpu.memory_space<vmem>>[vector<16xi32>, vector<16xi32>], vector<16xf32>,
            %iota3A_278 = tpu.iota {dimensions = array<i32: 0>} : vector<16xi32>
            %broadcast_in_dim3A_279 = arith.constant 18 : i32
            %broadcast_in_dim3A_280 = vector.broadcast %broadcast_in_dim3A_279 : i32 to vector<16xi32>
            %scatter3A_281 = arith.constant 0 : i32
            %scatter3A_282 = arith.constant 0 : i32
            %scatter3A_283 = tpu.memref_slice %arg13[%and3A_65, %scatter3A_281, %scatter3A_282] : memref<8x16x128xf32, #tpu.memory_space<vmem>> -> memref<1x16x128xf32, #tpu.memory_space<vmem>>
            %scatter3A_284 = tpu.memref_squeeze %scatter3A_283 : memref<1x16x128xf32, #tpu.memory_space<vmem>> -> memref<16x128xf32, #tpu.memory_space<vmem>>
            tpu.vector_store_idx %scatter3A_284[%iota3A_278, %broadcast_in_dim3A_280], %gather3A_277 : memref<16x128xf32, #tpu.memory_space<vmem>>[vector<16xi32>, vector<16xi32>], vector<16xf32>,
            %broadcast_in_dim3A_285 = arith.constant 19 : i32
            %broadcast_in_dim3A_286 = vector.broadcast %broadcast_in_dim3A_285 : i32 to vector<16xi32>
            %gather3A_287 = tpu.vector_load_idx %arg12[%broadcast_in_dim3A_286, %min3A_87] : memref<64x512xf32, #tpu.memory_space<vmem>>[vector<16xi32>, vector<16xi32>], vector<16xf32>,
            %iota3A_288 = tpu.iota {dimensions = array<i32: 0>} : vector<16xi32>
            %broadcast_in_dim3A_289 = arith.constant 19 : i32
            %broadcast_in_dim3A_290 = vector.broadcast %broadcast_in_dim3A_289 : i32 to vector<16xi32>
            %scatter3A_291 = arith.constant 0 : i32
            %scatter3A_292 = arith.constant 0 : i32
            %scatter3A_293 = tpu.memref_slice %arg13[%and3A_65, %scatter3A_291, %scatter3A_292] : memref<8x16x128xf32, #tpu.memory_space<vmem>> -> memref<1x16x128xf32, #tpu.memory_space<vmem>>
            %scatter3A_294 = tpu.memref_squeeze %scatter3A_293 : memref<1x16x128xf32, #tpu.memory_space<vmem>> -> memref<16x128xf32, #tpu.memory_space<vmem>>
            tpu.vector_store_idx %scatter3A_294[%iota3A_288, %broadcast_in_dim3A_290], %gather3A_287 : memref<16x128xf32, #tpu.memory_space<vmem>>[vector<16xi32>, vector<16xi32>], vector<16xf32>,
            %broadcast_in_dim3A_295 = arith.constant 20 : i32
            %broadcast_in_dim3A_296 = vector.broadcast %broadcast_in_dim3A_295 : i32 to vector<16xi32>
            %gather3A_297 = tpu.vector_load_idx %arg12[%broadcast_in_dim3A_296, %min3A_87] : memref<64x512xf32, #tpu.memory_space<vmem>>[vector<16xi32>, vector<16xi32>], vector<16xf32>,
            %iota3A_298 = tpu.iota {dimensions = array<i32: 0>} : vector<16xi32>
            %broadcast_in_dim3A_299 = arith.constant 20 : i32
            %broadcast_in_dim3A_300 = vector.broadcast %broadcast_in_dim3A_299 : i32 to vector<16xi32>
            %scatter3A_301 = arith.constant 0 : i32
            %scatter3A_302 = arith.constant 0 : i32
            %scatter3A_303 = tpu.memref_slice %arg13[%and3A_65, %scatter3A_301, %scatter3A_302] : memref<8x16x128xf32, #tpu.memory_space<vmem>> -> memref<1x16x128xf32, #tpu.memory_space<vmem>>
            %scatter3A_304 = tpu.memref_squeeze %scatter3A_303 : memref<1x16x128xf32, #tpu.memory_space<vmem>> -> memref<16x128xf32, #tpu.memory_space<vmem>>
            tpu.vector_store_idx %scatter3A_304[%iota3A_298, %broadcast_in_dim3A_300], %gather3A_297 : memref<16x128xf32, #tpu.memory_space<vmem>>[vector<16xi32>, vector<16xi32>], vector<16xf32>,
            %broadcast_in_dim3A_305 = arith.constant 21 : i32
            %broadcast_in_dim3A_306 = vector.broadcast %broadcast_in_dim3A_305 : i32 to vector<16xi32>
            %gather3A_307 = tpu.vector_load_idx %arg12[%broadcast_in_dim3A_306, %min3A_87] : memref<64x512xf32, #tpu.memory_space<vmem>>[vector<16xi32>, vector<16xi32>], vector<16xf32>,
            %iota3A_308 = tpu.iota {dimensions = array<i32: 0>} : vector<16xi32>
            %broadcast_in_dim3A_309 = arith.constant 21 : i32
            %broadcast_in_dim3A_310 = vector.broadcast %broadcast_in_dim3A_309 : i32 to vector<16xi32>
            %scatter3A_311 = arith.constant 0 : i32
            %scatter3A_312 = arith.constant 0 : i32
            %scatter3A_313 = tpu.memref_slice %arg13[%and3A_65, %scatter3A_311, %scatter3A_312] : memref<8x16x128xf32, #tpu.memory_space<vmem>> -> memref<1x16x128xf32, #tpu.memory_space<vmem>>
            %scatter3A_314 = tpu.memref_squeeze %scatter3A_313 : memref<1x16x128xf32, #tpu.memory_space<vmem>> -> memref<16x128xf32, #tpu.memory_space<vmem>>
            tpu.vector_store_idx %scatter3A_314[%iota3A_308, %broadcast_in_dim3A_310], %gather3A_307 : memref<16x128xf32, #tpu.memory_space<vmem>>[vector<16xi32>, vector<16xi32>], vector<16xf32>,
            %broadcast_in_dim3A_315 = arith.constant 22 : i32
            %broadcast_in_dim3A_316 = vector.broadcast %broadcast_in_dim3A_315 : i32 to vector<16xi32>
            %gather3A_317 = tpu.vector_load_idx %arg12[%broadcast_in_dim3A_316, %min3A_87] : memref<64x512xf32, #tpu.memory_space<vmem>>[vector<16xi32>, vector<16xi32>], vector<16xf32>,
            %iota3A_318 = tpu.iota {dimensions = array<i32: 0>} : vector<16xi32>
            %broadcast_in_dim3A_319 = arith.constant 22 : i32
            %broadcast_in_dim3A_320 = vector.broadcast %broadcast_in_dim3A_319 : i32 to vector<16xi32>
            %scatter3A_321 = arith.constant 0 : i32
            %scatter3A_322 = arith.constant 0 : i32
            %scatter3A_323 = tpu.memref_slice %arg13[%and3A_65, %scatter3A_321, %scatter3A_322] : memref<8x16x128xf32, #tpu.memory_space<vmem>> -> memref<1x16x128xf32, #tpu.memory_space<vmem>>
            %scatter3A_324 = tpu.memref_squeeze %scatter3A_323 : memref<1x16x128xf32, #tpu.memory_space<vmem>> -> memref<16x128xf32, #tpu.memory_space<vmem>>
            tpu.vector_store_idx %scatter3A_324[%iota3A_318, %broadcast_in_dim3A_320], %gather3A_317 : memref<16x128xf32, #tpu.memory_space<vmem>>[vector<16xi32>, vector<16xi32>], vector<16xf32>,
            %broadcast_in_dim3A_325 = arith.constant 23 : i32
            %broadcast_in_dim3A_326 = vector.broadcast %broadcast_in_dim3A_325 : i32 to vector<16xi32>
            %gather3A_327 = tpu.vector_load_idx %arg12[%broadcast_in_dim3A_326, %min3A_87] : memref<64x512xf32, #tpu.memory_space<vmem>>[vector<16xi32>, vector<16xi32>], vector<16xf32>,
            %iota3A_328 = tpu.iota {dimensions = array<i32: 0>} : vector<16xi32>
            %broadcast_in_dim3A_329 = arith.constant 23 : i32
            %broadcast_in_dim3A_330 = vector.broadcast %broadcast_in_dim3A_329 : i32 to vector<16xi32>
            %scatter3A_331 = arith.constant 0 : i32
            %scatter3A_332 = arith.constant 0 : i32
            %scatter3A_333 = tpu.memref_slice %arg13[%and3A_65, %scatter3A_331, %scatter3A_332] : memref<8x16x128xf32, #tpu.memory_space<vmem>> -> memref<1x16x128xf32, #tpu.memory_space<vmem>>
            %scatter3A_334 = tpu.memref_squeeze %scatter3A_333 : memref<1x16x128xf32, #tpu.memory_space<vmem>> -> memref<16x128xf32, #tpu.memory_space<vmem>>
            tpu.vector_store_idx %scatter3A_334[%iota3A_328, %broadcast_in_dim3A_330], %gather3A_327 : memref<16x128xf32, #tpu.memory_space<vmem>>[vector<16xi32>, vector<16xi32>], vector<16xf32>,
            %broadcast_in_dim3A_335 = arith.constant 24 : i32
            %broadcast_in_dim3A_336 = vector.broadcast %broadcast_in_dim3A_335 : i32 to vector<16xi32>
            %gather3A_337 = tpu.vector_load_idx %arg12[%broadcast_in_dim3A_336, %min3A_87] : memref<64x512xf32, #tpu.memory_space<vmem>>[vector<16xi32>, vector<16xi32>], vector<16xf32>,
            %iota3A_338 = tpu.iota {dimensions = array<i32: 0>} : vector<16xi32>
            %broadcast_in_dim3A_339 = arith.constant 24 : i32
            %broadcast_in_dim3A_340 = vector.broadcast %broadcast_in_dim3A_339 : i32 to vector<16xi32>
            %scatter3A_341 = arith.constant 0 : i32
            %scatter3A_342 = arith.constant 0 : i32
            %scatter3A_343 = tpu.memref_slice %arg13[%and3A_65, %scatter3A_341, %scatter3A_342] : memref<8x16x128xf32, #tpu.memory_space<vmem>> -> memref<1x16x128xf32, #tpu.memory_space<vmem>>
            %scatter3A_344 = tpu.memref_squeeze %scatter3A_343 : memref<1x16x128xf32, #tpu.memory_space<vmem>> -> memref<16x128xf32, #tpu.memory_space<vmem>>
            tpu.vector_store_idx %scatter3A_344[%iota3A_338, %broadcast_in_dim3A_340], %gather3A_337 : memref<16x128xf32, #tpu.memory_space<vmem>>[vector<16xi32>, vector<16xi32>], vector<16xf32>,
            %broadcast_in_dim3A_345 = arith.constant 25 : i32
            %broadcast_in_dim3A_346 = vector.broadcast %broadcast_in_dim3A_345 : i32 to vector<16xi32>
            %gather3A_347 = tpu.vector_load_idx %arg12[%broadcast_in_dim3A_346, %min3A_87] : memref<64x512xf32, #tpu.memory_space<vmem>>[vector<16xi32>, vector<16xi32>], vector<16xf32>,
            %iota3A_348 = tpu.iota {dimensions = array<i32: 0>} : vector<16xi32>
            %broadcast_in_dim3A_349 = arith.constant 25 : i32
            %broadcast_in_dim3A_350 = vector.broadcast %broadcast_in_dim3A_349 : i32 to vector<16xi32>
            %scatter3A_351 = arith.constant 0 : i32
            %scatter3A_352 = arith.constant 0 : i32
            %scatter3A_353 = tpu.memref_slice %arg13[%and3A_65, %scatter3A_351, %scatter3A_352] : memref<8x16x128xf32, #tpu.memory_space<vmem>> -> memref<1x16x128xf32, #tpu.memory_space<vmem>>
            %scatter3A_354 = tpu.memref_squeeze %scatter3A_353 : memref<1x16x128xf32, #tpu.memory_space<vmem>> -> memref<16x128xf32, #tpu.memory_space<vmem>>
            tpu.vector_store_idx %scatter3A_354[%iota3A_348, %broadcast_in_dim3A_350], %gather3A_347 : memref<16x128xf32, #tpu.memory_space<vmem>>[vector<16xi32>, vector<16xi32>], vector<16xf32>,
            %broadcast_in_dim3A_355 = arith.constant 26 : i32
            %broadcast_in_dim3A_356 = vector.broadcast %broadcast_in_dim3A_355 : i32 to vector<16xi32>
            %gather3A_357 = tpu.vector_load_idx %arg12[%broadcast_in_dim3A_356, %min3A_87] : memref<64x512xf32, #tpu.memory_space<vmem>>[vector<16xi32>, vector<16xi32>], vector<16xf32>,
            %iota3A_358 = tpu.iota {dimensions = array<i32: 0>} : vector<16xi32>
            %broadcast_in_dim3A_359 = arith.constant 26 : i32
            %broadcast_in_dim3A_360 = vector.broadcast %broadcast_in_dim3A_359 : i32 to vector<16xi32>
            %scatter3A_361 = arith.constant 0 : i32
            %scatter3A_362 = arith.constant 0 : i32
            %scatter3A_363 = tpu.memref_slice %arg13[%and3A_65, %scatter3A_361, %scatter3A_362] : memref<8x16x128xf32, #tpu.memory_space<vmem>> -> memref<1x16x128xf32, #tpu.memory_space<vmem>>
            %scatter3A_364 = tpu.memref_squeeze %scatter3A_363 : memref<1x16x128xf32, #tpu.memory_space<vmem>> -> memref<16x128xf32, #tpu.memory_space<vmem>>
            tpu.vector_store_idx %scatter3A_364[%iota3A_358, %broadcast_in_dim3A_360], %gather3A_357 : memref<16x128xf32, #tpu.memory_space<vmem>>[vector<16xi32>, vector<16xi32>], vector<16xf32>,
            %broadcast_in_dim3A_365 = arith.constant 27 : i32
            %broadcast_in_dim3A_366 = vector.broadcast %broadcast_in_dim3A_365 : i32 to vector<16xi32>
            %gather3A_367 = tpu.vector_load_idx %arg12[%broadcast_in_dim3A_366, %min3A_87] : memref<64x512xf32, #tpu.memory_space<vmem>>[vector<16xi32>, vector<16xi32>], vector<16xf32>,
            %iota3A_368 = tpu.iota {dimensions = array<i32: 0>} : vector<16xi32>
            %broadcast_in_dim3A_369 = arith.constant 27 : i32
            %broadcast_in_dim3A_370 = vector.broadcast %broadcast_in_dim3A_369 : i32 to vector<16xi32>
            %scatter3A_371 = arith.constant 0 : i32
            %scatter3A_372 = arith.constant 0 : i32
            %scatter3A_373 = tpu.memref_slice %arg13[%and3A_65, %scatter3A_371, %scatter3A_372] : memref<8x16x128xf32, #tpu.memory_space<vmem>> -> memref<1x16x128xf32, #tpu.memory_space<vmem>>
            %scatter3A_374 = tpu.memref_squeeze %scatter3A_373 : memref<1x16x128xf32, #tpu.memory_space<vmem>> -> memref<16x128xf32, #tpu.memory_space<vmem>>
            tpu.vector_store_idx %scatter3A_374[%iota3A_368, %broadcast_in_dim3A_370], %gather3A_367 : memref<16x128xf32, #tpu.memory_space<vmem>>[vector<16xi32>, vector<16xi32>], vector<16xf32>,
            %broadcast_in_dim3A_375 = arith.constant 28 : i32
            %broadcast_in_dim3A_376 = vector.broadcast %broadcast_in_dim3A_375 : i32 to vector<16xi32>
            %gather3A_377 = tpu.vector_load_idx %arg12[%broadcast_in_dim3A_376, %min3A_87] : memref<64x512xf32, #tpu.memory_space<vmem>>[vector<16xi32>, vector<16xi32>], vector<16xf32>,
            %iota3A_378 = tpu.iota {dimensions = array<i32: 0>} : vector<16xi32>
            %broadcast_in_dim3A_379 = arith.constant 28 : i32
            %broadcast_in_dim3A_380 = vector.broadcast %broadcast_in_dim3A_379 : i32 to vector<16xi32>
            %scatter3A_381 = arith.constant 0 : i32
            %scatter3A_382 = arith.constant 0 : i32
            %scatter3A_383 = tpu.memref_slice %arg13[%and3A_65, %scatter3A_381, %scatter3A_382] : memref<8x16x128xf32, #tpu.memory_space<vmem>> -> memref<1x16x128xf32, #tpu.memory_space<vmem>>
            %scatter3A_384 = tpu.memref_squeeze %scatter3A_383 : memref<1x16x128xf32, #tpu.memory_space<vmem>> -> memref<16x128xf32, #tpu.memory_space<vmem>>
            tpu.vector_store_idx %scatter3A_384[%iota3A_378, %broadcast_in_dim3A_380], %gather3A_377 : memref<16x128xf32, #tpu.memory_space<vmem>>[vector<16xi32>, vector<16xi32>], vector<16xf32>,
            %broadcast_in_dim3A_385 = arith.constant 29 : i32
            %broadcast_in_dim3A_386 = vector.broadcast %broadcast_in_dim3A_385 : i32 to vector<16xi32>
            %gather3A_387 = tpu.vector_load_idx %arg12[%broadcast_in_dim3A_386, %min3A_87] : memref<64x512xf32, #tpu.memory_space<vmem>>[vector<16xi32>, vector<16xi32>], vector<16xf32>,
            %iota3A_388 = tpu.iota {dimensions = array<i32: 0>} : vector<16xi32>
            %broadcast_in_dim3A_389 = arith.constant 29 : i32
            %broadcast_in_dim3A_390 = vector.broadcast %broadcast_in_dim3A_389 : i32 to vector<16xi32>
            %scatter3A_391 = arith.constant 0 : i32
            %scatter3A_392 = arith.constant 0 : i32
            %scatter3A_393 = tpu.memref_slice %arg13[%and3A_65, %scatter3A_391, %scatter3A_392] : memref<8x16x128xf32, #tpu.memory_space<vmem>> -> memref<1x16x128xf32, #tpu.memory_space<vmem>>
            %scatter3A_394 = tpu.memref_squeeze %scatter3A_393 : memref<1x16x128xf32, #tpu.memory_space<vmem>> -> memref<16x128xf32, #tpu.memory_space<vmem>>
            tpu.vector_store_idx %scatter3A_394[%iota3A_388, %broadcast_in_dim3A_390], %gather3A_387 : memref<16x128xf32, #tpu.memory_space<vmem>>[vector<16xi32>, vector<16xi32>], vector<16xf32>,
            %broadcast_in_dim3A_395 = arith.constant 30 : i32
            %broadcast_in_dim3A_396 = vector.broadcast %broadcast_in_dim3A_395 : i32 to vector<16xi32>
            %gather3A_397 = tpu.vector_load_idx %arg12[%broadcast_in_dim3A_396, %min3A_87] : memref<64x512xf32, #tpu.memory_space<vmem>>[vector<16xi32>, vector<16xi32>], vector<16xf32>,
            %iota3A_398 = tpu.iota {dimensions = array<i32: 0>} : vector<16xi32>
            %broadcast_in_dim3A_399 = arith.constant 30 : i32
            %broadcast_in_dim3A_400 = vector.broadcast %broadcast_in_dim3A_399 : i32 to vector<16xi32>
            %scatter3A_401 = arith.constant 0 : i32
            %scatter3A_402 = arith.constant 0 : i32
            %scatter3A_403 = tpu.memref_slice %arg13[%and3A_65, %scatter3A_401, %scatter3A_402] : memref<8x16x128xf32, #tpu.memory_space<vmem>> -> memref<1x16x128xf32, #tpu.memory_space<vmem>>
            %scatter3A_404 = tpu.memref_squeeze %scatter3A_403 : memref<1x16x128xf32, #tpu.memory_space<vmem>> -> memref<16x128xf32, #tpu.memory_space<vmem>>
            tpu.vector_store_idx %scatter3A_404[%iota3A_398, %broadcast_in_dim3A_400], %gather3A_397 : memref<16x128xf32, #tpu.memory_space<vmem>>[vector<16xi32>, vector<16xi32>], vector<16xf32>,
            %broadcast_in_dim3A_405 = arith.constant 31 : i32
            %broadcast_in_dim3A_406 = vector.broadcast %broadcast_in_dim3A_405 : i32 to vector<16xi32>
            %gather3A_407 = tpu.vector_load_idx %arg12[%broadcast_in_dim3A_406, %min3A_87] : memref<64x512xf32, #tpu.memory_space<vmem>>[vector<16xi32>, vector<16xi32>], vector<16xf32>,
            %iota3A_408 = tpu.iota {dimensions = array<i32: 0>} : vector<16xi32>
            %broadcast_in_dim3A_409 = arith.constant 31 : i32
            %broadcast_in_dim3A_410 = vector.broadcast %broadcast_in_dim3A_409 : i32 to vector<16xi32>
            %scatter3A_411 = arith.constant 0 : i32
            %scatter3A_412 = arith.constant 0 : i32
            %scatter3A_413 = tpu.memref_slice %arg13[%and3A_65, %scatter3A_411, %scatter3A_412] : memref<8x16x128xf32, #tpu.memory_space<vmem>> -> memref<1x16x128xf32, #tpu.memory_space<vmem>>
            %scatter3A_414 = tpu.memref_squeeze %scatter3A_413 : memref<1x16x128xf32, #tpu.memory_space<vmem>> -> memref<16x128xf32, #tpu.memory_space<vmem>>
            tpu.vector_store_idx %scatter3A_414[%iota3A_408, %broadcast_in_dim3A_410], %gather3A_407 : memref<16x128xf32, #tpu.memory_space<vmem>>[vector<16xi32>, vector<16xi32>], vector<16xf32>,
            %broadcast_in_dim3A_415 = arith.constant 32 : i32
            %broadcast_in_dim3A_416 = vector.broadcast %broadcast_in_dim3A_415 : i32 to vector<16xi32>
            %gather3A_417 = tpu.vector_load_idx %arg12[%broadcast_in_dim3A_416, %min3A_87] : memref<64x512xf32, #tpu.memory_space<vmem>>[vector<16xi32>, vector<16xi32>], vector<16xf32>,
            %iota3A_418 = tpu.iota {dimensions = array<i32: 0>} : vector<16xi32>
            %broadcast_in_dim3A_419 = arith.constant 32 : i32
            %broadcast_in_dim3A_420 = vector.broadcast %broadcast_in_dim3A_419 : i32 to vector<16xi32>
            %scatter3A_421 = arith.constant 0 : i32
            %scatter3A_422 = arith.constant 0 : i32
            %scatter3A_423 = tpu.memref_slice %arg13[%and3A_65, %scatter3A_421, %scatter3A_422] : memref<8x16x128xf32, #tpu.memory_space<vmem>> -> memref<1x16x128xf32, #tpu.memory_space<vmem>>
            %scatter3A_424 = tpu.memref_squeeze %scatter3A_423 : memref<1x16x128xf32, #tpu.memory_space<vmem>> -> memref<16x128xf32, #tpu.memory_space<vmem>>
            tpu.vector_store_idx %scatter3A_424[%iota3A_418, %broadcast_in_dim3A_420], %gather3A_417 : memref<16x128xf32, #tpu.memory_space<vmem>>[vector<16xi32>, vector<16xi32>], vector<16xf32>,
            %broadcast_in_dim3A_425 = arith.constant 33 : i32
            %broadcast_in_dim3A_426 = vector.broadcast %broadcast_in_dim3A_425 : i32 to vector<16xi32>
            %gather3A_427 = tpu.vector_load_idx %arg12[%broadcast_in_dim3A_426, %min3A_87] : memref<64x512xf32, #tpu.memory_space<vmem>>[vector<16xi32>, vector<16xi32>], vector<16xf32>,
            %iota3A_428 = tpu.iota {dimensions = array<i32: 0>} : vector<16xi32>
            %broadcast_in_dim3A_429 = arith.constant 33 : i32
            %broadcast_in_dim3A_430 = vector.broadcast %broadcast_in_dim3A_429 : i32 to vector<16xi32>
            %scatter3A_431 = arith.constant 0 : i32
            %scatter3A_432 = arith.constant 0 : i32
            %scatter3A_433 = tpu.memref_slice %arg13[%and3A_65, %scatter3A_431, %scatter3A_432] : memref<8x16x128xf32, #tpu.memory_space<vmem>> -> memref<1x16x128xf32, #tpu.memory_space<vmem>>
            %scatter3A_434 = tpu.memref_squeeze %scatter3A_433 : memref<1x16x128xf32, #tpu.memory_space<vmem>> -> memref<16x128xf32, #tpu.memory_space<vmem>>
            tpu.vector_store_idx %scatter3A_434[%iota3A_428, %broadcast_in_dim3A_430], %gather3A_427 : memref<16x128xf32, #tpu.memory_space<vmem>>[vector<16xi32>, vector<16xi32>], vector<16xf32>,
            %broadcast_in_dim3A_435 = arith.constant 34 : i32
            %broadcast_in_dim3A_436 = vector.broadcast %broadcast_in_dim3A_435 : i32 to vector<16xi32>
            %gather3A_437 = tpu.vector_load_idx %arg12[%broadcast_in_dim3A_436, %min3A_87] : memref<64x512xf32, #tpu.memory_space<vmem>>[vector<16xi32>, vector<16xi32>], vector<16xf32>,
            %iota3A_438 = tpu.iota {dimensions = array<i32: 0>} : vector<16xi32>
            %broadcast_in_dim3A_439 = arith.constant 34 : i32
            %broadcast_in_dim3A_440 = vector.broadcast %broadcast_in_dim3A_439 : i32 to vector<16xi32>
            %scatter3A_441 = arith.constant 0 : i32
            %scatter3A_442 = arith.constant 0 : i32
            %scatter3A_443 = tpu.memref_slice %arg13[%and3A_65, %scatter3A_441, %scatter3A_442] : memref<8x16x128xf32, #tpu.memory_space<vmem>> -> memref<1x16x128xf32, #tpu.memory_space<vmem>>
            %scatter3A_444 = tpu.memref_squeeze %scatter3A_443 : memref<1x16x128xf32, #tpu.memory_space<vmem>> -> memref<16x128xf32, #tpu.memory_space<vmem>>
            tpu.vector_store_idx %scatter3A_444[%iota3A_438, %broadcast_in_dim3A_440], %gather3A_437 : memref<16x128xf32, #tpu.memory_space<vmem>>[vector<16xi32>, vector<16xi32>], vector<16xf32>,
            %broadcast_in_dim3A_445 = arith.constant 35 : i32
            %broadcast_in_dim3A_446 = vector.broadcast %broadcast_in_dim3A_445 : i32 to vector<16xi32>
            %gather3A_447 = tpu.vector_load_idx %arg12[%broadcast_in_dim3A_446, %min3A_87] : memref<64x512xf32, #tpu.memory_space<vmem>>[vector<16xi32>, vector<16xi32>], vector<16xf32>,
            %iota3A_448 = tpu.iota {dimensions = array<i32: 0>} : vector<16xi32>
            %broadcast_in_dim3A_449 = arith.constant 35 : i32
            %broadcast_in_dim3A_450 = vector.broadcast %broadcast_in_dim3A_449 : i32 to vector<16xi32>
            %scatter3A_451 = arith.constant 0 : i32
            %scatter3A_452 = arith.constant 0 : i32
            %scatter3A_453 = tpu.memref_slice %arg13[%and3A_65, %scatter3A_451, %scatter3A_452] : memref<8x16x128xf32, #tpu.memory_space<vmem>> -> memref<1x16x128xf32, #tpu.memory_space<vmem>>
            %scatter3A_454 = tpu.memref_squeeze %scatter3A_453 : memref<1x16x128xf32, #tpu.memory_space<vmem>> -> memref<16x128xf32, #tpu.memory_space<vmem>>
            tpu.vector_store_idx %scatter3A_454[%iota3A_448, %broadcast_in_dim3A_450], %gather3A_447 : memref<16x128xf32, #tpu.memory_space<vmem>>[vector<16xi32>, vector<16xi32>], vector<16xf32>,
            %broadcast_in_dim3A_455 = arith.constant 36 : i32
            %broadcast_in_dim3A_456 = vector.broadcast %broadcast_in_dim3A_455 : i32 to vector<16xi32>
            %gather3A_457 = tpu.vector_load_idx %arg12[%broadcast_in_dim3A_456, %min3A_87] : memref<64x512xf32, #tpu.memory_space<vmem>>[vector<16xi32>, vector<16xi32>], vector<16xf32>,
            %iota3A_458 = tpu.iota {dimensions = array<i32: 0>} : vector<16xi32>
            %broadcast_in_dim3A_459 = arith.constant 36 : i32
            %broadcast_in_dim3A_460 = vector.broadcast %broadcast_in_dim3A_459 : i32 to vector<16xi32>
            %scatter3A_461 = arith.constant 0 : i32
            %scatter3A_462 = arith.constant 0 : i32
            %scatter3A_463 = tpu.memref_slice %arg13[%and3A_65, %scatter3A_461, %scatter3A_462] : memref<8x16x128xf32, #tpu.memory_space<vmem>> -> memref<1x16x128xf32, #tpu.memory_space<vmem>>
            %scatter3A_464 = tpu.memref_squeeze %scatter3A_463 : memref<1x16x128xf32, #tpu.memory_space<vmem>> -> memref<16x128xf32, #tpu.memory_space<vmem>>
            tpu.vector_store_idx %scatter3A_464[%iota3A_458, %broadcast_in_dim3A_460], %gather3A_457 : memref<16x128xf32, #tpu.memory_space<vmem>>[vector<16xi32>, vector<16xi32>], vector<16xf32>,
            %broadcast_in_dim3A_465 = arith.constant 37 : i32
            %broadcast_in_dim3A_466 = vector.broadcast %broadcast_in_dim3A_465 : i32 to vector<16xi32>
            %gather3A_467 = tpu.vector_load_idx %arg12[%broadcast_in_dim3A_466, %min3A_87] : memref<64x512xf32, #tpu.memory_space<vmem>>[vector<16xi32>, vector<16xi32>], vector<16xf32>,
            %iota3A_468 = tpu.iota {dimensions = array<i32: 0>} : vector<16xi32>
            %broadcast_in_dim3A_469 = arith.constant 37 : i32
            %broadcast_in_dim3A_470 = vector.broadcast %broadcast_in_dim3A_469 : i32 to vector<16xi32>
            %scatter3A_471 = arith.constant 0 : i32
            %scatter3A_472 = arith.constant 0 : i32
            %scatter3A_473 = tpu.memref_slice %arg13[%and3A_65, %scatter3A_471, %scatter3A_472] : memref<8x16x128xf32, #tpu.memory_space<vmem>> -> memref<1x16x128xf32, #tpu.memory_space<vmem>>
            %scatter3A_474 = tpu.memref_squeeze %scatter3A_473 : memref<1x16x128xf32, #tpu.memory_space<vmem>> -> memref<16x128xf32, #tpu.memory_space<vmem>>
            tpu.vector_store_idx %scatter3A_474[%iota3A_468, %broadcast_in_dim3A_470], %gather3A_467 : memref<16x128xf32, #tpu.memory_space<vmem>>[vector<16xi32>, vector<16xi32>], vector<16xf32>,
            %broadcast_in_dim3A_475 = arith.constant 38 : i32
            %broadcast_in_dim3A_476 = vector.broadcast %broadcast_in_dim3A_475 : i32 to vector<16xi32>
            %gather3A_477 = tpu.vector_load_idx %arg12[%broadcast_in_dim3A_476, %min3A_87] : memref<64x512xf32, #tpu.memory_space<vmem>>[vector<16xi32>, vector<16xi32>], vector<16xf32>,
            %iota3A_478 = tpu.iota {dimensions = array<i32: 0>} : vector<16xi32>
            %broadcast_in_dim3A_479 = arith.constant 38 : i32
            %broadcast_in_dim3A_480 = vector.broadcast %broadcast_in_dim3A_479 : i32 to vector<16xi32>
            %scatter3A_481 = arith.constant 0 : i32
            %scatter3A_482 = arith.constant 0 : i32
            %scatter3A_483 = tpu.memref_slice %arg13[%and3A_65, %scatter3A_481, %scatter3A_482] : memref<8x16x128xf32, #tpu.memory_space<vmem>> -> memref<1x16x128xf32, #tpu.memory_space<vmem>>
            %scatter3A_484 = tpu.memref_squeeze %scatter3A_483 : memref<1x16x128xf32, #tpu.memory_space<vmem>> -> memref<16x128xf32, #tpu.memory_space<vmem>>
            tpu.vector_store_idx %scatter3A_484[%iota3A_478, %broadcast_in_dim3A_480], %gather3A_477 : memref<16x128xf32, #tpu.memory_space<vmem>>[vector<16xi32>, vector<16xi32>], vector<16xf32>,
            %broadcast_in_dim3A_485 = arith.constant 39 : i32
            %broadcast_in_dim3A_486 = vector.broadcast %broadcast_in_dim3A_485 : i32 to vector<16xi32>
            %gather3A_487 = tpu.vector_load_idx %arg12[%broadcast_in_dim3A_486, %min3A_87] : memref<64x512xf32, #tpu.memory_space<vmem>>[vector<16xi32>, vector<16xi32>], vector<16xf32>,
            %iota3A_488 = tpu.iota {dimensions = array<i32: 0>} : vector<16xi32>
            %broadcast_in_dim3A_489 = arith.constant 39 : i32
            %broadcast_in_dim3A_490 = vector.broadcast %broadcast_in_dim3A_489 : i32 to vector<16xi32>
            %scatter3A_491 = arith.constant 0 : i32
            %scatter3A_492 = arith.constant 0 : i32
            %scatter3A_493 = tpu.memref_slice %arg13[%and3A_65, %scatter3A_491, %scatter3A_492] : memref<8x16x128xf32, #tpu.memory_space<vmem>> -> memref<1x16x128xf32, #tpu.memory_space<vmem>>
            %scatter3A_494 = tpu.memref_squeeze %scatter3A_493 : memref<1x16x128xf32, #tpu.memory_space<vmem>> -> memref<16x128xf32, #tpu.memory_space<vmem>>
            tpu.vector_store_idx %scatter3A_494[%iota3A_488, %broadcast_in_dim3A_490], %gather3A_487 : memref<16x128xf32, #tpu.memory_space<vmem>>[vector<16xi32>, vector<16xi32>], vector<16xf32>,
            %broadcast_in_dim3A_495 = arith.constant 40 : i32
            %broadcast_in_dim3A_496 = vector.broadcast %broadcast_in_dim3A_495 : i32 to vector<16xi32>
            %gather3A_497 = tpu.vector_load_idx %arg12[%broadcast_in_dim3A_496, %min3A_87] : memref<64x512xf32, #tpu.memory_space<vmem>>[vector<16xi32>, vector<16xi32>], vector<16xf32>,
            %iota3A_498 = tpu.iota {dimensions = array<i32: 0>} : vector<16xi32>
            %broadcast_in_dim3A_499 = arith.constant 40 : i32
            %broadcast_in_dim3A_500 = vector.broadcast %broadcast_in_dim3A_499 : i32 to vector<16xi32>
            %scatter3A_501 = arith.constant 0 : i32
            %scatter3A_502 = arith.constant 0 : i32
            %scatter3A_503 = tpu.memref_slice %arg13[%and3A_65, %scatter3A_501, %scatter3A_502] : memref<8x16x128xf32, #tpu.memory_space<vmem>> -> memref<1x16x128xf32, #tpu.memory_space<vmem>>
            %scatter3A_504 = tpu.memref_squeeze %scatter3A_503 : memref<1x16x128xf32, #tpu.memory_space<vmem>> -> memref<16x128xf32, #tpu.memory_space<vmem>>
            tpu.vector_store_idx %scatter3A_504[%iota3A_498, %broadcast_in_dim3A_500], %gather3A_497 : memref<16x128xf32, #tpu.memory_space<vmem>>[vector<16xi32>, vector<16xi32>], vector<16xf32>,
            %broadcast_in_dim3A_505 = arith.constant 41 : i32
            %broadcast_in_dim3A_506 = vector.broadcast %broadcast_in_dim3A_505 : i32 to vector<16xi32>
            %gather3A_507 = tpu.vector_load_idx %arg12[%broadcast_in_dim3A_506, %min3A_87] : memref<64x512xf32, #tpu.memory_space<vmem>>[vector<16xi32>, vector<16xi32>], vector<16xf32>,
            %iota3A_508 = tpu.iota {dimensions = array<i32: 0>} : vector<16xi32>
            %broadcast_in_dim3A_509 = arith.constant 41 : i32
            %broadcast_in_dim3A_510 = vector.broadcast %broadcast_in_dim3A_509 : i32 to vector<16xi32>
            %scatter3A_511 = arith.constant 0 : i32
            %scatter3A_512 = arith.constant 0 : i32
            %scatter3A_513 = tpu.memref_slice %arg13[%and3A_65, %scatter3A_511, %scatter3A_512] : memref<8x16x128xf32, #tpu.memory_space<vmem>> -> memref<1x16x128xf32, #tpu.memory_space<vmem>>
            %scatter3A_514 = tpu.memref_squeeze %scatter3A_513 : memref<1x16x128xf32, #tpu.memory_space<vmem>> -> memref<16x128xf32, #tpu.memory_space<vmem>>
            tpu.vector_store_idx %scatter3A_514[%iota3A_508, %broadcast_in_dim3A_510], %gather3A_507 : memref<16x128xf32, #tpu.memory_space<vmem>>[vector<16xi32>, vector<16xi32>], vector<16xf32>,
            %broadcast_in_dim3A_515 = arith.constant 42 : i32
            %broadcast_in_dim3A_516 = vector.broadcast %broadcast_in_dim3A_515 : i32 to vector<16xi32>
            %gather3A_517 = tpu.vector_load_idx %arg12[%broadcast_in_dim3A_516, %min3A_87] : memref<64x512xf32, #tpu.memory_space<vmem>>[vector<16xi32>, vector<16xi32>], vector<16xf32>,
            %iota3A_518 = tpu.iota {dimensions = array<i32: 0>} : vector<16xi32>
            %broadcast_in_dim3A_519 = arith.constant 42 : i32
            %broadcast_in_dim3A_520 = vector.broadcast %broadcast_in_dim3A_519 : i32 to vector<16xi32>
            %scatter3A_521 = arith.constant 0 : i32
            %scatter3A_522 = arith.constant 0 : i32
            %scatter3A_523 = tpu.memref_slice %arg13[%and3A_65, %scatter3A_521, %scatter3A_522] : memref<8x16x128xf32, #tpu.memory_space<vmem>> -> memref<1x16x128xf32, #tpu.memory_space<vmem>>
            %scatter3A_524 = tpu.memref_squeeze %scatter3A_523 : memref<1x16x128xf32, #tpu.memory_space<vmem>> -> memref<16x128xf32, #tpu.memory_space<vmem>>
            tpu.vector_store_idx %scatter3A_524[%iota3A_518, %broadcast_in_dim3A_520], %gather3A_517 : memref<16x128xf32, #tpu.memory_space<vmem>>[vector<16xi32>, vector<16xi32>], vector<16xf32>,
            %broadcast_in_dim3A_525 = arith.constant 43 : i32
            %broadcast_in_dim3A_526 = vector.broadcast %broadcast_in_dim3A_525 : i32 to vector<16xi32>
            %gather3A_527 = tpu.vector_load_idx %arg12[%broadcast_in_dim3A_526, %min3A_87] : memref<64x512xf32, #tpu.memory_space<vmem>>[vector<16xi32>, vector<16xi32>], vector<16xf32>,
            %iota3A_528 = tpu.iota {dimensions = array<i32: 0>} : vector<16xi32>
            %broadcast_in_dim3A_529 = arith.constant 43 : i32
            %broadcast_in_dim3A_530 = vector.broadcast %broadcast_in_dim3A_529 : i32 to vector<16xi32>
            %scatter3A_531 = arith.constant 0 : i32
            %scatter3A_532 = arith.constant 0 : i32
            %scatter3A_533 = tpu.memref_slice %arg13[%and3A_65, %scatter3A_531, %scatter3A_532] : memref<8x16x128xf32, #tpu.memory_space<vmem>> -> memref<1x16x128xf32, #tpu.memory_space<vmem>>
            %scatter3A_534 = tpu.memref_squeeze %scatter3A_533 : memref<1x16x128xf32, #tpu.memory_space<vmem>> -> memref<16x128xf32, #tpu.memory_space<vmem>>
            tpu.vector_store_idx %scatter3A_534[%iota3A_528, %broadcast_in_dim3A_530], %gather3A_527 : memref<16x128xf32, #tpu.memory_space<vmem>>[vector<16xi32>, vector<16xi32>], vector<16xf32>,
            %broadcast_in_dim3A_535 = arith.constant 44 : i32
            %broadcast_in_dim3A_536 = vector.broadcast %broadcast_in_dim3A_535 : i32 to vector<16xi32>
            %gather3A_537 = tpu.vector_load_idx %arg12[%broadcast_in_dim3A_536, %min3A_87] : memref<64x512xf32, #tpu.memory_space<vmem>>[vector<16xi32>, vector<16xi32>], vector<16xf32>,
            %iota3A_538 = tpu.iota {dimensions = array<i32: 0>} : vector<16xi32>
            %broadcast_in_dim3A_539 = arith.constant 44 : i32
            %broadcast_in_dim3A_540 = vector.broadcast %broadcast_in_dim3A_539 : i32 to vector<16xi32>
            %scatter3A_541 = arith.constant 0 : i32
            %scatter3A_542 = arith.constant 0 : i32
            %scatter3A_543 = tpu.memref_slice %arg13[%and3A_65, %scatter3A_541, %scatter3A_542] : memref<8x16x128xf32, #tpu.memory_space<vmem>> -> memref<1x16x128xf32, #tpu.memory_space<vmem>>
            %scatter3A_544 = tpu.memref_squeeze %scatter3A_543 : memref<1x16x128xf32, #tpu.memory_space<vmem>> -> memref<16x128xf32, #tpu.memory_space<vmem>>
            tpu.vector_store_idx %scatter3A_544[%iota3A_538, %broadcast_in_dim3A_540], %gather3A_537 : memref<16x128xf32, #tpu.memory_space<vmem>>[vector<16xi32>, vector<16xi32>], vector<16xf32>,
            %broadcast_in_dim3A_545 = arith.constant 45 : i32
            %broadcast_in_dim3A_546 = vector.broadcast %broadcast_in_dim3A_545 : i32 to vector<16xi32>
            %gather3A_547 = tpu.vector_load_idx %arg12[%broadcast_in_dim3A_546, %min3A_87] : memref<64x512xf32, #tpu.memory_space<vmem>>[vector<16xi32>, vector<16xi32>], vector<16xf32>,
            %iota3A_548 = tpu.iota {dimensions = array<i32: 0>} : vector<16xi32>
            %broadcast_in_dim3A_549 = arith.constant 45 : i32
            %broadcast_in_dim3A_550 = vector.broadcast %broadcast_in_dim3A_549 : i32 to vector<16xi32>
            %scatter3A_551 = arith.constant 0 : i32
            %scatter3A_552 = arith.constant 0 : i32
            %scatter3A_553 = tpu.memref_slice %arg13[%and3A_65, %scatter3A_551, %scatter3A_552] : memref<8x16x128xf32, #tpu.memory_space<vmem>> -> memref<1x16x128xf32, #tpu.memory_space<vmem>>
            %scatter3A_554 = tpu.memref_squeeze %scatter3A_553 : memref<1x16x128xf32, #tpu.memory_space<vmem>> -> memref<16x128xf32, #tpu.memory_space<vmem>>
            tpu.vector_store_idx %scatter3A_554[%iota3A_548, %broadcast_in_dim3A_550], %gather3A_547 : memref<16x128xf32, #tpu.memory_space<vmem>>[vector<16xi32>, vector<16xi32>], vector<16xf32>,
            %broadcast_in_dim3A_555 = arith.constant 46 : i32
            %broadcast_in_dim3A_556 = vector.broadcast %broadcast_in_dim3A_555 : i32 to vector<16xi32>
            %gather3A_557 = tpu.vector_load_idx %arg12[%broadcast_in_dim3A_556, %min3A_87] : memref<64x512xf32, #tpu.memory_space<vmem>>[vector<16xi32>, vector<16xi32>], vector<16xf32>,
            %iota3A_558 = tpu.iota {dimensions = array<i32: 0>} : vector<16xi32>
            %broadcast_in_dim3A_559 = arith.constant 46 : i32
            %broadcast_in_dim3A_560 = vector.broadcast %broadcast_in_dim3A_559 : i32 to vector<16xi32>
            %scatter3A_561 = arith.constant 0 : i32
            %scatter3A_562 = arith.constant 0 : i32
            %scatter3A_563 = tpu.memref_slice %arg13[%and3A_65, %scatter3A_561, %scatter3A_562] : memref<8x16x128xf32, #tpu.memory_space<vmem>> -> memref<1x16x128xf32, #tpu.memory_space<vmem>>
            %scatter3A_564 = tpu.memref_squeeze %scatter3A_563 : memref<1x16x128xf32, #tpu.memory_space<vmem>> -> memref<16x128xf32, #tpu.memory_space<vmem>>
            tpu.vector_store_idx %scatter3A_564[%iota3A_558, %broadcast_in_dim3A_560], %gather3A_557 : memref<16x128xf32, #tpu.memory_space<vmem>>[vector<16xi32>, vector<16xi32>], vector<16xf32>,
            %broadcast_in_dim3A_565 = arith.constant 47 : i32
            %broadcast_in_dim3A_566 = vector.broadcast %broadcast_in_dim3A_565 : i32 to vector<16xi32>
            %gather3A_567 = tpu.vector_load_idx %arg12[%broadcast_in_dim3A_566, %min3A_87] : memref<64x512xf32, #tpu.memory_space<vmem>>[vector<16xi32>, vector<16xi32>], vector<16xf32>,
            %iota3A_568 = tpu.iota {dimensions = array<i32: 0>} : vector<16xi32>
            %broadcast_in_dim3A_569 = arith.constant 47 : i32
            %broadcast_in_dim3A_570 = vector.broadcast %broadcast_in_dim3A_569 : i32 to vector<16xi32>
            %scatter3A_571 = arith.constant 0 : i32
            %scatter3A_572 = arith.constant 0 : i32
            %scatter3A_573 = tpu.memref_slice %arg13[%and3A_65, %scatter3A_571, %scatter3A_572] : memref<8x16x128xf32, #tpu.memory_space<vmem>> -> memref<1x16x128xf32, #tpu.memory_space<vmem>>
            %scatter3A_574 = tpu.memref_squeeze %scatter3A_573 : memref<1x16x128xf32, #tpu.memory_space<vmem>> -> memref<16x128xf32, #tpu.memory_space<vmem>>
            tpu.vector_store_idx %scatter3A_574[%iota3A_568, %broadcast_in_dim3A_570], %gather3A_567 : memref<16x128xf32, #tpu.memory_space<vmem>>[vector<16xi32>, vector<16xi32>], vector<16xf32>,
            %broadcast_in_dim3A_575 = arith.constant 48 : i32
            %broadcast_in_dim3A_576 = vector.broadcast %broadcast_in_dim3A_575 : i32 to vector<16xi32>
            %gather3A_577 = tpu.vector_load_idx %arg12[%broadcast_in_dim3A_576, %min3A_87] : memref<64x512xf32, #tpu.memory_space<vmem>>[vector<16xi32>, vector<16xi32>], vector<16xf32>,
            %iota3A_578 = tpu.iota {dimensions = array<i32: 0>} : vector<16xi32>
            %broadcast_in_dim3A_579 = arith.constant 48 : i32
            %broadcast_in_dim3A_580 = vector.broadcast %broadcast_in_dim3A_579 : i32 to vector<16xi32>
            %scatter3A_581 = arith.constant 0 : i32
            %scatter3A_582 = arith.constant 0 : i32
            %scatter3A_583 = tpu.memref_slice %arg13[%and3A_65, %scatter3A_581, %scatter3A_582] : memref<8x16x128xf32, #tpu.memory_space<vmem>> -> memref<1x16x128xf32, #tpu.memory_space<vmem>>
            %scatter3A_584 = tpu.memref_squeeze %scatter3A_583 : memref<1x16x128xf32, #tpu.memory_space<vmem>> -> memref<16x128xf32, #tpu.memory_space<vmem>>
            tpu.vector_store_idx %scatter3A_584[%iota3A_578, %broadcast_in_dim3A_580], %gather3A_577 : memref<16x128xf32, #tpu.memory_space<vmem>>[vector<16xi32>, vector<16xi32>], vector<16xf32>,
            %broadcast_in_dim3A_585 = arith.constant 49 : i32
            %broadcast_in_dim3A_586 = vector.broadcast %broadcast_in_dim3A_585 : i32 to vector<16xi32>
            %gather3A_587 = tpu.vector_load_idx %arg12[%broadcast_in_dim3A_586, %min3A_87] : memref<64x512xf32, #tpu.memory_space<vmem>>[vector<16xi32>, vector<16xi32>], vector<16xf32>,
            %iota3A_588 = tpu.iota {dimensions = array<i32: 0>} : vector<16xi32>
            %broadcast_in_dim3A_589 = arith.constant 49 : i32
            %broadcast_in_dim3A_590 = vector.broadcast %broadcast_in_dim3A_589 : i32 to vector<16xi32>
            %scatter3A_591 = arith.constant 0 : i32
            %scatter3A_592 = arith.constant 0 : i32
            %scatter3A_593 = tpu.memref_slice %arg13[%and3A_65, %scatter3A_591, %scatter3A_592] : memref<8x16x128xf32, #tpu.memory_space<vmem>> -> memref<1x16x128xf32, #tpu.memory_space<vmem>>
            %scatter3A_594 = tpu.memref_squeeze %scatter3A_593 : memref<1x16x128xf32, #tpu.memory_space<vmem>> -> memref<16x128xf32, #tpu.memory_space<vmem>>
            tpu.vector_store_idx %scatter3A_594[%iota3A_588, %broadcast_in_dim3A_590], %gather3A_587 : memref<16x128xf32, #tpu.memory_space<vmem>>[vector<16xi32>, vector<16xi32>], vector<16xf32>,
            %broadcast_in_dim3A_595 = arith.constant 50 : i32
            %broadcast_in_dim3A_596 = vector.broadcast %broadcast_in_dim3A_595 : i32 to vector<16xi32>
            %gather3A_597 = tpu.vector_load_idx %arg12[%broadcast_in_dim3A_596, %min3A_87] : memref<64x512xf32, #tpu.memory_space<vmem>>[vector<16xi32>, vector<16xi32>], vector<16xf32>,
            %iota3A_598 = tpu.iota {dimensions = array<i32: 0>} : vector<16xi32>
            %broadcast_in_dim3A_599 = arith.constant 50 : i32
            %broadcast_in_dim3A_600 = vector.broadcast %broadcast_in_dim3A_599 : i32 to vector<16xi32>
            %scatter3A_601 = arith.constant 0 : i32
            %scatter3A_602 = arith.constant 0 : i32
            %scatter3A_603 = tpu.memref_slice %arg13[%and3A_65, %scatter3A_601, %scatter3A_602] : memref<8x16x128xf32, #tpu.memory_space<vmem>> -> memref<1x16x128xf32, #tpu.memory_space<vmem>>
            %scatter3A_604 = tpu.memref_squeeze %scatter3A_603 : memref<1x16x128xf32, #tpu.memory_space<vmem>> -> memref<16x128xf32, #tpu.memory_space<vmem>>
            tpu.vector_store_idx %scatter3A_604[%iota3A_598, %broadcast_in_dim3A_600], %gather3A_597 : memref<16x128xf32, #tpu.memory_space<vmem>>[vector<16xi32>, vector<16xi32>], vector<16xf32>,
            %broadcast_in_dim3A_605 = arith.constant 51 : i32
            %broadcast_in_dim3A_606 = vector.broadcast %broadcast_in_dim3A_605 : i32 to vector<16xi32>
            %gather3A_607 = tpu.vector_load_idx %arg12[%broadcast_in_dim3A_606, %min3A_87] : memref<64x512xf32, #tpu.memory_space<vmem>>[vector<16xi32>, vector<16xi32>], vector<16xf32>,
            %iota3A_608 = tpu.iota {dimensions = array<i32: 0>} : vector<16xi32>
            %broadcast_in_dim3A_609 = arith.constant 51 : i32
            %broadcast_in_dim3A_610 = vector.broadcast %broadcast_in_dim3A_609 : i32 to vector<16xi32>
            %scatter3A_611 = arith.constant 0 : i32
            %scatter3A_612 = arith.constant 0 : i32
            %scatter3A_613 = tpu.memref_slice %arg13[%and3A_65, %scatter3A_611, %scatter3A_612] : memref<8x16x128xf32, #tpu.memory_space<vmem>> -> memref<1x16x128xf32, #tpu.memory_space<vmem>>
            %scatter3A_614 = tpu.memref_squeeze %scatter3A_613 : memref<1x16x128xf32, #tpu.memory_space<vmem>> -> memref<16x128xf32, #tpu.memory_space<vmem>>
            tpu.vector_store_idx %scatter3A_614[%iota3A_608, %broadcast_in_dim3A_610], %gather3A_607 : memref<16x128xf32, #tpu.memory_space<vmem>>[vector<16xi32>, vector<16xi32>], vector<16xf32>,
            %broadcast_in_dim3A_615 = arith.constant 52 : i32
            %broadcast_in_dim3A_616 = vector.broadcast %broadcast_in_dim3A_615 : i32 to vector<16xi32>
            %gather3A_617 = tpu.vector_load_idx %arg12[%broadcast_in_dim3A_616, %min3A_87] : memref<64x512xf32, #tpu.memory_space<vmem>>[vector<16xi32>, vector<16xi32>], vector<16xf32>,
            %iota3A_618 = tpu.iota {dimensions = array<i32: 0>} : vector<16xi32>
            %broadcast_in_dim3A_619 = arith.constant 52 : i32
            %broadcast_in_dim3A_620 = vector.broadcast %broadcast_in_dim3A_619 : i32 to vector<16xi32>
            %scatter3A_621 = arith.constant 0 : i32
            %scatter3A_622 = arith.constant 0 : i32
            %scatter3A_623 = tpu.memref_slice %arg13[%and3A_65, %scatter3A_621, %scatter3A_622] : memref<8x16x128xf32, #tpu.memory_space<vmem>> -> memref<1x16x128xf32, #tpu.memory_space<vmem>>
            %scatter3A_624 = tpu.memref_squeeze %scatter3A_623 : memref<1x16x128xf32, #tpu.memory_space<vmem>> -> memref<16x128xf32, #tpu.memory_space<vmem>>
            tpu.vector_store_idx %scatter3A_624[%iota3A_618, %broadcast_in_dim3A_620], %gather3A_617 : memref<16x128xf32, #tpu.memory_space<vmem>>[vector<16xi32>, vector<16xi32>], vector<16xf32>,
            %broadcast_in_dim3A_625 = arith.constant 53 : i32
            %broadcast_in_dim3A_626 = vector.broadcast %broadcast_in_dim3A_625 : i32 to vector<16xi32>
            %gather3A_627 = tpu.vector_load_idx %arg12[%broadcast_in_dim3A_626, %min3A_87] : memref<64x512xf32, #tpu.memory_space<vmem>>[vector<16xi32>, vector<16xi32>], vector<16xf32>,
            %iota3A_628 = tpu.iota {dimensions = array<i32: 0>} : vector<16xi32>
            %broadcast_in_dim3A_629 = arith.constant 53 : i32
            %broadcast_in_dim3A_630 = vector.broadcast %broadcast_in_dim3A_629 : i32 to vector<16xi32>
            %scatter3A_631 = arith.constant 0 : i32
            %scatter3A_632 = arith.constant 0 : i32
            %scatter3A_633 = tpu.memref_slice %arg13[%and3A_65, %scatter3A_631, %scatter3A_632] : memref<8x16x128xf32, #tpu.memory_space<vmem>> -> memref<1x16x128xf32, #tpu.memory_space<vmem>>
            %scatter3A_634 = tpu.memref_squeeze %scatter3A_633 : memref<1x16x128xf32, #tpu.memory_space<vmem>> -> memref<16x128xf32, #tpu.memory_space<vmem>>
            tpu.vector_store_idx %scatter3A_634[%iota3A_628, %broadcast_in_dim3A_630], %gather3A_627 : memref<16x128xf32, #tpu.memory_space<vmem>>[vector<16xi32>, vector<16xi32>], vector<16xf32>,
            %broadcast_in_dim3A_635 = arith.constant 54 : i32
            %broadcast_in_dim3A_636 = vector.broadcast %broadcast_in_dim3A_635 : i32 to vector<16xi32>
            %gather3A_637 = tpu.vector_load_idx %arg12[%broadcast_in_dim3A_636, %min3A_87] : memref<64x512xf32, #tpu.memory_space<vmem>>[vector<16xi32>, vector<16xi32>], vector<16xf32>,
            %iota3A_638 = tpu.iota {dimensions = array<i32: 0>} : vector<16xi32>
            %broadcast_in_dim3A_639 = arith.constant 54 : i32
            %broadcast_in_dim3A_640 = vector.broadcast %broadcast_in_dim3A_639 : i32 to vector<16xi32>
            %scatter3A_641 = arith.constant 0 : i32
            %scatter3A_642 = arith.constant 0 : i32
            %scatter3A_643 = tpu.memref_slice %arg13[%and3A_65, %scatter3A_641, %scatter3A_642] : memref<8x16x128xf32, #tpu.memory_space<vmem>> -> memref<1x16x128xf32, #tpu.memory_space<vmem>>
            %scatter3A_644 = tpu.memref_squeeze %scatter3A_643 : memref<1x16x128xf32, #tpu.memory_space<vmem>> -> memref<16x128xf32, #tpu.memory_space<vmem>>
            tpu.vector_store_idx %scatter3A_644[%iota3A_638, %broadcast_in_dim3A_640], %gather3A_637 : memref<16x128xf32, #tpu.memory_space<vmem>>[vector<16xi32>, vector<16xi32>], vector<16xf32>,
            %broadcast_in_dim3A_645 = arith.constant 55 : i32
            %broadcast_in_dim3A_646 = vector.broadcast %broadcast_in_dim3A_645 : i32 to vector<16xi32>
            %gather3A_647 = tpu.vector_load_idx %arg12[%broadcast_in_dim3A_646, %min3A_87] : memref<64x512xf32, #tpu.memory_space<vmem>>[vector<16xi32>, vector<16xi32>], vector<16xf32>,
            %iota3A_648 = tpu.iota {dimensions = array<i32: 0>} : vector<16xi32>
            %broadcast_in_dim3A_649 = arith.constant 55 : i32
            %broadcast_in_dim3A_650 = vector.broadcast %broadcast_in_dim3A_649 : i32 to vector<16xi32>
            %scatter3A_651 = arith.constant 0 : i32
            %scatter3A_652 = arith.constant 0 : i32
            %scatter3A_653 = tpu.memref_slice %arg13[%and3A_65, %scatter3A_651, %scatter3A_652] : memref<8x16x128xf32, #tpu.memory_space<vmem>> -> memref<1x16x128xf32, #tpu.memory_space<vmem>>
            %scatter3A_654 = tpu.memref_squeeze %scatter3A_653 : memref<1x16x128xf32, #tpu.memory_space<vmem>> -> memref<16x128xf32, #tpu.memory_space<vmem>>
            tpu.vector_store_idx %scatter3A_654[%iota3A_648, %broadcast_in_dim3A_650], %gather3A_647 : memref<16x128xf32, #tpu.memory_space<vmem>>[vector<16xi32>, vector<16xi32>], vector<16xf32>,
            %broadcast_in_dim3A_655 = arith.constant 56 : i32
            %broadcast_in_dim3A_656 = vector.broadcast %broadcast_in_dim3A_655 : i32 to vector<16xi32>
            %gather3A_657 = tpu.vector_load_idx %arg12[%broadcast_in_dim3A_656, %min3A_87] : memref<64x512xf32, #tpu.memory_space<vmem>>[vector<16xi32>, vector<16xi32>], vector<16xf32>,
            %iota3A_658 = tpu.iota {dimensions = array<i32: 0>} : vector<16xi32>
            %broadcast_in_dim3A_659 = arith.constant 56 : i32
            %broadcast_in_dim3A_660 = vector.broadcast %broadcast_in_dim3A_659 : i32 to vector<16xi32>
            %scatter3A_661 = arith.constant 0 : i32
            %scatter3A_662 = arith.constant 0 : i32
            %scatter3A_663 = tpu.memref_slice %arg13[%and3A_65, %scatter3A_661, %scatter3A_662] : memref<8x16x128xf32, #tpu.memory_space<vmem>> -> memref<1x16x128xf32, #tpu.memory_space<vmem>>
            %scatter3A_664 = tpu.memref_squeeze %scatter3A_663 : memref<1x16x128xf32, #tpu.memory_space<vmem>> -> memref<16x128xf32, #tpu.memory_space<vmem>>
            tpu.vector_store_idx %scatter3A_664[%iota3A_658, %broadcast_in_dim3A_660], %gather3A_657 : memref<16x128xf32, #tpu.memory_space<vmem>>[vector<16xi32>, vector<16xi32>], vector<16xf32>,
            %broadcast_in_dim3A_665 = arith.constant 57 : i32
            %broadcast_in_dim3A_666 = vector.broadcast %broadcast_in_dim3A_665 : i32 to vector<16xi32>
            %gather3A_667 = tpu.vector_load_idx %arg12[%broadcast_in_dim3A_666, %min3A_87] : memref<64x512xf32, #tpu.memory_space<vmem>>[vector<16xi32>, vector<16xi32>], vector<16xf32>,
            %iota3A_668 = tpu.iota {dimensions = array<i32: 0>} : vector<16xi32>
            %broadcast_in_dim3A_669 = arith.constant 57 : i32
            %broadcast_in_dim3A_670 = vector.broadcast %broadcast_in_dim3A_669 : i32 to vector<16xi32>
            %scatter3A_671 = arith.constant 0 : i32
            %scatter3A_672 = arith.constant 0 : i32
            %scatter3A_673 = tpu.memref_slice %arg13[%and3A_65, %scatter3A_671, %scatter3A_672] : memref<8x16x128xf32, #tpu.memory_space<vmem>> -> memref<1x16x128xf32, #tpu.memory_space<vmem>>
            %scatter3A_674 = tpu.memref_squeeze %scatter3A_673 : memref<1x16x128xf32, #tpu.memory_space<vmem>> -> memref<16x128xf32, #tpu.memory_space<vmem>>
            tpu.vector_store_idx %scatter3A_674[%iota3A_668, %broadcast_in_dim3A_670], %gather3A_667 : memref<16x128xf32, #tpu.memory_space<vmem>>[vector<16xi32>, vector<16xi32>], vector<16xf32>,
            %broadcast_in_dim3A_675 = arith.constant 58 : i32
            %broadcast_in_dim3A_676 = vector.broadcast %broadcast_in_dim3A_675 : i32 to vector<16xi32>
            %gather3A_677 = tpu.vector_load_idx %arg12[%broadcast_in_dim3A_676, %min3A_87] : memref<64x512xf32, #tpu.memory_space<vmem>>[vector<16xi32>, vector<16xi32>], vector<16xf32>,
            %iota3A_678 = tpu.iota {dimensions = array<i32: 0>} : vector<16xi32>
            %broadcast_in_dim3A_679 = arith.constant 58 : i32
            %broadcast_in_dim3A_680 = vector.broadcast %broadcast_in_dim3A_679 : i32 to vector<16xi32>
            %scatter3A_681 = arith.constant 0 : i32
            %scatter3A_682 = arith.constant 0 : i32
            %scatter3A_683 = tpu.memref_slice %arg13[%and3A_65, %scatter3A_681, %scatter3A_682] : memref<8x16x128xf32, #tpu.memory_space<vmem>> -> memref<1x16x128xf32, #tpu.memory_space<vmem>>
            %scatter3A_684 = tpu.memref_squeeze %scatter3A_683 : memref<1x16x128xf32, #tpu.memory_space<vmem>> -> memref<16x128xf32, #tpu.memory_space<vmem>>
            tpu.vector_store_idx %scatter3A_684[%iota3A_678, %broadcast_in_dim3A_680], %gather3A_677 : memref<16x128xf32, #tpu.memory_space<vmem>>[vector<16xi32>, vector<16xi32>], vector<16xf32>,
            %broadcast_in_dim3A_685 = arith.constant 59 : i32
            %broadcast_in_dim3A_686 = vector.broadcast %broadcast_in_dim3A_685 : i32 to vector<16xi32>
            %gather3A_687 = tpu.vector_load_idx %arg12[%broadcast_in_dim3A_686, %min3A_87] : memref<64x512xf32, #tpu.memory_space<vmem>>[vector<16xi32>, vector<16xi32>], vector<16xf32>,
            %iota3A_688 = tpu.iota {dimensions = array<i32: 0>} : vector<16xi32>
            %broadcast_in_dim3A_689 = arith.constant 59 : i32
            %broadcast_in_dim3A_690 = vector.broadcast %broadcast_in_dim3A_689 : i32 to vector<16xi32>
            %scatter3A_691 = arith.constant 0 : i32
            %scatter3A_692 = arith.constant 0 : i32
            %scatter3A_693 = tpu.memref_slice %arg13[%and3A_65, %scatter3A_691, %scatter3A_692] : memref<8x16x128xf32, #tpu.memory_space<vmem>> -> memref<1x16x128xf32, #tpu.memory_space<vmem>>
            %scatter3A_694 = tpu.memref_squeeze %scatter3A_693 : memref<1x16x128xf32, #tpu.memory_space<vmem>> -> memref<16x128xf32, #tpu.memory_space<vmem>>
            tpu.vector_store_idx %scatter3A_694[%iota3A_688, %broadcast_in_dim3A_690], %gather3A_687 : memref<16x128xf32, #tpu.memory_space<vmem>>[vector<16xi32>, vector<16xi32>], vector<16xf32>,
            %broadcast_in_dim3A_695 = arith.constant 60 : i32
            %broadcast_in_dim3A_696 = vector.broadcast %broadcast_in_dim3A_695 : i32 to vector<16xi32>
            %gather3A_697 = tpu.vector_load_idx %arg12[%broadcast_in_dim3A_696, %min3A_87] : memref<64x512xf32, #tpu.memory_space<vmem>>[vector<16xi32>, vector<16xi32>], vector<16xf32>,
            %iota3A_698 = tpu.iota {dimensions = array<i32: 0>} : vector<16xi32>
            %broadcast_in_dim3A_699 = arith.constant 60 : i32
            %broadcast_in_dim3A_700 = vector.broadcast %broadcast_in_dim3A_699 : i32 to vector<16xi32>
            %scatter3A_701 = arith.constant 0 : i32
            %scatter3A_702 = arith.constant 0 : i32
            %scatter3A_703 = tpu.memref_slice %arg13[%and3A_65, %scatter3A_701, %scatter3A_702] : memref<8x16x128xf32, #tpu.memory_space<vmem>> -> memref<1x16x128xf32, #tpu.memory_space<vmem>>
            %scatter3A_704 = tpu.memref_squeeze %scatter3A_703 : memref<1x16x128xf32, #tpu.memory_space<vmem>> -> memref<16x128xf32, #tpu.memory_space<vmem>>
            tpu.vector_store_idx %scatter3A_704[%iota3A_698, %broadcast_in_dim3A_700], %gather3A_697 : memref<16x128xf32, #tpu.memory_space<vmem>>[vector<16xi32>, vector<16xi32>], vector<16xf32>,
            %broadcast_in_dim3A_705 = arith.constant 61 : i32
            %broadcast_in_dim3A_706 = vector.broadcast %broadcast_in_dim3A_705 : i32 to vector<16xi32>
            %gather3A_707 = tpu.vector_load_idx %arg12[%broadcast_in_dim3A_706, %min3A_87] : memref<64x512xf32, #tpu.memory_space<vmem>>[vector<16xi32>, vector<16xi32>], vector<16xf32>,
            %iota3A_708 = tpu.iota {dimensions = array<i32: 0>} : vector<16xi32>
            %broadcast_in_dim3A_709 = arith.constant 61 : i32
            %broadcast_in_dim3A_710 = vector.broadcast %broadcast_in_dim3A_709 : i32 to vector<16xi32>
            %scatter3A_711 = arith.constant 0 : i32
            %scatter3A_712 = arith.constant 0 : i32
            %scatter3A_713 = tpu.memref_slice %arg13[%and3A_65, %scatter3A_711, %scatter3A_712] : memref<8x16x128xf32, #tpu.memory_space<vmem>> -> memref<1x16x128xf32, #tpu.memory_space<vmem>>
            %scatter3A_714 = tpu.memref_squeeze %scatter3A_713 : memref<1x16x128xf32, #tpu.memory_space<vmem>> -> memref<16x128xf32, #tpu.memory_space<vmem>>
            tpu.vector_store_idx %scatter3A_714[%iota3A_708, %broadcast_in_dim3A_710], %gather3A_707 : memref<16x128xf32, #tpu.memory_space<vmem>>[vector<16xi32>, vector<16xi32>], vector<16xf32>,
            %broadcast_in_dim3A_715 = arith.constant 62 : i32
            %broadcast_in_dim3A_716 = vector.broadcast %broadcast_in_dim3A_715 : i32 to vector<16xi32>
            %gather3A_717 = tpu.vector_load_idx %arg12[%broadcast_in_dim3A_716, %min3A_87] : memref<64x512xf32, #tpu.memory_space<vmem>>[vector<16xi32>, vector<16xi32>], vector<16xf32>,
            %iota3A_718 = tpu.iota {dimensions = array<i32: 0>} : vector<16xi32>
            %broadcast_in_dim3A_719 = arith.constant 62 : i32
            %broadcast_in_dim3A_720 = vector.broadcast %broadcast_in_dim3A_719 : i32 to vector<16xi32>
            %scatter3A_721 = arith.constant 0 : i32
            %scatter3A_722 = arith.constant 0 : i32
            %scatter3A_723 = tpu.memref_slice %arg13[%and3A_65, %scatter3A_721, %scatter3A_722] : memref<8x16x128xf32, #tpu.memory_space<vmem>> -> memref<1x16x128xf32, #tpu.memory_space<vmem>>
            %scatter3A_724 = tpu.memref_squeeze %scatter3A_723 : memref<1x16x128xf32, #tpu.memory_space<vmem>> -> memref<16x128xf32, #tpu.memory_space<vmem>>
            tpu.vector_store_idx %scatter3A_724[%iota3A_718, %broadcast_in_dim3A_720], %gather3A_717 : memref<16x128xf32, #tpu.memory_space<vmem>>[vector<16xi32>, vector<16xi32>], vector<16xf32>,
            %broadcast_in_dim3A_725 = arith.constant 63 : i32
            %broadcast_in_dim3A_726 = vector.broadcast %broadcast_in_dim3A_725 : i32 to vector<16xi32>
            %gather3A_727 = tpu.vector_load_idx %arg12[%broadcast_in_dim3A_726, %min3A_87] : memref<64x512xf32, #tpu.memory_space<vmem>>[vector<16xi32>, vector<16xi32>], vector<16xf32>,
            %iota3A_728 = tpu.iota {dimensions = array<i32: 0>} : vector<16xi32>
            %broadcast_in_dim3A_729 = arith.constant 63 : i32
            %broadcast_in_dim3A_730 = vector.broadcast %broadcast_in_dim3A_729 : i32 to vector<16xi32>
            %scatter3A_731 = arith.constant 0 : i32
            %scatter3A_732 = arith.constant 0 : i32
            %scatter3A_733 = tpu.memref_slice %arg13[%and3A_65, %scatter3A_731, %scatter3A_732] : memref<8x16x128xf32, #tpu.memory_space<vmem>> -> memref<1x16x128xf32, #tpu.memory_space<vmem>>
            %scatter3A_734 = tpu.memref_squeeze %scatter3A_733 : memref<1x16x128xf32, #tpu.memory_space<vmem>> -> memref<16x128xf32, #tpu.memory_space<vmem>>
            tpu.vector_store_idx %scatter3A_734[%iota3A_728, %broadcast_in_dim3A_730], %gather3A_727 : memref<16x128xf32, #tpu.memory_space<vmem>>[vector<16xi32>, vector<16xi32>], vector<16xf32>,
            %dma_start3A_735 = arith.constant 0 : i32
            %dma_start3A_736 = arith.constant 0 : i32
            %dma_start3A_737 = tpu.memref_slice %arg13[%and3A_65, %dma_start3A_735, %dma_start3A_736] : memref<8x16x128xf32, #tpu.memory_space<vmem>> -> memref<1x16x128xf32, #tpu.memory_space<vmem>>
            %dma_start3A_738 = tpu.memref_squeeze %dma_start3A_737 : memref<1x16x128xf32, #tpu.memory_space<vmem>> -> memref<16x128xf32, #tpu.memory_space<vmem>>
            %dma_start3A_739 = arith.constant 0 : i32
            %dma_start3A_740 = tpu.memref_slice %arg14[%and3A_65, %dma_start3A_739] : memref<8x16xi32, #tpu.memory_space<vmem>> -> memref<1x16xi32, #tpu.memory_space<vmem>>
            %dma_start3A_741 = tpu.memref_squeeze %dma_start3A_740 : memref<1x16xi32, #tpu.memory_space<vmem>> -> memref<16xi32, #tpu.memory_space<vmem>>
            %dma_start3A_742 = arith.constant 0 : i32
            %dma_start3A_743 = arith.constant 0 : i32
            %dma_start3A_744 = tpu.memref_slice %arg8[%dma_start3A_742, %dma_start3A_743] : memref<65568x128xf32, #tpu.memory_space<hbm>> -> memref<65568x128xf32, #tpu.memory_space<hbm>>
            tpu.enqueue_indirect_dma source(%dma_start3A_738 : memref<16x128xf32, #tpu.memory_space<vmem>>) target(%dma_start3A_744 : memref<65568x128xf32, #tpu.memory_space<hbm>>) offsets(%dma_start3A_741 : memref<16xi32, #tpu.memory_space<vmem>>) semaphore(%arg16 : memref<!tpu.dma_semaphore, #tpu.memory_space<semaphore_mem>>)
          }
          %min3A = arith.constant 8 : i32
          %min3A_53 = arith.minsi %div3A_20, %min3A : i32
          %while3A_54 = arith.constant 0 : i32
          %while3A_55 = arith.constant 0 : i32
          %while3A_56 = arith.subi %min3A_53, %while3A_55 : i32
          %while3A_57 = arith.addi %while3A_55, %while3A_56 : i32
          %while3A_58 = arith.constant 1 : i32
          %while3A_59 = arith.divsi %while3A_56, %while3A_58 : i32
          %while3A_60 = arith.muli %while3A_59, %while3A_58 : i32
          %while3A_61 = arith.addi %while3A_55, %while3A_60 : i32
          %while3A_62 = arith.constant 1 : i32
          scf.for %while3A_64 = %while3A_55 to %while3A_61 step %while3A_62  : i32 {
            %dma_wait3A_65 = arith.constant 0 : i32
            %dma_wait3A_66 = arith.constant 0 : i32
            %dma_wait3A_67 = arith.constant 0 : i32
            %dma_wait3A_68 = tpu.memref_slice %arg13[%dma_wait3A_65, %dma_wait3A_66, %dma_wait3A_67] : memref<8x16x128xf32, #tpu.memory_space<vmem>> -> memref<1x16x128xf32, #tpu.memory_space<vmem>>
            %dma_wait3A_69 = tpu.memref_squeeze %dma_wait3A_68 : memref<1x16x128xf32, #tpu.memory_space<vmem>> -> memref<16x128xf32, #tpu.memory_space<vmem>>
            %dma_wait3A_70 = arith.constant 0 : i32
            %dma_wait3A_71 = arith.constant 0 : i32
            %dma_wait3A_72 = tpu.memref_slice %arg8[%dma_wait3A_70, %dma_wait3A_71] : memref<65568x128xf32, #tpu.memory_space<hbm>> -> memref<16x128xf32, #tpu.memory_space<hbm>>
            %dma_wait3A_73 = arith.constant 0 : i32
            %dma_wait3A_74 = arith.constant 0 : i32
            %dma_wait3A_75 = tpu.memref_slice %arg13[%dma_wait3A_65, %dma_wait3A_73, %dma_wait3A_74] : memref<8x16x128xf32, #tpu.memory_space<vmem>> -> memref<1x16x128xf32, #tpu.memory_space<vmem>>
            %dma_wait3A_76 = tpu.memref_squeeze %dma_wait3A_75 : memref<1x16x128xf32, #tpu.memory_space<vmem>> -> memref<16x128xf32, #tpu.memory_space<vmem>>
            %dma_wait3A_77 = arith.constant 0 : i32
            %dma_wait3A_78 = arith.constant 0 : i32
            %dma_wait3A_79 = tpu.memref_slice %arg8[%dma_wait3A_77, %dma_wait3A_78] : memref<65568x128xf32, #tpu.memory_space<hbm>> -> memref<16x128xf32, #tpu.memory_space<hbm>>
            tpu.wait_dma2 semaphore(%arg16 : memref<!tpu.dma_semaphore, #tpu.memory_space<semaphore_mem>>) src(%dma_wait3A_79 : memref<16x128xf32, #tpu.memory_space<hbm>>) dst(%dma_wait3A_76 : memref<16x128xf32, #tpu.memory_space<vmem>>)
          }
          %while3A_63 = arith.constant 1 : i32
          scf.for %while3A_64 = %while3A_61 to %while3A_57 step %while3A_63  : i32 {
            %dma_wait3A_65 = arith.constant 0 : i32
            %dma_wait3A_66 = arith.constant 0 : i32
            %dma_wait3A_67 = arith.constant 0 : i32
            %dma_wait3A_68 = tpu.memref_slice %arg13[%dma_wait3A_65, %dma_wait3A_66, %dma_wait3A_67] : memref<8x16x128xf32, #tpu.memory_space<vmem>> -> memref<1x16x128xf32, #tpu.memory_space<vmem>>
            %dma_wait3A_69 = tpu.memref_squeeze %dma_wait3A_68 : memref<1x16x128xf32, #tpu.memory_space<vmem>> -> memref<16x128xf32, #tpu.memory_space<vmem>>
            %dma_wait3A_70 = arith.constant 0 : i32
            %dma_wait3A_71 = arith.constant 0 : i32
            %dma_wait3A_72 = tpu.memref_slice %arg8[%dma_wait3A_70, %dma_wait3A_71] : memref<65568x128xf32, #tpu.memory_space<hbm>> -> memref<16x128xf32, #tpu.memory_space<hbm>>
            %dma_wait3A_73 = arith.constant 0 : i32
            %dma_wait3A_74 = arith.constant 0 : i32
            %dma_wait3A_75 = tpu.memref_slice %arg13[%dma_wait3A_65, %dma_wait3A_73, %dma_wait3A_74] : memref<8x16x128xf32, #tpu.memory_space<vmem>> -> memref<1x16x128xf32, #tpu.memory_space<vmem>>
            %dma_wait3A_76 = tpu.memref_squeeze %dma_wait3A_75 : memref<1x16x128xf32, #tpu.memory_space<vmem>> -> memref<16x128xf32, #tpu.memory_space<vmem>>
            %dma_wait3A_77 = arith.constant 0 : i32
            %dma_wait3A_78 = arith.constant 0 : i32
            %dma_wait3A_79 = tpu.memref_slice %arg8[%dma_wait3A_77, %dma_wait3A_78] : memref<65568x128xf32, #tpu.memory_space<hbm>> -> memref<16x128xf32, #tpu.memory_space<hbm>>
            tpu.wait_dma2 semaphore(%arg16 : memref<!tpu.dma_semaphore, #tpu.memory_space<semaphore_mem>>) src(%dma_wait3A_79 : memref<16x128xf32, #tpu.memory_space<hbm>>) dst(%dma_wait3A_76 : memref<16x128xf32, #tpu.memory_space<vmem>>)
          }
        }
        %scan3A_32 = arith.constant 4 : i32
      } else {
      }
    }
    %scan3A_5 = arith.constant 7 : i32
    return
  }
}

</mosaic_0001>

<sc_bundles>
// kernel: gather_offload_async_start
scs
__scs_entry_jumppad:
0x0: {  	(pc) =	sbr.rel $0x88, $3  }
0x1: {  	(tag) =	ssettag $0x0;
	lr =	simm.s32 $0x1  }
0x2: {  	[smem:$0x3F9E] =	sst lr;
	_ =	strace $0xD0000000  }
0x3: {  	_ = 	snop  }
0x4: {  	_ = 	snop  }
0x5: {  	_ = 	snop  }
0x6: {  	_ = 	snop  }
0x7: {  	_ = 	snop  }
__scs_overlays_trampoline_lowered:
0x8: {  	[smem:$0x3FAD] =	sst s0  }
0x9: {  	[smem:$0x3FAE] =	sst s1  }
0xa: {  	[smem:$0x3FAF] =	sst s2  }
0xb: {  	[smem:$0x3FB0] =	sst s3  }
0xc: {  	[smem:$0x3FB1] =	sst s4  }
0xd: {  	[smem:$0x3FB2] =	sst s5  }
0xe: {  	[smem:$0x3FB3] =	sst s6  }
0xf: {  	[smem:$0x3FB4] =	sst s7  }
0x10: {  	[smem:$0x3FB5] =	sst s8  }
0x11: {  	[smem:$0x3FB6] =	sst s9;
	s0 =	simm.s32 @!p0 $0x0  }
0x12: {  	s1 =	sld [smem:$0x3F9C];
	s0 =	simm.s32 @p0 $0x1  }
0x13: {  	[smem:$0x3FB7] =	sst s0;
	s0 =	simm.s32 @!p1 $0x0  }
0x14: {  	s2 =	sld [smem:$0x3F9B];
	s0 =	simm.s32 @p1 $0x1  }
0x15: {  	[smem:$0x3FB8] =	sst s0;
	s0 =	simm.s32 @!p2 $0x0  }
0x16: {  	s3 =	sld [smem:$0x3FDB];
	s0 =	simm.s32 @p2 $0x1  }
0x17: {  	s4 =	simm.s32 $0x1BF5;
	[smem:$0x3FBA] =	sst s0  }
0x18: {  	s0 =	sld [smem:$0x3F9D];
	_ =	swait.ge [sflag:s4], $0x0  }
0x19: {  	s7 =	sld [smem:$0x3F9E]  }
0x1a: {  	s8 =	sadd.s32 $0xFFFFE003, lr  }
0x1b: {  	s9 =	sadd.s32 $0xFFFFFEF7, lr;
	s5 =	simm.s32 $0xFFFFFFFF;
	p2 =	slt.u32 s8, $0xFFFFF086  }
0x1c: {  	p1 =	slt.u32 s9, $0xF7A;
	s5 =	simm.s32 @!p2 $0x0  }
0x1d: {  	s5 =	simm.s32 @p1 $0x1;
	p0 =	seq.s32 s7, s2  }
0x1e: {  	s7 =	smul.u32 @!p0 $0xF7A, s2;
	p2 =	seq.s32 @!p0 s5, $0x0  }
0x1f: {  	s9 =	smul.u32 $0xF7A, s1;
	s8 =	simm.s32 @!p0 $0x1BF5;
	p2 =	por !p2, p0  }
0x20: {  	[sflag:s8] =	ssyncset.s32 @!p0 $0xFFFFF086;
	s6 =	sadd.s32 @!p0 s3, s7;
	s7 =	simm.s32 @!p0 $0x108  }
0x21: {  	s3 =	sadd.s32 s3, s9;
	s6 =	sadd.s32 @!p0 $0x88, s6;
	s7 =	simm.s32 @p2 $0x1082  }
0x22: {  	[simem:s7], [sflag:s8] =	dma.local @!p0 [hbm:s6], $0xF7A  }
0x23: {  	s9 =	sor.u32 $0xD0000000, s2;
	s6 =	simm.s32 $0x108;
	_ =	swait.ge @!p0 [sflag:s8], $0x0  }
0x24: {  	s3 =	sadd.s32 $0x88, s3;
	s6 =	simm.s32 @!p1 $0x1082;
	[sflag:s4] =	ssyncset.s32 $0xFFFFF086  }
0x25: {  	[simem:s6], [sflag:s4] =	dma.local [hbm:s3], $0xF7A  }
0x26: {  	[smem:$0x3F9E] =	sst s1;
	(tag) =	ssettag s2;
	_ =	strace s9  }
0x27: {  	s1 =	sld [smem:$0x3FAE]  }
0x28: {  	s2 =	sld [smem:$0x3FAF]  }
0x29: {  	s4 =	sld [smem:$0x3FB1]  }
0x2a: {  	p0 =	seq.s32 s5, $0x0;
	s5 =	sld [smem:$0x3FB2]  }
0x2b: {  	s6 =	sld [smem:$0x3FB3]  }
0x2c: {  	s7 =	sld [smem:$0x3FB4]  }
0x2d: {  	s3 =	simm.s32 $0x108;
	s8 =	sld [smem:$0x3FB5]  }
0x2e: {  	s3 =	simm.s32 @!p0 $0x1082;
	s9 =	sld [smem:$0x3FB6]  }
0x2f: {  	lr =	sadd.s32 s0, s3;
	s0 =	sld [smem:$0x3FAD]  }
0x30: {  	s3 =	sld [smem:$0x3FB0]  }
0x31: {  	[smem:$0x3FB9] =	sst s10  }
0x32: {  	s10 =	sld [smem:$0x3FB7];
	_ =	sdelay $0x3  }
0x33: {  	p0 =	seq.s32 s10, $0x1;
	s10 =	sld [smem:$0x3FB9];
	_ =	sdelay $0x3  }
0x34: {  	[smem:$0x3FB9] =	sst s10  }
0x35: {  	s10 =	sld [smem:$0x3FB8];
	_ =	sdelay $0x3  }
0x36: {  	p1 =	seq.s32 s10, $0x1;
	s10 =	sld [smem:$0x3FB9];
	_ =	sdelay $0x3  }
0x37: {  	[smem:$0x3FB9] =	sst s10  }
0x38: {  	s10 =	sld [smem:$0x3FBA]  }
0x39: {  	_ = 	snop;
	(pc) =	sbr.ind lr, $3  }
0x3a: {  	_ = 	snop  }
0x3b: {  	_ = 	snop  }
0x3c: {  	p2 =	seq.s32 s10, $0x1;
	s10 =	sld [smem:$0x3FB9]  }
0x3d: {  	_ =	shalt  }
0x3e: {  	_ =	shalt  }
0x3f: {  	_ =	shalt  }
0x40: {  	_ =	shalt  }
0x41: {  	_ =	shalt  }
0x42: {  	_ =	shalt  }
0x43: {  	_ =	shalt  }
0x44: {  	_ =	shalt  }
0x45: {  	_ =	shalt  }
0x46: {  	_ =	shalt  }
0x47: {  	_ =	shalt  }
0x48: {  	_ =	shalt  }
0x49: {  	_ =	shalt  }
0x4a: {  	_ =	shalt  }
0x4b: {  	_ =	shalt  }
0x4c: {  	_ =	shalt  }
0x4d: {  	_ =	shalt  }
0x4e: {  	_ =	shalt  }
0x4f: {  	_ =	shalt  }
0x50: {  	_ =	shalt  }
0x51: {  	_ =	shalt  }
0x52: {  	_ =	shalt  }
0x53: {  	_ =	shalt  }
0x54: {  	_ =	shalt  }
0x55: {  	_ =	shalt  }
0x56: {  	_ =	shalt  }
0x57: {  	_ =	shalt  }
0x58: {  	_ =	shalt  }
0x59: {  	_ =	shalt  }
0x5a: {  	_ =	shalt  }
0x5b: {  	_ =	shalt  }
0x5c: {  	_ =	shalt  }
0x5d: {  	_ =	shalt  }
0x5e: {  	_ =	shalt  }
0x5f: {  	_ =	shalt  }
0x60: {  	_ =	shalt  }
0x61: {  	_ =	shalt  }
0x62: {  	_ =	shalt  }
0x63: {  	_ =	shalt  }
0x64: {  	_ =	shalt  }
0x65: {  	_ =	shalt  }
0x66: {  	_ =	shalt  }
0x67: {  	_ =	shalt  }
0x68: {  	_ =	shalt  }
0x69: {  	_ =	shalt  }
0x6a: {  	_ =	shalt  }
0x6b: {  	_ =	shalt  }
0x6c: {  	_ =	shalt  }
0x6d: {  	_ =	shalt  }
0x6e: {  	_ =	shalt  }
0x6f: {  	_ =	shalt  }
0x70: {  	_ =	shalt  }
0x71: {  	_ =	shalt  }
0x72: {  	_ =	shalt  }
0x73: {  	_ =	shalt  }
0x74: {  	_ =	shalt  }
0x75: {  	_ =	shalt  }
0x76: {  	_ =	shalt  }
0x77: {  	_ =	shalt  }
0x78: {  	_ =	shalt  }
0x79: {  	_ =	shalt  }
0x7a: {  	_ =	shalt  }
0x7b: {  	_ =	shalt  }
0x7c: {  	_ =	shalt  }
0x7d: {  	_ =	shalt  }
0x7e: {  	_ =	shalt  }
0x7f: {  	_ =	shalt  }
0x80: {  	_ =	shalt  }
0x81: {  	_ =	shalt  }
0x82: {  	_ =	shalt  }
0x83: {  	_ =	shalt  }
0x84: {  	_ =	shalt  }
0x85: {  	_ =	shalt  }
0x86: {  	_ =	shalt  }
0x87: {  	_ =	shalt  }
.Lfunc_end0:
.L_simem_size_0:
called_computation_lowered:
.L_overlay_start_0:
0x88: {  	s2 =	sld [smem:$0x3FD9]  }
0x89: {  	s3 =	sld [smem:$0x3FFE];
	_ =	sdelay $0x1  }
0x8a: {  	s1 =	srdreg.scid  }
0x8b: {  	s0 =	sand.u32 $0x1, s1  }
0x8c: {  	s14 =	sshll.u32 s0, $0xA;
	s2 =	sadd.s32 s3, s2  }
0x8d: {  	s2 =	sadd.s32 s2, s14  }
0x8e: {  	[smem:$0x3FC5] =	sst s2  }
0x8f: {  	_ = 	snop  }
0x90: {  	s2 =	sld [smem:$0x3FD0];
	_ =	sdelay $0x2  }
0x91: {  	s15 =	simm.s32 $0xA;
	s4 =	simm.s32 $0x10  }
0x92: {  	[smem:s4], [sflag:s15] =	dma.local [hbm:s2], $0x1  }
0x93: {  	_ =	swait.eq [sflag:s15], $0x1  }
0x94: {  	[sflag:s15] =	ssyncset.done $0x0  }
0x95: {  	s16 =	sld [smem:$0x10];
	[sflag:s15] =	ssyncadd.s32 $0xFFFFFFFF  }
0x96: {  	s17 =	sld [smem:$0x11];
	(tm) =	ssettm $0x1  }
0x97: {  	s18 =	sld [smem:$0x3FFB];
	_ =	sdelay $0x3  }
0x98: {  	_ =	strace s18  }
0x99: {  	s4 =	sld [smem:$0x3FFC];
	_ =	sdelay $0x3  }
0x9a: {  	_ =	strace s4  }
0x9b: {  	s4 =	sld [smem:$0x3FFD];
	_ =	sdelay $0x3  }
0x9c: {  	_ =	strace s4  }
0x9d: {  	_ =	strace $0x8FFFFFFF  }
0x9e: {  	s19 =	sld [smem:$0x3FDB];
	_ =	sdelay $0x1  }
0x9f: {  	s5 =	simm.s32 $_scs_section_size  }
0xa0: {  	s6 =	simm.s32 $_size__tile_overlayer_lowered;
	s7 =	simm.s32 $_tile_overlayer_lowered  }
0xa1: {  	s22 =	simm.s32 $0x1BFF;
	s21 =	sshll.u32 s7, $0x1;
	s4 =	sadd.s32 s5, s19  }
0xa2: {  	s8 =	simm.s32 $0x0;
	s20 =	sshll.u32 s6, $0x1;
	s6 =	sadd.s32 s21, s4  }
0xa3: {  	[timem:s8], [sflag:s22] =	dma.local [hbm:s6], s20  }
0xa4: {  	_ =	swait.ge [sflag:s22], s20  }
0xa5: {  	s5 =	ssub.s32 $0x0, s20;
	[sflag:s22] =	ssyncset.done $0x0  }
0xa6: {  	[sflag:s22] =	ssyncadd.s32 s5;
	_ =	sdelay $0x1  }
0xa7: {  	s23 =	simm.s32 $0x1B8B  }
0xa8: {  	_ =	swait.ge [sflag:s23], $0x1  }
0xa9: {  	[sflag:s23] =	ssyncset.done $0x0  }
0xaa: {  	s25 =	simm.s32 $0x1B8E;
	s24 =	sld [smem:$0x3FFE];
	[sflag:s23] =	ssyncadd.s32 $0xFFFFFFFF  }
0xab: {  	s26 =	simm.s32 $execute0_lowered;
	[smem:$0x3FD2] =	sst s25  }
0xac: {  	s6 =	sshll.u32 s26, $0x1;
	_ =	strace $0x80000046;
	[dreg:$0x1] =	wrdreg $0xFFFFFFFF  }
0xad: {  	s28 =	simm.s32 $_size_execute0_lowered;
	s4 =	sadd.s32 s4, s6;
	[dreg:$0x0] =	wrdreg $0x0  }
0xae: {  	s6 =	sshll.u32 s28, $0x1;
	[dreg:$0x2] =	wrdreg s4  }
0xaf: {  	[dreg:$0x3] =	wrdreg s6  }
0xb0: {  	[dreg:$0x4] =	wrdreg $0xC0  }
0xb1: {  	_ =	task [dreg:s8], $0x5FFFF  }
0xb2: {  	[dreg:$0x1] =	wrdreg $0xFFFFFFFF  }
0xb3: {  	[dreg:$0x0] =	wrdreg $0x60  }
0xb4: {  	[dreg:$0x2] =	wrdreg s17  }
0xb5: {  	[dreg:$0x3] =	wrdreg s16  }
0xb6: {  	[dreg:$0x4] =	wrdreg s24  }
0xb7: {  	[dreg:$0x5] =	wrdreg $0x9  }
0xb8: {  	_ =	task.clear_ibuf [dreg:s8], $0x6FFFF;
	_ =	strace $0x90000046  }
0xb9: {  	s29 =	simm.s32 $0x9;
	_ =	strace $0x80000048  }
0xba: {  	_ =	swait.ge [sflag:s29], $0x1  }
0xbb: {  	[sflag:s29] =	ssyncadd.s32 $0xFFFFFFFF  }
0xbc: {  	_ =	strace $0x90000048  }
0xbd: {  	_ =	sfence  }
0xbe: {  	s30 =	sld [smem:$0x0];
	_ =	sdelay $0x2  }
0xbf: {  	s31 =	sshll.u32 s1, $0xD;
	s1 =	sshrl.u32 s1, $0x2  }
0xc0: {  	s3 =	sand.u32 $0x4000, s31;
	s1 =	sadd.s32 s1, s30  }
0xc1: {  	s0 =	sor.u32 s3, s0;
	s1 =	sshll.u32 s1, $0x11  }
0xc2: {  	s0 =	sor.u32 s1, s0  }
0xc3: {  	s0 =	sadd.s32 $0x8F2B, s0  }
0xc4: {  	[sflag:s0] =	ssyncadd.remote.s32 $0x1  }
0xc5: {  	_ =	sfence.sel $0xFFFF  }
0xc6: {  	[dreg:$0x0] =	wrdreg $0xFFFFFFFF;
	(pc) =	sbr.abs _section_cstart, $3  }
0xc7: {  	[dreg:$0x1] =	wrdreg $0xFFFFFFFF  }
0xc8: {  	_ =	task.clear_ibuf [dreg:s8], $0x2FFFF;
	_ =	strace $0x9FFFFFFF  }
0xc9: {  	(tm) =	ssettm $0x7FFFFFFF  }
tec
execute0_lowered:
.L_overlay_start_1:
0x0: {  	(tag) =	ssettag $0x1  }
0x1: {  	s2 =	rddreg [dreg:$0x0]  }
0x2: {  	s1 =	srdreg.scid;
	s3 =	rddreg [dreg:$0x1]  }
0x3: {  	s0 =	stileid.u32;
	s5 =	rddreg [dreg:$0x2]  }
0x4: {  	s9 =	simm.s32 $0x1;
	s10 =	simm.s32 $0x3;
	s1 =	sshll.u32 s1, $0x8  }
0x5: {  	s13 =	simm.s32 $0x0;
	s4 =	sshll.u32 s0, $0x9;
	s6 =	sand.u32 $0x100, s1  }
0x6: {  	s12 =	simm.s32 $0x0;
	s5 =	sadd.s32 $0xE00, s5;
	s4 =	sor.u32 s4, s6  }
0x7: {  	s1 =	rddreg [dreg:$0x3];
	_ =	strace $0x80000047;
	s8 =	ssub.s32 $0x4000, s4  }
.Ltmp0:
0x8: {  	s6 =	simm.s32 $0x1;
	s7 =	sand.u32 $0x1F00, s8;
	(pc) =	sbr.rel .LBB2_1-.Ltmp0, $4  }
0x9: {  	[sflag:s6] =	ssyncpa.u1 $0x0;
	s11 =	smov.u32 s4;
	p0 =	sne.s32 s7, $0x0  }
0xa: {  	s8 =	sshrl.u32 s8, $0xD;
	s7 =	simm.s32 $0x2;
	s9 =	simm.s32 @!p0 $0x0  }
0xb: {  	[sflag:s7] =	ssyncpa.u1 $0x0;
	p0 =	por $0x0, $0x0;
	s8 =	sadd.s32 s9, s8  }
0xc: {  	vm0 =	vmmov $0xffff;
	[sflag:s10] =	ssyncpa.u1 $0x0;
	s10 =	simm.s32 $0x0;
	s9 =	sadd.s32 $0x1, s8  }
.LBB2_4:
0xd: {  	v2 =	vnsel vm1, $0x0, v2  }
0xe: {  	vm1 =	vgt.s32 v0, $0x0;
	v2 =	vmin.u32 v2, $0x3FFF  }
0xf: {  	v0 =	vnsel vm1, $0x0, v0  }
0x10: {  	v0 =	vmin.u32 v0, $0x3FFF  }
0x11: {  	[tilespmem:s15], [sflag:$0x1] =	stream.indirect_vreg.gather [hbm4b:s2+s10], $0x1, v1, vm0, $0x4038;
	[tilespmem:$0x400] =	vst v63  }
0x12: {  	(ifvalue) =	ssetifvalue $0x7FFFFFFF  }
0x13: {  	[tilespmem:s16], [sflag:$0x1] =	stream.indirect_vreg.gather [hbm4b:s2+s10], $0x1, v2, vm0, $0x4038;
	[tilespmem:$0x400] =	vst v63  }
0x14: {  	s29 =	sadd.s32 $0x10, s16;
	(ifvalue) =	ssetifvalue $0x7FFFFFFF  }
0x15: {  	[tilespmem:s29], [sflag:$0x1] =	stream.indirect_vreg.gather [hbm4b:s2+s10], $0x1, v0, vm0, $0x4038;
	[tilespmem:$0x400] =	vst v63  }
0x16: {  	_ =	swait.ge [sflag:s6], $0x100  }
0x17: {  	s30 =	sshrl.u32 s13, $0x3;
	[sflag:s6] =	ssyncset.done $0x0  }
0x18: {  	s31 =	sand.u32 $0x7, s13;
	s15 =	sadd.s32 s5, s30;
	[sflag:s6] =	ssyncadd.s32 $0xFFFFFF00  }
0x19: {  	[hbm4b:s15+s31] =	stream.linear.scatter [tilespmem:s14], [sflag:$0x3], $0x100, $0x38;
	[tilespmem:$0x400] =	vst v63  }
.LBB2_5:
0x1a: {  	s15 =	sadd.s32 $0x2000, s11  }
0x1b: {  	p2 =	sgt.s32 s15, $0x3FFF  }
0x1c: {  	s15 =	smov.u32 @p2 s4;
	p2 =	sne.s32 s12, s9  }
.Ltmp1:
0x1d: {  	p1 =	slt.u32 s12, $0x2;
	(pc) =	sbr.rel @!p2 .LBB2_6-.Ltmp1, $4  }
0x1e: {  	s14 =	simm.s32 @!p1 $0x3  }
0x1f: {  	s16 =	sadd.s32 $0x1, s12;
	_ =	swait.ge @!p1 [sflag:s14], $0x100  }
0x20: {  	s13 =	smov.u32 s11;
	p0 =	por !p0, !p0;
	[sflag:s14] =	ssyncset.done @!p1 $0x0  }
0x21: {  	s12 =	smov.u32 s16;
	s11 =	smov.u32 s15;
	[sflag:s14] =	ssyncadd.s32 @!p1 $0xFFFFFF00  }
.LBB2_1:
0x22: {  	p1 =	sge.u32 s12, s8  }
0x23: {  	s14 =	sxor.u32 @!p1 $0xFFFFFFFF, s12  }
0x24: {  	s31 =	sadd.s32 $0xFFFFFFFF, s12;
	s15 =	sshrl.u32 @!p1 s11, $0x3;
	s14 =	sshll.u32 @!p1 s14, $0x8  }
0x25: {  	s16 =	sand.u32 @!p1 $0x7, s11;
	s15 =	sadd.s32 @!p1 s3, s15;
	s14 =	sand.u32 @!p1 $0x100, s14  }
0x26: {  	[tilespmem:s14], [sflag:$0x2] =	stream.linear.gather @!p1 [hbm4b:s15+s16], $0x100, $0x38;
	[tilespmem:$0x400] =	vst v63  }
0x27: {  	p1 =	sge.u32 s31, s8  }
.Ltmp2:
0x28: {  	_ = 	snop;
	(pc) =	sbr.rel @p1 .LBB2_5-.Ltmp2, $1  }
0x29: {  	_ =	sdelay $0x3  }
0x2a: {  	s14 =	simm.s32 $0x1  }
0x2b: {  	_ =	swait.ge [sflag:s7], $0x100;
	s14 =	simm.s32 @!p0 $0x0  }
0x2c: {  	[sflag:s7] =	ssyncset.done $0x0;
	s14 =	sshll.u32 s14, $0x8  }
0x2d: {  	[sflag:s7] =	ssyncadd.s32 $0xFFFFFF00;
	(ifvalue) =	ssetifvalue $0x7FFFFFFF;
	v0 =	vld.msk [tilespmem:s14+$0x0 ss:$0x1], $0xffff;
	_ =	sdelay $0x4  }
0x2e: {  	s15 =	sadd.s32 $0x10, s14;
	vm1 =	vgt.s32 v0, $0x0  }
0x2f: {  	v2 =	vld.msk [tilespmem:s15+$0x0 ss:$0x1], $0xffff;
	v1 =	vnsel vm1, $0x0, v0  }
0x30: {  	v1 =	vmin.u32 v1, $0x3FFF;
	_ =	sdelay $0x1  }
0x31: {  	s16 =	sshll.u32 s12, $0x8;
	s18 =	simm.s32 $0x20  }
0x32: {  	s16 =	sand.u32 $0x100, s16;
	s17 =	sadd.s32 $0x10, s15;
	s15 =	sor.u32 $0x200, s14  }
0x33: {  	s14 =	sor.u32 $0x200, s16;
	s16 =	sadd.s32 $0x10, s15;
	v0 =	vld.msk [tilespmem:s17+$0x0 ss:$0x1], $0xffff;
	vm1 =	vgt.s32 v2, $0x0;
	(ifvalue) =	ssetifvalue $0x7FFFFFFF  }
.LBB2_3:
0x34: {  	[tilespmem:s15], [sflag:$0x1] =	stream.indirect_vreg.gather [hbm4b:s2+s10], $0x1, v1, vm0, $0x4038;
	[tilespmem:$0x400] =	vst v63  }
0x35: {  	s18 =	sadd.s32 $0x10, s18  }
0x36: {  	v2 =	vnsel vm1, $0x0, v2;
	p1 =	slt.u32 s18, $0xF0  }
.Ltmp3:
0x37: {  	s15 =	smov.u32 s16;
	v1 =	vmin.u32 v2, $0x3FFF;
	(pc) =	sbr.rel @p1 .LBB2_3-.Ltmp3, $3  }
0x38: {  	_ =	sdelay $0x1  }
0x39: {  	s17 =	sadd.s32 $0x10, s17  }
0x3a: {  	vm1 =	vgt.s32 v0, $0x0;
	s16 =	sadd.s32 $0x10, s16;
	v2 =	vmov v0;
	(ifvalue) =	ssetifvalue $0x7FFFFFFF;
	v0 =	vld.msk [tilespmem:s17+$0x0 ss:$0x1], $0xffff  }
.Ltmp4:
0x3b: {  	_ = 	snop;
	(pc) =	sbr.rel .LBB2_4-.Ltmp4, $1  }
0x3c: {  	_ =	sdelay $0x3  }
.LBB2_6:
0x3d: {  	_ =	sfence.sel $0x180000  }
0x3e: {  	s2 =	simm.s32 $0x2;
	[bflag:$0x0] =	sbarrier.arrive $0xFFFF  }
0x3f: {  	s30 =	simm.s32 $0x3;
	[sflag:s2] =	ssyncpa.u1 $0x1  }
0x40: {  	s31 =	simm.s32 $0x1;
	[sflag:s30] =	ssyncpa.u1 $0x1  }
0x41: {  	[sflag:s31] =	ssyncpa.u1 $0x1  }
0x42: {  	p0 =	sne.s32 s0, $0x0;
	_ =	strace $0x90000047  }
0x43: {  	s0 =	sadd.s32 @!p0 $0x100000, s1;
	[bflag:$0x2] =	sbarrier.arrive $0xFFFF  }
0x44: {  	[sflag:s0] =	ssyncadd.tile.s32 @!p0 $0x1;
	_ =	shalt  }
.Lfunc_end2:
_tile_overlayer_lowered:
.L_overlay_start_2:
0x45: {  	(tag) =	ssettag $0x2  }
0x46: {  	s0 =	rddreg [dreg:$0x0];
	s2 =	stileid.u32  }
0x47: {  	s1 =	rddreg [dreg:$0x1];
	p0 =	sne.s32 s2, $0x0  }
0x48: {  	s3 =	rddreg [dreg:$0x2];
	[bflag:$0x3] =	sbarrier.arrive $0xFFFF;
	s2 =	simm.s32 @!p0 $0x1C01  }
0x49: {  	[timem:s3], [sflag:s2] =	dma.local @!p0 [hbm:s0], s1  }
0x4a: {  	s0 =	simm.s32 @!p0 $0x1  }
0x4b: {  	_ =	swait.ge @!p0 [sflag:s0], s1  }
0x4c: {  	s1 =	ssub.s32 @!p0 $0x0, s1;
	[sflag:s0] =	ssyncset.done @!p0 $0x0  }
0x4d: {  	[sflag:s0] =	ssyncadd.s32 @!p0 s1  }
0x4e: {  	[bflag:$0x3] =	sbarrier.arrive $0xFFFF  }
0x4f: {  	_ =	shalt  }

// kernel: kernel.3.cloned.1.call-start
scs
__scs_entry_jumppad:
0x0: {  	(pc) =	sbr.rel $0x88, $3  }
0x1: {  	(tag) =	ssettag $0x0;
	lr =	simm.s32 $0x1  }
0x2: {  	[smem:$0x3F9E] =	sst lr;
	_ =	strace $0xD0000000  }
0x3: {  	_ = 	snop  }
0x4: {  	_ = 	snop  }
0x5: {  	_ = 	snop  }
0x6: {  	_ = 	snop  }
0x7: {  	_ = 	snop  }
__scs_overlays_trampoline_lowered:
0x8: {  	[smem:$0x3FAD] =	sst s0  }
0x9: {  	[smem:$0x3FAE] =	sst s1  }
0xa: {  	[smem:$0x3FAF] =	sst s2  }
0xb: {  	[smem:$0x3FB0] =	sst s3  }
0xc: {  	[smem:$0x3FB1] =	sst s4  }
0xd: {  	[smem:$0x3FB2] =	sst s5  }
0xe: {  	[smem:$0x3FB3] =	sst s6  }
0xf: {  	[smem:$0x3FB4] =	sst s7  }
0x10: {  	[smem:$0x3FB5] =	sst s8  }
0x11: {  	[smem:$0x3FB6] =	sst s9;
	s0 =	simm.s32 @!p0 $0x0  }
0x12: {  	s1 =	sld [smem:$0x3F9C];
	s0 =	simm.s32 @p0 $0x1  }
0x13: {  	[smem:$0x3FB7] =	sst s0;
	s0 =	simm.s32 @!p1 $0x0  }
0x14: {  	s2 =	sld [smem:$0x3F9B];
	s0 =	simm.s32 @p1 $0x1  }
0x15: {  	[smem:$0x3FB8] =	sst s0;
	s0 =	simm.s32 @!p2 $0x0  }
0x16: {  	s3 =	sld [smem:$0x3FDB];
	s0 =	simm.s32 @p2 $0x1  }
0x17: {  	s4 =	simm.s32 $0x1BF5;
	[smem:$0x3FBA] =	sst s0  }
0x18: {  	s0 =	sld [smem:$0x3F9D];
	_ =	swait.ge [sflag:s4], $0x0  }
0x19: {  	s7 =	sld [smem:$0x3F9E]  }
0x1a: {  	s8 =	sadd.s32 $0xFFFFE003, lr  }
0x1b: {  	s9 =	sadd.s32 $0xFFFFFEF7, lr;
	s5 =	simm.s32 $0xFFFFFFFF;
	p2 =	slt.u32 s8, $0xFFFFF086  }
0x1c: {  	p1 =	slt.u32 s9, $0xF7A;
	s5 =	simm.s32 @!p2 $0x0  }
0x1d: {  	s5 =	simm.s32 @p1 $0x1;
	p0 =	seq.s32 s7, s2  }
0x1e: {  	s7 =	smul.u32 @!p0 $0xF7A, s2;
	p2 =	seq.s32 @!p0 s5, $0x0  }
0x1f: {  	s9 =	smul.u32 $0xF7A, s1;
	s8 =	simm.s32 @!p0 $0x1BF5;
	p2 =	por !p2, p0  }
0x20: {  	[sflag:s8] =	ssyncset.s32 @!p0 $0xFFFFF086;
	s6 =	sadd.s32 @!p0 s3, s7;
	s7 =	simm.s32 @!p0 $0x108  }
0x21: {  	s3 =	sadd.s32 s3, s9;
	s6 =	sadd.s32 @!p0 $0x88, s6;
	s7 =	simm.s32 @p2 $0x1082  }
0x22: {  	[simem:s7], [sflag:s8] =	dma.local @!p0 [hbm:s6], $0xF7A  }
0x23: {  	s9 =	sor.u32 $0xD0000000, s2;
	s6 =	simm.s32 $0x108;
	_ =	swait.ge @!p0 [sflag:s8], $0x0  }
0x24: {  	s3 =	sadd.s32 $0x88, s3;
	s6 =	simm.s32 @!p1 $0x1082;
	[sflag:s4] =	ssyncset.s32 $0xFFFFF086  }
0x25: {  	[simem:s6], [sflag:s4] =	dma.local [hbm:s3], $0xF7A  }
0x26: {  	[smem:$0x3F9E] =	sst s1;
	(tag) =	ssettag s2;
	_ =	strace s9  }
0x27: {  	s1 =	sld [smem:$0x3FAE]  }
0x28: {  	s2 =	sld [smem:$0x3FAF]  }
0x29: {  	s4 =	sld [smem:$0x3FB1]  }
0x2a: {  	p0 =	seq.s32 s5, $0x0;
	s5 =	sld [smem:$0x3FB2]  }
0x2b: {  	s6 =	sld [smem:$0x3FB3]  }
0x2c: {  	s7 =	sld [smem:$0x3FB4]  }
0x2d: {  	s3 =	simm.s32 $0x108;
	s8 =	sld [smem:$0x3FB5]  }
0x2e: {  	s3 =	simm.s32 @!p0 $0x1082;
	s9 =	sld [smem:$0x3FB6]  }
0x2f: {  	lr =	sadd.s32 s0, s3;
	s0 =	sld [smem:$0x3FAD]  }
0x30: {  	s3 =	sld [smem:$0x3FB0]  }
0x31: {  	[smem:$0x3FB9] =	sst s10  }
0x32: {  	s10 =	sld [smem:$0x3FB7];
	_ =	sdelay $0x3  }
0x33: {  	p0 =	seq.s32 s10, $0x1;
	s10 =	sld [smem:$0x3FB9];
	_ =	sdelay $0x3  }
0x34: {  	[smem:$0x3FB9] =	sst s10  }
0x35: {  	s10 =	sld [smem:$0x3FB8];
	_ =	sdelay $0x3  }
0x36: {  	p1 =	seq.s32 s10, $0x1;
	s10 =	sld [smem:$0x3FB9];
	_ =	sdelay $0x3  }
0x37: {  	[smem:$0x3FB9] =	sst s10  }
0x38: {  	s10 =	sld [smem:$0x3FBA]  }
0x39: {  	_ = 	snop;
	(pc) =	sbr.ind lr, $3  }
0x3a: {  	_ = 	snop  }
0x3b: {  	_ = 	snop  }
0x3c: {  	p2 =	seq.s32 s10, $0x1;
	s10 =	sld [smem:$0x3FB9]  }
0x3d: {  	_ =	shalt  }
0x3e: {  	_ =	shalt  }
0x3f: {  	_ =	shalt  }
0x40: {  	_ =	shalt  }
0x41: {  	_ =	shalt  }
0x42: {  	_ =	shalt  }
0x43: {  	_ =	shalt  }
0x44: {  	_ =	shalt  }
0x45: {  	_ =	shalt  }
0x46: {  	_ =	shalt  }
0x47: {  	_ =	shalt  }
0x48: {  	_ =	shalt  }
0x49: {  	_ =	shalt  }
0x4a: {  	_ =	shalt  }
0x4b: {  	_ =	shalt  }
0x4c: {  	_ =	shalt  }
0x4d: {  	_ =	shalt  }
0x4e: {  	_ =	shalt  }
0x4f: {  	_ =	shalt  }
0x50: {  	_ =	shalt  }
0x51: {  	_ =	shalt  }
0x52: {  	_ =	shalt  }
0x53: {  	_ =	shalt  }
0x54: {  	_ =	shalt  }
0x55: {  	_ =	shalt  }
0x56: {  	_ =	shalt  }
0x57: {  	_ =	shalt  }
0x58: {  	_ =	shalt  }
0x59: {  	_ =	shalt  }
0x5a: {  	_ =	shalt  }
0x5b: {  	_ =	shalt  }
0x5c: {  	_ =	shalt  }
0x5d: {  	_ =	shalt  }
0x5e: {  	_ =	shalt  }
0x5f: {  	_ =	shalt  }
0x60: {  	_ =	shalt  }
0x61: {  	_ =	shalt  }
0x62: {  	_ =	shalt  }
0x63: {  	_ =	shalt  }
0x64: {  	_ =	shalt  }
0x65: {  	_ =	shalt  }
0x66: {  	_ =	shalt  }
0x67: {  	_ =	shalt  }
0x68: {  	_ =	shalt  }
0x69: {  	_ =	shalt  }
0x6a: {  	_ =	shalt  }
0x6b: {  	_ =	shalt  }
0x6c: {  	_ =	shalt  }
0x6d: {  	_ =	shalt  }
0x6e: {  	_ =	shalt  }
0x6f: {  	_ =	shalt  }
0x70: {  	_ =	shalt  }
0x71: {  	_ =	shalt  }
0x72: {  	_ =	shalt  }
0x73: {  	_ =	shalt  }
0x74: {  	_ =	shalt  }
0x75: {  	_ =	shalt  }
0x76: {  	_ =	shalt  }
0x77: {  	_ =	shalt  }
0x78: {  	_ =	shalt  }
0x79: {  	_ =	shalt  }
0x7a: {  	_ =	shalt  }
0x7b: {  	_ =	shalt  }
0x7c: {  	_ =	shalt  }
0x7d: {  	_ =	shalt  }
0x7e: {  	_ =	shalt  }
0x7f: {  	_ =	shalt  }
0x80: {  	_ =	shalt  }
0x81: {  	_ =	shalt  }
0x82: {  	_ =	shalt  }
0x83: {  	_ =	shalt  }
0x84: {  	_ =	shalt  }
0x85: {  	_ =	shalt  }
0x86: {  	_ =	shalt  }
0x87: {  	_ =	shalt  }
.Lfunc_end0:
.L_simem_size_0:
called_computation.1_lowered:
.L_overlay_start_0:
0x88: {  	s2 =	sld [smem:$0x3FD9]  }
0x89: {  	s3 =	sld [smem:$0x3FFE];
	_ =	sdelay $0x1  }
0x8a: {  	s1 =	srdreg.scid  }
0x8b: {  	s0 =	sand.u32 $0x1, s1  }
0x8c: {  	s14 =	sshll.u32 s0, $0xA;
	s2 =	sadd.s32 s3, s2  }
0x8d: {  	s2 =	sadd.s32 s2, s14  }
0x8e: {  	[smem:$0x3FC5] =	sst s2  }
0x8f: {  	_ = 	snop  }
0x90: {  	s2 =	sld [smem:$0x3FD0];
	_ =	sdelay $0x1  }
0x91: {  	s15 =	sld [smem:$0x3FC9]  }
0x92: {  	s5 =	simm.s32 $0xA;
	s6 =	simm.s32 $0x10;
	s4 =	sld [smem:$0x3FC8]  }
0x93: {  	[smem:s6], [sflag:s5] =	dma.local [hbm:s2], $0x1  }
0x94: {  	_ =	swait.eq [sflag:s5], $0x1  }
0x95: {  	[sflag:s5] =	ssyncset.done $0x0  }
0x96: {  	[sflag:s5] =	ssyncadd.s32 $0xFFFFFFFF  }
0x97: {  	s16 =	sld [smem:$0x11];
	(tm) =	ssettm $0x1  }
0x98: {  	s17 =	sld [smem:$0x3FFB];
	_ =	sdelay $0x3  }
0x99: {  	_ =	strace s17  }
0x9a: {  	s5 =	sld [smem:$0x3FFC];
	_ =	sdelay $0x3  }
0x9b: {  	_ =	strace s5  }
0x9c: {  	s5 =	sld [smem:$0x3FFD];
	_ =	sdelay $0x3  }
0x9d: {  	_ =	strace s5  }
0x9e: {  	_ =	strace $0x8FFFFFFF  }
0x9f: {  	s18 =	sld [smem:$0x3FDB];
	_ =	sdelay $0x1  }
0xa0: {  	s19 =	simm.s32 $_scs_section_size  }
0xa1: {  	s7 =	simm.s32 $_size__tile_overlayer_lowered;
	s8 =	simm.s32 $_tile_overlayer_lowered  }
0xa2: {  	s22 =	simm.s32 $0x1BFF;
	s21 =	sshll.u32 s8, $0x1;
	s5 =	sadd.s32 s19, s18  }
0xa3: {  	s9 =	simm.s32 $0x0;
	s20 =	sshll.u32 s7, $0x1;
	s7 =	sadd.s32 s21, s5  }
0xa4: {  	[timem:s9], [sflag:s22] =	dma.local [hbm:s7], s20  }
0xa5: {  	_ =	swait.ge [sflag:s22], s20  }
0xa6: {  	s6 =	ssub.s32 $0x0, s20;
	[sflag:s22] =	ssyncset.done $0x0  }
0xa7: {  	[sflag:s22] =	ssyncadd.s32 s6;
	_ =	sdelay $0x1  }
0xa8: {  	s23 =	simm.s32 $0x1B8B  }
0xa9: {  	_ =	swait.ge [sflag:s23], $0x1  }
0xaa: {  	[sflag:s23] =	ssyncset.done $0x0  }
0xab: {  	s25 =	simm.s32 $0x1B8E;
	s24 =	sld [smem:$0x3FFE];
	[sflag:s23] =	ssyncadd.s32 $0xFFFFFFFF  }
0xac: {  	s26 =	simm.s32 $execute0_lowered;
	[smem:$0x3FD2] =	sst s25  }
0xad: {  	s7 =	sshll.u32 s26, $0x1;
	_ =	strace $0x80000049;
	[dreg:$0x1] =	wrdreg $0xFFFFFFFF  }
0xae: {  	s28 =	simm.s32 $_size_execute0_lowered;
	s5 =	sadd.s32 s5, s7;
	[dreg:$0x0] =	wrdreg $0x0  }
0xaf: {  	s7 =	sshll.u32 s28, $0x1;
	[dreg:$0x2] =	wrdreg s5  }
0xb0: {  	[dreg:$0x3] =	wrdreg s7  }
0xb1: {  	[dreg:$0x4] =	wrdreg $0xC0  }
0xb2: {  	_ =	task [dreg:s9], $0x5FFFF  }
0xb3: {  	[dreg:$0x1] =	wrdreg $0xFFFFFFFF  }
0xb4: {  	[dreg:$0x0] =	wrdreg $0x60  }
0xb5: {  	[dreg:$0x2] =	wrdreg s15  }
0xb6: {  	[dreg:$0x3] =	wrdreg s4  }
0xb7: {  	[dreg:$0x4] =	wrdreg s24  }
0xb8: {  	[dreg:$0x5] =	wrdreg s16  }
0xb9: {  	[dreg:$0x6] =	wrdreg $0x9  }
0xba: {  	_ =	task.clear_ibuf [dreg:s9], $0x7FFFF;
	_ =	strace $0x90000049  }
0xbb: {  	s29 =	simm.s32 $0x9;
	_ =	strace $0x8000004B  }
0xbc: {  	_ =	swait.ge [sflag:s29], $0x1  }
0xbd: {  	[sflag:s29] =	ssyncadd.s32 $0xFFFFFFFF  }
0xbe: {  	_ =	strace $0x9000004B  }
0xbf: {  	_ =	sfence  }
0xc0: {  	s30 =	sld [smem:$0x0];
	_ =	sdelay $0x2  }
0xc1: {  	s31 =	sshll.u32 s1, $0xD;
	s1 =	sshrl.u32 s1, $0x2  }
0xc2: {  	s3 =	sand.u32 $0x4000, s31;
	s1 =	sadd.s32 s1, s30  }
0xc3: {  	s0 =	sor.u32 s3, s0;
	s1 =	sshll.u32 s1, $0x11  }
0xc4: {  	s0 =	sor.u32 s1, s0  }
0xc5: {  	s0 =	sadd.s32 $0x8F2B, s0  }
0xc6: {  	[sflag:s0] =	ssyncadd.remote.s32 $0x1  }
0xc7: {  	_ =	sfence.sel $0xFFFF  }
0xc8: {  	[dreg:$0x0] =	wrdreg $0xFFFFFFFF;
	(pc) =	sbr.abs _section_cstart, $3  }
0xc9: {  	[dreg:$0x1] =	wrdreg $0xFFFFFFFF  }
0xca: {  	_ =	task.clear_ibuf [dreg:s9], $0x2FFFF;
	_ =	strace $0x9FFFFFFF  }
0xcb: {  	(tm) =	ssettm $0x7FFFFFFF  }
tec
execute0_lowered:
.L_overlay_start_1:
0x0: {  	(tag) =	ssettag $0x1  }
0x1: {  	s0 =	srdreg.scid;
	s1 =	stileid.u32;
	v0 =	vlaneseq.u32  }
0x2: {  	s3 =	rddreg [dreg:$0x1];
	s0 =	sand.u32 $0x1, s0;
	s1 =	sshll.u32 s1, $0x1;
	v1 =	vmul.u32 $0x80, v0  }
0x3: {  	s4 =	rddreg [dreg:$0x2];
	s6 =	simm.s32 $0x0;
	s1 =	sor.u32 s0, s1  }
0x4: {  	[smem:$0x7FF] =	sst s6;
	s2 =	sor.u32 $0x10000, s1;
	v2 =	vor.u32 $0x34, v1  }
0x5: {  	v7 =	vor.u32 $0x1, v1;
	v6 =	vmov s2;
	s2 =	rddreg [dreg:$0x0];
	_ =	strace $0x8000004A;
	[tilespmem:$0x1FC50] =	vst v2  }
0x6: {  	v8 =	vor.u32 $0x2, v1;
	[tilespmem:$0x1FC70] =	vst v7  }
0x7: {  	v9 =	vor.u32 $0x3, v1;
	[tilespmem:$0x1FC80] =	vst v8  }
0x8: {  	v10 =	vor.u32 $0x4, v1;
	[tilespmem:$0x1FC90] =	vst v9  }
0x9: {  	v11 =	vor.u32 $0x5, v1;
	[tilespmem:$0x1FCA0] =	vst v10  }
0xa: {  	v12 =	vor.u32 $0x6, v1;
	[tilespmem:$0x1FCB0] =	vst v11  }
0xb: {  	v13 =	vor.u32 $0x7, v1;
	[tilespmem:$0x1FCC0] =	vst v12  }
0xc: {  	v14 =	vor.u32 $0x8, v1;
	[tilespmem:$0x1FCD0] =	vst v13  }
0xd: {  	v15 =	vor.u32 $0x9, v1;
	[tilespmem:$0x1FCE0] =	vst v14  }
0xe: {  	v16 =	vor.u32 $0xA, v1;
	[tilespmem:$0x1FCF0] =	vst v15  }
0xf: {  	v17 =	vor.u32 $0xB, v1;
	[tilespmem:$0x1FD00] =	vst v16  }
0x10: {  	v18 =	vor.u32 $0xC, v1;
	[tilespmem:$0x1FD10] =	vst v17  }
0x11: {  	v19 =	vor.u32 $0xD, v1;
	[tilespmem:$0x1FD20] =	vst v18  }
0x12: {  	v20 =	vor.u32 $0xE, v1;
	[tilespmem:$0x1FD30] =	vst v19  }
0x13: {  	v21 =	vor.u32 $0xF, v1;
	[tilespmem:$0x1FD40] =	vst v20  }
0x14: {  	v22 =	vor.u32 $0x10, v1;
	[tilespmem:$0x1FD50] =	vst v21  }
0x15: {  	v23 =	vor.u32 $0x11, v1;
	[tilespmem:$0x1FD60] =	vst v22  }
0x16: {  	v24 =	vor.u32 $0x12, v1;
	[tilespmem:$0x1FD70] =	vst v23  }
0x17: {  	v25 =	vor.u32 $0x13, v1;
	[tilespmem:$0x1FD80] =	vst v24  }
0x18: {  	v26 =	vor.u32 $0x14, v1;
	[tilespmem:$0x1FD90] =	vst v25  }
0x19: {  	v27 =	vor.u32 $0x15, v1;
	[tilespmem:$0x1FDA0] =	vst v26  }
0x1a: {  	v28 =	vor.u32 $0x16, v1;
	[tilespmem:$0x1FDB0] =	vst v27  }
0x1b: {  	v29 =	vor.u32 $0x19, v1;
	[tilespmem:$0x1FDC0] =	vst v28  }
0x1c: {  	v30 =	vor.u32 $0x1B, v1;
	[tilespmem:$0x1FDD0] =	vst v29  }
0x1d: {  	v31 =	vor.u32 $0x17, v1;
	[tilespmem:$0x1FDE0] =	vst v30  }
0x1e: {  	v32 =	vor.u32 $0x1A, v1;
	[tilespmem:$0x1FDF0] =	vst v31  }
0x1f: {  	v33 =	vor.u32 $0x1C, v1;
	[tilespmem:$0x1FE00] =	vst v32  }
0x20: {  	v34 =	vor.u32 $0x1D, v1;
	[tilespmem:$0x1FE10] =	vst v33  }
0x21: {  	v35 =	vor.u32 $0x1F, v1;
	[tilespmem:$0x1FE20] =	vst v34  }
0x22: {  	v36 =	vor.u32 $0x18, v1;
	[tilespmem:$0x1FE30] =	vst v35  }
0x23: {  	v37 =	vor.u32 $0x1E, v1;
	[tilespmem:$0x1FE40] =	vst v36  }
0x24: {  	v38 =	vor.u32 $0x21, v1;
	[tilespmem:$0x1FE50] =	vst v37  }
0x25: {  	v39 =	vor.u32 $0x20, v1;
	[tilespmem:$0x1FE60] =	vst v38  }
0x26: {  	v40 =	vor.u32 $0x22, v1;
	[tilespmem:$0x1FE70] =	vst v39  }
0x27: {  	v41 =	vor.u32 $0x23, v1;
	[tilespmem:$0x1FE80] =	vst v40  }
0x28: {  	v42 =	vor.u32 $0x25, v1;
	[tilespmem:$0x1FE90] =	vst v41  }
0x29: {  	v43 =	vor.u32 $0x24, v1;
	[tilespmem:$0x1FEA0] =	vst v42  }
0x2a: {  	v44 =	vor.u32 $0x27, v1;
	[tilespmem:$0x1FEB0] =	vst v43  }
0x2b: {  	v45 =	vor.u32 $0x26, v1;
	[tilespmem:$0x1FEC0] =	vst v44  }
0x2c: {  	v46 =	vor.u32 $0x28, v1;
	[tilespmem:$0x1FED0] =	vst v45  }
0x2d: {  	v47 =	vor.u32 $0x29, v1;
	[tilespmem:$0x1FEE0] =	vst v46  }
0x2e: {  	v48 =	vor.u32 $0x2B, v1;
	[tilespmem:$0x1FEF0] =	vst v47  }
0x2f: {  	v49 =	vor.u32 $0x2A, v1;
	[tilespmem:$0x1FF00] =	vst v48  }
0x30: {  	v50 =	vor.u32 $0x2D, v1;
	[tilespmem:$0x1FF10] =	vst v49  }
0x31: {  	v51 =	vor.u32 $0x2C, v1;
	[tilespmem:$0x1FF20] =	vst v50  }
0x32: {  	v52 =	vor.u32 $0x2E, v1;
	[tilespmem:$0x1FF30] =	vst v51  }
0x33: {  	v53 =	vor.u32 $0x2F, v1;
	[tilespmem:$0x1FF40] =	vst v52  }
0x34: {  	v54 =	vor.u32 $0x31, v1;
	[tilespmem:$0x1FF50] =	vst v53  }
0x35: {  	v55 =	vor.u32 $0x30, v1;
	[tilespmem:$0x1FF60] =	vst v54  }
0x36: {  	v56 =	vor.u32 $0x35, v1;
	[tilespmem:$0x1FF70] =	vst v55  }
0x37: {  	v57 =	vor.u32 $0x36, v1;
	[tilespmem:$0x1FF80] =	vst v56  }
0x38: {  	v58 =	vor.u32 $0x37, v1;
	[tilespmem:$0x1FF90] =	vst v57  }
0x39: {  	v59 =	vor.u32 $0x38, v1;
	[tilespmem:$0x1FFA0] =	vst v58  }
0x3a: {  	s12 =	simm.s32 $0x3;
	s15 =	simm.s32 $0x1000;
	s16 =	simm.s32 $0xC3800;
	v60 =	vor.u32 $0x39, v1;
	[tilespmem:$0x1FFB0] =	vst v59  }
.Ltmp0:
0x3b: {  	s17 =	simm.s32 $0x8100;
	s18 =	simm.s32 $0x1;
	v61 =	vor.u32 $0x3A, v1;
	[tilespmem:$0x1FFC0] =	vst v60;
	(pc) =	sbr.rel .LBB2_1-.Ltmp0, $4  }
0x3c: {  	s19 =	simm.s32 $0x10;
	s20 =	simm.s32 $0x2;
	s0 =	ssub.s32 $0x2, s0;
	v63 =	vor.u32 $0x33, v1;
	[tilespmem:$0x1FFD0] =	vst v61  }
0x3d: {  	s21 =	simm.s32 $0x0;
	s5 =	sadd.s32 $0xE00, s4;
	s31 =	sshrl.u32 s0, $0x1;
	v0 =	vor.u32 $0x32, v1;
	[tilespmem:$0x1FFE0] =	vst v63  }
0x3e: {  	s8 =	sadd.s32 $0x600, s4;
	s9 =	sadd.s32 $0x1600, s4;
	s0 =	ssub.s32 s0, s31;
	[tilespmem:$0x1FFF0] =	vst v0  }
0x3f: {  	s10 =	sadd.s32 $0x101800, s4;
	[dreg:$0x5] =	wrdreg s5;
	s11 =	smax.u32 s0, $0x1;
	[tilespmem:$0x1FC60] =	vst v6  }
.LBB2_20:
0x40: {  	s21 =	sadd.s32 $0x1, s21  }
0x41: {  	p0 =	sne.s32 s21, s11  }
.Ltmp1:
0x42: {  	_ = 	snop;
	(pc) =	sbr.rel @!p0 .LBB2_21-.Ltmp1, $1  }
0x43: {  	_ =	sdelay $0x3  }
.LBB2_1:
0x44: {  	s0 =	rddreg [dreg:$0x5]  }
0x45: {  	[tilespmem:s6], [sflag:$0x3] =	stream.linear.gather [hbm4b:s0+s6], $0x4000, $0x38;
	[tilespmem:$0x14500] =	vst v63  }
0x46: {  	_ =	swait.ge [sflag:s12], $0x4000  }
0x47: {  	[sflag:s12] =	ssyncset.done $0x0  }
0x48: {  	s30 =	simm.s32 $0x4000;
	[sflag:s12] =	ssyncadd.s32 $0xFFFFC000  }
0x49: {  	[tilespmem:s30], [sflag:$0x3] =	stream.linear.gather [hbm4b:s8+s6], $0x4000, $0x38;
	[tilespmem:$0x14500] =	vst v63  }
0x4a: {  	_ =	swait.ge [sflag:s12], $0x4000  }
0x4b: {  	[sflag:s12] =	ssyncset.done $0x0  }
0x4c: {  	[sflag:s12] =	ssyncadd.s32 $0xFFFFC000  }
.Ltmp2:
0x4d: {  	s4 =	simm.s32 $0x8000;
	s31 =	rddreg [dreg:$0x3];
	(pc) =	sbr.rel .LBB2_2-.Ltmp2, $4  }
0x4e: {  	[tilespmem:s4], [sflag:$0x3] =	stream.linear.gather [hbm4b:s31+s6], $0x100, $0x38;
	[tilespmem:$0x14500] =	vst v63  }
0x4f: {  	_ =	swait.ge [sflag:s12], $0x100  }
0x50: {  	[sflag:s12] =	ssyncset.done $0x0  }
0x51: {  	s22 =	simm.s32 $0x0;
	[sflag:s12] =	ssyncadd.s32 $0xFFFFFF00  }
.LBB2_19:
0x52: {  	s22 =	sadd.s32 $0x1, s22  }
0x53: {  	p0 =	sne.s32 s22, $0x7  }
.Ltmp3:
0x54: {  	_ = 	snop;
	(pc) =	sbr.rel @!p0 .LBB2_20-.Ltmp3, $1  }
0x55: {  	_ =	sdelay $0x3  }
.LBB2_2:
0x56: {  	s0 =	sshll.u32 s22, $0x5  }
0x57: {  	s4 =	sor.u32 s1, s0  }
0x58: {  	p0 =	sgt.u32 s4, $0xC3  }
.Ltmp4:
0x59: {  	_ = 	snop;
	(pc) =	sbr.rel @p0 .LBB2_19-.Ltmp4, $1  }
0x5a: {  	_ =	sdelay $0x3  }
0x5b: {  	v0 =	vld [tilespmem:s4+$0x8000];
	_ =	sdelay $0x4  }
0x5c: {  	(v2sf) =	vpush v0, $0x0  }
0x5d: {  	(v2sf) =	vpush v0, $0x1;
	_ =	sdelay $0xd  }
0x5e: {  	s0 =	spop (v2sf)  }
0x5f: {  	s5 =	spop (v2sf)  }
0x60: {  	s5 =	ssub.s32 s5, s0  }
0x61: {  	s7 =	sadd.s32 $0xF, s5  }
0x62: {  	s5 =	sshra.s32 s7, $0x1F  }
0x63: {  	p0 =	seq.s32 s4, $0xC3;
	s5 =	sshrl.u32 s5, $0x1C  }
.Ltmp5:
0x64: {  	s29 =	sshll.u32 s4, $0x9;
	s5 =	sadd.s32 s5, s7;
	(pc) =	sbr.rel .LBB2_4-.Ltmp5, $4  }
0x65: {  	s31 =	simm.s32 $0x0;
	s29 =	simm.s32 @p0 $0x18500;
	s24 =	sshra.s32 s5, $0x4  }
0x66: {  	v0 =	vbroadcast v0, $0x1;
	s28 =	sshll.u32 s0, $0x2;
	p1 =	sgt.s32 s24, $0x1;
	s4 =	smov.u32 s24  }
0x67: {  	s30 =	sadd.s32 s2, s29;
	s13 =	sshra.s32 s28, $0x2;
	s4 =	simm.s32 @!p1 $0x1  }
0x68: {  	v3 =	vmov s29;
	[tilespmem:$0x1FC40] =	vst v0;
	p0 =	slt.s32 s7, $0x10;
	s5 =	sadd.s32 $0x4000, s13;
	s25 =	smin.u32 s4, $0x8  }
.LBB2_9:
0x69: {  	[sflag:s20] =	ssyncadd.s32 $0xFFFFF800;
	v2 =	vld [tilespmem:$0x1FC50]  }
.LBB2_10:
0x6a: {  	s31 =	sadd.s32 $0x1, s31  }
0x6b: {  	p1 =	seq.s32 s31, $0x4  }
.Ltmp6:
0x6c: {  	_ = 	snop;
	(pc) =	sbr.rel @p1 .LBB2_11-.Ltmp6, $1  }
0x6d: {  	_ =	sdelay $0x3  }
.LBB2_4:
0x6e: {  	s4 =	smul.u32 $0xC3800, s31;
	_ =	sdelay $0x1  }
.Ltmp7:
0x6f: {  	s4 =	sadd.s32 s4, s30;
	(pc) =	sbr.rel @p0 .LBB2_10-.Ltmp7, $4  }
0x70: {  	[tilespmem:s17], [sflag:$0x1] =	stream.strided.gather [hbm4b:s4+s15], $0x8000, s16, s15, $0x38;
	[tilespmem:$0x14500] =	vst v63  }
0x71: {  	_ =	swait.ge [sflag:s18], $0x8000  }
0x72: {  	[sflag:s18] =	ssyncset.done $0x0  }
0x73: {  	[sflag:s18] =	ssyncadd.s32 $0xFFFF8000  }
0x74: {  	v7 =	vld [tilespmem:$0x1FC70]  }
0x75: {  	v8 =	vld [tilespmem:$0x1FC80]  }
0x76: {  	v9 =	vld [tilespmem:$0x1FC90]  }
0x77: {  	v10 =	vld [tilespmem:$0x1FCA0]  }
0x78: {  	v11 =	vld [tilespmem:$0x1FCB0]  }
0x79: {  	v12 =	vld [tilespmem:$0x1FCC0]  }
0x7a: {  	v13 =	vld [tilespmem:$0x1FCD0]  }
0x7b: {  	v14 =	vld [tilespmem:$0x1FCE0]  }
0x7c: {  	v15 =	vld [tilespmem:$0x1FCF0]  }
0x7d: {  	v16 =	vld [tilespmem:$0x1FD00]  }
0x7e: {  	v17 =	vld [tilespmem:$0x1FD10]  }
0x7f: {  	v18 =	vld [tilespmem:$0x1FD20]  }
0x80: {  	v19 =	vld [tilespmem:$0x1FD30]  }
0x81: {  	v20 =	vld [tilespmem:$0x1FD40]  }
0x82: {  	v21 =	vld [tilespmem:$0x1FD50]  }
0x83: {  	v22 =	vld [tilespmem:$0x1FD60]  }
0x84: {  	v23 =	vld [tilespmem:$0x1FD70]  }
0x85: {  	v24 =	vld [tilespmem:$0x1FD80]  }
0x86: {  	v25 =	vld [tilespmem:$0x1FD90]  }
0x87: {  	v26 =	vld [tilespmem:$0x1FDA0]  }
0x88: {  	v27 =	vld [tilespmem:$0x1FDB0]  }
0x89: {  	v28 =	vld [tilespmem:$0x1FDC0]  }
0x8a: {  	v29 =	vld [tilespmem:$0x1FDD0]  }
0x8b: {  	v30 =	vld [tilespmem:$0x1FDE0]  }
0x8c: {  	v31 =	vld [tilespmem:$0x1FDF0]  }
0x8d: {  	v32 =	vld [tilespmem:$0x1FE00]  }
0x8e: {  	v33 =	vld [tilespmem:$0x1FE10]  }
0x8f: {  	v34 =	vld [tilespmem:$0x1FE20]  }
0x90: {  	v35 =	vld [tilespmem:$0x1FE30]  }
0x91: {  	v36 =	vld [tilespmem:$0x1FE40]  }
0x92: {  	v37 =	vld [tilespmem:$0x1FE50]  }
0x93: {  	v38 =	vld [tilespmem:$0x1FE60]  }
0x94: {  	v39 =	vld [tilespmem:$0x1FE70]  }
0x95: {  	v40 =	vld [tilespmem:$0x1FE80]  }
0x96: {  	v41 =	vld [tilespmem:$0x1FE90]  }
0x97: {  	v42 =	vld [tilespmem:$0x1FEA0]  }
0x98: {  	v43 =	vld [tilespmem:$0x1FEB0]  }
0x99: {  	v44 =	vld [tilespmem:$0x1FEC0]  }
0x9a: {  	v45 =	vld [tilespmem:$0x1FED0]  }
0x9b: {  	v46 =	vld [tilespmem:$0x1FEE0]  }
0x9c: {  	v47 =	vld [tilespmem:$0x1FEF0]  }
0x9d: {  	v48 =	vld [tilespmem:$0x1FF00]  }
0x9e: {  	v49 =	vld [tilespmem:$0x1FF10]  }
0x9f: {  	v50 =	vld [tilespmem:$0x1FF20]  }
0xa0: {  	v51 =	vld [tilespmem:$0x1FF30]  }
0xa1: {  	v52 =	vld [tilespmem:$0x1FF40]  }
0xa2: {  	v53 =	vld [tilespmem:$0x1FF50]  }
0xa3: {  	v54 =	vld [tilespmem:$0x1FF60]  }
0xa4: {  	v57 =	vld [tilespmem:$0x1FF90]  }
0xa5: {  	v58 =	vld [tilespmem:$0x1FFA0]  }
0xa6: {  	v59 =	vld [tilespmem:$0x1FFB0]  }
0xa7: {  	v60 =	vld [tilespmem:$0x1FFC0]  }
0xa8: {  	s4 =	sshll.u32 s31, $0xE;
	v61 =	vld [tilespmem:$0x1FFD0]  }
0xa9: {  	s23 =	smov.u32 s0;
	v63 =	vld [tilespmem:$0x1FFE0];
	v4 =	vmov s4  }
0xaa: {  	s28 =	smov.u32 s5;
	s26 =	smov.u32 s13;
	v62 =	vld [tilespmem:$0x1FFF0];
	v55 =	vmov v2;
	s4 =	simm.s32 $0x0;
	[tilespmem:$0x1FC30] =	vst v4  }
.LBB2_6:
0xab: {  	p1 =	slt.u32 s4, $0x8  }
0xac: {  	s7 =	simm.s32 @!p1 $0x2  }
0xad: {  	_ =	swait.ge @!p1 [sflag:s7], $0x800  }
0xae: {  	[sflag:s7] =	ssyncset.done @!p1 $0x0  }
0xaf: {  	[sflag:s7] =	ssyncadd.s32 @!p1 $0xFFFFF800  }
0xb0: {  	v0 =	vld [tilespmem:s26+$0x0];
	_ =	sdelay $0x4  }
0xb1: {  	v0 =	vsub.s32 v0, v3  }
0xb2: {  	vm0 =	vgt.s32 v0, $0x0  }
0xb3: {  	v0 =	vnsel vm0, $0x0, v0  }
0xb4: {  	v6 =	vmov v3;
	v56 =	vld [tilespmem:$0x1FC40];
	v3 =	vmin.u32 v0, $0x1FF  }
0xb5: {  	v0 =	vshll.u32 v3, $0x3  }
0xb6: {  	v4 =	vand.u32 $0x7F, v3;
	v5 =	vand.u32 $0xC00, v0  }
0xb7: {  	v0 =	vor.u32 v4, v5;
	v4 =	vlaneseq.u32  }
0xb8: {  	v2 =	vld [tilespmem:s28+$0x0];
	v4 =	vadd.s32 s23, v4  }
0xb9: {  	vm15 =	vlt.s32 v4, v56;
	v4 =	vld [tilespmem:$0x1FC30];
	_ =	sdelay $0x4  }
0xba: {  	v2 =	vadd.s32 v4, v2;
	v4 =	vld [tilespmem:$0x1FC60];
	_ =	sdelay $0x3  }
0xbb: {  	s7 =	sand.u32 $0x7, s4  }
0xbc: {  	s14 =	sshll.u32 s7, $0x7;
	v2 =	vsel vm15, v2, v4  }
0xbd: {  	[tilespmem:s14+$0x14100] =	vst v2  }
0xbe: {  	v2 =	vld.idx.msk [tilespmem:v0+s17+$0x0], $0xffff  }
0xbf: {  	v4 =	vor.u32 $0x80, v0;
	_ =	sdelay $0x1  }
0xc0: {  	s7 =	sshll.u32 s7, $0xB  }
0xc1: {  	s7 =	sor.u32 $0x10100, s7  }
0xc2: {  	[tilespmem:v1+s7+$0x0] =	vst.idx.msk $0xffff, v2  }
0xc3: {  	v2 =	vld.idx.msk [tilespmem:v4+s17+$0x0], $0xffff  }
0xc4: {  	v4 =	vor.u32 $0x100, v0;
	_ =	sdelay $0x3  }
0xc5: {  	[tilespmem:v7+s7+$0x0] =	vst.idx.msk $0xffff, v2  }
0xc6: {  	v2 =	vor.u32 v3, v5;
	v4 =	vld.idx.msk [tilespmem:v4+s17+$0x0], $0xffff  }
0xc7: {  	v3 =	vor.u32 $0x180, v2;
	_ =	sdelay $0x3  }
0xc8: {  	[tilespmem:v8+s7+$0x0] =	vst.idx.msk $0xffff, v4  }
0xc9: {  	v3 =	vld.idx.msk [tilespmem:v3+s17+$0x0], $0xffff  }
0xca: {  	v4 =	vor.u32 $0x200, v0;
	_ =	sdelay $0x3  }
0xcb: {  	[tilespmem:v9+s7+$0x0] =	vst.idx.msk $0xffff, v3  }
0xcc: {  	v3 =	vld.idx.msk [tilespmem:v4+s17+$0x0], $0xffff  }
0xcd: {  	v4 =	vor.u32 $0x280, v0;
	_ =	sdelay $0x3  }
0xce: {  	[tilespmem:v10+s7+$0x0] =	vst.idx.msk $0xffff, v3  }
0xcf: {  	v3 =	vld.idx.msk [tilespmem:v4+s17+$0x0], $0xffff  }
0xd0: {  	v4 =	vor.u32 $0x300, v0;
	_ =	sdelay $0x3  }
0xd1: {  	[tilespmem:v11+s7+$0x0] =	vst.idx.msk $0xffff, v3  }
0xd2: {  	v3 =	vld.idx.msk [tilespmem:v4+s17+$0x0], $0xffff  }
0xd3: {  	v4 =	vor.u32 $0x380, v2;
	_ =	sdelay $0x3  }
0xd4: {  	[tilespmem:v12+s7+$0x0] =	vst.idx.msk $0xffff, v3  }
0xd5: {  	v3 =	vld.idx.msk [tilespmem:v4+s17+$0x0], $0xffff  }
0xd6: {  	v4 =	vor.u32 $0x1000, v0;
	_ =	sdelay $0x3  }
0xd7: {  	[tilespmem:v13+s7+$0x0] =	vst.idx.msk $0xffff, v3  }
0xd8: {  	v3 =	vld.idx.msk [tilespmem:v4+s17+$0x0], $0xffff  }
0xd9: {  	v4 =	vor.u32 $0x1080, v0;
	_ =	sdelay $0x3  }
0xda: {  	[tilespmem:v14+s7+$0x0] =	vst.idx.msk $0xffff, v3  }
0xdb: {  	v3 =	vld.idx.msk [tilespmem:v4+s17+$0x0], $0xffff  }
0xdc: {  	v4 =	vor.u32 $0x1100, v0;
	_ =	sdelay $0x3  }
0xdd: {  	[tilespmem:v15+s7+$0x0] =	vst.idx.msk $0xffff, v3  }
0xde: {  	v3 =	vld.idx.msk [tilespmem:v4+s17+$0x0], $0xffff  }
0xdf: {  	v4 =	vor.u32 $0x1180, v2;
	_ =	sdelay $0x3  }
0xe0: {  	[tilespmem:v16+s7+$0x0] =	vst.idx.msk $0xffff, v3  }
0xe1: {  	v3 =	vld.idx.msk [tilespmem:v4+s17+$0x0], $0xffff  }
0xe2: {  	v4 =	vor.u32 $0x1200, v0;
	_ =	sdelay $0x3  }
0xe3: {  	[tilespmem:v17+s7+$0x0] =	vst.idx.msk $0xffff, v3  }
0xe4: {  	v3 =	vld.idx.msk [tilespmem:v4+s17+$0x0], $0xffff  }
0xe5: {  	v4 =	vor.u32 $0x1280, v0;
	_ =	sdelay $0x3  }
0xe6: {  	[tilespmem:v18+s7+$0x0] =	vst.idx.msk $0xffff, v3  }
0xe7: {  	v3 =	vld.idx.msk [tilespmem:v4+s17+$0x0], $0xffff  }
0xe8: {  	v4 =	vor.u32 $0x1300, v0;
	_ =	sdelay $0x3  }
0xe9: {  	[tilespmem:v19+s7+$0x0] =	vst.idx.msk $0xffff, v3  }
0xea: {  	v3 =	vld.idx.msk [tilespmem:v4+s17+$0x0], $0xffff  }
0xeb: {  	v4 =	vor.u32 $0x1380, v2;
	_ =	sdelay $0x3  }
0xec: {  	[tilespmem:v20+s7+$0x0] =	vst.idx.msk $0xffff, v3  }
0xed: {  	v3 =	vld.idx.msk [tilespmem:v4+s17+$0x0], $0xffff  }
0xee: {  	v4 =	vor.u32 $0x2000, v0;
	_ =	sdelay $0x3  }
0xef: {  	[tilespmem:v21+s7+$0x0] =	vst.idx.msk $0xffff, v3  }
0xf0: {  	v3 =	vld.idx.msk [tilespmem:v4+s17+$0x0], $0xffff  }
0xf1: {  	v4 =	vor.u32 $0x2080, v0;
	_ =	sdelay $0x3  }
0xf2: {  	[tilespmem:v22+s7+$0x0] =	vst.idx.msk $0xffff, v3  }
0xf3: {  	v3 =	vld.idx.msk [tilespmem:v4+s17+$0x0], $0xffff  }
0xf4: {  	v4 =	vor.u32 $0x2100, v0;
	_ =	sdelay $0x3  }
0xf5: {  	[tilespmem:v23+s7+$0x0] =	vst.idx.msk $0xffff, v3  }
0xf6: {  	v3 =	vld.idx.msk [tilespmem:v4+s17+$0x0], $0xffff  }
0xf7: {  	v4 =	vor.u32 $0x2180, v2;
	_ =	sdelay $0x3  }
0xf8: {  	[tilespmem:v24+s7+$0x0] =	vst.idx.msk $0xffff, v3  }
0xf9: {  	v3 =	vld.idx.msk [tilespmem:v4+s17+$0x0], $0xffff  }
0xfa: {  	v4 =	vor.u32 $0x2200, v0;
	_ =	sdelay $0x3  }
0xfb: {  	[tilespmem:v25+s7+$0x0] =	vst.idx.msk $0xffff, v3  }
0xfc: {  	v3 =	vld.idx.msk [tilespmem:v4+s17+$0x0], $0xffff  }
0xfd: {  	v4 =	vor.u32 $0x2280, v0;
	_ =	sdelay $0x3  }
0xfe: {  	[tilespmem:v26+s7+$0x0] =	vst.idx.msk $0xffff, v3  }
0xff: {  	v3 =	vld.idx.msk [tilespmem:v4+s17+$0x0], $0xffff  }
0x100: {  	v4 =	vor.u32 $0x2300, v0;
	_ =	sdelay $0x3  }
0x101: {  	[tilespmem:v27+s7+$0x0] =	vst.idx.msk $0xffff, v3  }
0x102: {  	v3 =	vld.idx.msk [tilespmem:v4+s17+$0x0], $0xffff  }
0x103: {  	v4 =	vor.u32 $0x2380, v2;
	_ =	sdelay $0x3  }
0x104: {  	[tilespmem:v28+s7+$0x0] =	vst.idx.msk $0xffff, v3  }
0x105: {  	v3 =	vld.idx.msk [tilespmem:v4+s17+$0x0], $0xffff  }
0x106: {  	v4 =	vor.u32 $0x3000, v0;
	_ =	sdelay $0x3  }
0x107: {  	[tilespmem:v31+s7+$0x0] =	vst.idx.msk $0xffff, v3  }
0x108: {  	v3 =	vld.idx.msk [tilespmem:v4+s17+$0x0], $0xffff  }
0x109: {  	v4 =	vor.u32 $0x3080, v0;
	_ =	sdelay $0x3  }
0x10a: {  	[tilespmem:v36+s7+$0x0] =	vst.idx.msk $0xffff, v3  }
0x10b: {  	v3 =	vld.idx.msk [tilespmem:v4+s17+$0x0], $0xffff  }
0x10c: {  	v4 =	vor.u32 $0x3100, v0;
	_ =	sdelay $0x3  }
0x10d: {  	[tilespmem:v29+s7+$0x0] =	vst.idx.msk $0xffff, v3  }
0x10e: {  	v3 =	vld.idx.msk [tilespmem:v4+s17+$0x0], $0xffff  }
0x10f: {  	v4 =	vor.u32 $0x3180, v2;
	_ =	sdelay $0x3  }
0x110: {  	[tilespmem:v32+s7+$0x0] =	vst.idx.msk $0xffff, v3  }
0x111: {  	v3 =	vld.idx.msk [tilespmem:v4+s17+$0x0], $0xffff  }
0x112: {  	v4 =	vor.u32 $0x3200, v0;
	_ =	sdelay $0x3  }
0x113: {  	[tilespmem:v30+s7+$0x0] =	vst.idx.msk $0xffff, v3  }
0x114: {  	v3 =	vld.idx.msk [tilespmem:v4+s17+$0x0], $0xffff  }
0x115: {  	v4 =	vor.u32 $0x3280, v0;
	_ =	sdelay $0x3  }
0x116: {  	[tilespmem:v33+s7+$0x0] =	vst.idx.msk $0xffff, v3  }
0x117: {  	v3 =	vld.idx.msk [tilespmem:v4+s17+$0x0], $0xffff  }
0x118: {  	v4 =	vor.u32 $0x3300, v0;
	_ =	sdelay $0x3  }
0x119: {  	[tilespmem:v34+s7+$0x0] =	vst.idx.msk $0xffff, v3  }
0x11a: {  	v3 =	vld.idx.msk [tilespmem:v4+s17+$0x0], $0xffff  }
0x11b: {  	v4 =	vor.u32 $0x3380, v2;
	_ =	sdelay $0x3  }
0x11c: {  	[tilespmem:v37+s7+$0x0] =	vst.idx.msk $0xffff, v3  }
0x11d: {  	v3 =	vld.idx.msk [tilespmem:v4+s17+$0x0], $0xffff  }
0x11e: {  	v4 =	vor.u32 $0x4000, v0;
	_ =	sdelay $0x3  }
0x11f: {  	[tilespmem:v35+s7+$0x0] =	vst.idx.msk $0xffff, v3  }
0x120: {  	v3 =	vld.idx.msk [tilespmem:v4+s17+$0x0], $0xffff  }
0x121: {  	v4 =	vor.u32 $0x4080, v0;
	_ =	sdelay $0x3  }
0x122: {  	[tilespmem:v39+s7+$0x0] =	vst.idx.msk $0xffff, v3  }
0x123: {  	v3 =	vld.idx.msk [tilespmem:v4+s17+$0x0], $0xffff  }
0x124: {  	v4 =	vor.u32 $0x4100, v0;
	_ =	sdelay $0x3  }
0x125: {  	[tilespmem:v38+s7+$0x0] =	vst.idx.msk $0xffff, v3  }
0x126: {  	v3 =	vld.idx.msk [tilespmem:v4+s17+$0x0], $0xffff  }
0x127: {  	v4 =	vor.u32 $0x4180, v2;
	_ =	sdelay $0x3  }
0x128: {  	[tilespmem:v40+s7+$0x0] =	vst.idx.msk $0xffff, v3  }
0x129: {  	v3 =	vld.idx.msk [tilespmem:v4+s17+$0x0], $0xffff  }
0x12a: {  	v4 =	vor.u32 $0x4200, v0;
	_ =	sdelay $0x3  }
0x12b: {  	[tilespmem:v41+s7+$0x0] =	vst.idx.msk $0xffff, v3  }
0x12c: {  	v3 =	vld.idx.msk [tilespmem:v4+s17+$0x0], $0xffff  }
0x12d: {  	v4 =	vor.u32 $0x4280, v0;
	_ =	sdelay $0x3  }
0x12e: {  	[tilespmem:v43+s7+$0x0] =	vst.idx.msk $0xffff, v3  }
0x12f: {  	v3 =	vld.idx.msk [tilespmem:v4+s17+$0x0], $0xffff  }
0x130: {  	v4 =	vor.u32 $0x4300, v0;
	_ =	sdelay $0x3  }
0x131: {  	[tilespmem:v42+s7+$0x0] =	vst.idx.msk $0xffff, v3  }
0x132: {  	v3 =	vld.idx.msk [tilespmem:v4+s17+$0x0], $0xffff  }
0x133: {  	v4 =	vor.u32 $0x4380, v2;
	_ =	sdelay $0x3  }
0x134: {  	[tilespmem:v45+s7+$0x0] =	vst.idx.msk $0xffff, v3  }
0x135: {  	v3 =	vld.idx.msk [tilespmem:v4+s17+$0x0], $0xffff  }
0x136: {  	v4 =	vor.u32 $0x5000, v0;
	_ =	sdelay $0x3  }
0x137: {  	[tilespmem:v44+s7+$0x0] =	vst.idx.msk $0xffff, v3  }
0x138: {  	v3 =	vld.idx.msk [tilespmem:v4+s17+$0x0], $0xffff  }
0x139: {  	v4 =	vor.u32 $0x5080, v0;
	_ =	sdelay $0x3  }
0x13a: {  	[tilespmem:v46+s7+$0x0] =	vst.idx.msk $0xffff, v3  }
0x13b: {  	v3 =	vld.idx.msk [tilespmem:v4+s17+$0x0], $0xffff  }
0x13c: {  	v4 =	vor.u32 $0x5100, v0;
	_ =	sdelay $0x3  }
0x13d: {  	[tilespmem:v47+s7+$0x0] =	vst.idx.msk $0xffff, v3  }
0x13e: {  	v3 =	vld.idx.msk [tilespmem:v4+s17+$0x0], $0xffff  }
0x13f: {  	v4 =	vor.u32 $0x5180, v2;
	_ =	sdelay $0x3  }
0x140: {  	[tilespmem:v49+s7+$0x0] =	vst.idx.msk $0xffff, v3  }
0x141: {  	v3 =	vld.idx.msk [tilespmem:v4+s17+$0x0], $0xffff  }
0x142: {  	v4 =	vor.u32 $0x5200, v0;
	_ =	sdelay $0x3  }
0x143: {  	[tilespmem:v48+s7+$0x0] =	vst.idx.msk $0xffff, v3  }
0x144: {  	v3 =	vld.idx.msk [tilespmem:v4+s17+$0x0], $0xffff  }
0x145: {  	v4 =	vor.u32 $0x5280, v0;
	_ =	sdelay $0x3  }
0x146: {  	[tilespmem:v51+s7+$0x0] =	vst.idx.msk $0xffff, v3  }
0x147: {  	v3 =	vld.idx.msk [tilespmem:v4+s17+$0x0], $0xffff  }
0x148: {  	v4 =	vor.u32 $0x5300, v0;
	_ =	sdelay $0x3  }
0x149: {  	[tilespmem:v50+s7+$0x0] =	vst.idx.msk $0xffff, v3  }
0x14a: {  	v3 =	vld.idx.msk [tilespmem:v4+s17+$0x0], $0xffff  }
0x14b: {  	v4 =	vor.u32 $0x5380, v2;
	_ =	sdelay $0x3  }
0x14c: {  	[tilespmem:v52+s7+$0x0] =	vst.idx.msk $0xffff, v3  }
0x14d: {  	v3 =	vld.idx.msk [tilespmem:v4+s17+$0x0], $0xffff  }
0x14e: {  	v4 =	vor.u32 $0x6000, v0;
	_ =	sdelay $0x1  }
0x14f: {  	v5 =	vld [tilespmem:$0x1FF70];
	_ =	sdelay $0x1  }
0x150: {  	[tilespmem:v53+s7+$0x0] =	vst.idx.msk $0xffff, v3  }
0x151: {  	v3 =	vld.idx.msk [tilespmem:v4+s17+$0x0], $0xffff  }
0x152: {  	v4 =	vor.u32 $0x6080, v0;
	_ =	sdelay $0x3  }
0x153: {  	[tilespmem:v5+s7+$0x0] =	vst.idx.msk $0xffff, v3  }
0x154: {  	v3 =	vld.idx.msk [tilespmem:v4+s17+$0x0], $0xffff  }
0x155: {  	v4 =	vor.u32 $0x6100, v0;
	_ =	sdelay $0x3  }
0x156: {  	[tilespmem:v54+s7+$0x0] =	vst.idx.msk $0xffff, v3  }
0x157: {  	v3 =	vld.idx.msk [tilespmem:v4+s17+$0x0], $0xffff  }
0x158: {  	v4 =	vor.u32 $0x6180, v2;
	_ =	sdelay $0x3  }
0x159: {  	[tilespmem:v62+s7+$0x0] =	vst.idx.msk $0xffff, v3  }
0x15a: {  	v3 =	vld.idx.msk [tilespmem:v4+s17+$0x0], $0xffff  }
0x15b: {  	v4 =	vor.u32 $0x6200, v0;
	_ =	sdelay $0x3  }
0x15c: {  	[tilespmem:v63+s7+$0x0] =	vst.idx.msk $0xffff, v3  }
0x15d: {  	v3 =	vld.idx.msk [tilespmem:v4+s17+$0x0], $0xffff  }
0x15e: {  	v4 =	vor.u32 $0x6280, v0;
	_ =	sdelay $0x1  }
0x15f: {  	v5 =	vld [tilespmem:$0x1FF80];
	_ =	sdelay $0x1  }
0x160: {  	[tilespmem:v55+s7+$0x0] =	vst.idx.msk $0xffff, v3  }
0x161: {  	v3 =	vld.idx.msk [tilespmem:v4+s17+$0x0], $0xffff  }
0x162: {  	v4 =	vor.u32 $0x6300, v0;
	_ =	sdelay $0x3  }
0x163: {  	[tilespmem:v5+s7+$0x0] =	vst.idx.msk $0xffff, v3  }
0x164: {  	v3 =	vld.idx.msk [tilespmem:v4+s17+$0x0], $0xffff  }
0x165: {  	v4 =	vor.u32 $0x6380, v2;
	_ =	sdelay $0x3  }
0x166: {  	[tilespmem:v57+s7+$0x0] =	vst.idx.msk $0xffff, v3  }
0x167: {  	v3 =	vld.idx.msk [tilespmem:v4+s17+$0x0], $0xffff  }
0x168: {  	v4 =	vor.u32 $0x7000, v0;
	_ =	sdelay $0x3  }
0x169: {  	[tilespmem:v58+s7+$0x0] =	vst.idx.msk $0xffff, v3  }
0x16a: {  	v3 =	vld.idx.msk [tilespmem:v4+s17+$0x0], $0xffff  }
0x16b: {  	v4 =	vor.u32 $0x7080, v0;
	_ =	sdelay $0x3  }
0x16c: {  	[tilespmem:v59+s7+$0x0] =	vst.idx.msk $0xffff, v3  }
0x16d: {  	v3 =	vld.idx.msk [tilespmem:v4+s17+$0x0], $0xffff  }
0x16e: {  	v4 =	vor.u32 $0x7100, v0;
	_ =	sdelay $0x3  }
0x16f: {  	[tilespmem:v60+s7+$0x0] =	vst.idx.msk $0xffff, v3  }
0x170: {  	v3 =	vld.idx.msk [tilespmem:v4+s17+$0x0], $0xffff  }
0x171: {  	v4 =	vor.u32 $0x7180, v2;
	_ =	sdelay $0x3  }
0x172: {  	[tilespmem:v61+s7+$0x0] =	vst.idx.msk $0xffff, v3  }
0x173: {  	v3 =	vld.idx.msk [tilespmem:v4+s17+$0x0], $0xffff;
	v4 =	vor.u32 $0x3B, v1  }
0x174: {  	v5 =	vor.u32 $0x7200, v0;
	_ =	sdelay $0x3  }
0x175: {  	[tilespmem:v4+s7+$0x0] =	vst.idx.msk $0xffff, v3  }
0x176: {  	v4 =	vor.u32 $0x3C, v1;
	v3 =	vld.idx.msk [tilespmem:v5+s17+$0x0], $0xffff  }
0x177: {  	v5 =	vor.u32 $0x7280, v0;
	_ =	sdelay $0x3  }
0x178: {  	[tilespmem:v4+s7+$0x0] =	vst.idx.msk $0xffff, v3  }
0x179: {  	v4 =	vor.u32 $0x3D, v1;
	v3 =	vld.idx.msk [tilespmem:v5+s17+$0x0], $0xffff  }
0x17a: {  	v0 =	vor.u32 $0x7300, v0;
	_ =	sdelay $0x3  }
0x17b: {  	[tilespmem:v4+s7+$0x0] =	vst.idx.msk $0xffff, v3  }
0x17c: {  	v3 =	vor.u32 $0x3E, v1;
	v0 =	vld.idx.msk [tilespmem:v0+s17+$0x0], $0xffff  }
0x17d: {  	v2 =	vor.u32 $0x7380, v2;
	_ =	sdelay $0x3  }
0x17e: {  	[tilespmem:v3+s7+$0x0] =	vst.idx.msk $0xffff, v0  }
0x17f: {  	s4 =	sadd.s32 $0x1, s4;
	v0 =	vld.idx.msk [tilespmem:v2+s17+$0x0], $0xffff;
	v2 =	vor.u32 $0x3F, v1  }
0x180: {  	p1 =	sne.s32 s24, s4  }
.Ltmp8:
0x181: {  	_ = 	snop;
	(pc) =	sbr.rel @p1 .LBB2_6-.Ltmp8, $4  }
0x182: {  	_ = 	snop  }
0x183: {  	s26 =	sadd.s32 $0x10, s26  }
0x184: {  	s28 =	sadd.s32 $0x10, s28;
	s23 =	sadd.s32 $0x10, s23;
	s14 =	sadd.s32 $0x14100, s14;
	[tilespmem:v2+s7+$0x0] =	vst.idx.msk $0xffff, v0  }
0x185: {  	v3 =	vmov v6;
	[hbm4b:s9+s19] =	stream.indirect.scatter [tilespmem:s7], [sflag:$0x2], $0x80, s14, s19, $0xb8;
	[tilespmem:$0x14500] =	vst v63  }
0x186: {  	p1 =	sne.s32 s25, $0x1  }
.Ltmp9:
0x187: {  	_ = 	snop;
	(pc) =	sbr.rel @!p1 .LBB2_9-.Ltmp9, $3  }
0x188: {  	_ =	sdelay $0x1  }
0x189: {  	_ =	swait.ge [sflag:s20], $0x800  }
0x18a: {  	s4 =	sadd.s32 $0xFFFFFFFF, s25;
	[sflag:s20] =	ssyncset.done $0x0  }
.LBB2_8:
0x18b: {  	p1 =	sne.s32 s4, $0x1;
	s4 =	sadd.s32 $0xFFFFFFFF, s4;
	[sflag:s20] =	ssyncadd.s32 $0xFFFFF800  }
.Ltmp10:
0x18c: {  	(pc) =	sbr.rel @p1 .LBB2_8-.Ltmp10, $3  }
0x18d: {  	_ =	sdelay $0x1  }
0x18e: {  	_ =	swait.ge [sflag:s20], $0x800  }
0x18f: {  	[sflag:s20] =	ssyncset.done $0x0  }
.Ltmp11:
0x190: {  	_ = 	snop;
	(pc) =	sbr.rel .LBB2_9-.Ltmp11, $1  }
0x191: {  	_ =	sdelay $0x3  }
.LBB2_11:
0x192: {  	v7 =	vld [tilespmem:$0x1FC70]  }
0x193: {  	v8 =	vld [tilespmem:$0x1FC80]  }
0x194: {  	v9 =	vld [tilespmem:$0x1FC90]  }
0x195: {  	v10 =	vld [tilespmem:$0x1FCA0]  }
0x196: {  	v11 =	vld [tilespmem:$0x1FCB0]  }
0x197: {  	v12 =	vld [tilespmem:$0x1FCC0]  }
0x198: {  	v13 =	vld [tilespmem:$0x1FCD0]  }
0x199: {  	v14 =	vld [tilespmem:$0x1FCE0]  }
0x19a: {  	v15 =	vld [tilespmem:$0x1FCF0]  }
0x19b: {  	v16 =	vld [tilespmem:$0x1FD00]  }
0x19c: {  	v17 =	vld [tilespmem:$0x1FD10]  }
0x19d: {  	v18 =	vld [tilespmem:$0x1FD20]  }
0x19e: {  	v19 =	vld [tilespmem:$0x1FD30]  }
0x19f: {  	v20 =	vld [tilespmem:$0x1FD40]  }
0x1a0: {  	v21 =	vld [tilespmem:$0x1FD50]  }
0x1a1: {  	v22 =	vld [tilespmem:$0x1FD60]  }
0x1a2: {  	v23 =	vld [tilespmem:$0x1FD70]  }
0x1a3: {  	v24 =	vld [tilespmem:$0x1FD80]  }
0x1a4: {  	v25 =	vld [tilespmem:$0x1FD90]  }
0x1a5: {  	v26 =	vld [tilespmem:$0x1FDA0]  }
0x1a6: {  	v27 =	vld [tilespmem:$0x1FDB0]  }
0x1a7: {  	v28 =	vld [tilespmem:$0x1FDC0]  }
0x1a8: {  	v29 =	vld [tilespmem:$0x1FDD0]  }
0x1a9: {  	v30 =	vld [tilespmem:$0x1FDE0]  }
0x1aa: {  	v31 =	vld [tilespmem:$0x1FDF0]  }
0x1ab: {  	v32 =	vld [tilespmem:$0x1FE00]  }
0x1ac: {  	v33 =	vld [tilespmem:$0x1FE10]  }
0x1ad: {  	v34 =	vld [tilespmem:$0x1FE20]  }
0x1ae: {  	v35 =	vld [tilespmem:$0x1FE30]  }
0x1af: {  	v36 =	vld [tilespmem:$0x1FE40]  }
0x1b0: {  	v37 =	vld [tilespmem:$0x1FE50]  }
0x1b1: {  	v38 =	vld [tilespmem:$0x1FE60]  }
0x1b2: {  	v39 =	vld [tilespmem:$0x1FE70]  }
0x1b3: {  	v40 =	vld [tilespmem:$0x1FE80]  }
0x1b4: {  	v41 =	vld [tilespmem:$0x1FE90]  }
0x1b5: {  	v42 =	vld [tilespmem:$0x1FEA0]  }
0x1b6: {  	v43 =	vld [tilespmem:$0x1FEB0]  }
0x1b7: {  	v44 =	vld [tilespmem:$0x1FEC0]  }
0x1b8: {  	v45 =	vld [tilespmem:$0x1FED0]  }
0x1b9: {  	v46 =	vld [tilespmem:$0x1FEE0]  }
0x1ba: {  	v47 =	vld [tilespmem:$0x1FEF0]  }
0x1bb: {  	v48 =	vld [tilespmem:$0x1FF00]  }
0x1bc: {  	v49 =	vld [tilespmem:$0x1FF10]  }
0x1bd: {  	v50 =	vld [tilespmem:$0x1FF20]  }
0x1be: {  	v51 =	vld [tilespmem:$0x1FF30]  }
0x1bf: {  	v52 =	vld [tilespmem:$0x1FF40]  }
0x1c0: {  	v53 =	vld [tilespmem:$0x1FF50]  }
0x1c1: {  	v54 =	vld [tilespmem:$0x1FF60]  }
0x1c2: {  	v57 =	vld [tilespmem:$0x1FF90]  }
0x1c3: {  	v58 =	vld [tilespmem:$0x1FFA0]  }
.Ltmp12:
0x1c4: {  	v59 =	vld [tilespmem:$0x1FFB0];
	(pc) =	sbr.rel .LBB2_12-.Ltmp12, $4  }
0x1c5: {  	v60 =	vld [tilespmem:$0x1FFC0]  }
0x1c6: {  	v61 =	vld [tilespmem:$0x1FFD0]  }
0x1c7: {  	v63 =	vld [tilespmem:$0x1FFE0]  }
0x1c8: {  	s29 =	sadd.s32 s3, s29;
	s30 =	simm.s32 $0x0;
	v0 =	vld [tilespmem:$0x1FFF0]  }
.LBB2_17:
0x1c9: {  	v7 =	vld [tilespmem:$0x1FC70]  }
0x1ca: {  	v8 =	vld [tilespmem:$0x1FC80]  }
0x1cb: {  	v9 =	vld [tilespmem:$0x1FC90]  }
0x1cc: {  	v10 =	vld [tilespmem:$0x1FCA0]  }
0x1cd: {  	v11 =	vld [tilespmem:$0x1FCB0]  }
0x1ce: {  	v12 =	vld [tilespmem:$0x1FCC0]  }
0x1cf: {  	v13 =	vld [tilespmem:$0x1FCD0]  }
0x1d0: {  	v14 =	vld [tilespmem:$0x1FCE0]  }
0x1d1: {  	v15 =	vld [tilespmem:$0x1FCF0]  }
0x1d2: {  	v16 =	vld [tilespmem:$0x1FD00]  }
0x1d3: {  	v17 =	vld [tilespmem:$0x1FD10]  }
0x1d4: {  	v18 =	vld [tilespmem:$0x1FD20]  }
0x1d5: {  	v19 =	vld [tilespmem:$0x1FD30]  }
0x1d6: {  	v20 =	vld [tilespmem:$0x1FD40]  }
0x1d7: {  	v21 =	vld [tilespmem:$0x1FD50]  }
0x1d8: {  	v22 =	vld [tilespmem:$0x1FD60]  }
0x1d9: {  	v23 =	vld [tilespmem:$0x1FD70]  }
0x1da: {  	v24 =	vld [tilespmem:$0x1FD80]  }
0x1db: {  	v25 =	vld [tilespmem:$0x1FD90]  }
0x1dc: {  	v26 =	vld [tilespmem:$0x1FDA0]  }
0x1dd: {  	v27 =	vld [tilespmem:$0x1FDB0]  }
0x1de: {  	v28 =	vld [tilespmem:$0x1FDC0]  }
0x1df: {  	v29 =	vld [tilespmem:$0x1FDD0]  }
0x1e0: {  	v30 =	vld [tilespmem:$0x1FDE0]  }
0x1e1: {  	v31 =	vld [tilespmem:$0x1FDF0]  }
0x1e2: {  	v32 =	vld [tilespmem:$0x1FE00]  }
0x1e3: {  	v33 =	vld [tilespmem:$0x1FE10]  }
0x1e4: {  	v34 =	vld [tilespmem:$0x1FE20]  }
0x1e5: {  	v35 =	vld [tilespmem:$0x1FE30]  }
0x1e6: {  	v36 =	vld [tilespmem:$0x1FE40]  }
0x1e7: {  	v37 =	vld [tilespmem:$0x1FE50]  }
0x1e8: {  	v38 =	vld [tilespmem:$0x1FE60]  }
0x1e9: {  	v39 =	vld [tilespmem:$0x1FE70]  }
0x1ea: {  	v40 =	vld [tilespmem:$0x1FE80]  }
0x1eb: {  	v41 =	vld [tilespmem:$0x1FE90]  }
0x1ec: {  	v42 =	vld [tilespmem:$0x1FEA0]  }
0x1ed: {  	v43 =	vld [tilespmem:$0x1FEB0]  }
0x1ee: {  	v44 =	vld [tilespmem:$0x1FEC0]  }
0x1ef: {  	v45 =	vld [tilespmem:$0x1FED0]  }
0x1f0: {  	v46 =	vld [tilespmem:$0x1FEE0]  }
0x1f1: {  	v47 =	vld [tilespmem:$0x1FEF0]  }
0x1f2: {  	v48 =	vld [tilespmem:$0x1FF00]  }
0x1f3: {  	v49 =	vld [tilespmem:$0x1FF10]  }
0x1f4: {  	v50 =	vld [tilespmem:$0x1FF20]  }
0x1f5: {  	v51 =	vld [tilespmem:$0x1FF30]  }
0x1f6: {  	v52 =	vld [tilespmem:$0x1FF40]  }
0x1f7: {  	v53 =	vld [tilespmem:$0x1FF50]  }
0x1f8: {  	v54 =	vld [tilespmem:$0x1FF60]  }
0x1f9: {  	v57 =	vld [tilespmem:$0x1FF90]  }
0x1fa: {  	v58 =	vld [tilespmem:$0x1FFA0]  }
0x1fb: {  	v59 =	vld [tilespmem:$0x1FFB0]  }
0x1fc: {  	v60 =	vld [tilespmem:$0x1FFC0]  }
0x1fd: {  	v61 =	vld [tilespmem:$0x1FFD0]  }
0x1fe: {  	v63 =	vld [tilespmem:$0x1FFE0]  }
0x1ff: {  	v0 =	vld [tilespmem:$0x1FFF0]  }
0x200: {  	[sflag:s20] =	ssyncadd.s32 $0xFFFFF800;
	v3 =	vmov v62;
	v2 =	vld [tilespmem:$0x1FC50]  }
.LBB2_18:
0x201: {  	s30 =	sadd.s32 $0x1, s30  }
0x202: {  	p1 =	sne.s32 s30, $0x4  }
.Ltmp13:
0x203: {  	_ = 	snop;
	(pc) =	sbr.rel @!p1 .LBB2_19-.Ltmp13, $1  }
0x204: {  	_ =	sdelay $0x3  }
.LBB2_12:
0x205: {  	s4 =	smul.u32 $0xC3800, s30;
	_ =	sdelay $0x1  }
.Ltmp14:
0x206: {  	s4 =	sadd.s32 s4, s29;
	(pc) =	sbr.rel @p0 .LBB2_18-.Ltmp14, $4  }
0x207: {  	[tilespmem:s17], [sflag:$0x1] =	stream.strided.gather [hbm4b:s4+s15], $0x8000, s16, s15, $0x38;
	[tilespmem:$0x14500] =	vst v63  }
0x208: {  	_ =	swait.ge [sflag:s18], $0x8000  }
0x209: {  	[sflag:s18] =	ssyncset.done $0x0  }
0x20a: {  	[sflag:s18] =	ssyncadd.s32 $0xFFFF8000  }
0x20b: {  	s4 =	sshll.u32 s30, $0xE  }
0x20c: {  	s23 =	smov.u32 s0;
	v4 =	vmov s4  }
0x20d: {  	s28 =	smov.u32 s5;
	s26 =	smov.u32 s13;
	v62 =	vmov v3;
	v56 =	vld [tilespmem:$0x1FC40];
	v55 =	vmov v0;
	v6 =	vmov v2;
	s4 =	simm.s32 $0x0;
	[tilespmem:$0x1FC20] =	vst v4  }
.LBB2_14:
0x20e: {  	p1 =	slt.u32 s4, $0x8  }
0x20f: {  	s7 =	simm.s32 @!p1 $0x2  }
0x210: {  	_ =	swait.ge @!p1 [sflag:s7], $0x800  }
0x211: {  	[sflag:s7] =	ssyncset.done @!p1 $0x0  }
0x212: {  	[sflag:s7] =	ssyncadd.s32 @!p1 $0xFFFFF800  }
0x213: {  	v0 =	vld [tilespmem:s26+$0x0];
	_ =	sdelay $0x4  }
0x214: {  	v0 =	vsub.s32 v0, v62  }
0x215: {  	vm0 =	vgt.s32 v0, $0x0  }
0x216: {  	v0 =	vnsel vm0, $0x0, v0  }
0x217: {  	v3 =	vmin.u32 v0, $0x1FF  }
0x218: {  	v0 =	vshll.u32 v3, $0x3  }
0x219: {  	v4 =	vand.u32 $0x7F, v3;
	v5 =	vand.u32 $0xC00, v0  }
0x21a: {  	v0 =	vor.u32 v4, v5;
	v4 =	vlaneseq.u32  }
0x21b: {  	v2 =	vld [tilespmem:s28+$0x0];
	v4 =	vadd.s32 s23, v4  }
0x21c: {  	vm15 =	vlt.s32 v4, v56;
	v4 =	vld [tilespmem:$0x1FC20];
	_ =	sdelay $0x4  }
0x21d: {  	v2 =	vadd.s32 v4, v2;
	v4 =	vld [tilespmem:$0x1FC60];
	_ =	sdelay $0x3  }
0x21e: {  	s31 =	sand.u32 $0x7, s4  }
0x21f: {  	s14 =	sshll.u32 s31, $0x7;
	v2 =	vsel vm15, v2, v4  }
0x220: {  	[tilespmem:s14+$0x14100] =	vst v2  }
0x221: {  	v2 =	vld.idx.msk [tilespmem:v0+s17+$0x0], $0xffff  }
0x222: {  	v4 =	vor.u32 $0x80, v0;
	_ =	sdelay $0x1  }
0x223: {  	s7 =	sshll.u32 s31, $0xB  }
0x224: {  	s7 =	sor.u32 $0x10100, s7  }
0x225: {  	[tilespmem:v1+s7+$0x0] =	vst.idx.msk $0xffff, v2  }
0x226: {  	v2 =	vld.idx.msk [tilespmem:v4+s17+$0x0], $0xffff  }
0x227: {  	v4 =	vor.u32 $0x100, v0;
	_ =	sdelay $0x3  }
0x228: {  	[tilespmem:v7+s7+$0x0] =	vst.idx.msk $0xffff, v2  }
0x229: {  	v2 =	vor.u32 v3, v5;
	v4 =	vld.idx.msk [tilespmem:v4+s17+$0x0], $0xffff  }
0x22a: {  	v3 =	vor.u32 $0x180, v2;
	_ =	sdelay $0x3  }
0x22b: {  	[tilespmem:v8+s7+$0x0] =	vst.idx.msk $0xffff, v4  }
0x22c: {  	v3 =	vld.idx.msk [tilespmem:v3+s17+$0x0], $0xffff  }
0x22d: {  	v4 =	vor.u32 $0x200, v0;
	_ =	sdelay $0x3  }
0x22e: {  	[tilespmem:v9+s7+$0x0] =	vst.idx.msk $0xffff, v3  }
0x22f: {  	v3 =	vld.idx.msk [tilespmem:v4+s17+$0x0], $0xffff  }
0x230: {  	v4 =	vor.u32 $0x280, v0;
	_ =	sdelay $0x3  }
0x231: {  	[tilespmem:v10+s7+$0x0] =	vst.idx.msk $0xffff, v3  }
0x232: {  	v3 =	vld.idx.msk [tilespmem:v4+s17+$0x0], $0xffff  }
0x233: {  	v4 =	vor.u32 $0x300, v0;
	_ =	sdelay $0x3  }
0x234: {  	[tilespmem:v11+s7+$0x0] =	vst.idx.msk $0xffff, v3  }
0x235: {  	v3 =	vld.idx.msk [tilespmem:v4+s17+$0x0], $0xffff  }
0x236: {  	v4 =	vor.u32 $0x380, v2;
	_ =	sdelay $0x3  }
0x237: {  	[tilespmem:v12+s7+$0x0] =	vst.idx.msk $0xffff, v3  }
0x238: {  	v3 =	vld.idx.msk [tilespmem:v4+s17+$0x0], $0xffff  }
0x239: {  	v4 =	vor.u32 $0x1000, v0;
	_ =	sdelay $0x3  }
0x23a: {  	[tilespmem:v13+s7+$0x0] =	vst.idx.msk $0xffff, v3  }
0x23b: {  	v3 =	vld.idx.msk [tilespmem:v4+s17+$0x0], $0xffff  }
0x23c: {  	v4 =	vor.u32 $0x1080, v0;
	_ =	sdelay $0x3  }
0x23d: {  	[tilespmem:v14+s7+$0x0] =	vst.idx.msk $0xffff, v3  }
0x23e: {  	v3 =	vld.idx.msk [tilespmem:v4+s17+$0x0], $0xffff  }
0x23f: {  	v4 =	vor.u32 $0x1100, v0;
	_ =	sdelay $0x3  }
0x240: {  	[tilespmem:v15+s7+$0x0] =	vst.idx.msk $0xffff, v3  }
0x241: {  	v3 =	vld.idx.msk [tilespmem:v4+s17+$0x0], $0xffff  }
0x242: {  	v4 =	vor.u32 $0x1180, v2;
	_ =	sdelay $0x3  }
0x243: {  	[tilespmem:v16+s7+$0x0] =	vst.idx.msk $0xffff, v3  }
0x244: {  	v3 =	vld.idx.msk [tilespmem:v4+s17+$0x0], $0xffff  }
0x245: {  	v4 =	vor.u32 $0x1200, v0;
	_ =	sdelay $0x3  }
0x246: {  	[tilespmem:v17+s7+$0x0] =	vst.idx.msk $0xffff, v3  }
0x247: {  	v3 =	vld.idx.msk [tilespmem:v4+s17+$0x0], $0xffff  }
0x248: {  	v4 =	vor.u32 $0x1280, v0;
	_ =	sdelay $0x3  }
0x249: {  	[tilespmem:v18+s7+$0x0] =	vst.idx.msk $0xffff, v3  }
0x24a: {  	v3 =	vld.idx.msk [tilespmem:v4+s17+$0x0], $0xffff  }
0x24b: {  	v4 =	vor.u32 $0x1300, v0;
	_ =	sdelay $0x3  }
0x24c: {  	[tilespmem:v19+s7+$0x0] =	vst.idx.msk $0xffff, v3  }
0x24d: {  	v3 =	vld.idx.msk [tilespmem:v4+s17+$0x0], $0xffff  }
0x24e: {  	v4 =	vor.u32 $0x1380, v2;
	_ =	sdelay $0x3  }
0x24f: {  	[tilespmem:v20+s7+$0x0] =	vst.idx.msk $0xffff, v3  }
0x250: {  	v3 =	vld.idx.msk [tilespmem:v4+s17+$0x0], $0xffff  }
0x251: {  	v4 =	vor.u32 $0x2000, v0;
	_ =	sdelay $0x3  }
0x252: {  	[tilespmem:v21+s7+$0x0] =	vst.idx.msk $0xffff, v3  }
0x253: {  	v3 =	vld.idx.msk [tilespmem:v4+s17+$0x0], $0xffff  }
0x254: {  	v4 =	vor.u32 $0x2080, v0;
	_ =	sdelay $0x3  }
0x255: {  	[tilespmem:v22+s7+$0x0] =	vst.idx.msk $0xffff, v3  }
0x256: {  	v3 =	vld.idx.msk [tilespmem:v4+s17+$0x0], $0xffff  }
0x257: {  	v4 =	vor.u32 $0x2100, v0;
	_ =	sdelay $0x3  }
0x258: {  	[tilespmem:v23+s7+$0x0] =	vst.idx.msk $0xffff, v3  }
0x259: {  	v3 =	vld.idx.msk [tilespmem:v4+s17+$0x0], $0xffff  }
0x25a: {  	v4 =	vor.u32 $0x2180, v2;
	_ =	sdelay $0x3  }
0x25b: {  	[tilespmem:v24+s7+$0x0] =	vst.idx.msk $0xffff, v3  }
0x25c: {  	v3 =	vld.idx.msk [tilespmem:v4+s17+$0x0], $0xffff  }
0x25d: {  	v4 =	vor.u32 $0x2200, v0;
	_ =	sdelay $0x3  }
0x25e: {  	[tilespmem:v25+s7+$0x0] =	vst.idx.msk $0xffff, v3  }
0x25f: {  	v3 =	vld.idx.msk [tilespmem:v4+s17+$0x0], $0xffff  }
0x260: {  	v4 =	vor.u32 $0x2280, v0;
	_ =	sdelay $0x3  }
0x261: {  	[tilespmem:v26+s7+$0x0] =	vst.idx.msk $0xffff, v3  }
0x262: {  	v3 =	vld.idx.msk [tilespmem:v4+s17+$0x0], $0xffff  }
0x263: {  	v4 =	vor.u32 $0x2300, v0;
	_ =	sdelay $0x3  }
0x264: {  	[tilespmem:v27+s7+$0x0] =	vst.idx.msk $0xffff, v3  }
0x265: {  	v3 =	vld.idx.msk [tilespmem:v4+s17+$0x0], $0xffff  }
0x266: {  	v4 =	vor.u32 $0x2380, v2;
	_ =	sdelay $0x3  }
0x267: {  	[tilespmem:v28+s7+$0x0] =	vst.idx.msk $0xffff, v3  }
0x268: {  	v3 =	vld.idx.msk [tilespmem:v4+s17+$0x0], $0xffff  }
0x269: {  	v4 =	vor.u32 $0x3000, v0;
	_ =	sdelay $0x3  }
0x26a: {  	[tilespmem:v31+s7+$0x0] =	vst.idx.msk $0xffff, v3  }
0x26b: {  	v3 =	vld.idx.msk [tilespmem:v4+s17+$0x0], $0xffff  }
0x26c: {  	v4 =	vor.u32 $0x3080, v0;
	_ =	sdelay $0x3  }
0x26d: {  	[tilespmem:v36+s7+$0x0] =	vst.idx.msk $0xffff, v3  }
0x26e: {  	v3 =	vld.idx.msk [tilespmem:v4+s17+$0x0], $0xffff  }
0x26f: {  	v4 =	vor.u32 $0x3100, v0;
	_ =	sdelay $0x3  }
0x270: {  	[tilespmem:v29+s7+$0x0] =	vst.idx.msk $0xffff, v3  }
0x271: {  	v3 =	vld.idx.msk [tilespmem:v4+s17+$0x0], $0xffff  }
0x272: {  	v4 =	vor.u32 $0x3180, v2;
	_ =	sdelay $0x3  }
0x273: {  	[tilespmem:v32+s7+$0x0] =	vst.idx.msk $0xffff, v3  }
0x274: {  	v3 =	vld.idx.msk [tilespmem:v4+s17+$0x0], $0xffff  }
0x275: {  	v4 =	vor.u32 $0x3200, v0;
	_ =	sdelay $0x3  }
0x276: {  	[tilespmem:v30+s7+$0x0] =	vst.idx.msk $0xffff, v3  }
0x277: {  	v3 =	vld.idx.msk [tilespmem:v4+s17+$0x0], $0xffff  }
0x278: {  	v4 =	vor.u32 $0x3280, v0;
	_ =	sdelay $0x3  }
0x279: {  	[tilespmem:v33+s7+$0x0] =	vst.idx.msk $0xffff, v3  }
0x27a: {  	v3 =	vld.idx.msk [tilespmem:v4+s17+$0x0], $0xffff  }
0x27b: {  	v4 =	vor.u32 $0x3300, v0;
	_ =	sdelay $0x3  }
0x27c: {  	[tilespmem:v34+s7+$0x0] =	vst.idx.msk $0xffff, v3  }
0x27d: {  	v3 =	vld.idx.msk [tilespmem:v4+s17+$0x0], $0xffff  }
0x27e: {  	v4 =	vor.u32 $0x3380, v2;
	_ =	sdelay $0x3  }
0x27f: {  	[tilespmem:v37+s7+$0x0] =	vst.idx.msk $0xffff, v3  }
0x280: {  	v3 =	vld.idx.msk [tilespmem:v4+s17+$0x0], $0xffff  }
0x281: {  	v4 =	vor.u32 $0x4000, v0;
	_ =	sdelay $0x3  }
0x282: {  	[tilespmem:v35+s7+$0x0] =	vst.idx.msk $0xffff, v3  }
0x283: {  	v3 =	vld.idx.msk [tilespmem:v4+s17+$0x0], $0xffff  }
0x284: {  	v4 =	vor.u32 $0x4080, v0;
	_ =	sdelay $0x3  }
0x285: {  	[tilespmem:v39+s7+$0x0] =	vst.idx.msk $0xffff, v3  }
0x286: {  	v3 =	vld.idx.msk [tilespmem:v4+s17+$0x0], $0xffff  }
0x287: {  	v4 =	vor.u32 $0x4100, v0;
	_ =	sdelay $0x3  }
0x288: {  	[tilespmem:v38+s7+$0x0] =	vst.idx.msk $0xffff, v3  }
0x289: {  	v3 =	vld.idx.msk [tilespmem:v4+s17+$0x0], $0xffff  }
0x28a: {  	v4 =	vor.u32 $0x4180, v2;
	_ =	sdelay $0x3  }
0x28b: {  	[tilespmem:v40+s7+$0x0] =	vst.idx.msk $0xffff, v3  }
0x28c: {  	v3 =	vld.idx.msk [tilespmem:v4+s17+$0x0], $0xffff  }
0x28d: {  	v4 =	vor.u32 $0x4200, v0;
	_ =	sdelay $0x3  }
0x28e: {  	[tilespmem:v41+s7+$0x0] =	vst.idx.msk $0xffff, v3  }
0x28f: {  	v3 =	vld.idx.msk [tilespmem:v4+s17+$0x0], $0xffff  }
0x290: {  	v4 =	vor.u32 $0x4280, v0;
	_ =	sdelay $0x3  }
0x291: {  	[tilespmem:v43+s7+$0x0] =	vst.idx.msk $0xffff, v3  }
0x292: {  	v3 =	vld.idx.msk [tilespmem:v4+s17+$0x0], $0xffff  }
0x293: {  	v4 =	vor.u32 $0x4300, v0;
	_ =	sdelay $0x3  }
0x294: {  	[tilespmem:v42+s7+$0x0] =	vst.idx.msk $0xffff, v3  }
0x295: {  	v3 =	vld.idx.msk [tilespmem:v4+s17+$0x0], $0xffff  }
0x296: {  	v4 =	vor.u32 $0x4380, v2;
	_ =	sdelay $0x3  }
0x297: {  	[tilespmem:v45+s7+$0x0] =	vst.idx.msk $0xffff, v3  }
0x298: {  	v3 =	vld.idx.msk [tilespmem:v4+s17+$0x0], $0xffff  }
0x299: {  	v4 =	vor.u32 $0x5000, v0;
	_ =	sdelay $0x3  }
0x29a: {  	[tilespmem:v44+s7+$0x0] =	vst.idx.msk $0xffff, v3  }
0x29b: {  	v3 =	vld.idx.msk [tilespmem:v4+s17+$0x0], $0xffff  }
0x29c: {  	v4 =	vor.u32 $0x5080, v0;
	_ =	sdelay $0x3  }
0x29d: {  	[tilespmem:v46+s7+$0x0] =	vst.idx.msk $0xffff, v3  }
0x29e: {  	v3 =	vld.idx.msk [tilespmem:v4+s17+$0x0], $0xffff  }
0x29f: {  	v4 =	vor.u32 $0x5100, v0;
	_ =	sdelay $0x3  }
0x2a0: {  	[tilespmem:v47+s7+$0x0] =	vst.idx.msk $0xffff, v3  }
0x2a1: {  	v3 =	vld.idx.msk [tilespmem:v4+s17+$0x0], $0xffff  }
0x2a2: {  	v4 =	vor.u32 $0x5180, v2;
	_ =	sdelay $0x3  }
0x2a3: {  	[tilespmem:v49+s7+$0x0] =	vst.idx.msk $0xffff, v3  }
0x2a4: {  	v3 =	vld.idx.msk [tilespmem:v4+s17+$0x0], $0xffff  }
0x2a5: {  	v4 =	vor.u32 $0x5200, v0;
	_ =	sdelay $0x3  }
0x2a6: {  	[tilespmem:v48+s7+$0x0] =	vst.idx.msk $0xffff, v3  }
0x2a7: {  	v3 =	vld.idx.msk [tilespmem:v4+s17+$0x0], $0xffff  }
0x2a8: {  	v4 =	vor.u32 $0x5280, v0;
	_ =	sdelay $0x3  }
0x2a9: {  	[tilespmem:v51+s7+$0x0] =	vst.idx.msk $0xffff, v3  }
0x2aa: {  	v3 =	vld.idx.msk [tilespmem:v4+s17+$0x0], $0xffff  }
0x2ab: {  	v4 =	vor.u32 $0x5300, v0;
	_ =	sdelay $0x3  }
0x2ac: {  	[tilespmem:v50+s7+$0x0] =	vst.idx.msk $0xffff, v3  }
0x2ad: {  	v3 =	vld.idx.msk [tilespmem:v4+s17+$0x0], $0xffff  }
0x2ae: {  	v4 =	vor.u32 $0x5380, v2;
	_ =	sdelay $0x3  }
0x2af: {  	[tilespmem:v52+s7+$0x0] =	vst.idx.msk $0xffff, v3  }
0x2b0: {  	v3 =	vld.idx.msk [tilespmem:v4+s17+$0x0], $0xffff  }
0x2b1: {  	v4 =	vor.u32 $0x6000, v0;
	_ =	sdelay $0x1  }
0x2b2: {  	v5 =	vld [tilespmem:$0x1FF70];
	_ =	sdelay $0x1  }
0x2b3: {  	[tilespmem:v53+s7+$0x0] =	vst.idx.msk $0xffff, v3  }
0x2b4: {  	v3 =	vld.idx.msk [tilespmem:v4+s17+$0x0], $0xffff  }
0x2b5: {  	v4 =	vor.u32 $0x6080, v0;
	_ =	sdelay $0x3  }
0x2b6: {  	[tilespmem:v5+s7+$0x0] =	vst.idx.msk $0xffff, v3  }
0x2b7: {  	v3 =	vld.idx.msk [tilespmem:v4+s17+$0x0], $0xffff  }
0x2b8: {  	v4 =	vor.u32 $0x6100, v0;
	_ =	sdelay $0x3  }
0x2b9: {  	[tilespmem:v54+s7+$0x0] =	vst.idx.msk $0xffff, v3  }
0x2ba: {  	v3 =	vld.idx.msk [tilespmem:v4+s17+$0x0], $0xffff  }
0x2bb: {  	v4 =	vor.u32 $0x6180, v2;
	_ =	sdelay $0x3  }
0x2bc: {  	[tilespmem:v55+s7+$0x0] =	vst.idx.msk $0xffff, v3  }
0x2bd: {  	v3 =	vld.idx.msk [tilespmem:v4+s17+$0x0], $0xffff  }
0x2be: {  	v4 =	vor.u32 $0x6200, v0;
	_ =	sdelay $0x3  }
0x2bf: {  	[tilespmem:v63+s7+$0x0] =	vst.idx.msk $0xffff, v3  }
0x2c0: {  	v3 =	vld.idx.msk [tilespmem:v4+s17+$0x0], $0xffff  }
0x2c1: {  	v4 =	vor.u32 $0x6280, v0;
	_ =	sdelay $0x1  }
0x2c2: {  	v5 =	vld [tilespmem:$0x1FF80];
	_ =	sdelay $0x1  }
0x2c3: {  	[tilespmem:v6+s7+$0x0] =	vst.idx.msk $0xffff, v3  }
0x2c4: {  	v3 =	vld.idx.msk [tilespmem:v4+s17+$0x0], $0xffff  }
0x2c5: {  	v4 =	vor.u32 $0x6300, v0;
	_ =	sdelay $0x3  }
0x2c6: {  	[tilespmem:v5+s7+$0x0] =	vst.idx.msk $0xffff, v3  }
0x2c7: {  	v3 =	vld.idx.msk [tilespmem:v4+s17+$0x0], $0xffff  }
0x2c8: {  	v4 =	vor.u32 $0x6380, v2;
	_ =	sdelay $0x3  }
0x2c9: {  	[tilespmem:v57+s7+$0x0] =	vst.idx.msk $0xffff, v3  }
0x2ca: {  	v3 =	vld.idx.msk [tilespmem:v4+s17+$0x0], $0xffff  }
0x2cb: {  	v4 =	vor.u32 $0x7000, v0;
	_ =	sdelay $0x3  }
0x2cc: {  	[tilespmem:v58+s7+$0x0] =	vst.idx.msk $0xffff, v3  }
0x2cd: {  	v3 =	vld.idx.msk [tilespmem:v4+s17+$0x0], $0xffff  }
0x2ce: {  	v4 =	vor.u32 $0x7080, v0;
	_ =	sdelay $0x3  }
0x2cf: {  	[tilespmem:v59+s7+$0x0] =	vst.idx.msk $0xffff, v3  }
0x2d0: {  	v3 =	vld.idx.msk [tilespmem:v4+s17+$0x0], $0xffff  }
0x2d1: {  	v4 =	vor.u32 $0x7100, v0;
	_ =	sdelay $0x3  }
0x2d2: {  	[tilespmem:v60+s7+$0x0] =	vst.idx.msk $0xffff, v3  }
0x2d3: {  	v3 =	vld.idx.msk [tilespmem:v4+s17+$0x0], $0xffff  }
0x2d4: {  	v4 =	vor.u32 $0x7180, v2;
	_ =	sdelay $0x3  }
0x2d5: {  	[tilespmem:v61+s7+$0x0] =	vst.idx.msk $0xffff, v3  }
0x2d6: {  	v3 =	vld.idx.msk [tilespmem:v4+s17+$0x0], $0xffff;
	v4 =	vor.u32 $0x3B, v1  }
0x2d7: {  	v5 =	vor.u32 $0x7200, v0;
	_ =	sdelay $0x3  }
0x2d8: {  	[tilespmem:v4+s7+$0x0] =	vst.idx.msk $0xffff, v3  }
0x2d9: {  	v4 =	vor.u32 $0x3C, v1;
	v3 =	vld.idx.msk [tilespmem:v5+s17+$0x0], $0xffff  }
0x2da: {  	v5 =	vor.u32 $0x7280, v0;
	_ =	sdelay $0x3  }
0x2db: {  	[tilespmem:v4+s7+$0x0] =	vst.idx.msk $0xffff, v3  }
0x2dc: {  	v4 =	vor.u32 $0x3D, v1;
	v3 =	vld.idx.msk [tilespmem:v5+s17+$0x0], $0xffff  }
0x2dd: {  	v0 =	vor.u32 $0x7300, v0;
	_ =	sdelay $0x3  }
0x2de: {  	[tilespmem:v4+s7+$0x0] =	vst.idx.msk $0xffff, v3  }
0x2df: {  	v3 =	vor.u32 $0x3E, v1;
	v0 =	vld.idx.msk [tilespmem:v0+s17+$0x0], $0xffff  }
0x2e0: {  	v2 =	vor.u32 $0x7380, v2;
	_ =	sdelay $0x3  }
0x2e1: {  	[tilespmem:v3+s7+$0x0] =	vst.idx.msk $0xffff, v0  }
0x2e2: {  	s4 =	sadd.s32 $0x1, s4;
	v0 =	vld.idx.msk [tilespmem:v2+s17+$0x0], $0xffff;
	v2 =	vor.u32 $0x3F, v1  }
0x2e3: {  	p1 =	sne.s32 s24, s4  }
.Ltmp15:
0x2e4: {  	_ = 	snop;
	(pc) =	sbr.rel @p1 .LBB2_14-.Ltmp15, $4  }
0x2e5: {  	_ = 	snop  }
0x2e6: {  	s26 =	sadd.s32 $0x10, s26  }
0x2e7: {  	s28 =	sadd.s32 $0x10, s28;
	s23 =	sadd.s32 $0x10, s23;
	s14 =	sadd.s32 $0x14100, s14;
	[tilespmem:v2+s7+$0x0] =	vst.idx.msk $0xffff, v0  }
0x2e8: {  	[hbm4b:s10+s19] =	stream.indirect.scatter [tilespmem:s7], [sflag:$0x2], $0x80, s14, s19, $0xb8;
	[tilespmem:$0x14500] =	vst v63  }
0x2e9: {  	p1 =	sne.s32 s25, $0x1  }
.Ltmp16:
0x2ea: {  	_ = 	snop;
	(pc) =	sbr.rel @!p1 .LBB2_17-.Ltmp16, $3  }
0x2eb: {  	_ =	sdelay $0x1  }
0x2ec: {  	_ =	swait.ge [sflag:s20], $0x800  }
0x2ed: {  	s4 =	sadd.s32 $0xFFFFFFFF, s25;
	[sflag:s20] =	ssyncset.done $0x0  }
.LBB2_16:
0x2ee: {  	p1 =	sne.s32 s4, $0x1;
	s4 =	sadd.s32 $0xFFFFFFFF, s4;
	[sflag:s20] =	ssyncadd.s32 $0xFFFFF800  }
.Ltmp17:
0x2ef: {  	(pc) =	sbr.rel @p1 .LBB2_16-.Ltmp17, $3  }
0x2f0: {  	_ =	sdelay $0x1  }
0x2f1: {  	_ =	swait.ge [sflag:s20], $0x800  }
0x2f2: {  	[sflag:s20] =	ssyncset.done $0x0  }
.Ltmp18:
0x2f3: {  	_ = 	snop;
	(pc) =	sbr.rel .LBB2_17-.Ltmp18, $1  }
0x2f4: {  	_ =	sdelay $0x3  }
.LBB2_21:
0x2f5: {  	_ =	sfence.sel $0x180000  }
0x2f6: {  	[bflag:$0x0] =	sbarrier.arrive $0xFFFF  }
0x2f7: {  	_ =	strace $0x9000004A  }
0x2f8: {  	s0 =	stileid.u32;
	[bflag:$0x2] =	sbarrier.arrive $0xFFFF  }
0x2f9: {  	p0 =	sne.s32 s0, $0x0;
	s0 =	rddreg [dreg:$0x4]  }
0x2fa: {  	s0 =	sadd.s32 @!p0 $0x100000, s0  }
0x2fb: {  	[sflag:s0] =	ssyncadd.tile.s32 @!p0 $0x1;
	_ =	shalt  }
.Lfunc_end2:
_tile_overlayer_lowered:
.L_overlay_start_2:
0x2fc: {  	(tag) =	ssettag $0x2  }
0x2fd: {  	s0 =	rddreg [dreg:$0x0];
	s2 =	stileid.u32  }
0x2fe: {  	s1 =	rddreg [dreg:$0x1];
	p0 =	sne.s32 s2, $0x0  }
0x2ff: {  	s3 =	rddreg [dreg:$0x2];
	[bflag:$0x3] =	sbarrier.arrive $0xFFFF;
	s2 =	simm.s32 @!p0 $0x1C03  }
0x300: {  	[timem:s3], [sflag:s2] =	dma.local @!p0 [hbm:s0], s1  }
0x301: {  	s0 =	simm.s32 @!p0 $0x3  }
0x302: {  	_ =	swait.ge @!p0 [sflag:s0], s1  }
0x303: {  	s1 =	ssub.s32 @!p0 $0x0, s1;
	[sflag:s0] =	ssyncset.done @!p0 $0x0  }
0x304: {  	[sflag:s0] =	ssyncadd.s32 @!p0 s1  }
0x305: {  	[bflag:$0x3] =	sbarrier.arrive $0xFFFF  }
0x306: {  	_ =	shalt  }

</sc_bundles>
